<compile_context>
chip_gen: v7x
topology: tpu7x:2x2x1
jax: 0.10.2.dev20260603
libtpu: 0.0.44.dev20260713+nightly
codegen_flags: <defaults>
</compile_context>

<pallas_src>
import functools

import jax
import jax.numpy as jnp
from jax import lax
from jax.experimental import pallas as pl
from jax.experimental.pallas import tpu as pltpu
from jax.experimental.pallas import tpu_sc as plsc

N = 10000
E = 320000
D = 128
H = 128
HH = H // 2
H2 = 2 * H
BN_EPS = 1e-5

NSC = 16
CHUNK = 128
CPW = 160
EPW = CHUNK * CPW
E_PAD = NSC * EPW
N_ACC = 10016
RPT = N_ACC // NSC
NSTG = N // NSC

BLK = 1000

SLAB = 16
NSLB = CPW // SLAB
NBUF = 4
PD = NBUF - 2


def _seg_body(h_hbm, src_hbm, dst_hbm, zero_hbm, out_hbm,
              srcsl, dstsl, rows, hsp, acc, sg, ss, ssl):
    c = lax.axis_index("c")
    s = lax.axis_index("s")
    hplane = h_hbm.at[c]
    pltpu.sync_copy(hplane.at[pl.ds(s * NSTG, NSTG)],
                    hsp.at[pl.ds(s * NSTG, NSTG)])
    pltpu.sync_copy(zero_hbm, acc.at[pl.ds(s * RPT, RPT)])
    pltpu.sync_copy(src_hbm.at[s, pl.ds(0, SLAB)], srcsl.at[0])
    pltpu.sync_copy(dst_hbm.at[s, pl.ds(0, SLAB)], dstsl.at[0])
    plsc.subcore_barrier()

    GS = hsp
    for g in range(PD):
        pltpu.async_copy(GS.at[srcsl.at[0, g]], rows.at[g], sg[g])

    def slab_body(k, carry):
        kb = k % 2
        kb1 = (k + 1) % 2

        for r in range(SLAB):
            if r == PD:
                @pl.when(k + 1 < NSLB)
                def _():
                    pltpu.async_copy(
                        src_hbm.at[s, pl.ds((k + 1) * SLAB, SLAB)],
                        srcsl.at[kb1], ssl)
                    pltpu.async_copy(
                        dst_hbm.at[s, pl.ds((k + 1) * SLAB, SLAB)],
                        dstsl.at[kb1], ssl)
            if r == SLAB - PD:
                @pl.when(k + 1 < NSLB)
                def _():
                    pltpu.make_async_copy(
                        src_hbm.at[s, pl.ds((k + 1) * SLAB, SLAB)],
                        srcsl.at[kb1], ssl).wait()
                    pltpu.make_async_copy(
                        dst_hbm.at[s, pl.ds((k + 1) * SLAB, SLAB)],
                        dstsl.at[kb1], ssl).wait()
            g = k * SLAB + r
            b = r % NBUF
            b2 = (r + PD) % NBUF
            r2 = r + PD
            kb2 = kb if r2 < SLAB else kb1

            def drain():
                pltpu.make_async_copy(rows.at[b2], acc.at[dstsl.at[0, 0]],
                                      ss[b2]).wait()

            def prefetch():
                pltpu.async_copy(GS.at[srcsl.at[kb2, r2 % SLAB]],
                                 rows.at[b2], sg[b2])

            if r < PD:
                pl.when(k > 0)(drain)
                prefetch()
            else:
                drain()
                pl.when(g + PD < CPW)(prefetch)
            pltpu.make_async_copy(GS.at[srcsl.at[kb, r]], rows.at[b],
                                  sg[b]).wait()
            pltpu.async_copy(rows.at[b], acc.at[dstsl.at[kb, r]], ss[b],
                             add=True)
        return carry

    lax.fori_loop(0, NSLB, slab_body, 0)
    for r in (SLAB - 2, SLAB - 1):
        b = r % NBUF
        pltpu.make_async_copy(rows.at[b], acc.at[dstsl.at[0, 0]],
                              ss[b]).wait()
    plsc.subcore_barrier()
    pltpu.sync_copy(acc.at[pl.ds(s * RPT, RPT)],
                    out_hbm.at[c, pl.ds(s * RPT, RPT)])


@functools.lru_cache(maxsize=None)
def _make_seg_call():
    return pl.kernel(
        _seg_body,
        out_type=jax.ShapeDtypeStruct((2, N_ACC, HH), jnp.float32),
        mesh=plsc.VectorSubcoreMesh(core_axis_name="c", subcore_axis_name="s",
                                    num_cores=2, num_subcores=NSC),
        compiler_params=pltpu.CompilerParams(use_tc_tiling_on_sc=False),
        scratch_types=[
            pltpu.VMEM((2, SLAB, CHUNK), jnp.int32),
            pltpu.VMEM((2, SLAB, CHUNK), jnp.int32),
            pltpu.VMEM((NBUF, CHUNK, HH), jnp.float32),
            pltpu.VMEM_SHARED((N, HH), jnp.float32),
            pltpu.VMEM_SHARED((N_ACC, HH), jnp.float32),
            [pltpu.SemaphoreType.DMA] * NBUF,
            [pltpu.SemaphoreType.DMA] * NBUF,
            pltpu.SemaphoreType.DMA,
        ],
    )


def _seg(hS, srcp, dstp, zero_blk):
    return _make_seg_call()(hS, srcp, dstp, zero_blk)


def _proj_body(x_ref, w_ref, b_ref, o_ref):
    o = (jnp.dot(x_ref[...], w_ref[...],
                 preferred_element_type=jnp.float32) + b_ref[...])
    o_ref[0] = o[:, :HH]
    o_ref[1] = o[:, HH:]


def _proj(x, wT, b):
    return pl.pallas_call(
        _proj_body,
        grid=(N // BLK,),
        in_specs=[
            pl.BlockSpec((BLK, D), lambda i: (i, 0)),
            pl.BlockSpec((D, H), lambda i: (0, 0)),
            pl.BlockSpec((1, H), lambda i: (0, 0)),
        ],
        out_specs=pl.BlockSpec((2, BLK, HH), lambda i: (0, i, 0)),
        out_shape=jax.ShapeDtypeStruct((2, N, HH), jnp.float32),
    )(x, wT, b)


def _p1_body(h_ref, p_ref, w_ref, b_ref, z_ref, m_ref):
    i = pl.program_id(0)
    u = jnp.concatenate([h_ref[0] + p_ref[0], h_ref[1] + p_ref[1]], axis=1)
    z = (jnp.dot(u, w_ref[...], preferred_element_type=jnp.float32)
         + b_ref[...])
    z_ref[...] = z

    @pl.when(i == 0)
    def _():
        m_ref[...] = jnp.zeros_like(m_ref)

    m_ref[0:1, :] += jnp.sum(z, axis=0, keepdims=True)
    m_ref[1:2, :] += jnp.sum(z * z, axis=0, keepdims=True)


def _p1(hS, p, w1T, b1):
    return pl.pallas_call(
        _p1_body,
        grid=(N // BLK,),
        in_specs=[
            pl.BlockSpec((2, BLK, HH), lambda i: (0, i, 0)),
            pl.BlockSpec((2, BLK, HH), lambda i: (0, i, 0)),
            pl.BlockSpec((H, H2), lambda i: (0, 0)),
            pl.BlockSpec((1, H2), lambda i: (0, 0)),
        ],
        out_specs=[
            pl.BlockSpec((BLK, H2), lambda i: (i, 0)),
            pl.BlockSpec((8, H2), lambda i: (0, 0)),
        ],
        out_shape=[
            jax.ShapeDtypeStruct((N, H2), jnp.float32),
            jax.ShapeDtypeStruct((8, H2), jnp.float32),
        ],
    )(hS, p, w1T, b1)


def _p2_body(z_ref, sc_ref, sh_ref, w_ref, b_ref, o_ref, *, split_relu):
    a = jnp.maximum(z_ref[...] * sc_ref[...] + sh_ref[...], 0.0)
    o = (jnp.dot(a, w_ref[...], preferred_element_type=jnp.float32)
         + b_ref[...])
    if split_relu:
        o = jnp.maximum(o, 0.0)
        o_ref[0] = o[:, :HH]
        o_ref[1] = o[:, HH:]
    else:
        o_ref[...] = o


def _p2(z, scale, shift, w2T, b2, split_relu):
    if split_relu:
        out_spec = pl.BlockSpec((2, BLK, HH), lambda i: (0, i, 0))
        out_shape = jax.ShapeDtypeStruct((2, N, HH), jnp.float32)
    else:
        out_spec = pl.BlockSpec((BLK, H), lambda i: (i, 0))
        out_shape = jax.ShapeDtypeStruct((N, H), jnp.float32)
    return pl.pallas_call(
        functools.partial(_p2_body, split_relu=split_relu),
        grid=(N // BLK,),
        in_specs=[
            pl.BlockSpec((BLK, H2), lambda i: (i, 0)),
            pl.BlockSpec((1, H2), lambda i: (0, 0)),
            pl.BlockSpec((1, H2), lambda i: (0, 0)),
            pl.BlockSpec((H2, H), lambda i: (0, 0)),
            pl.BlockSpec((1, H), lambda i: (0, 0)),
        ],
        out_specs=out_spec,
        out_shape=out_shape,
    )(z, scale, shift, w2T, b2)


def kernel(x, edge_index, fn_w, fn_b,
           w1_0, b1_0, gamma_0, beta_0, w2_0, b2_0,
           w1_1, b1_1, gamma_1, beta_1, w2_1, b2_1):
    src = edge_index[0]
    dst = edge_index[1]
    pad = E_PAD - E
    srcp = jnp.concatenate([src, jnp.zeros((pad,), jnp.int32)]).reshape(
        NSC, CPW, CHUNK)
    dstp = jnp.concatenate([dst, jnp.full((pad,), N, jnp.int32)]).reshape(
        NSC, CPW, CHUNK)
    zero_blk = jnp.zeros((RPT, HH), jnp.float32)

    hS0 = _proj(x, fn_w.T, fn_b.reshape(1, H))

    def layer(hS, w1, b1, g, be, w2, b2, split_relu):
        p = _seg(hS, srcp, dstp, zero_blk)
        z, m = _p1(hS, p, w1.T, b1.reshape(1, H2))
        mu = m[0] / N
        var = m[1] / N - mu * mu
        isd = lax.rsqrt(var + BN_EPS)
        scale = (g * isd).reshape(1, H2)
        shift = (be - mu * g * isd).reshape(1, H2)
        return _p2(z, scale, shift, w2.T, b2.reshape(1, H), split_relu)

    hS1 = layer(hS0, w1_0, b1_0, gamma_0, beta_0, w2_0, b2_0, True)
    h2 = layer(hS1, w1_1, b1_1, gamma_1, beta_1, w2_1, b2_1, False)
    return h2

# --- scband reference (transcript-rebuilt; emitter-appended) ---
"""Pipeline reference for scband-gin-8907762172200 (READ-ONLY COPY).

The authoritative reference and input builder live on the scoring server;
editing this copy changes nothing except your own understanding.
"""

import jax, jax.numpy as jnp
import numpy as np

N = 10000
E = 320000
D = 128
H = 128
BN_EPS = 1e-5


def _lin_init(key, out_d, in_d):
    b = 1.0 / np.sqrt(in_d)
    kw, kb = jax.random.split(key)
    W = jax.random.uniform(kw, (out_d, in_d), minval=-b, maxval=b, dtype=jnp.float32)
    bias = jax.random.uniform(kb, (out_d,), minval=-b, maxval=b, dtype=jnp.float32)
    return W, bias


def setup_inputs(seed: int = 0) -> dict:
    key = jax.random.key(seed)
    ks = jax.random.split(key, 10)
    inp = {}
    inp['x'] = jax.random.normal(ks[0], (N, D), dtype=jnp.float32)
    inp['edge_index'] = jax.random.randint(ks[1], (2, E), 0, N, dtype=jnp.int32)
    # input projection fn: Linear(D, H)
    inp['fn_w'], inp['fn_b'] = _lin_init(ks[2], H, D)
    # GINConv layer 0 MLP: Linear(H,2H) -> BN(2H) -> ReLU -> Linear(2H,H)
    inp['w1_0'], inp['b1_0'] = _lin_init(ks[3], 2 * H, H)
    inp['gamma_0'] = jnp.ones((2 * H,), dtype=jnp.float32)
    inp['beta_0'] = jnp.zeros((2 * H,), dtype=jnp.float32)
    inp['w2_0'], inp['b2_0'] = _lin_init(ks[4], H, 2 * H)
    # GINConv layer 1 MLP
    inp['w1_1'], inp['b1_1'] = _lin_init(ks[5], 2 * H, H)
    inp['gamma_1'] = jnp.ones((2 * H,), dtype=jnp.float32)
    inp['beta_1'] = jnp.zeros((2 * H,), dtype=jnp.float32)
    inp['w2_1'], inp['b2_1'] = _lin_init(ks[6], H, 2 * H)
    return inp


def _gin_conv(h, edge_index, W1, B1, G, Be, W2, B2):
    src = edge_index[0]
    dst = edge_index[1]
    # GINConv aggregation: sum of neighbor messages scattered to dst nodes
    aggr = jax.ops.segment_sum(h[src], dst, num_segments=N)
    # (1 + eps) * x + aggr, default eps = 0
    z = h + aggr
    # MLP: Linear -> BatchNorm1d (training-mode batch stats) -> ReLU -> Linear
    z = z @ W1.T + B1
    mu = jnp.mean(z, axis=0)
    var = jnp.var(z, axis=0)
    z = (z - mu) / jnp.sqrt(var + BN_EPS) * G + Be
    z = jax.nn.relu(z)
    z = z @ W2.T + B2
    return z


def reference(x, edge_index, fn_w, fn_b,
              w1_0, b1_0, gamma_0, beta_0, w2_0, b2_0,
              w1_1, b1_1, gamma_1, beta_1, w2_1, b2_1):
    h0 = x @ fn_w.T + fn_b
    # layer 0 (not last): relu after conv; dropout p=0.0 is identity
    h1 = jax.nn.relu(_gin_conv(h0, edge_index, w1_0, b1_0, gamma_0, beta_0, w2_0, b2_0))
    # layer 1 (last): no relu; dropout p=0.0 is identity
    h2 = _gin_conv(h1, edge_index, w1_1, b1_1, gamma_1, beta_1, w2_1, b2_1)
    return h2

if __name__ == "__main__":
    import jax
    _d = setup_inputs()
    print(jax.jit(kernel)(*tuple(_d.values())))

</pallas_src>

<mosaic_0001>
#map = affine_map<(d0, d1) -> (0, 0, 0)>
#map1 = affine_map<(d0, d1) -> (0, 0)>
module attributes {stable_mosaic.version = 14 : i64} {
  func.func @_seg_body(%arg0: i32, %arg1: i32, %arg2: memref<2x10000x64xf32, #tpu.memory_space<hbm>>, %arg3: memref<16x160x128xi32, #tpu.memory_space<hbm>>, %arg4: memref<16x160x128xi32, #tpu.memory_space<hbm>>, %arg5: memref<626x64xf32, #tpu.memory_space<hbm>>, %arg6: memref<2x10016x64xf32, #tpu.memory_space<hbm>>, %arg7: memref<2x16x128xi32, #tpu.memory_space<vmem>>, %arg8: memref<2x16x128xi32, #tpu.memory_space<vmem>>, %arg9: memref<4x128x64xf32, #tpu.memory_space<vmem>>, %arg10: memref<10000x64xf32, #tpu.memory_space<vmem_shared>>, %arg11: memref<10016x64xf32, #tpu.memory_space<vmem_shared>>, %arg12: memref<!tpu.dma_semaphore, #tpu.memory_space<semaphore_mem>>, %arg13: memref<!tpu.dma_semaphore, #tpu.memory_space<semaphore_mem>>, %arg14: memref<!tpu.dma_semaphore, #tpu.memory_space<semaphore_mem>>, %arg15: memref<!tpu.dma_semaphore, #tpu.memory_space<semaphore_mem>>, %arg16: memref<!tpu.dma_semaphore, #tpu.memory_space<semaphore_mem>>, %arg17: memref<!tpu.dma_semaphore, #tpu.memory_space<semaphore_mem>>, %arg18: memref<!tpu.dma_semaphore, #tpu.memory_space<semaphore_mem>>, %arg19: memref<!tpu.dma_semaphore, #tpu.memory_space<semaphore_mem>>, %arg20: memref<!tpu.dma_semaphore, #tpu.memory_space<semaphore_mem>>) attributes {dimension_semantics = [#tpu.dimension_semantics<core_parallel>, #tpu.dimension_semantics<subcore_parallel>], iteration_bounds = array<i64: 2, 16>, scalar_prefetch = 0 : i64, scratch_operands = 14 : i64, tpu.core_type = #tpu.core_type<sc_vector_subcore>, window_params = [{transform_indices = #map}, {transform_indices = #map}, {transform_indices = #map}, {transform_indices = #map1}, {transform_indices = #map}]} {
    %mul3A = arith.constant 625 : i32
    %mul3A_0 = arith.muli %arg1, %mul3A : i32
    %mul3A_1 = arith.constant 625 : i32
    %mul3A_2 = arith.muli %arg1, %mul3A_1 : i32
    "tpu.region"() ({
      %run_scoped3A_66 = tpu.sem_alloc : memref<!tpu.dma_semaphore, #tpu.memory_space<semaphore_mem>>
      %dma_start3A_67 = arith.constant 0 : i32
      %dma_start3A_68 = tpu.memref_slice %arg10[%mul3A_2, %dma_start3A_67] : memref<10000x64xf32, #tpu.memory_space<vmem_shared>> -> memref<625x64xf32, #tpu.memory_space<vmem_shared>>
      %dma_start3A_69 = arith.constant 0 : i32
      %dma_start3A_70 = arith.constant 0 : i32
      %dma_start3A_71 = tpu.memref_slice %arg2[%arg0, %dma_start3A_69, %dma_start3A_70] : memref<2x10000x64xf32, #tpu.memory_space<hbm>> -> memref<1x10000x64xf32, #tpu.memory_space<hbm>>
      %dma_start3A_72 = tpu.memref_squeeze %dma_start3A_71 : memref<1x10000x64xf32, #tpu.memory_space<hbm>> -> memref<10000x64xf32, #tpu.memory_space<hbm>>
      %dma_start3A_73 = arith.constant 0 : i32
      %dma_start3A_74 = tpu.memref_slice %dma_start3A_72[%mul3A_0, %dma_start3A_73] : memref<10000x64xf32, #tpu.memory_space<hbm>> -> memref<625x64xf32, #tpu.memory_space<hbm>>
      tpu.enqueue_dma source(%dma_start3A_74 : memref<625x64xf32, #tpu.memory_space<hbm>>) target(%dma_start3A_68 : memref<625x64xf32, #tpu.memory_space<vmem_shared>>) target_semaphore(%run_scoped3A_66 : memref<!tpu.dma_semaphore, #tpu.memory_space<semaphore_mem>>)
      %dma_wait3A_75 = arith.constant 0 : i32
      %dma_wait3A_76 = tpu.memref_slice %arg10[%mul3A_2, %dma_wait3A_75] : memref<10000x64xf32, #tpu.memory_space<vmem_shared>> -> memref<625x64xf32, #tpu.memory_space<vmem_shared>>
      %dma_wait3A_77 = arith.constant 0 : i32
      %dma_wait3A_78 = arith.constant 0 : i32
      %dma_wait3A_79 = tpu.memref_slice %arg2[%arg0, %dma_wait3A_77, %dma_wait3A_78] : memref<2x10000x64xf32, #tpu.memory_space<hbm>> -> memref<1x10000x64xf32, #tpu.memory_space<hbm>>
      %dma_wait3A_80 = tpu.memref_squeeze %dma_wait3A_79 : memref<1x10000x64xf32, #tpu.memory_space<hbm>> -> memref<10000x64xf32, #tpu.memory_space<hbm>>
      %dma_wait3A_81 = arith.constant 0 : i32
      %dma_wait3A_82 = tpu.memref_slice %dma_wait3A_80[%mul3A_0, %dma_wait3A_81] : memref<10000x64xf32, #tpu.memory_space<hbm>> -> memref<625x64xf32, #tpu.memory_space<hbm>>
      tpu.wait_dma2 semaphore(%run_scoped3A_66 : memref<!tpu.dma_semaphore, #tpu.memory_space<semaphore_mem>>) src(%dma_wait3A_82 : memref<625x64xf32, #tpu.memory_space<hbm>>) dst(%dma_wait3A_76 : memref<625x64xf32, #tpu.memory_space<vmem_shared>>)
      tpu.yield
    }) : () -> ()
    %mul3A_3 = arith.constant 626 : i32
    %mul3A_4 = arith.muli %arg1, %mul3A_3 : i32
    "tpu.region"() ({
      %run_scoped3A_66 = tpu.sem_alloc : memref<!tpu.dma_semaphore, #tpu.memory_space<semaphore_mem>>
      %dma_start3A_67 = arith.constant 0 : i32
      %dma_start3A_68 = tpu.memref_slice %arg11[%mul3A_4, %dma_start3A_67] : memref<10016x64xf32, #tpu.memory_space<vmem_shared>> -> memref<626x64xf32, #tpu.memory_space<vmem_shared>>
      tpu.enqueue_dma source(%arg5 : memref<626x64xf32, #tpu.memory_space<hbm>>) target(%dma_start3A_68 : memref<626x64xf32, #tpu.memory_space<vmem_shared>>) target_semaphore(%run_scoped3A_66 : memref<!tpu.dma_semaphore, #tpu.memory_space<semaphore_mem>>)
      %dma_wait3A_69 = arith.constant 0 : i32
      %dma_wait3A_70 = tpu.memref_slice %arg11[%mul3A_4, %dma_wait3A_69] : memref<10016x64xf32, #tpu.memory_space<vmem_shared>> -> memref<626x64xf32, #tpu.memory_space<vmem_shared>>
      tpu.wait_dma2 semaphore(%run_scoped3A_66 : memref<!tpu.dma_semaphore, #tpu.memory_space<semaphore_mem>>) src(%arg5 : memref<626x64xf32, #tpu.memory_space<hbm>>) dst(%dma_wait3A_70 : memref<626x64xf32, #tpu.memory_space<vmem_shared>>)
      tpu.yield
    }) : () -> ()
    %run_scoped3A = arith.constant 0 : i32
    "tpu.region"() ({
      %run_scoped3A_66 = tpu.sem_alloc : memref<!tpu.dma_semaphore, #tpu.memory_space<semaphore_mem>>
      %dma_start3A_67 = arith.constant 0 : i32
      %dma_start3A_68 = arith.constant 0 : i32
      %dma_start3A_69 = tpu.memref_slice %arg7[%run_scoped3A, %dma_start3A_67, %dma_start3A_68] : memref<2x16x128xi32, #tpu.memory_space<vmem>> -> memref<1x16x128xi32, #tpu.memory_space<vmem>>
      %dma_start3A_70 = tpu.memref_squeeze %dma_start3A_69 : memref<1x16x128xi32, #tpu.memory_space<vmem>> -> memref<16x128xi32, #tpu.memory_space<vmem>>
      %dma_start3A_71 = arith.constant 0 : i32
      %dma_start3A_72 = arith.constant 0 : i32
      %dma_start3A_73 = tpu.memref_slice %arg3[%arg1, %dma_start3A_71, %dma_start3A_72] : memref<16x160x128xi32, #tpu.memory_space<hbm>> -> memref<1x16x128xi32, #tpu.memory_space<hbm>>
      %dma_start3A_74 = tpu.memref_squeeze %dma_start3A_73 : memref<1x16x128xi32, #tpu.memory_space<hbm>> -> memref<16x128xi32, #tpu.memory_space<hbm>>
      %dma_start3A_75 = arith.constant 0 : i32
      %dma_start3A_76 = arith.constant 0 : i32
      %dma_start3A_77 = tpu.memref_slice %arg7[%run_scoped3A, %dma_start3A_75, %dma_start3A_76] : memref<2x16x128xi32, #tpu.memory_space<vmem>> -> memref<1x16x128xi32, #tpu.memory_space<vmem>>
      %dma_start3A_78 = tpu.memref_squeeze %dma_start3A_77 : memref<1x16x128xi32, #tpu.memory_space<vmem>> -> memref<16x128xi32, #tpu.memory_space<vmem>>
      %dma_start3A_79 = arith.constant 0 : i32
      %dma_start3A_80 = arith.constant 0 : i32
      %dma_start3A_81 = tpu.memref_slice %arg3[%arg1, %dma_start3A_79, %dma_start3A_80] : memref<16x160x128xi32, #tpu.memory_space<hbm>> -> memref<1x16x128xi32, #tpu.memory_space<hbm>>
      %dma_start3A_82 = tpu.memref_squeeze %dma_start3A_81 : memref<1x16x128xi32, #tpu.memory_space<hbm>> -> memref<16x128xi32, #tpu.memory_space<hbm>>
      tpu.enqueue_dma source(%dma_start3A_82 : memref<16x128xi32, #tpu.memory_space<hbm>>) target(%dma_start3A_78 : memref<16x128xi32, #tpu.memory_space<vmem>>) target_semaphore(%run_scoped3A_66 : memref<!tpu.dma_semaphore, #tpu.memory_space<semaphore_mem>>)
      %dma_wait3A_83 = arith.constant 0 : i32
      %dma_wait3A_84 = arith.constant 0 : i32
      %dma_wait3A_85 = tpu.memref_slice %arg7[%run_scoped3A, %dma_wait3A_83, %dma_wait3A_84] : memref<2x16x128xi32, #tpu.memory_space<vmem>> -> memref<1x16x128xi32, #tpu.memory_space<vmem>>
      %dma_wait3A_86 = tpu.memref_squeeze %dma_wait3A_85 : memref<1x16x128xi32, #tpu.memory_space<vmem>> -> memref<16x128xi32, #tpu.memory_space<vmem>>
      %dma_wait3A_87 = arith.constant 0 : i32
      %dma_wait3A_88 = arith.constant 0 : i32
      %dma_wait3A_89 = tpu.memref_slice %arg3[%arg1, %dma_wait3A_87, %dma_wait3A_88] : memref<16x160x128xi32, #tpu.memory_space<hbm>> -> memref<1x16x128xi32, #tpu.memory_space<hbm>>
      %dma_wait3A_90 = tpu.memref_squeeze %dma_wait3A_89 : memref<1x16x128xi32, #tpu.memory_space<hbm>> -> memref<16x128xi32, #tpu.memory_space<hbm>>
      %dma_wait3A_91 = arith.constant 0 : i32
      %dma_wait3A_92 = arith.constant 0 : i32
      %dma_wait3A_93 = tpu.memref_slice %arg7[%run_scoped3A, %dma_wait3A_91, %dma_wait3A_92] : memref<2x16x128xi32, #tpu.memory_space<vmem>> -> memref<1x16x128xi32, #tpu.memory_space<vmem>>
      %dma_wait3A_94 = tpu.memref_squeeze %dma_wait3A_93 : memref<1x16x128xi32, #tpu.memory_space<vmem>> -> memref<16x128xi32, #tpu.memory_space<vmem>>
      %dma_wait3A_95 = arith.constant 0 : i32
      %dma_wait3A_96 = arith.constant 0 : i32
      %dma_wait3A_97 = tpu.memref_slice %arg3[%arg1, %dma_wait3A_95, %dma_wait3A_96] : memref<16x160x128xi32, #tpu.memory_space<hbm>> -> memref<1x16x128xi32, #tpu.memory_space<hbm>>
      %dma_wait3A_98 = tpu.memref_squeeze %dma_wait3A_97 : memref<1x16x128xi32, #tpu.memory_space<hbm>> -> memref<16x128xi32, #tpu.memory_space<hbm>>
      tpu.wait_dma2 semaphore(%run_scoped3A_66 : memref<!tpu.dma_semaphore, #tpu.memory_space<semaphore_mem>>) src(%dma_wait3A_98 : memref<16x128xi32, #tpu.memory_space<hbm>>) dst(%dma_wait3A_94 : memref<16x128xi32, #tpu.memory_space<vmem>>)
      tpu.yield
    }) : () -> ()
    %run_scoped3A_5 = arith.constant 0 : i32
    "tpu.region"() ({
      %run_scoped3A_66 = tpu.sem_alloc : memref<!tpu.dma_semaphore, #tpu.memory_space<semaphore_mem>>
      %dma_start3A_67 = arith.constant 0 : i32
      %dma_start3A_68 = arith.constant 0 : i32
      %dma_start3A_69 = tpu.memref_slice %arg8[%run_scoped3A_5, %dma_start3A_67, %dma_start3A_68] : memref<2x16x128xi32, #tpu.memory_space<vmem>> -> memref<1x16x128xi32, #tpu.memory_space<vmem>>
      %dma_start3A_70 = tpu.memref_squeeze %dma_start3A_69 : memref<1x16x128xi32, #tpu.memory_space<vmem>> -> memref<16x128xi32, #tpu.memory_space<vmem>>
      %dma_start3A_71 = arith.constant 0 : i32
      %dma_start3A_72 = arith.constant 0 : i32
      %dma_start3A_73 = tpu.memref_slice %arg4[%arg1, %dma_start3A_71, %dma_start3A_72] : memref<16x160x128xi32, #tpu.memory_space<hbm>> -> memref<1x16x128xi32, #tpu.memory_space<hbm>>
      %dma_start3A_74 = tpu.memref_squeeze %dma_start3A_73 : memref<1x16x128xi32, #tpu.memory_space<hbm>> -> memref<16x128xi32, #tpu.memory_space<hbm>>
      %dma_start3A_75 = arith.constant 0 : i32
      %dma_start3A_76 = arith.constant 0 : i32
      %dma_start3A_77 = tpu.memref_slice %arg8[%run_scoped3A_5, %dma_start3A_75, %dma_start3A_76] : memref<2x16x128xi32, #tpu.memory_space<vmem>> -> memref<1x16x128xi32, #tpu.memory_space<vmem>>
      %dma_start3A_78 = tpu.memref_squeeze %dma_start3A_77 : memref<1x16x128xi32, #tpu.memory_space<vmem>> -> memref<16x128xi32, #tpu.memory_space<vmem>>
      %dma_start3A_79 = arith.constant 0 : i32
      %dma_start3A_80 = arith.constant 0 : i32
      %dma_start3A_81 = tpu.memref_slice %arg4[%arg1, %dma_start3A_79, %dma_start3A_80] : memref<16x160x128xi32, #tpu.memory_space<hbm>> -> memref<1x16x128xi32, #tpu.memory_space<hbm>>
      %dma_start3A_82 = tpu.memref_squeeze %dma_start3A_81 : memref<1x16x128xi32, #tpu.memory_space<hbm>> -> memref<16x128xi32, #tpu.memory_space<hbm>>
      tpu.enqueue_dma source(%dma_start3A_82 : memref<16x128xi32, #tpu.memory_space<hbm>>) target(%dma_start3A_78 : memref<16x128xi32, #tpu.memory_space<vmem>>) target_semaphore(%run_scoped3A_66 : memref<!tpu.dma_semaphore, #tpu.memory_space<semaphore_mem>>)
      %dma_wait3A_83 = arith.constant 0 : i32
      %dma_wait3A_84 = arith.constant 0 : i32
      %dma_wait3A_85 = tpu.memref_slice %arg8[%run_scoped3A_5, %dma_wait3A_83, %dma_wait3A_84] : memref<2x16x128xi32, #tpu.memory_space<vmem>> -> memref<1x16x128xi32, #tpu.memory_space<vmem>>
      %dma_wait3A_86 = tpu.memref_squeeze %dma_wait3A_85 : memref<1x16x128xi32, #tpu.memory_space<vmem>> -> memref<16x128xi32, #tpu.memory_space<vmem>>
      %dma_wait3A_87 = arith.constant 0 : i32
      %dma_wait3A_88 = arith.constant 0 : i32
      %dma_wait3A_89 = tpu.memref_slice %arg4[%arg1, %dma_wait3A_87, %dma_wait3A_88] : memref<16x160x128xi32, #tpu.memory_space<hbm>> -> memref<1x16x128xi32, #tpu.memory_space<hbm>>
      %dma_wait3A_90 = tpu.memref_squeeze %dma_wait3A_89 : memref<1x16x128xi32, #tpu.memory_space<hbm>> -> memref<16x128xi32, #tpu.memory_space<hbm>>
      %dma_wait3A_91 = arith.constant 0 : i32
      %dma_wait3A_92 = arith.constant 0 : i32
      %dma_wait3A_93 = tpu.memref_slice %arg8[%run_scoped3A_5, %dma_wait3A_91, %dma_wait3A_92] : memref<2x16x128xi32, #tpu.memory_space<vmem>> -> memref<1x16x128xi32, #tpu.memory_space<vmem>>
      %dma_wait3A_94 = tpu.memref_squeeze %dma_wait3A_93 : memref<1x16x128xi32, #tpu.memory_space<vmem>> -> memref<16x128xi32, #tpu.memory_space<vmem>>
      %dma_wait3A_95 = arith.constant 0 : i32
      %dma_wait3A_96 = arith.constant 0 : i32
      %dma_wait3A_97 = tpu.memref_slice %arg4[%arg1, %dma_wait3A_95, %dma_wait3A_96] : memref<16x160x128xi32, #tpu.memory_space<hbm>> -> memref<1x16x128xi32, #tpu.memory_space<hbm>>
      %dma_wait3A_98 = tpu.memref_squeeze %dma_wait3A_97 : memref<1x16x128xi32, #tpu.memory_space<hbm>> -> memref<16x128xi32, #tpu.memory_space<hbm>>
      tpu.wait_dma2 semaphore(%run_scoped3A_66 : memref<!tpu.dma_semaphore, #tpu.memory_space<semaphore_mem>>) src(%dma_wait3A_98 : memref<16x128xi32, #tpu.memory_space<hbm>>) dst(%dma_wait3A_94 : memref<16x128xi32, #tpu.memory_space<vmem>>)
      tpu.yield
    }) : () -> ()
    %barrier3A = arith.constant 0 : index
    tpu.barrier barrier_id(%barrier3A)
    %dma_start3A = arith.constant 0 : i32
    %dma_start3A_6 = arith.constant 0 : i32
    %dma_start3A_7 = arith.constant 0 : i32
    %dma_start3A_8 = arith.constant 0 : i32
    %dma_start3A_9 = arith.constant 0 : i32
    %dma_start3A_10 = tpu.memref_slice %arg9[%dma_start3A_7, %dma_start3A_8, %dma_start3A_9] : memref<4x128x64xf32, #tpu.memory_space<vmem>> -> memref<1x128x64xf32, #tpu.memory_space<vmem>>
    %dma_start3A_11 = tpu.memref_squeeze %dma_start3A_10 : memref<1x128x64xf32, #tpu.memory_space<vmem>> -> memref<128x64xf32, #tpu.memory_space<vmem>>
    %dma_start3A_12 = arith.constant 0 : i32
    %dma_start3A_13 = tpu.memref_slice %arg7[%dma_start3A, %dma_start3A_6, %dma_start3A_12] : memref<2x16x128xi32, #tpu.memory_space<vmem>> -> memref<1x1x128xi32, #tpu.memory_space<vmem>>
    %dma_start3A_14 = tpu.memref_squeeze %dma_start3A_13 : memref<1x1x128xi32, #tpu.memory_space<vmem>> -> memref<128xi32, #tpu.memory_space<vmem>>
    %dma_start3A_15 = arith.constant 0 : i32
    %dma_start3A_16 = arith.constant 0 : i32
    %dma_start3A_17 = tpu.memref_slice %arg10[%dma_start3A_15, %dma_start3A_16] : memref<10000x64xf32, #tpu.memory_space<vmem_shared>> -> memref<10000x64xf32, #tpu.memory_space<vmem_shared>>
    tpu.enqueue_indirect_dma source(%dma_start3A_17 : memref<10000x64xf32, #tpu.memory_space<vmem_shared>>) target(%dma_start3A_11 : memref<128x64xf32, #tpu.memory_space<vmem>>) offsets(%dma_start3A_14 : memref<128xi32, #tpu.memory_space<vmem>>) semaphore(%arg12 : memref<!tpu.dma_semaphore, #tpu.memory_space<semaphore_mem>>)
    %dma_start3A_18 = arith.constant 0 : i32
    %dma_start3A_19 = arith.constant 1 : i32
    %dma_start3A_20 = arith.constant 1 : i32
    %dma_start3A_21 = arith.constant 0 : i32
    %dma_start3A_22 = arith.constant 0 : i32
    %dma_start3A_23 = tpu.memref_slice %arg9[%dma_start3A_20, %dma_start3A_21, %dma_start3A_22] : memref<4x128x64xf32, #tpu.memory_space<vmem>> -> memref<1x128x64xf32, #tpu.memory_space<vmem>>
    %dma_start3A_24 = tpu.memref_squeeze %dma_start3A_23 : memref<1x128x64xf32, #tpu.memory_space<vmem>> -> memref<128x64xf32, #tpu.memory_space<vmem>>
    %dma_start3A_25 = arith.constant 0 : i32
    %dma_start3A_26 = tpu.memref_slice %arg7[%dma_start3A_18, %dma_start3A_19, %dma_start3A_25] : memref<2x16x128xi32, #tpu.memory_space<vmem>> -> memref<1x1x128xi32, #tpu.memory_space<vmem>>
    %dma_start3A_27 = tpu.memref_squeeze %dma_start3A_26 : memref<1x1x128xi32, #tpu.memory_space<vmem>> -> memref<128xi32, #tpu.memory_space<vmem>>
    %dma_start3A_28 = arith.constant 0 : i32
    %dma_start3A_29 = arith.constant 0 : i32
    %dma_start3A_30 = tpu.memref_slice %arg10[%dma_start3A_28, %dma_start3A_29] : memref<10000x64xf32, #tpu.memory_space<vmem_shared>> -> memref<10000x64xf32, #tpu.memory_space<vmem_shared>>
    tpu.enqueue_indirect_dma source(%dma_start3A_30 : memref<10000x64xf32, #tpu.memory_space<vmem_shared>>) target(%dma_start3A_24 : memref<128x64xf32, #tpu.memory_space<vmem>>) offsets(%dma_start3A_27 : memref<128xi32, #tpu.memory_space<vmem>>) semaphore(%arg13 : memref<!tpu.dma_semaphore, #tpu.memory_space<semaphore_mem>>)
    %scan3A = arith.constant 0 : i32
    %scan3A_31 = arith.constant 0 : i32
    %scan3A_32 = arith.constant 10 : i32
    %scan3A_33 = arith.addi %scan3A_31, %scan3A_32 : i32
    %scan3A_34 = arith.constant 1 : i32
    scf.for %scan3A_66 = %scan3A_31 to %scan3A_33 step %scan3A_34  : i32 {
      %jit3A = arith.constant 2 : i32
      %eq3A = arith.constant 0 : i32
      %eq3A_67 = arith.cmpi eq, %jit3A, %eq3A : i32
      %jit3A_68 = arith.constant 1 : i32
      %select_n3A = arith.select %eq3A_67, %jit3A_68, %jit3A : i32
      %rem3A = arith.remsi %scan3A_66, %select_n3A : i32
      %ne3A = arith.constant 0 : i32
      %ne3A_69 = arith.cmpi ne, %rem3A, %ne3A : i32
      %lt3A = arith.constant 0 : i32
      %lt3A_70 = arith.cmpi slt, %rem3A, %lt3A : i32
      %lt3A_71 = arith.constant 0 : i32
      %lt3A_72 = arith.cmpi slt, %select_n3A, %lt3A_71 : i32
      %ne3A_73 = arith.xori %lt3A_70, %lt3A_72 : i1
      %and3A = arith.andi %ne3A_73, %ne3A_69 : i1
      %add3A = arith.addi %rem3A, %select_n3A : i32
      %select_n3A_74 = arith.select %and3A, %add3A, %rem3A : i32
      %add3A_75 = arith.constant 1 : i32
      %add3A_76 = arith.addi %scan3A_66, %add3A_75 : i32
      %jit3A_77 = arith.constant 2 : i32
      %eq3A_78 = arith.constant 0 : i32
      %eq3A_79 = arith.cmpi eq, %jit3A_77, %eq3A_78 : i32
      %jit3A_80 = arith.constant 1 : i32
      %select_n3A_81 = arith.select %eq3A_79, %jit3A_80, %jit3A_77 : i32
      %rem3A_82 = arith.remsi %add3A_76, %select_n3A_81 : i32
      %ne3A_83 = arith.constant 0 : i32
      %ne3A_84 = arith.cmpi ne, %rem3A_82, %ne3A_83 : i32
      %lt3A_85 = arith.constant 0 : i32
      %lt3A_86 = arith.cmpi slt, %rem3A_82, %lt3A_85 : i32
      %lt3A_87 = arith.constant 0 : i32
      %lt3A_88 = arith.cmpi slt, %select_n3A_81, %lt3A_87 : i32
      %ne3A_89 = arith.xori %lt3A_86, %lt3A_88 : i1
      %and3A_90 = arith.andi %ne3A_89, %ne3A_84 : i1
      %add3A_91 = arith.addi %rem3A_82, %select_n3A_81 : i32
      %select_n3A_92 = arith.select %and3A_90, %add3A_91, %rem3A_82 : i32
      %mul3A_93 = arith.constant 16 : i32
      %mul3A_94 = arith.muli %scan3A_66, %mul3A_93 : i32
      %add3A_95 = arith.constant 0 : i32
      %add3A_96 = arith.addi %mul3A_94, %add3A_95 : i32
      %gt3A = arith.constant 0 : i32
      %gt3A_97 = arith.cmpi sgt, %scan3A_66, %gt3A : i32
      %convert_element_type3A = arith.extui %gt3A_97 : i1 to i32
      %cond3A = arith.constant 0 : i32
      %cond3A_98 = arith.cmpi ne, %convert_element_type3A, %cond3A : i32
      scf.if %cond3A_98 {
        %dma_wait3A_866 = arith.constant 2 : i32
        %dma_wait3A_867 = arith.constant 0 : i32
        %dma_wait3A_868 = arith.constant 0 : i32
        %dma_wait3A_869 = arith.constant 0 : i32
        %dma_wait3A_870 = arith.constant 0 : i32
        %dma_wait3A_871 = tpu.memref_slice %arg9[%dma_wait3A_866, %dma_wait3A_869, %dma_wait3A_870] : memref<4x128x64xf32, #tpu.memory_space<vmem>> -> memref<1x128x64xf32, #tpu.memory_space<vmem>>
        %dma_wait3A_872 = tpu.memref_squeeze %dma_wait3A_871 : memref<1x128x64xf32, #tpu.memory_space<vmem>> -> memref<128x64xf32, #tpu.memory_space<vmem>>
        %dma_wait3A_873 = arith.constant 0 : i32
        %dma_wait3A_874 = tpu.memref_slice %arg8[%dma_wait3A_867, %dma_wait3A_868, %dma_wait3A_873] : memref<2x16x128xi32, #tpu.memory_space<vmem>> -> memref<1x1x128xi32, #tpu.memory_space<vmem>>
        %dma_wait3A_875 = tpu.memref_squeeze %dma_wait3A_874 : memref<1x1x128xi32, #tpu.memory_space<vmem>> -> memref<128xi32, #tpu.memory_space<vmem>>
        %dma_wait3A_876 = arith.constant 0 : i32
        %dma_wait3A_877 = arith.constant 0 : i32
        %dma_wait3A_878 = tpu.memref_slice %arg11[%dma_wait3A_876, %dma_wait3A_877] : memref<10016x64xf32, #tpu.memory_space<vmem_shared>> -> memref<10016x64xf32, #tpu.memory_space<vmem_shared>>
        tpu.wait_indirect_dma semaphore(%arg18 : memref<!tpu.dma_semaphore, #tpu.memory_space<semaphore_mem>>) src(%dma_wait3A_872 : memref<128x64xf32, #tpu.memory_space<vmem>>) dst(%dma_wait3A_878 : memref<10016x64xf32, #tpu.memory_space<vmem_shared>>)
      } else {
      }
      %dma_start3A_99 = arith.constant 2 : i32
      %dma_start3A_100 = arith.constant 2 : i32
      %dma_start3A_101 = arith.constant 0 : i32
      %dma_start3A_102 = arith.constant 0 : i32
      %dma_start3A_103 = tpu.memref_slice %arg9[%dma_start3A_100, %dma_start3A_101, %dma_start3A_102] : memref<4x128x64xf32, #tpu.memory_space<vmem>> -> memref<1x128x64xf32, #tpu.memory_space<vmem>>
      %dma_start3A_104 = tpu.memref_squeeze %dma_start3A_103 : memref<1x128x64xf32, #tpu.memory_space<vmem>> -> memref<128x64xf32, #tpu.memory_space<vmem>>
      %dma_start3A_105 = arith.constant 0 : i32
      %dma_start3A_106 = tpu.memref_slice %arg7[%select_n3A_74, %dma_start3A_99, %dma_start3A_105] : memref<2x16x128xi32, #tpu.memory_space<vmem>> -> memref<1x1x128xi32, #tpu.memory_space<vmem>>
      %dma_start3A_107 = tpu.memref_squeeze %dma_start3A_106 : memref<1x1x128xi32, #tpu.memory_space<vmem>> -> memref<128xi32, #tpu.memory_space<vmem>>
      %dma_start3A_108 = arith.constant 0 : i32
      %dma_start3A_109 = arith.constant 0 : i32
      %dma_start3A_110 = tpu.memref_slice %arg10[%dma_start3A_108, %dma_start3A_109] : memref<10000x64xf32, #tpu.memory_space<vmem_shared>> -> memref<10000x64xf32, #tpu.memory_space<vmem_shared>>
      tpu.enqueue_indirect_dma source(%dma_start3A_110 : memref<10000x64xf32, #tpu.memory_space<vmem_shared>>) target(%dma_start3A_104 : memref<128x64xf32, #tpu.memory_space<vmem>>) offsets(%dma_start3A_107 : memref<128xi32, #tpu.memory_space<vmem>>) semaphore(%arg14 : memref<!tpu.dma_semaphore, #tpu.memory_space<semaphore_mem>>)
      %dma_wait3A_111 = arith.constant 0 : i32
      %dma_wait3A_112 = arith.constant 0 : i32
      %dma_wait3A_113 = arith.constant 0 : i32
      %dma_wait3A_114 = arith.constant 0 : i32
      %dma_wait3A_115 = tpu.memref_slice %arg9[%dma_wait3A_112, %dma_wait3A_113, %dma_wait3A_114] : memref<4x128x64xf32, #tpu.memory_space<vmem>> -> memref<1x128x64xf32, #tpu.memory_space<vmem>>
      %dma_wait3A_116 = tpu.memref_squeeze %dma_wait3A_115 : memref<1x128x64xf32, #tpu.memory_space<vmem>> -> memref<128x64xf32, #tpu.memory_space<vmem>>
      %dma_wait3A_117 = arith.constant 0 : i32
      %dma_wait3A_118 = tpu.memref_slice %arg7[%select_n3A_74, %dma_wait3A_111, %dma_wait3A_117] : memref<2x16x128xi32, #tpu.memory_space<vmem>> -> memref<1x1x128xi32, #tpu.memory_space<vmem>>
      %dma_wait3A_119 = tpu.memref_squeeze %dma_wait3A_118 : memref<1x1x128xi32, #tpu.memory_space<vmem>> -> memref<128xi32, #tpu.memory_space<vmem>>
      %dma_wait3A_120 = arith.constant 0 : i32
      %dma_wait3A_121 = arith.constant 0 : i32
      %dma_wait3A_122 = tpu.memref_slice %arg10[%dma_wait3A_120, %dma_wait3A_121] : memref<10000x64xf32, #tpu.memory_space<vmem_shared>> -> memref<10000x64xf32, #tpu.memory_space<vmem_shared>>
      tpu.wait_indirect_dma semaphore(%arg12 : memref<!tpu.dma_semaphore, #tpu.memory_space<semaphore_mem>>) src(%dma_wait3A_122 : memref<10000x64xf32, #tpu.memory_space<vmem_shared>>) dst(%dma_wait3A_116 : memref<128x64xf32, #tpu.memory_space<vmem>>)
      %dma_start3A_123 = arith.constant 0 : i32
      %dma_start3A_124 = arith.constant 0 : i32
      %dma_start3A_125 = arith.constant 0 : i32
      %dma_start3A_126 = arith.constant 0 : i32
      %dma_start3A_127 = tpu.memref_slice %arg9[%dma_start3A_123, %dma_start3A_125, %dma_start3A_126] : memref<4x128x64xf32, #tpu.memory_space<vmem>> -> memref<1x128x64xf32, #tpu.memory_space<vmem>>
      %dma_start3A_128 = tpu.memref_squeeze %dma_start3A_127 : memref<1x128x64xf32, #tpu.memory_space<vmem>> -> memref<128x64xf32, #tpu.memory_space<vmem>>
      %dma_start3A_129 = arith.constant 0 : i32
      %dma_start3A_130 = tpu.memref_slice %arg8[%select_n3A_74, %dma_start3A_124, %dma_start3A_129] : memref<2x16x128xi32, #tpu.memory_space<vmem>> -> memref<1x1x128xi32, #tpu.memory_space<vmem>>
      %dma_start3A_131 = tpu.memref_squeeze %dma_start3A_130 : memref<1x1x128xi32, #tpu.memory_space<vmem>> -> memref<128xi32, #tpu.memory_space<vmem>>
      %dma_start3A_132 = arith.constant 0 : i32
      %dma_start3A_133 = arith.constant 0 : i32
      %dma_start3A_134 = tpu.memref_slice %arg11[%dma_start3A_132, %dma_start3A_133] : memref<10016x64xf32, #tpu.memory_space<vmem_shared>> -> memref<10016x64xf32, #tpu.memory_space<vmem_shared>>
      tpu.enqueue_indirect_dma source(%dma_start3A_128 : memref<128x64xf32, #tpu.memory_space<vmem>>) target(%dma_start3A_134 : memref<10016x64xf32, #tpu.memory_space<vmem_shared>>) offsets(%dma_start3A_131 : memref<128xi32, #tpu.memory_space<vmem>>) semaphore(%arg16 : memref<!tpu.dma_semaphore, #tpu.memory_space<semaphore_mem>>) {add = true}
      %mul3A_135 = arith.constant 16 : i32
      %mul3A_136 = arith.muli %scan3A_66, %mul3A_135 : i32
      %add3A_137 = arith.constant 1 : i32
      %add3A_138 = arith.addi %mul3A_136, %add3A_137 : i32
      %gt3A_139 = arith.constant 0 : i32
      %gt3A_140 = arith.cmpi sgt, %scan3A_66, %gt3A_139 : i32
      %convert_element_type3A_141 = arith.extui %gt3A_140 : i1 to i32
      %cond3A_142 = arith.constant 0 : i32
      %cond3A_143 = arith.cmpi ne, %convert_element_type3A_141, %cond3A_142 : i32
      scf.if %cond3A_143 {
        %dma_wait3A_866 = arith.constant 3 : i32
        %dma_wait3A_867 = arith.constant 0 : i32
        %dma_wait3A_868 = arith.constant 0 : i32
        %dma_wait3A_869 = arith.constant 0 : i32
        %dma_wait3A_870 = arith.constant 0 : i32
        %dma_wait3A_871 = tpu.memref_slice %arg9[%dma_wait3A_866, %dma_wait3A_869, %dma_wait3A_870] : memref<4x128x64xf32, #tpu.memory_space<vmem>> -> memref<1x128x64xf32, #tpu.memory_space<vmem>>
        %dma_wait3A_872 = tpu.memref_squeeze %dma_wait3A_871 : memref<1x128x64xf32, #tpu.memory_space<vmem>> -> memref<128x64xf32, #tpu.memory_space<vmem>>
        %dma_wait3A_873 = arith.constant 0 : i32
        %dma_wait3A_874 = tpu.memref_slice %arg8[%dma_wait3A_867, %dma_wait3A_868, %dma_wait3A_873] : memref<2x16x128xi32, #tpu.memory_space<vmem>> -> memref<1x1x128xi32, #tpu.memory_space<vmem>>
        %dma_wait3A_875 = tpu.memref_squeeze %dma_wait3A_874 : memref<1x1x128xi32, #tpu.memory_space<vmem>> -> memref<128xi32, #tpu.memory_space<vmem>>
        %dma_wait3A_876 = arith.constant 0 : i32
        %dma_wait3A_877 = arith.constant 0 : i32
        %dma_wait3A_878 = tpu.memref_slice %arg11[%dma_wait3A_876, %dma_wait3A_877] : memref<10016x64xf32, #tpu.memory_space<vmem_shared>> -> memref<10016x64xf32, #tpu.memory_space<vmem_shared>>
        tpu.wait_indirect_dma semaphore(%arg19 : memref<!tpu.dma_semaphore, #tpu.memory_space<semaphore_mem>>) src(%dma_wait3A_872 : memref<128x64xf32, #tpu.memory_space<vmem>>) dst(%dma_wait3A_878 : memref<10016x64xf32, #tpu.memory_space<vmem_shared>>)
      } else {
      }
      %dma_start3A_144 = arith.constant 3 : i32
      %dma_start3A_145 = arith.constant 3 : i32
      %dma_start3A_146 = arith.constant 0 : i32
      %dma_start3A_147 = arith.constant 0 : i32
      %dma_start3A_148 = tpu.memref_slice %arg9[%dma_start3A_145, %dma_start3A_146, %dma_start3A_147] : memref<4x128x64xf32, #tpu.memory_space<vmem>> -> memref<1x128x64xf32, #tpu.memory_space<vmem>>
      %dma_start3A_149 = tpu.memref_squeeze %dma_start3A_148 : memref<1x128x64xf32, #tpu.memory_space<vmem>> -> memref<128x64xf32, #tpu.memory_space<vmem>>
      %dma_start3A_150 = arith.constant 0 : i32
      %dma_start3A_151 = tpu.memref_slice %arg7[%select_n3A_74, %dma_start3A_144, %dma_start3A_150] : memref<2x16x128xi32, #tpu.memory_space<vmem>> -> memref<1x1x128xi32, #tpu.memory_space<vmem>>
      %dma_start3A_152 = tpu.memref_squeeze %dma_start3A_151 : memref<1x1x128xi32, #tpu.memory_space<vmem>> -> memref<128xi32, #tpu.memory_space<vmem>>
      %dma_start3A_153 = arith.constant 0 : i32
      %dma_start3A_154 = arith.constant 0 : i32
      %dma_start3A_155 = tpu.memref_slice %arg10[%dma_start3A_153, %dma_start3A_154] : memref<10000x64xf32, #tpu.memory_space<vmem_shared>> -> memref<10000x64xf32, #tpu.memory_space<vmem_shared>>
      tpu.enqueue_indirect_dma source(%dma_start3A_155 : memref<10000x64xf32, #tpu.memory_space<vmem_shared>>) target(%dma_start3A_149 : memref<128x64xf32, #tpu.memory_space<vmem>>) offsets(%dma_start3A_152 : memref<128xi32, #tpu.memory_space<vmem>>) semaphore(%arg15 : memref<!tpu.dma_semaphore, #tpu.memory_space<semaphore_mem>>)
      %dma_wait3A_156 = arith.constant 1 : i32
      %dma_wait3A_157 = arith.constant 1 : i32
      %dma_wait3A_158 = arith.constant 0 : i32
      %dma_wait3A_159 = arith.constant 0 : i32
      %dma_wait3A_160 = tpu.memref_slice %arg9[%dma_wait3A_157, %dma_wait3A_158, %dma_wait3A_159] : memref<4x128x64xf32, #tpu.memory_space<vmem>> -> memref<1x128x64xf32, #tpu.memory_space<vmem>>
      %dma_wait3A_161 = tpu.memref_squeeze %dma_wait3A_160 : memref<1x128x64xf32, #tpu.memory_space<vmem>> -> memref<128x64xf32, #tpu.memory_space<vmem>>
      %dma_wait3A_162 = arith.constant 0 : i32
      %dma_wait3A_163 = tpu.memref_slice %arg7[%select_n3A_74, %dma_wait3A_156, %dma_wait3A_162] : memref<2x16x128xi32, #tpu.memory_space<vmem>> -> memref<1x1x128xi32, #tpu.memory_space<vmem>>
      %dma_wait3A_164 = tpu.memref_squeeze %dma_wait3A_163 : memref<1x1x128xi32, #tpu.memory_space<vmem>> -> memref<128xi32, #tpu.memory_space<vmem>>
      %dma_wait3A_165 = arith.constant 0 : i32
      %dma_wait3A_166 = arith.constant 0 : i32
      %dma_wait3A_167 = tpu.memref_slice %arg10[%dma_wait3A_165, %dma_wait3A_166] : memref<10000x64xf32, #tpu.memory_space<vmem_shared>> -> memref<10000x64xf32, #tpu.memory_space<vmem_shared>>
      tpu.wait_indirect_dma semaphore(%arg13 : memref<!tpu.dma_semaphore, #tpu.memory_space<semaphore_mem>>) src(%dma_wait3A_167 : memref<10000x64xf32, #tpu.memory_space<vmem_shared>>) dst(%dma_wait3A_161 : memref<128x64xf32, #tpu.memory_space<vmem>>)
      %dma_start3A_168 = arith.constant 1 : i32
      %dma_start3A_169 = arith.constant 1 : i32
      %dma_start3A_170 = arith.constant 0 : i32
      %dma_start3A_171 = arith.constant 0 : i32
      %dma_start3A_172 = tpu.memref_slice %arg9[%dma_start3A_168, %dma_start3A_170, %dma_start3A_171] : memref<4x128x64xf32, #tpu.memory_space<vmem>> -> memref<1x128x64xf32, #tpu.memory_space<vmem>>
      %dma_start3A_173 = tpu.memref_squeeze %dma_start3A_172 : memref<1x128x64xf32, #tpu.memory_space<vmem>> -> memref<128x64xf32, #tpu.memory_space<vmem>>
      %dma_start3A_174 = arith.constant 0 : i32
      %dma_start3A_175 = tpu.memref_slice %arg8[%select_n3A_74, %dma_start3A_169, %dma_start3A_174] : memref<2x16x128xi32, #tpu.memory_space<vmem>> -> memref<1x1x128xi32, #tpu.memory_space<vmem>>
      %dma_start3A_176 = tpu.memref_squeeze %dma_start3A_175 : memref<1x1x128xi32, #tpu.memory_space<vmem>> -> memref<128xi32, #tpu.memory_space<vmem>>
      %dma_start3A_177 = arith.constant 0 : i32
      %dma_start3A_178 = arith.constant 0 : i32
      %dma_start3A_179 = tpu.memref_slice %arg11[%dma_start3A_177, %dma_start3A_178] : memref<10016x64xf32, #tpu.memory_space<vmem_shared>> -> memref<10016x64xf32, #tpu.memory_space<vmem_shared>>
      tpu.enqueue_indirect_dma source(%dma_start3A_173 : memref<128x64xf32, #tpu.memory_space<vmem>>) target(%dma_start3A_179 : memref<10016x64xf32, #tpu.memory_space<vmem_shared>>) offsets(%dma_start3A_176 : memref<128xi32, #tpu.memory_space<vmem>>) semaphore(%arg17 : memref<!tpu.dma_semaphore, #tpu.memory_space<semaphore_mem>>) {add = true}
      %add3A_180 = arith.constant 1 : i32
      %add3A_181 = arith.addi %scan3A_66, %add3A_180 : i32
      %lt3A_182 = arith.constant 10 : i32
      %lt3A_183 = arith.cmpi slt, %add3A_181, %lt3A_182 : i32
      %convert_element_type3A_184 = arith.extui %lt3A_183 : i1 to i32
      %cond3A_185 = arith.constant 0 : i32
      %cond3A_186 = arith.cmpi ne, %convert_element_type3A_184, %cond3A_185 : i32
      scf.if %cond3A_186 {
        %add3A_866 = arith.constant 1 : i32
        %add3A_867 = arith.addi %scan3A_66, %add3A_866 : i32
        %mul3A_868 = arith.constant 16 : i32
        %mul3A_869 = arith.muli %add3A_867, %mul3A_868 : i32
        %dma_start3A_870 = arith.constant 0 : i32
        %dma_start3A_871 = arith.constant 0 : i32
        %dma_start3A_872 = tpu.memref_slice %arg7[%select_n3A_92, %dma_start3A_870, %dma_start3A_871] : memref<2x16x128xi32, #tpu.memory_space<vmem>> -> memref<1x16x128xi32, #tpu.memory_space<vmem>>
        %dma_start3A_873 = tpu.memref_squeeze %dma_start3A_872 : memref<1x16x128xi32, #tpu.memory_space<vmem>> -> memref<16x128xi32, #tpu.memory_space<vmem>>
        %dma_start3A_874 = arith.constant 0 : i32
        %dma_start3A_875 = tpu.memref_slice %arg3[%arg1, %mul3A_869, %dma_start3A_874] : memref<16x160x128xi32, #tpu.memory_space<hbm>> -> memref<1x16x128xi32, #tpu.memory_space<hbm>>
        %dma_start3A_876 = tpu.memref_squeeze %dma_start3A_875 : memref<1x16x128xi32, #tpu.memory_space<hbm>> -> memref<16x128xi32, #tpu.memory_space<hbm>>
        %dma_start3A_877 = arith.constant 0 : i32
        %dma_start3A_878 = arith.constant 0 : i32
        %dma_start3A_879 = tpu.memref_slice %arg7[%select_n3A_92, %dma_start3A_877, %dma_start3A_878] : memref<2x16x128xi32, #tpu.memory_space<vmem>> -> memref<1x16x128xi32, #tpu.memory_space<vmem>>
        %dma_start3A_880 = tpu.memref_squeeze %dma_start3A_879 : memref<1x16x128xi32, #tpu.memory_space<vmem>> -> memref<16x128xi32, #tpu.memory_space<vmem>>
        %dma_start3A_881 = arith.constant 0 : i32
        %dma_start3A_882 = tpu.memref_slice %arg3[%arg1, %mul3A_869, %dma_start3A_881] : memref<16x160x128xi32, #tpu.memory_space<hbm>> -> memref<1x16x128xi32, #tpu.memory_space<hbm>>
        %dma_start3A_883 = tpu.memref_squeeze %dma_start3A_882 : memref<1x16x128xi32, #tpu.memory_space<hbm>> -> memref<16x128xi32, #tpu.memory_space<hbm>>
        tpu.enqueue_dma source(%dma_start3A_883 : memref<16x128xi32, #tpu.memory_space<hbm>>) target(%dma_start3A_880 : memref<16x128xi32, #tpu.memory_space<vmem>>) target_semaphore(%arg20 : memref<!tpu.dma_semaphore, #tpu.memory_space<semaphore_mem>>)
        %add3A_884 = arith.constant 1 : i32
        %add3A_885 = arith.addi %scan3A_66, %add3A_884 : i32
        %mul3A_886 = arith.constant 16 : i32
        %mul3A_887 = arith.muli %add3A_885, %mul3A_886 : i32
        %dma_start3A_888 = arith.constant 0 : i32
        %dma_start3A_889 = arith.constant 0 : i32
        %dma_start3A_890 = tpu.memref_slice %arg8[%select_n3A_92, %dma_start3A_888, %dma_start3A_889] : memref<2x16x128xi32, #tpu.memory_space<vmem>> -> memref<1x16x128xi32, #tpu.memory_space<vmem>>
        %dma_start3A_891 = tpu.memref_squeeze %dma_start3A_890 : memref<1x16x128xi32, #tpu.memory_space<vmem>> -> memref<16x128xi32, #tpu.memory_space<vmem>>
        %dma_start3A_892 = arith.constant 0 : i32
        %dma_start3A_893 = tpu.memref_slice %arg4[%arg1, %mul3A_887, %dma_start3A_892] : memref<16x160x128xi32, #tpu.memory_space<hbm>> -> memref<1x16x128xi32, #tpu.memory_space<hbm>>
        %dma_start3A_894 = tpu.memref_squeeze %dma_start3A_893 : memref<1x16x128xi32, #tpu.memory_space<hbm>> -> memref<16x128xi32, #tpu.memory_space<hbm>>
        %dma_start3A_895 = arith.constant 0 : i32
        %dma_start3A_896 = arith.constant 0 : i32
        %dma_start3A_897 = tpu.memref_slice %arg8[%select_n3A_92, %dma_start3A_895, %dma_start3A_896] : memref<2x16x128xi32, #tpu.memory_space<vmem>> -> memref<1x16x128xi32, #tpu.memory_space<vmem>>
        %dma_start3A_898 = tpu.memref_squeeze %dma_start3A_897 : memref<1x16x128xi32, #tpu.memory_space<vmem>> -> memref<16x128xi32, #tpu.memory_space<vmem>>
        %dma_start3A_899 = arith.constant 0 : i32
        %dma_start3A_900 = tpu.memref_slice %arg4[%arg1, %mul3A_887, %dma_start3A_899] : memref<16x160x128xi32, #tpu.memory_space<hbm>> -> memref<1x16x128xi32, #tpu.memory_space<hbm>>
        %dma_start3A_901 = tpu.memref_squeeze %dma_start3A_900 : memref<1x16x128xi32, #tpu.memory_space<hbm>> -> memref<16x128xi32, #tpu.memory_space<hbm>>
        tpu.enqueue_dma source(%dma_start3A_901 : memref<16x128xi32, #tpu.memory_space<hbm>>) target(%dma_start3A_898 : memref<16x128xi32, #tpu.memory_space<vmem>>) target_semaphore(%arg20 : memref<!tpu.dma_semaphore, #tpu.memory_space<semaphore_mem>>)
      } else {
      }
      %mul3A_187 = arith.constant 16 : i32
      %mul3A_188 = arith.muli %scan3A_66, %mul3A_187 : i32
      %add3A_189 = arith.constant 2 : i32
      %add3A_190 = arith.addi %mul3A_188, %add3A_189 : i32
      %dma_wait3A_191 = arith.constant 0 : i32
      %dma_wait3A_192 = arith.constant 0 : i32
      %dma_wait3A_193 = arith.constant 0 : i32
      %dma_wait3A_194 = arith.constant 0 : i32
      %dma_wait3A_195 = arith.constant 0 : i32
      %dma_wait3A_196 = tpu.memref_slice %arg9[%dma_wait3A_191, %dma_wait3A_194, %dma_wait3A_195] : memref<4x128x64xf32, #tpu.memory_space<vmem>> -> memref<1x128x64xf32, #tpu.memory_space<vmem>>
      %dma_wait3A_197 = tpu.memref_squeeze %dma_wait3A_196 : memref<1x128x64xf32, #tpu.memory_space<vmem>> -> memref<128x64xf32, #tpu.memory_space<vmem>>
      %dma_wait3A_198 = arith.constant 0 : i32
      %dma_wait3A_199 = tpu.memref_slice %arg8[%dma_wait3A_192, %dma_wait3A_193, %dma_wait3A_198] : memref<2x16x128xi32, #tpu.memory_space<vmem>> -> memref<1x1x128xi32, #tpu.memory_space<vmem>>
      %dma_wait3A_200 = tpu.memref_squeeze %dma_wait3A_199 : memref<1x1x128xi32, #tpu.memory_space<vmem>> -> memref<128xi32, #tpu.memory_space<vmem>>
      %dma_wait3A_201 = arith.constant 0 : i32
      %dma_wait3A_202 = arith.constant 0 : i32
      %dma_wait3A_203 = tpu.memref_slice %arg11[%dma_wait3A_201, %dma_wait3A_202] : memref<10016x64xf32, #tpu.memory_space<vmem_shared>> -> memref<10016x64xf32, #tpu.memory_space<vmem_shared>>
      tpu.wait_indirect_dma semaphore(%arg16 : memref<!tpu.dma_semaphore, #tpu.memory_space<semaphore_mem>>) src(%dma_wait3A_197 : memref<128x64xf32, #tpu.memory_space<vmem>>) dst(%dma_wait3A_203 : memref<10016x64xf32, #tpu.memory_space<vmem_shared>>)
      %add3A_204 = arith.constant 2 : i32
      %add3A_205 = arith.addi %add3A_190, %add3A_204 : i32
      %lt3A_206 = arith.constant 160 : i32
      %lt3A_207 = arith.cmpi slt, %add3A_205, %lt3A_206 : i32
      %convert_element_type3A_208 = arith.extui %lt3A_207 : i1 to i32
      %cond3A_209 = arith.constant 0 : i32
      %cond3A_210 = arith.cmpi ne, %convert_element_type3A_208, %cond3A_209 : i32
      scf.if %cond3A_210 {
        %dma_start3A_866 = arith.constant 4 : i32
        %dma_start3A_867 = arith.constant 0 : i32
        %dma_start3A_868 = arith.constant 0 : i32
        %dma_start3A_869 = arith.constant 0 : i32
        %dma_start3A_870 = tpu.memref_slice %arg9[%dma_start3A_867, %dma_start3A_868, %dma_start3A_869] : memref<4x128x64xf32, #tpu.memory_space<vmem>> -> memref<1x128x64xf32, #tpu.memory_space<vmem>>
        %dma_start3A_871 = tpu.memref_squeeze %dma_start3A_870 : memref<1x128x64xf32, #tpu.memory_space<vmem>> -> memref<128x64xf32, #tpu.memory_space<vmem>>
        %dma_start3A_872 = arith.constant 0 : i32
        %dma_start3A_873 = tpu.memref_slice %arg7[%select_n3A_74, %dma_start3A_866, %dma_start3A_872] : memref<2x16x128xi32, #tpu.memory_space<vmem>> -> memref<1x1x128xi32, #tpu.memory_space<vmem>>
        %dma_start3A_874 = tpu.memref_squeeze %dma_start3A_873 : memref<1x1x128xi32, #tpu.memory_space<vmem>> -> memref<128xi32, #tpu.memory_space<vmem>>
        %dma_start3A_875 = arith.constant 0 : i32
        %dma_start3A_876 = arith.constant 0 : i32
        %dma_start3A_877 = tpu.memref_slice %arg10[%dma_start3A_875, %dma_start3A_876] : memref<10000x64xf32, #tpu.memory_space<vmem_shared>> -> memref<10000x64xf32, #tpu.memory_space<vmem_shared>>
        tpu.enqueue_indirect_dma source(%dma_start3A_877 : memref<10000x64xf32, #tpu.memory_space<vmem_shared>>) target(%dma_start3A_871 : memref<128x64xf32, #tpu.memory_space<vmem>>) offsets(%dma_start3A_874 : memref<128xi32, #tpu.memory_space<vmem>>) semaphore(%arg12 : memref<!tpu.dma_semaphore, #tpu.memory_space<semaphore_mem>>)
      } else {
      }
      %dma_wait3A_211 = arith.constant 2 : i32
      %dma_wait3A_212 = arith.constant 2 : i32
      %dma_wait3A_213 = arith.constant 0 : i32
      %dma_wait3A_214 = arith.constant 0 : i32
      %dma_wait3A_215 = tpu.memref_slice %arg9[%dma_wait3A_212, %dma_wait3A_213, %dma_wait3A_214] : memref<4x128x64xf32, #tpu.memory_space<vmem>> -> memref<1x128x64xf32, #tpu.memory_space<vmem>>
      %dma_wait3A_216 = tpu.memref_squeeze %dma_wait3A_215 : memref<1x128x64xf32, #tpu.memory_space<vmem>> -> memref<128x64xf32, #tpu.memory_space<vmem>>
      %dma_wait3A_217 = arith.constant 0 : i32
      %dma_wait3A_218 = tpu.memref_slice %arg7[%select_n3A_74, %dma_wait3A_211, %dma_wait3A_217] : memref<2x16x128xi32, #tpu.memory_space<vmem>> -> memref<1x1x128xi32, #tpu.memory_space<vmem>>
      %dma_wait3A_219 = tpu.memref_squeeze %dma_wait3A_218 : memref<1x1x128xi32, #tpu.memory_space<vmem>> -> memref<128xi32, #tpu.memory_space<vmem>>
      %dma_wait3A_220 = arith.constant 0 : i32
      %dma_wait3A_221 = arith.constant 0 : i32
      %dma_wait3A_222 = tpu.memref_slice %arg10[%dma_wait3A_220, %dma_wait3A_221] : memref<10000x64xf32, #tpu.memory_space<vmem_shared>> -> memref<10000x64xf32, #tpu.memory_space<vmem_shared>>
      tpu.wait_indirect_dma semaphore(%arg14 : memref<!tpu.dma_semaphore, #tpu.memory_space<semaphore_mem>>) src(%dma_wait3A_222 : memref<10000x64xf32, #tpu.memory_space<vmem_shared>>) dst(%dma_wait3A_216 : memref<128x64xf32, #tpu.memory_space<vmem>>)
      %dma_start3A_223 = arith.constant 2 : i32
      %dma_start3A_224 = arith.constant 2 : i32
      %dma_start3A_225 = arith.constant 0 : i32
      %dma_start3A_226 = arith.constant 0 : i32
      %dma_start3A_227 = tpu.memref_slice %arg9[%dma_start3A_223, %dma_start3A_225, %dma_start3A_226] : memref<4x128x64xf32, #tpu.memory_space<vmem>> -> memref<1x128x64xf32, #tpu.memory_space<vmem>>
      %dma_start3A_228 = tpu.memref_squeeze %dma_start3A_227 : memref<1x128x64xf32, #tpu.memory_space<vmem>> -> memref<128x64xf32, #tpu.memory_space<vmem>>
      %dma_start3A_229 = arith.constant 0 : i32
      %dma_start3A_230 = tpu.memref_slice %arg8[%select_n3A_74, %dma_start3A_224, %dma_start3A_229] : memref<2x16x128xi32, #tpu.memory_space<vmem>> -> memref<1x1x128xi32, #tpu.memory_space<vmem>>
      %dma_start3A_231 = tpu.memref_squeeze %dma_start3A_230 : memref<1x1x128xi32, #tpu.memory_space<vmem>> -> memref<128xi32, #tpu.memory_space<vmem>>
      %dma_start3A_232 = arith.constant 0 : i32
      %dma_start3A_233 = arith.constant 0 : i32
      %dma_start3A_234 = tpu.memref_slice %arg11[%dma_start3A_232, %dma_start3A_233] : memref<10016x64xf32, #tpu.memory_space<vmem_shared>> -> memref<10016x64xf32, #tpu.memory_space<vmem_shared>>
      tpu.enqueue_indirect_dma source(%dma_start3A_228 : memref<128x64xf32, #tpu.memory_space<vmem>>) target(%dma_start3A_234 : memref<10016x64xf32, #tpu.memory_space<vmem_shared>>) offsets(%dma_start3A_231 : memref<128xi32, #tpu.memory_space<vmem>>) semaphore(%arg18 : memref<!tpu.dma_semaphore, #tpu.memory_space<semaphore_mem>>) {add = true}
      %mul3A_235 = arith.constant 16 : i32
      %mul3A_236 = arith.muli %scan3A_66, %mul3A_235 : i32
      %add3A_237 = arith.constant 3 : i32
      %add3A_238 = arith.addi %mul3A_236, %add3A_237 : i32
      %dma_wait3A_239 = arith.constant 1 : i32
      %dma_wait3A_240 = arith.constant 0 : i32
      %dma_wait3A_241 = arith.constant 0 : i32
      %dma_wait3A_242 = arith.constant 0 : i32
      %dma_wait3A_243 = arith.constant 0 : i32
      %dma_wait3A_244 = tpu.memref_slice %arg9[%dma_wait3A_239, %dma_wait3A_242, %dma_wait3A_243] : memref<4x128x64xf32, #tpu.memory_space<vmem>> -> memref<1x128x64xf32, #tpu.memory_space<vmem>>
      %dma_wait3A_245 = tpu.memref_squeeze %dma_wait3A_244 : memref<1x128x64xf32, #tpu.memory_space<vmem>> -> memref<128x64xf32, #tpu.memory_space<vmem>>
      %dma_wait3A_246 = arith.constant 0 : i32
      %dma_wait3A_247 = tpu.memref_slice %arg8[%dma_wait3A_240, %dma_wait3A_241, %dma_wait3A_246] : memref<2x16x128xi32, #tpu.memory_space<vmem>> -> memref<1x1x128xi32, #tpu.memory_space<vmem>>
      %dma_wait3A_248 = tpu.memref_squeeze %dma_wait3A_247 : memref<1x1x128xi32, #tpu.memory_space<vmem>> -> memref<128xi32, #tpu.memory_space<vmem>>
      %dma_wait3A_249 = arith.constant 0 : i32
      %dma_wait3A_250 = arith.constant 0 : i32
      %dma_wait3A_251 = tpu.memref_slice %arg11[%dma_wait3A_249, %dma_wait3A_250] : memref<10016x64xf32, #tpu.memory_space<vmem_shared>> -> memref<10016x64xf32, #tpu.memory_space<vmem_shared>>
      tpu.wait_indirect_dma semaphore(%arg17 : memref<!tpu.dma_semaphore, #tpu.memory_space<semaphore_mem>>) src(%dma_wait3A_245 : memref<128x64xf32, #tpu.memory_space<vmem>>) dst(%dma_wait3A_251 : memref<10016x64xf32, #tpu.memory_space<vmem_shared>>)
      %add3A_252 = arith.constant 2 : i32
      %add3A_253 = arith.addi %add3A_238, %add3A_252 : i32
      %lt3A_254 = arith.constant 160 : i32
      %lt3A_255 = arith.cmpi slt, %add3A_253, %lt3A_254 : i32
      %convert_element_type3A_256 = arith.extui %lt3A_255 : i1 to i32
      %cond3A_257 = arith.constant 0 : i32
      %cond3A_258 = arith.cmpi ne, %convert_element_type3A_256, %cond3A_257 : i32
      scf.if %cond3A_258 {
        %dma_start3A_866 = arith.constant 5 : i32
        %dma_start3A_867 = arith.constant 1 : i32
        %dma_start3A_868 = arith.constant 0 : i32
        %dma_start3A_869 = arith.constant 0 : i32
        %dma_start3A_870 = tpu.memref_slice %arg9[%dma_start3A_867, %dma_start3A_868, %dma_start3A_869] : memref<4x128x64xf32, #tpu.memory_space<vmem>> -> memref<1x128x64xf32, #tpu.memory_space<vmem>>
        %dma_start3A_871 = tpu.memref_squeeze %dma_start3A_870 : memref<1x128x64xf32, #tpu.memory_space<vmem>> -> memref<128x64xf32, #tpu.memory_space<vmem>>
        %dma_start3A_872 = arith.constant 0 : i32
        %dma_start3A_873 = tpu.memref_slice %arg7[%select_n3A_74, %dma_start3A_866, %dma_start3A_872] : memref<2x16x128xi32, #tpu.memory_space<vmem>> -> memref<1x1x128xi32, #tpu.memory_space<vmem>>
        %dma_start3A_874 = tpu.memref_squeeze %dma_start3A_873 : memref<1x1x128xi32, #tpu.memory_space<vmem>> -> memref<128xi32, #tpu.memory_space<vmem>>
        %dma_start3A_875 = arith.constant 0 : i32
        %dma_start3A_876 = arith.constant 0 : i32
        %dma_start3A_877 = tpu.memref_slice %arg10[%dma_start3A_875, %dma_start3A_876] : memref<10000x64xf32, #tpu.memory_space<vmem_shared>> -> memref<10000x64xf32, #tpu.memory_space<vmem_shared>>
        tpu.enqueue_indirect_dma source(%dma_start3A_877 : memref<10000x64xf32, #tpu.memory_space<vmem_shared>>) target(%dma_start3A_871 : memref<128x64xf32, #tpu.memory_space<vmem>>) offsets(%dma_start3A_874 : memref<128xi32, #tpu.memory_space<vmem>>) semaphore(%arg13 : memref<!tpu.dma_semaphore, #tpu.memory_space<semaphore_mem>>)
      } else {
      }
      %dma_wait3A_259 = arith.constant 3 : i32
      %dma_wait3A_260 = arith.constant 3 : i32
      %dma_wait3A_261 = arith.constant 0 : i32
      %dma_wait3A_262 = arith.constant 0 : i32
      %dma_wait3A_263 = tpu.memref_slice %arg9[%dma_wait3A_260, %dma_wait3A_261, %dma_wait3A_262] : memref<4x128x64xf32, #tpu.memory_space<vmem>> -> memref<1x128x64xf32, #tpu.memory_space<vmem>>
      %dma_wait3A_264 = tpu.memref_squeeze %dma_wait3A_263 : memref<1x128x64xf32, #tpu.memory_space<vmem>> -> memref<128x64xf32, #tpu.memory_space<vmem>>
      %dma_wait3A_265 = arith.constant 0 : i32
      %dma_wait3A_266 = tpu.memref_slice %arg7[%select_n3A_74, %dma_wait3A_259, %dma_wait3A_265] : memref<2x16x128xi32, #tpu.memory_space<vmem>> -> memref<1x1x128xi32, #tpu.memory_space<vmem>>
      %dma_wait3A_267 = tpu.memref_squeeze %dma_wait3A_266 : memref<1x1x128xi32, #tpu.memory_space<vmem>> -> memref<128xi32, #tpu.memory_space<vmem>>
      %dma_wait3A_268 = arith.constant 0 : i32
      %dma_wait3A_269 = arith.constant 0 : i32
      %dma_wait3A_270 = tpu.memref_slice %arg10[%dma_wait3A_268, %dma_wait3A_269] : memref<10000x64xf32, #tpu.memory_space<vmem_shared>> -> memref<10000x64xf32, #tpu.memory_space<vmem_shared>>
      tpu.wait_indirect_dma semaphore(%arg15 : memref<!tpu.dma_semaphore, #tpu.memory_space<semaphore_mem>>) src(%dma_wait3A_270 : memref<10000x64xf32, #tpu.memory_space<vmem_shared>>) dst(%dma_wait3A_264 : memref<128x64xf32, #tpu.memory_space<vmem>>)
      %dma_start3A_271 = arith.constant 3 : i32
      %dma_start3A_272 = arith.constant 3 : i32
      %dma_start3A_273 = arith.constant 0 : i32
      %dma_start3A_274 = arith.constant 0 : i32
      %dma_start3A_275 = tpu.memref_slice %arg9[%dma_start3A_271, %dma_start3A_273, %dma_start3A_274] : memref<4x128x64xf32, #tpu.memory_space<vmem>> -> memref<1x128x64xf32, #tpu.memory_space<vmem>>
      %dma_start3A_276 = tpu.memref_squeeze %dma_start3A_275 : memref<1x128x64xf32, #tpu.memory_space<vmem>> -> memref<128x64xf32, #tpu.memory_space<vmem>>
      %dma_start3A_277 = arith.constant 0 : i32
      %dma_start3A_278 = tpu.memref_slice %arg8[%select_n3A_74, %dma_start3A_272, %dma_start3A_277] : memref<2x16x128xi32, #tpu.memory_space<vmem>> -> memref<1x1x128xi32, #tpu.memory_space<vmem>>
      %dma_start3A_279 = tpu.memref_squeeze %dma_start3A_278 : memref<1x1x128xi32, #tpu.memory_space<vmem>> -> memref<128xi32, #tpu.memory_space<vmem>>
      %dma_start3A_280 = arith.constant 0 : i32
      %dma_start3A_281 = arith.constant 0 : i32
      %dma_start3A_282 = tpu.memref_slice %arg11[%dma_start3A_280, %dma_start3A_281] : memref<10016x64xf32, #tpu.memory_space<vmem_shared>> -> memref<10016x64xf32, #tpu.memory_space<vmem_shared>>
      tpu.enqueue_indirect_dma source(%dma_start3A_276 : memref<128x64xf32, #tpu.memory_space<vmem>>) target(%dma_start3A_282 : memref<10016x64xf32, #tpu.memory_space<vmem_shared>>) offsets(%dma_start3A_279 : memref<128xi32, #tpu.memory_space<vmem>>) semaphore(%arg19 : memref<!tpu.dma_semaphore, #tpu.memory_space<semaphore_mem>>) {add = true}
      %mul3A_283 = arith.constant 16 : i32
      %mul3A_284 = arith.muli %scan3A_66, %mul3A_283 : i32
      %add3A_285 = arith.constant 4 : i32
      %add3A_286 = arith.addi %mul3A_284, %add3A_285 : i32
      %dma_wait3A_287 = arith.constant 2 : i32
      %dma_wait3A_288 = arith.constant 0 : i32
      %dma_wait3A_289 = arith.constant 0 : i32
      %dma_wait3A_290 = arith.constant 0 : i32
      %dma_wait3A_291 = arith.constant 0 : i32
      %dma_wait3A_292 = tpu.memref_slice %arg9[%dma_wait3A_287, %dma_wait3A_290, %dma_wait3A_291] : memref<4x128x64xf32, #tpu.memory_space<vmem>> -> memref<1x128x64xf32, #tpu.memory_space<vmem>>
      %dma_wait3A_293 = tpu.memref_squeeze %dma_wait3A_292 : memref<1x128x64xf32, #tpu.memory_space<vmem>> -> memref<128x64xf32, #tpu.memory_space<vmem>>
      %dma_wait3A_294 = arith.constant 0 : i32
      %dma_wait3A_295 = tpu.memref_slice %arg8[%dma_wait3A_288, %dma_wait3A_289, %dma_wait3A_294] : memref<2x16x128xi32, #tpu.memory_space<vmem>> -> memref<1x1x128xi32, #tpu.memory_space<vmem>>
      %dma_wait3A_296 = tpu.memref_squeeze %dma_wait3A_295 : memref<1x1x128xi32, #tpu.memory_space<vmem>> -> memref<128xi32, #tpu.memory_space<vmem>>
      %dma_wait3A_297 = arith.constant 0 : i32
      %dma_wait3A_298 = arith.constant 0 : i32
      %dma_wait3A_299 = tpu.memref_slice %arg11[%dma_wait3A_297, %dma_wait3A_298] : memref<10016x64xf32, #tpu.memory_space<vmem_shared>> -> memref<10016x64xf32, #tpu.memory_space<vmem_shared>>
      tpu.wait_indirect_dma semaphore(%arg18 : memref<!tpu.dma_semaphore, #tpu.memory_space<semaphore_mem>>) src(%dma_wait3A_293 : memref<128x64xf32, #tpu.memory_space<vmem>>) dst(%dma_wait3A_299 : memref<10016x64xf32, #tpu.memory_space<vmem_shared>>)
      %add3A_300 = arith.constant 2 : i32
      %add3A_301 = arith.addi %add3A_286, %add3A_300 : i32
      %lt3A_302 = arith.constant 160 : i32
      %lt3A_303 = arith.cmpi slt, %add3A_301, %lt3A_302 : i32
      %convert_element_type3A_304 = arith.extui %lt3A_303 : i1 to i32
      %cond3A_305 = arith.constant 0 : i32
      %cond3A_306 = arith.cmpi ne, %convert_element_type3A_304, %cond3A_305 : i32
      scf.if %cond3A_306 {
        %dma_start3A_866 = arith.constant 6 : i32
        %dma_start3A_867 = arith.constant 2 : i32
        %dma_start3A_868 = arith.constant 0 : i32
        %dma_start3A_869 = arith.constant 0 : i32
        %dma_start3A_870 = tpu.memref_slice %arg9[%dma_start3A_867, %dma_start3A_868, %dma_start3A_869] : memref<4x128x64xf32, #tpu.memory_space<vmem>> -> memref<1x128x64xf32, #tpu.memory_space<vmem>>
        %dma_start3A_871 = tpu.memref_squeeze %dma_start3A_870 : memref<1x128x64xf32, #tpu.memory_space<vmem>> -> memref<128x64xf32, #tpu.memory_space<vmem>>
        %dma_start3A_872 = arith.constant 0 : i32
        %dma_start3A_873 = tpu.memref_slice %arg7[%select_n3A_74, %dma_start3A_866, %dma_start3A_872] : memref<2x16x128xi32, #tpu.memory_space<vmem>> -> memref<1x1x128xi32, #tpu.memory_space<vmem>>
        %dma_start3A_874 = tpu.memref_squeeze %dma_start3A_873 : memref<1x1x128xi32, #tpu.memory_space<vmem>> -> memref<128xi32, #tpu.memory_space<vmem>>
        %dma_start3A_875 = arith.constant 0 : i32
        %dma_start3A_876 = arith.constant 0 : i32
        %dma_start3A_877 = tpu.memref_slice %arg10[%dma_start3A_875, %dma_start3A_876] : memref<10000x64xf32, #tpu.memory_space<vmem_shared>> -> memref<10000x64xf32, #tpu.memory_space<vmem_shared>>
        tpu.enqueue_indirect_dma source(%dma_start3A_877 : memref<10000x64xf32, #tpu.memory_space<vmem_shared>>) target(%dma_start3A_871 : memref<128x64xf32, #tpu.memory_space<vmem>>) offsets(%dma_start3A_874 : memref<128xi32, #tpu.memory_space<vmem>>) semaphore(%arg14 : memref<!tpu.dma_semaphore, #tpu.memory_space<semaphore_mem>>)
      } else {
      }
      %dma_wait3A_307 = arith.constant 4 : i32
      %dma_wait3A_308 = arith.constant 0 : i32
      %dma_wait3A_309 = arith.constant 0 : i32
      %dma_wait3A_310 = arith.constant 0 : i32
      %dma_wait3A_311 = tpu.memref_slice %arg9[%dma_wait3A_308, %dma_wait3A_309, %dma_wait3A_310] : memref<4x128x64xf32, #tpu.memory_space<vmem>> -> memref<1x128x64xf32, #tpu.memory_space<vmem>>
      %dma_wait3A_312 = tpu.memref_squeeze %dma_wait3A_311 : memref<1x128x64xf32, #tpu.memory_space<vmem>> -> memref<128x64xf32, #tpu.memory_space<vmem>>
      %dma_wait3A_313 = arith.constant 0 : i32
      %dma_wait3A_314 = tpu.memref_slice %arg7[%select_n3A_74, %dma_wait3A_307, %dma_wait3A_313] : memref<2x16x128xi32, #tpu.memory_space<vmem>> -> memref<1x1x128xi32, #tpu.memory_space<vmem>>
      %dma_wait3A_315 = tpu.memref_squeeze %dma_wait3A_314 : memref<1x1x128xi32, #tpu.memory_space<vmem>> -> memref<128xi32, #tpu.memory_space<vmem>>
      %dma_wait3A_316 = arith.constant 0 : i32
      %dma_wait3A_317 = arith.constant 0 : i32
      %dma_wait3A_318 = tpu.memref_slice %arg10[%dma_wait3A_316, %dma_wait3A_317] : memref<10000x64xf32, #tpu.memory_space<vmem_shared>> -> memref<10000x64xf32, #tpu.memory_space<vmem_shared>>
      tpu.wait_indirect_dma semaphore(%arg12 : memref<!tpu.dma_semaphore, #tpu.memory_space<semaphore_mem>>) src(%dma_wait3A_318 : memref<10000x64xf32, #tpu.memory_space<vmem_shared>>) dst(%dma_wait3A_312 : memref<128x64xf32, #tpu.memory_space<vmem>>)
      %dma_start3A_319 = arith.constant 0 : i32
      %dma_start3A_320 = arith.constant 4 : i32
      %dma_start3A_321 = arith.constant 0 : i32
      %dma_start3A_322 = arith.constant 0 : i32
      %dma_start3A_323 = tpu.memref_slice %arg9[%dma_start3A_319, %dma_start3A_321, %dma_start3A_322] : memref<4x128x64xf32, #tpu.memory_space<vmem>> -> memref<1x128x64xf32, #tpu.memory_space<vmem>>
      %dma_start3A_324 = tpu.memref_squeeze %dma_start3A_323 : memref<1x128x64xf32, #tpu.memory_space<vmem>> -> memref<128x64xf32, #tpu.memory_space<vmem>>
      %dma_start3A_325 = arith.constant 0 : i32
      %dma_start3A_326 = tpu.memref_slice %arg8[%select_n3A_74, %dma_start3A_320, %dma_start3A_325] : memref<2x16x128xi32, #tpu.memory_space<vmem>> -> memref<1x1x128xi32, #tpu.memory_space<vmem>>
      %dma_start3A_327 = tpu.memref_squeeze %dma_start3A_326 : memref<1x1x128xi32, #tpu.memory_space<vmem>> -> memref<128xi32, #tpu.memory_space<vmem>>
      %dma_start3A_328 = arith.constant 0 : i32
      %dma_start3A_329 = arith.constant 0 : i32
      %dma_start3A_330 = tpu.memref_slice %arg11[%dma_start3A_328, %dma_start3A_329] : memref<10016x64xf32, #tpu.memory_space<vmem_shared>> -> memref<10016x64xf32, #tpu.memory_space<vmem_shared>>
      tpu.enqueue_indirect_dma source(%dma_start3A_324 : memref<128x64xf32, #tpu.memory_space<vmem>>) target(%dma_start3A_330 : memref<10016x64xf32, #tpu.memory_space<vmem_shared>>) offsets(%dma_start3A_327 : memref<128xi32, #tpu.memory_space<vmem>>) semaphore(%arg16 : memref<!tpu.dma_semaphore, #tpu.memory_space<semaphore_mem>>) {add = true}
      %mul3A_331 = arith.constant 16 : i32
      %mul3A_332 = arith.muli %scan3A_66, %mul3A_331 : i32
      %add3A_333 = arith.constant 5 : i32
      %add3A_334 = arith.addi %mul3A_332, %add3A_333 : i32
      %dma_wait3A_335 = arith.constant 3 : i32
      %dma_wait3A_336 = arith.constant 0 : i32
      %dma_wait3A_337 = arith.constant 0 : i32
      %dma_wait3A_338 = arith.constant 0 : i32
      %dma_wait3A_339 = arith.constant 0 : i32
      %dma_wait3A_340 = tpu.memref_slice %arg9[%dma_wait3A_335, %dma_wait3A_338, %dma_wait3A_339] : memref<4x128x64xf32, #tpu.memory_space<vmem>> -> memref<1x128x64xf32, #tpu.memory_space<vmem>>
      %dma_wait3A_341 = tpu.memref_squeeze %dma_wait3A_340 : memref<1x128x64xf32, #tpu.memory_space<vmem>> -> memref<128x64xf32, #tpu.memory_space<vmem>>
      %dma_wait3A_342 = arith.constant 0 : i32
      %dma_wait3A_343 = tpu.memref_slice %arg8[%dma_wait3A_336, %dma_wait3A_337, %dma_wait3A_342] : memref<2x16x128xi32, #tpu.memory_space<vmem>> -> memref<1x1x128xi32, #tpu.memory_space<vmem>>
      %dma_wait3A_344 = tpu.memref_squeeze %dma_wait3A_343 : memref<1x1x128xi32, #tpu.memory_space<vmem>> -> memref<128xi32, #tpu.memory_space<vmem>>
      %dma_wait3A_345 = arith.constant 0 : i32
      %dma_wait3A_346 = arith.constant 0 : i32
      %dma_wait3A_347 = tpu.memref_slice %arg11[%dma_wait3A_345, %dma_wait3A_346] : memref<10016x64xf32, #tpu.memory_space<vmem_shared>> -> memref<10016x64xf32, #tpu.memory_space<vmem_shared>>
      tpu.wait_indirect_dma semaphore(%arg19 : memref<!tpu.dma_semaphore, #tpu.memory_space<semaphore_mem>>) src(%dma_wait3A_341 : memref<128x64xf32, #tpu.memory_space<vmem>>) dst(%dma_wait3A_347 : memref<10016x64xf32, #tpu.memory_space<vmem_shared>>)
      %add3A_348 = arith.constant 2 : i32
      %add3A_349 = arith.addi %add3A_334, %add3A_348 : i32
      %lt3A_350 = arith.constant 160 : i32
      %lt3A_351 = arith.cmpi slt, %add3A_349, %lt3A_350 : i32
      %convert_element_type3A_352 = arith.extui %lt3A_351 : i1 to i32
      %cond3A_353 = arith.constant 0 : i32
      %cond3A_354 = arith.cmpi ne, %convert_element_type3A_352, %cond3A_353 : i32
      scf.if %cond3A_354 {
        %dma_start3A_866 = arith.constant 7 : i32
        %dma_start3A_867 = arith.constant 3 : i32
        %dma_start3A_868 = arith.constant 0 : i32
        %dma_start3A_869 = arith.constant 0 : i32
        %dma_start3A_870 = tpu.memref_slice %arg9[%dma_start3A_867, %dma_start3A_868, %dma_start3A_869] : memref<4x128x64xf32, #tpu.memory_space<vmem>> -> memref<1x128x64xf32, #tpu.memory_space<vmem>>
        %dma_start3A_871 = tpu.memref_squeeze %dma_start3A_870 : memref<1x128x64xf32, #tpu.memory_space<vmem>> -> memref<128x64xf32, #tpu.memory_space<vmem>>
        %dma_start3A_872 = arith.constant 0 : i32
        %dma_start3A_873 = tpu.memref_slice %arg7[%select_n3A_74, %dma_start3A_866, %dma_start3A_872] : memref<2x16x128xi32, #tpu.memory_space<vmem>> -> memref<1x1x128xi32, #tpu.memory_space<vmem>>
        %dma_start3A_874 = tpu.memref_squeeze %dma_start3A_873 : memref<1x1x128xi32, #tpu.memory_space<vmem>> -> memref<128xi32, #tpu.memory_space<vmem>>
        %dma_start3A_875 = arith.constant 0 : i32
        %dma_start3A_876 = arith.constant 0 : i32
        %dma_start3A_877 = tpu.memref_slice %arg10[%dma_start3A_875, %dma_start3A_876] : memref<10000x64xf32, #tpu.memory_space<vmem_shared>> -> memref<10000x64xf32, #tpu.memory_space<vmem_shared>>
        tpu.enqueue_indirect_dma source(%dma_start3A_877 : memref<10000x64xf32, #tpu.memory_space<vmem_shared>>) target(%dma_start3A_871 : memref<128x64xf32, #tpu.memory_space<vmem>>) offsets(%dma_start3A_874 : memref<128xi32, #tpu.memory_space<vmem>>) semaphore(%arg15 : memref<!tpu.dma_semaphore, #tpu.memory_space<semaphore_mem>>)
      } else {
      }
      %dma_wait3A_355 = arith.constant 5 : i32
      %dma_wait3A_356 = arith.constant 1 : i32
      %dma_wait3A_357 = arith.constant 0 : i32
      %dma_wait3A_358 = arith.constant 0 : i32
      %dma_wait3A_359 = tpu.memref_slice %arg9[%dma_wait3A_356, %dma_wait3A_357, %dma_wait3A_358] : memref<4x128x64xf32, #tpu.memory_space<vmem>> -> memref<1x128x64xf32, #tpu.memory_space<vmem>>
      %dma_wait3A_360 = tpu.memref_squeeze %dma_wait3A_359 : memref<1x128x64xf32, #tpu.memory_space<vmem>> -> memref<128x64xf32, #tpu.memory_space<vmem>>
      %dma_wait3A_361 = arith.constant 0 : i32
      %dma_wait3A_362 = tpu.memref_slice %arg7[%select_n3A_74, %dma_wait3A_355, %dma_wait3A_361] : memref<2x16x128xi32, #tpu.memory_space<vmem>> -> memref<1x1x128xi32, #tpu.memory_space<vmem>>
      %dma_wait3A_363 = tpu.memref_squeeze %dma_wait3A_362 : memref<1x1x128xi32, #tpu.memory_space<vmem>> -> memref<128xi32, #tpu.memory_space<vmem>>
      %dma_wait3A_364 = arith.constant 0 : i32
      %dma_wait3A_365 = arith.constant 0 : i32
      %dma_wait3A_366 = tpu.memref_slice %arg10[%dma_wait3A_364, %dma_wait3A_365] : memref<10000x64xf32, #tpu.memory_space<vmem_shared>> -> memref<10000x64xf32, #tpu.memory_space<vmem_shared>>
      tpu.wait_indirect_dma semaphore(%arg13 : memref<!tpu.dma_semaphore, #tpu.memory_space<semaphore_mem>>) src(%dma_wait3A_366 : memref<10000x64xf32, #tpu.memory_space<vmem_shared>>) dst(%dma_wait3A_360 : memref<128x64xf32, #tpu.memory_space<vmem>>)
      %dma_start3A_367 = arith.constant 1 : i32
      %dma_start3A_368 = arith.constant 5 : i32
      %dma_start3A_369 = arith.constant 0 : i32
      %dma_start3A_370 = arith.constant 0 : i32
      %dma_start3A_371 = tpu.memref_slice %arg9[%dma_start3A_367, %dma_start3A_369, %dma_start3A_370] : memref<4x128x64xf32, #tpu.memory_space<vmem>> -> memref<1x128x64xf32, #tpu.memory_space<vmem>>
      %dma_start3A_372 = tpu.memref_squeeze %dma_start3A_371 : memref<1x128x64xf32, #tpu.memory_space<vmem>> -> memref<128x64xf32, #tpu.memory_space<vmem>>
      %dma_start3A_373 = arith.constant 0 : i32
      %dma_start3A_374 = tpu.memref_slice %arg8[%select_n3A_74, %dma_start3A_368, %dma_start3A_373] : memref<2x16x128xi32, #tpu.memory_space<vmem>> -> memref<1x1x128xi32, #tpu.memory_space<vmem>>
      %dma_start3A_375 = tpu.memref_squeeze %dma_start3A_374 : memref<1x1x128xi32, #tpu.memory_space<vmem>> -> memref<128xi32, #tpu.memory_space<vmem>>
      %dma_start3A_376 = arith.constant 0 : i32
      %dma_start3A_377 = arith.constant 0 : i32
      %dma_start3A_378 = tpu.memref_slice %arg11[%dma_start3A_376, %dma_start3A_377] : memref<10016x64xf32, #tpu.memory_space<vmem_shared>> -> memref<10016x64xf32, #tpu.memory_space<vmem_shared>>
      tpu.enqueue_indirect_dma source(%dma_start3A_372 : memref<128x64xf32, #tpu.memory_space<vmem>>) target(%dma_start3A_378 : memref<10016x64xf32, #tpu.memory_space<vmem_shared>>) offsets(%dma_start3A_375 : memref<128xi32, #tpu.memory_space<vmem>>) semaphore(%arg17 : memref<!tpu.dma_semaphore, #tpu.memory_space<semaphore_mem>>) {add = true}
      %mul3A_379 = arith.constant 16 : i32
      %mul3A_380 = arith.muli %scan3A_66, %mul3A_379 : i32
      %add3A_381 = arith.constant 6 : i32
      %add3A_382 = arith.addi %mul3A_380, %add3A_381 : i32
      %dma_wait3A_383 = arith.constant 0 : i32
      %dma_wait3A_384 = arith.constant 0 : i32
      %dma_wait3A_385 = arith.constant 0 : i32
      %dma_wait3A_386 = arith.constant 0 : i32
      %dma_wait3A_387 = arith.constant 0 : i32
      %dma_wait3A_388 = tpu.memref_slice %arg9[%dma_wait3A_383, %dma_wait3A_386, %dma_wait3A_387] : memref<4x128x64xf32, #tpu.memory_space<vmem>> -> memref<1x128x64xf32, #tpu.memory_space<vmem>>
      %dma_wait3A_389 = tpu.memref_squeeze %dma_wait3A_388 : memref<1x128x64xf32, #tpu.memory_space<vmem>> -> memref<128x64xf32, #tpu.memory_space<vmem>>
      %dma_wait3A_390 = arith.constant 0 : i32
      %dma_wait3A_391 = tpu.memref_slice %arg8[%dma_wait3A_384, %dma_wait3A_385, %dma_wait3A_390] : memref<2x16x128xi32, #tpu.memory_space<vmem>> -> memref<1x1x128xi32, #tpu.memory_space<vmem>>
      %dma_wait3A_392 = tpu.memref_squeeze %dma_wait3A_391 : memref<1x1x128xi32, #tpu.memory_space<vmem>> -> memref<128xi32, #tpu.memory_space<vmem>>
      %dma_wait3A_393 = arith.constant 0 : i32
      %dma_wait3A_394 = arith.constant 0 : i32
      %dma_wait3A_395 = tpu.memref_slice %arg11[%dma_wait3A_393, %dma_wait3A_394] : memref<10016x64xf32, #tpu.memory_space<vmem_shared>> -> memref<10016x64xf32, #tpu.memory_space<vmem_shared>>
      tpu.wait_indirect_dma semaphore(%arg16 : memref<!tpu.dma_semaphore, #tpu.memory_space<semaphore_mem>>) src(%dma_wait3A_389 : memref<128x64xf32, #tpu.memory_space<vmem>>) dst(%dma_wait3A_395 : memref<10016x64xf32, #tpu.memory_space<vmem_shared>>)
      %add3A_396 = arith.constant 2 : i32
      %add3A_397 = arith.addi %add3A_382, %add3A_396 : i32
      %lt3A_398 = arith.constant 160 : i32
      %lt3A_399 = arith.cmpi slt, %add3A_397, %lt3A_398 : i32
      %convert_element_type3A_400 = arith.extui %lt3A_399 : i1 to i32
      %cond3A_401 = arith.constant 0 : i32
      %cond3A_402 = arith.cmpi ne, %convert_element_type3A_400, %cond3A_401 : i32
      scf.if %cond3A_402 {
        %dma_start3A_866 = arith.constant 8 : i32
        %dma_start3A_867 = arith.constant 0 : i32
        %dma_start3A_868 = arith.constant 0 : i32
        %dma_start3A_869 = arith.constant 0 : i32
        %dma_start3A_870 = tpu.memref_slice %arg9[%dma_start3A_867, %dma_start3A_868, %dma_start3A_869] : memref<4x128x64xf32, #tpu.memory_space<vmem>> -> memref<1x128x64xf32, #tpu.memory_space<vmem>>
        %dma_start3A_871 = tpu.memref_squeeze %dma_start3A_870 : memref<1x128x64xf32, #tpu.memory_space<vmem>> -> memref<128x64xf32, #tpu.memory_space<vmem>>
        %dma_start3A_872 = arith.constant 0 : i32
        %dma_start3A_873 = tpu.memref_slice %arg7[%select_n3A_74, %dma_start3A_866, %dma_start3A_872] : memref<2x16x128xi32, #tpu.memory_space<vmem>> -> memref<1x1x128xi32, #tpu.memory_space<vmem>>
        %dma_start3A_874 = tpu.memref_squeeze %dma_start3A_873 : memref<1x1x128xi32, #tpu.memory_space<vmem>> -> memref<128xi32, #tpu.memory_space<vmem>>
        %dma_start3A_875 = arith.constant 0 : i32
        %dma_start3A_876 = arith.constant 0 : i32
        %dma_start3A_877 = tpu.memref_slice %arg10[%dma_start3A_875, %dma_start3A_876] : memref<10000x64xf32, #tpu.memory_space<vmem_shared>> -> memref<10000x64xf32, #tpu.memory_space<vmem_shared>>
        tpu.enqueue_indirect_dma source(%dma_start3A_877 : memref<10000x64xf32, #tpu.memory_space<vmem_shared>>) target(%dma_start3A_871 : memref<128x64xf32, #tpu.memory_space<vmem>>) offsets(%dma_start3A_874 : memref<128xi32, #tpu.memory_space<vmem>>) semaphore(%arg12 : memref<!tpu.dma_semaphore, #tpu.memory_space<semaphore_mem>>)
      } else {
      }
      %dma_wait3A_403 = arith.constant 6 : i32
      %dma_wait3A_404 = arith.constant 2 : i32
      %dma_wait3A_405 = arith.constant 0 : i32
      %dma_wait3A_406 = arith.constant 0 : i32
      %dma_wait3A_407 = tpu.memref_slice %arg9[%dma_wait3A_404, %dma_wait3A_405, %dma_wait3A_406] : memref<4x128x64xf32, #tpu.memory_space<vmem>> -> memref<1x128x64xf32, #tpu.memory_space<vmem>>
      %dma_wait3A_408 = tpu.memref_squeeze %dma_wait3A_407 : memref<1x128x64xf32, #tpu.memory_space<vmem>> -> memref<128x64xf32, #tpu.memory_space<vmem>>
      %dma_wait3A_409 = arith.constant 0 : i32
      %dma_wait3A_410 = tpu.memref_slice %arg7[%select_n3A_74, %dma_wait3A_403, %dma_wait3A_409] : memref<2x16x128xi32, #tpu.memory_space<vmem>> -> memref<1x1x128xi32, #tpu.memory_space<vmem>>
      %dma_wait3A_411 = tpu.memref_squeeze %dma_wait3A_410 : memref<1x1x128xi32, #tpu.memory_space<vmem>> -> memref<128xi32, #tpu.memory_space<vmem>>
      %dma_wait3A_412 = arith.constant 0 : i32
      %dma_wait3A_413 = arith.constant 0 : i32
      %dma_wait3A_414 = tpu.memref_slice %arg10[%dma_wait3A_412, %dma_wait3A_413] : memref<10000x64xf32, #tpu.memory_space<vmem_shared>> -> memref<10000x64xf32, #tpu.memory_space<vmem_shared>>
      tpu.wait_indirect_dma semaphore(%arg14 : memref<!tpu.dma_semaphore, #tpu.memory_space<semaphore_mem>>) src(%dma_wait3A_414 : memref<10000x64xf32, #tpu.memory_space<vmem_shared>>) dst(%dma_wait3A_408 : memref<128x64xf32, #tpu.memory_space<vmem>>)
      %dma_start3A_415 = arith.constant 2 : i32
      %dma_start3A_416 = arith.constant 6 : i32
      %dma_start3A_417 = arith.constant 0 : i32
      %dma_start3A_418 = arith.constant 0 : i32
      %dma_start3A_419 = tpu.memref_slice %arg9[%dma_start3A_415, %dma_start3A_417, %dma_start3A_418] : memref<4x128x64xf32, #tpu.memory_space<vmem>> -> memref<1x128x64xf32, #tpu.memory_space<vmem>>
      %dma_start3A_420 = tpu.memref_squeeze %dma_start3A_419 : memref<1x128x64xf32, #tpu.memory_space<vmem>> -> memref<128x64xf32, #tpu.memory_space<vmem>>
      %dma_start3A_421 = arith.constant 0 : i32
      %dma_start3A_422 = tpu.memref_slice %arg8[%select_n3A_74, %dma_start3A_416, %dma_start3A_421] : memref<2x16x128xi32, #tpu.memory_space<vmem>> -> memref<1x1x128xi32, #tpu.memory_space<vmem>>
      %dma_start3A_423 = tpu.memref_squeeze %dma_start3A_422 : memref<1x1x128xi32, #tpu.memory_space<vmem>> -> memref<128xi32, #tpu.memory_space<vmem>>
      %dma_start3A_424 = arith.constant 0 : i32
      %dma_start3A_425 = arith.constant 0 : i32
      %dma_start3A_426 = tpu.memref_slice %arg11[%dma_start3A_424, %dma_start3A_425] : memref<10016x64xf32, #tpu.memory_space<vmem_shared>> -> memref<10016x64xf32, #tpu.memory_space<vmem_shared>>
      tpu.enqueue_indirect_dma source(%dma_start3A_420 : memref<128x64xf32, #tpu.memory_space<vmem>>) target(%dma_start3A_426 : memref<10016x64xf32, #tpu.memory_space<vmem_shared>>) offsets(%dma_start3A_423 : memref<128xi32, #tpu.memory_space<vmem>>) semaphore(%arg18 : memref<!tpu.dma_semaphore, #tpu.memory_space<semaphore_mem>>) {add = true}
      %mul3A_427 = arith.constant 16 : i32
      %mul3A_428 = arith.muli %scan3A_66, %mul3A_427 : i32
      %add3A_429 = arith.constant 7 : i32
      %add3A_430 = arith.addi %mul3A_428, %add3A_429 : i32
      %dma_wait3A_431 = arith.constant 1 : i32
      %dma_wait3A_432 = arith.constant 0 : i32
      %dma_wait3A_433 = arith.constant 0 : i32
      %dma_wait3A_434 = arith.constant 0 : i32
      %dma_wait3A_435 = arith.constant 0 : i32
      %dma_wait3A_436 = tpu.memref_slice %arg9[%dma_wait3A_431, %dma_wait3A_434, %dma_wait3A_435] : memref<4x128x64xf32, #tpu.memory_space<vmem>> -> memref<1x128x64xf32, #tpu.memory_space<vmem>>
      %dma_wait3A_437 = tpu.memref_squeeze %dma_wait3A_436 : memref<1x128x64xf32, #tpu.memory_space<vmem>> -> memref<128x64xf32, #tpu.memory_space<vmem>>
      %dma_wait3A_438 = arith.constant 0 : i32
      %dma_wait3A_439 = tpu.memref_slice %arg8[%dma_wait3A_432, %dma_wait3A_433, %dma_wait3A_438] : memref<2x16x128xi32, #tpu.memory_space<vmem>> -> memref<1x1x128xi32, #tpu.memory_space<vmem>>
      %dma_wait3A_440 = tpu.memref_squeeze %dma_wait3A_439 : memref<1x1x128xi32, #tpu.memory_space<vmem>> -> memref<128xi32, #tpu.memory_space<vmem>>
      %dma_wait3A_441 = arith.constant 0 : i32
      %dma_wait3A_442 = arith.constant 0 : i32
      %dma_wait3A_443 = tpu.memref_slice %arg11[%dma_wait3A_441, %dma_wait3A_442] : memref<10016x64xf32, #tpu.memory_space<vmem_shared>> -> memref<10016x64xf32, #tpu.memory_space<vmem_shared>>
      tpu.wait_indirect_dma semaphore(%arg17 : memref<!tpu.dma_semaphore, #tpu.memory_space<semaphore_mem>>) src(%dma_wait3A_437 : memref<128x64xf32, #tpu.memory_space<vmem>>) dst(%dma_wait3A_443 : memref<10016x64xf32, #tpu.memory_space<vmem_shared>>)
      %add3A_444 = arith.constant 2 : i32
      %add3A_445 = arith.addi %add3A_430, %add3A_444 : i32
      %lt3A_446 = arith.constant 160 : i32
      %lt3A_447 = arith.cmpi slt, %add3A_445, %lt3A_446 : i32
      %convert_element_type3A_448 = arith.extui %lt3A_447 : i1 to i32
      %cond3A_449 = arith.constant 0 : i32
      %cond3A_450 = arith.cmpi ne, %convert_element_type3A_448, %cond3A_449 : i32
      scf.if %cond3A_450 {
        %dma_start3A_866 = arith.constant 9 : i32
        %dma_start3A_867 = arith.constant 1 : i32
        %dma_start3A_868 = arith.constant 0 : i32
        %dma_start3A_869 = arith.constant 0 : i32
        %dma_start3A_870 = tpu.memref_slice %arg9[%dma_start3A_867, %dma_start3A_868, %dma_start3A_869] : memref<4x128x64xf32, #tpu.memory_space<vmem>> -> memref<1x128x64xf32, #tpu.memory_space<vmem>>
        %dma_start3A_871 = tpu.memref_squeeze %dma_start3A_870 : memref<1x128x64xf32, #tpu.memory_space<vmem>> -> memref<128x64xf32, #tpu.memory_space<vmem>>
        %dma_start3A_872 = arith.constant 0 : i32
        %dma_start3A_873 = tpu.memref_slice %arg7[%select_n3A_74, %dma_start3A_866, %dma_start3A_872] : memref<2x16x128xi32, #tpu.memory_space<vmem>> -> memref<1x1x128xi32, #tpu.memory_space<vmem>>
        %dma_start3A_874 = tpu.memref_squeeze %dma_start3A_873 : memref<1x1x128xi32, #tpu.memory_space<vmem>> -> memref<128xi32, #tpu.memory_space<vmem>>
        %dma_start3A_875 = arith.constant 0 : i32
        %dma_start3A_876 = arith.constant 0 : i32
        %dma_start3A_877 = tpu.memref_slice %arg10[%dma_start3A_875, %dma_start3A_876] : memref<10000x64xf32, #tpu.memory_space<vmem_shared>> -> memref<10000x64xf32, #tpu.memory_space<vmem_shared>>
        tpu.enqueue_indirect_dma source(%dma_start3A_877 : memref<10000x64xf32, #tpu.memory_space<vmem_shared>>) target(%dma_start3A_871 : memref<128x64xf32, #tpu.memory_space<vmem>>) offsets(%dma_start3A_874 : memref<128xi32, #tpu.memory_space<vmem>>) semaphore(%arg13 : memref<!tpu.dma_semaphore, #tpu.memory_space<semaphore_mem>>)
      } else {
      }
      %dma_wait3A_451 = arith.constant 7 : i32
      %dma_wait3A_452 = arith.constant 3 : i32
      %dma_wait3A_453 = arith.constant 0 : i32
      %dma_wait3A_454 = arith.constant 0 : i32
      %dma_wait3A_455 = tpu.memref_slice %arg9[%dma_wait3A_452, %dma_wait3A_453, %dma_wait3A_454] : memref<4x128x64xf32, #tpu.memory_space<vmem>> -> memref<1x128x64xf32, #tpu.memory_space<vmem>>
      %dma_wait3A_456 = tpu.memref_squeeze %dma_wait3A_455 : memref<1x128x64xf32, #tpu.memory_space<vmem>> -> memref<128x64xf32, #tpu.memory_space<vmem>>
      %dma_wait3A_457 = arith.constant 0 : i32
      %dma_wait3A_458 = tpu.memref_slice %arg7[%select_n3A_74, %dma_wait3A_451, %dma_wait3A_457] : memref<2x16x128xi32, #tpu.memory_space<vmem>> -> memref<1x1x128xi32, #tpu.memory_space<vmem>>
      %dma_wait3A_459 = tpu.memref_squeeze %dma_wait3A_458 : memref<1x1x128xi32, #tpu.memory_space<vmem>> -> memref<128xi32, #tpu.memory_space<vmem>>
      %dma_wait3A_460 = arith.constant 0 : i32
      %dma_wait3A_461 = arith.constant 0 : i32
      %dma_wait3A_462 = tpu.memref_slice %arg10[%dma_wait3A_460, %dma_wait3A_461] : memref<10000x64xf32, #tpu.memory_space<vmem_shared>> -> memref<10000x64xf32, #tpu.memory_space<vmem_shared>>
      tpu.wait_indirect_dma semaphore(%arg15 : memref<!tpu.dma_semaphore, #tpu.memory_space<semaphore_mem>>) src(%dma_wait3A_462 : memref<10000x64xf32, #tpu.memory_space<vmem_shared>>) dst(%dma_wait3A_456 : memref<128x64xf32, #tpu.memory_space<vmem>>)
      %dma_start3A_463 = arith.constant 3 : i32
      %dma_start3A_464 = arith.constant 7 : i32
      %dma_start3A_465 = arith.constant 0 : i32
      %dma_start3A_466 = arith.constant 0 : i32
      %dma_start3A_467 = tpu.memref_slice %arg9[%dma_start3A_463, %dma_start3A_465, %dma_start3A_466] : memref<4x128x64xf32, #tpu.memory_space<vmem>> -> memref<1x128x64xf32, #tpu.memory_space<vmem>>
      %dma_start3A_468 = tpu.memref_squeeze %dma_start3A_467 : memref<1x128x64xf32, #tpu.memory_space<vmem>> -> memref<128x64xf32, #tpu.memory_space<vmem>>
      %dma_start3A_469 = arith.constant 0 : i32
      %dma_start3A_470 = tpu.memref_slice %arg8[%select_n3A_74, %dma_start3A_464, %dma_start3A_469] : memref<2x16x128xi32, #tpu.memory_space<vmem>> -> memref<1x1x128xi32, #tpu.memory_space<vmem>>
      %dma_start3A_471 = tpu.memref_squeeze %dma_start3A_470 : memref<1x1x128xi32, #tpu.memory_space<vmem>> -> memref<128xi32, #tpu.memory_space<vmem>>
      %dma_start3A_472 = arith.constant 0 : i32
      %dma_start3A_473 = arith.constant 0 : i32
      %dma_start3A_474 = tpu.memref_slice %arg11[%dma_start3A_472, %dma_start3A_473] : memref<10016x64xf32, #tpu.memory_space<vmem_shared>> -> memref<10016x64xf32, #tpu.memory_space<vmem_shared>>
      tpu.enqueue_indirect_dma source(%dma_start3A_468 : memref<128x64xf32, #tpu.memory_space<vmem>>) target(%dma_start3A_474 : memref<10016x64xf32, #tpu.memory_space<vmem_shared>>) offsets(%dma_start3A_471 : memref<128xi32, #tpu.memory_space<vmem>>) semaphore(%arg19 : memref<!tpu.dma_semaphore, #tpu.memory_space<semaphore_mem>>) {add = true}
      %mul3A_475 = arith.constant 16 : i32
      %mul3A_476 = arith.muli %scan3A_66, %mul3A_475 : i32
      %add3A_477 = arith.constant 8 : i32
      %add3A_478 = arith.addi %mul3A_476, %add3A_477 : i32
      %dma_wait3A_479 = arith.constant 2 : i32
      %dma_wait3A_480 = arith.constant 0 : i32
      %dma_wait3A_481 = arith.constant 0 : i32
      %dma_wait3A_482 = arith.constant 0 : i32
      %dma_wait3A_483 = arith.constant 0 : i32
      %dma_wait3A_484 = tpu.memref_slice %arg9[%dma_wait3A_479, %dma_wait3A_482, %dma_wait3A_483] : memref<4x128x64xf32, #tpu.memory_space<vmem>> -> memref<1x128x64xf32, #tpu.memory_space<vmem>>
      %dma_wait3A_485 = tpu.memref_squeeze %dma_wait3A_484 : memref<1x128x64xf32, #tpu.memory_space<vmem>> -> memref<128x64xf32, #tpu.memory_space<vmem>>
      %dma_wait3A_486 = arith.constant 0 : i32
      %dma_wait3A_487 = tpu.memref_slice %arg8[%dma_wait3A_480, %dma_wait3A_481, %dma_wait3A_486] : memref<2x16x128xi32, #tpu.memory_space<vmem>> -> memref<1x1x128xi32, #tpu.memory_space<vmem>>
      %dma_wait3A_488 = tpu.memref_squeeze %dma_wait3A_487 : memref<1x1x128xi32, #tpu.memory_space<vmem>> -> memref<128xi32, #tpu.memory_space<vmem>>
      %dma_wait3A_489 = arith.constant 0 : i32
      %dma_wait3A_490 = arith.constant 0 : i32
      %dma_wait3A_491 = tpu.memref_slice %arg11[%dma_wait3A_489, %dma_wait3A_490] : memref<10016x64xf32, #tpu.memory_space<vmem_shared>> -> memref<10016x64xf32, #tpu.memory_space<vmem_shared>>
      tpu.wait_indirect_dma semaphore(%arg18 : memref<!tpu.dma_semaphore, #tpu.memory_space<semaphore_mem>>) src(%dma_wait3A_485 : memref<128x64xf32, #tpu.memory_space<vmem>>) dst(%dma_wait3A_491 : memref<10016x64xf32, #tpu.memory_space<vmem_shared>>)
      %add3A_492 = arith.constant 2 : i32
      %add3A_493 = arith.addi %add3A_478, %add3A_492 : i32
      %lt3A_494 = arith.constant 160 : i32
      %lt3A_495 = arith.cmpi slt, %add3A_493, %lt3A_494 : i32
      %convert_element_type3A_496 = arith.extui %lt3A_495 : i1 to i32
      %cond3A_497 = arith.constant 0 : i32
      %cond3A_498 = arith.cmpi ne, %convert_element_type3A_496, %cond3A_497 : i32
      scf.if %cond3A_498 {
        %dma_start3A_866 = arith.constant 10 : i32
        %dma_start3A_867 = arith.constant 2 : i32
        %dma_start3A_868 = arith.constant 0 : i32
        %dma_start3A_869 = arith.constant 0 : i32
        %dma_start3A_870 = tpu.memref_slice %arg9[%dma_start3A_867, %dma_start3A_868, %dma_start3A_869] : memref<4x128x64xf32, #tpu.memory_space<vmem>> -> memref<1x128x64xf32, #tpu.memory_space<vmem>>
        %dma_start3A_871 = tpu.memref_squeeze %dma_start3A_870 : memref<1x128x64xf32, #tpu.memory_space<vmem>> -> memref<128x64xf32, #tpu.memory_space<vmem>>
        %dma_start3A_872 = arith.constant 0 : i32
        %dma_start3A_873 = tpu.memref_slice %arg7[%select_n3A_74, %dma_start3A_866, %dma_start3A_872] : memref<2x16x128xi32, #tpu.memory_space<vmem>> -> memref<1x1x128xi32, #tpu.memory_space<vmem>>
        %dma_start3A_874 = tpu.memref_squeeze %dma_start3A_873 : memref<1x1x128xi32, #tpu.memory_space<vmem>> -> memref<128xi32, #tpu.memory_space<vmem>>
        %dma_start3A_875 = arith.constant 0 : i32
        %dma_start3A_876 = arith.constant 0 : i32
        %dma_start3A_877 = tpu.memref_slice %arg10[%dma_start3A_875, %dma_start3A_876] : memref<10000x64xf32, #tpu.memory_space<vmem_shared>> -> memref<10000x64xf32, #tpu.memory_space<vmem_shared>>
        tpu.enqueue_indirect_dma source(%dma_start3A_877 : memref<10000x64xf32, #tpu.memory_space<vmem_shared>>) target(%dma_start3A_871 : memref<128x64xf32, #tpu.memory_space<vmem>>) offsets(%dma_start3A_874 : memref<128xi32, #tpu.memory_space<vmem>>) semaphore(%arg14 : memref<!tpu.dma_semaphore, #tpu.memory_space<semaphore_mem>>)
      } else {
      }
      %dma_wait3A_499 = arith.constant 8 : i32
      %dma_wait3A_500 = arith.constant 0 : i32
      %dma_wait3A_501 = arith.constant 0 : i32
      %dma_wait3A_502 = arith.constant 0 : i32
      %dma_wait3A_503 = tpu.memref_slice %arg9[%dma_wait3A_500, %dma_wait3A_501, %dma_wait3A_502] : memref<4x128x64xf32, #tpu.memory_space<vmem>> -> memref<1x128x64xf32, #tpu.memory_space<vmem>>
      %dma_wait3A_504 = tpu.memref_squeeze %dma_wait3A_503 : memref<1x128x64xf32, #tpu.memory_space<vmem>> -> memref<128x64xf32, #tpu.memory_space<vmem>>
      %dma_wait3A_505 = arith.constant 0 : i32
      %dma_wait3A_506 = tpu.memref_slice %arg7[%select_n3A_74, %dma_wait3A_499, %dma_wait3A_505] : memref<2x16x128xi32, #tpu.memory_space<vmem>> -> memref<1x1x128xi32, #tpu.memory_space<vmem>>
      %dma_wait3A_507 = tpu.memref_squeeze %dma_wait3A_506 : memref<1x1x128xi32, #tpu.memory_space<vmem>> -> memref<128xi32, #tpu.memory_space<vmem>>
      %dma_wait3A_508 = arith.constant 0 : i32
      %dma_wait3A_509 = arith.constant 0 : i32
      %dma_wait3A_510 = tpu.memref_slice %arg10[%dma_wait3A_508, %dma_wait3A_509] : memref<10000x64xf32, #tpu.memory_space<vmem_shared>> -> memref<10000x64xf32, #tpu.memory_space<vmem_shared>>
      tpu.wait_indirect_dma semaphore(%arg12 : memref<!tpu.dma_semaphore, #tpu.memory_space<semaphore_mem>>) src(%dma_wait3A_510 : memref<10000x64xf32, #tpu.memory_space<vmem_shared>>) dst(%dma_wait3A_504 : memref<128x64xf32, #tpu.memory_space<vmem>>)
      %dma_start3A_511 = arith.constant 0 : i32
      %dma_start3A_512 = arith.constant 8 : i32
      %dma_start3A_513 = arith.constant 0 : i32
      %dma_start3A_514 = arith.constant 0 : i32
      %dma_start3A_515 = tpu.memref_slice %arg9[%dma_start3A_511, %dma_start3A_513, %dma_start3A_514] : memref<4x128x64xf32, #tpu.memory_space<vmem>> -> memref<1x128x64xf32, #tpu.memory_space<vmem>>
      %dma_start3A_516 = tpu.memref_squeeze %dma_start3A_515 : memref<1x128x64xf32, #tpu.memory_space<vmem>> -> memref<128x64xf32, #tpu.memory_space<vmem>>
      %dma_start3A_517 = arith.constant 0 : i32
      %dma_start3A_518 = tpu.memref_slice %arg8[%select_n3A_74, %dma_start3A_512, %dma_start3A_517] : memref<2x16x128xi32, #tpu.memory_space<vmem>> -> memref<1x1x128xi32, #tpu.memory_space<vmem>>
      %dma_start3A_519 = tpu.memref_squeeze %dma_start3A_518 : memref<1x1x128xi32, #tpu.memory_space<vmem>> -> memref<128xi32, #tpu.memory_space<vmem>>
      %dma_start3A_520 = arith.constant 0 : i32
      %dma_start3A_521 = arith.constant 0 : i32
      %dma_start3A_522 = tpu.memref_slice %arg11[%dma_start3A_520, %dma_start3A_521] : memref<10016x64xf32, #tpu.memory_space<vmem_shared>> -> memref<10016x64xf32, #tpu.memory_space<vmem_shared>>
      tpu.enqueue_indirect_dma source(%dma_start3A_516 : memref<128x64xf32, #tpu.memory_space<vmem>>) target(%dma_start3A_522 : memref<10016x64xf32, #tpu.memory_space<vmem_shared>>) offsets(%dma_start3A_519 : memref<128xi32, #tpu.memory_space<vmem>>) semaphore(%arg16 : memref<!tpu.dma_semaphore, #tpu.memory_space<semaphore_mem>>) {add = true}
      %mul3A_523 = arith.constant 16 : i32
      %mul3A_524 = arith.muli %scan3A_66, %mul3A_523 : i32
      %add3A_525 = arith.constant 9 : i32
      %add3A_526 = arith.addi %mul3A_524, %add3A_525 : i32
      %dma_wait3A_527 = arith.constant 3 : i32
      %dma_wait3A_528 = arith.constant 0 : i32
      %dma_wait3A_529 = arith.constant 0 : i32
      %dma_wait3A_530 = arith.constant 0 : i32
      %dma_wait3A_531 = arith.constant 0 : i32
      %dma_wait3A_532 = tpu.memref_slice %arg9[%dma_wait3A_527, %dma_wait3A_530, %dma_wait3A_531] : memref<4x128x64xf32, #tpu.memory_space<vmem>> -> memref<1x128x64xf32, #tpu.memory_space<vmem>>
      %dma_wait3A_533 = tpu.memref_squeeze %dma_wait3A_532 : memref<1x128x64xf32, #tpu.memory_space<vmem>> -> memref<128x64xf32, #tpu.memory_space<vmem>>
      %dma_wait3A_534 = arith.constant 0 : i32
      %dma_wait3A_535 = tpu.memref_slice %arg8[%dma_wait3A_528, %dma_wait3A_529, %dma_wait3A_534] : memref<2x16x128xi32, #tpu.memory_space<vmem>> -> memref<1x1x128xi32, #tpu.memory_space<vmem>>
      %dma_wait3A_536 = tpu.memref_squeeze %dma_wait3A_535 : memref<1x1x128xi32, #tpu.memory_space<vmem>> -> memref<128xi32, #tpu.memory_space<vmem>>
      %dma_wait3A_537 = arith.constant 0 : i32
      %dma_wait3A_538 = arith.constant 0 : i32
      %dma_wait3A_539 = tpu.memref_slice %arg11[%dma_wait3A_537, %dma_wait3A_538] : memref<10016x64xf32, #tpu.memory_space<vmem_shared>> -> memref<10016x64xf32, #tpu.memory_space<vmem_shared>>
      tpu.wait_indirect_dma semaphore(%arg19 : memref<!tpu.dma_semaphore, #tpu.memory_space<semaphore_mem>>) src(%dma_wait3A_533 : memref<128x64xf32, #tpu.memory_space<vmem>>) dst(%dma_wait3A_539 : memref<10016x64xf32, #tpu.memory_space<vmem_shared>>)
      %add3A_540 = arith.constant 2 : i32
      %add3A_541 = arith.addi %add3A_526, %add3A_540 : i32
      %lt3A_542 = arith.constant 160 : i32
      %lt3A_543 = arith.cmpi slt, %add3A_541, %lt3A_542 : i32
      %convert_element_type3A_544 = arith.extui %lt3A_543 : i1 to i32
      %cond3A_545 = arith.constant 0 : i32
      %cond3A_546 = arith.cmpi ne, %convert_element_type3A_544, %cond3A_545 : i32
      scf.if %cond3A_546 {
        %dma_start3A_866 = arith.constant 11 : i32
        %dma_start3A_867 = arith.constant 3 : i32
        %dma_start3A_868 = arith.constant 0 : i32
        %dma_start3A_869 = arith.constant 0 : i32
        %dma_start3A_870 = tpu.memref_slice %arg9[%dma_start3A_867, %dma_start3A_868, %dma_start3A_869] : memref<4x128x64xf32, #tpu.memory_space<vmem>> -> memref<1x128x64xf32, #tpu.memory_space<vmem>>
        %dma_start3A_871 = tpu.memref_squeeze %dma_start3A_870 : memref<1x128x64xf32, #tpu.memory_space<vmem>> -> memref<128x64xf32, #tpu.memory_space<vmem>>
        %dma_start3A_872 = arith.constant 0 : i32
        %dma_start3A_873 = tpu.memref_slice %arg7[%select_n3A_74, %dma_start3A_866, %dma_start3A_872] : memref<2x16x128xi32, #tpu.memory_space<vmem>> -> memref<1x1x128xi32, #tpu.memory_space<vmem>>
        %dma_start3A_874 = tpu.memref_squeeze %dma_start3A_873 : memref<1x1x128xi32, #tpu.memory_space<vmem>> -> memref<128xi32, #tpu.memory_space<vmem>>
        %dma_start3A_875 = arith.constant 0 : i32
        %dma_start3A_876 = arith.constant 0 : i32
        %dma_start3A_877 = tpu.memref_slice %arg10[%dma_start3A_875, %dma_start3A_876] : memref<10000x64xf32, #tpu.memory_space<vmem_shared>> -> memref<10000x64xf32, #tpu.memory_space<vmem_shared>>
        tpu.enqueue_indirect_dma source(%dma_start3A_877 : memref<10000x64xf32, #tpu.memory_space<vmem_shared>>) target(%dma_start3A_871 : memref<128x64xf32, #tpu.memory_space<vmem>>) offsets(%dma_start3A_874 : memref<128xi32, #tpu.memory_space<vmem>>) semaphore(%arg15 : memref<!tpu.dma_semaphore, #tpu.memory_space<semaphore_mem>>)
      } else {
      }
      %dma_wait3A_547 = arith.constant 9 : i32
      %dma_wait3A_548 = arith.constant 1 : i32
      %dma_wait3A_549 = arith.constant 0 : i32
      %dma_wait3A_550 = arith.constant 0 : i32
      %dma_wait3A_551 = tpu.memref_slice %arg9[%dma_wait3A_548, %dma_wait3A_549, %dma_wait3A_550] : memref<4x128x64xf32, #tpu.memory_space<vmem>> -> memref<1x128x64xf32, #tpu.memory_space<vmem>>
      %dma_wait3A_552 = tpu.memref_squeeze %dma_wait3A_551 : memref<1x128x64xf32, #tpu.memory_space<vmem>> -> memref<128x64xf32, #tpu.memory_space<vmem>>
      %dma_wait3A_553 = arith.constant 0 : i32
      %dma_wait3A_554 = tpu.memref_slice %arg7[%select_n3A_74, %dma_wait3A_547, %dma_wait3A_553] : memref<2x16x128xi32, #tpu.memory_space<vmem>> -> memref<1x1x128xi32, #tpu.memory_space<vmem>>
      %dma_wait3A_555 = tpu.memref_squeeze %dma_wait3A_554 : memref<1x1x128xi32, #tpu.memory_space<vmem>> -> memref<128xi32, #tpu.memory_space<vmem>>
      %dma_wait3A_556 = arith.constant 0 : i32
      %dma_wait3A_557 = arith.constant 0 : i32
      %dma_wait3A_558 = tpu.memref_slice %arg10[%dma_wait3A_556, %dma_wait3A_557] : memref<10000x64xf32, #tpu.memory_space<vmem_shared>> -> memref<10000x64xf32, #tpu.memory_space<vmem_shared>>
      tpu.wait_indirect_dma semaphore(%arg13 : memref<!tpu.dma_semaphore, #tpu.memory_space<semaphore_mem>>) src(%dma_wait3A_558 : memref<10000x64xf32, #tpu.memory_space<vmem_shared>>) dst(%dma_wait3A_552 : memref<128x64xf32, #tpu.memory_space<vmem>>)
      %dma_start3A_559 = arith.constant 1 : i32
      %dma_start3A_560 = arith.constant 9 : i32
      %dma_start3A_561 = arith.constant 0 : i32
      %dma_start3A_562 = arith.constant 0 : i32
      %dma_start3A_563 = tpu.memref_slice %arg9[%dma_start3A_559, %dma_start3A_561, %dma_start3A_562] : memref<4x128x64xf32, #tpu.memory_space<vmem>> -> memref<1x128x64xf32, #tpu.memory_space<vmem>>
      %dma_start3A_564 = tpu.memref_squeeze %dma_start3A_563 : memref<1x128x64xf32, #tpu.memory_space<vmem>> -> memref<128x64xf32, #tpu.memory_space<vmem>>
      %dma_start3A_565 = arith.constant 0 : i32
      %dma_start3A_566 = tpu.memref_slice %arg8[%select_n3A_74, %dma_start3A_560, %dma_start3A_565] : memref<2x16x128xi32, #tpu.memory_space<vmem>> -> memref<1x1x128xi32, #tpu.memory_space<vmem>>
      %dma_start3A_567 = tpu.memref_squeeze %dma_start3A_566 : memref<1x1x128xi32, #tpu.memory_space<vmem>> -> memref<128xi32, #tpu.memory_space<vmem>>
      %dma_start3A_568 = arith.constant 0 : i32
      %dma_start3A_569 = arith.constant 0 : i32
      %dma_start3A_570 = tpu.memref_slice %arg11[%dma_start3A_568, %dma_start3A_569] : memref<10016x64xf32, #tpu.memory_space<vmem_shared>> -> memref<10016x64xf32, #tpu.memory_space<vmem_shared>>
      tpu.enqueue_indirect_dma source(%dma_start3A_564 : memref<128x64xf32, #tpu.memory_space<vmem>>) target(%dma_start3A_570 : memref<10016x64xf32, #tpu.memory_space<vmem_shared>>) offsets(%dma_start3A_567 : memref<128xi32, #tpu.memory_space<vmem>>) semaphore(%arg17 : memref<!tpu.dma_semaphore, #tpu.memory_space<semaphore_mem>>) {add = true}
      %mul3A_571 = arith.constant 16 : i32
      %mul3A_572 = arith.muli %scan3A_66, %mul3A_571 : i32
      %add3A_573 = arith.constant 10 : i32
      %add3A_574 = arith.addi %mul3A_572, %add3A_573 : i32
      %dma_wait3A_575 = arith.constant 0 : i32
      %dma_wait3A_576 = arith.constant 0 : i32
      %dma_wait3A_577 = arith.constant 0 : i32
      %dma_wait3A_578 = arith.constant 0 : i32
      %dma_wait3A_579 = arith.constant 0 : i32
      %dma_wait3A_580 = tpu.memref_slice %arg9[%dma_wait3A_575, %dma_wait3A_578, %dma_wait3A_579] : memref<4x128x64xf32, #tpu.memory_space<vmem>> -> memref<1x128x64xf32, #tpu.memory_space<vmem>>
      %dma_wait3A_581 = tpu.memref_squeeze %dma_wait3A_580 : memref<1x128x64xf32, #tpu.memory_space<vmem>> -> memref<128x64xf32, #tpu.memory_space<vmem>>
      %dma_wait3A_582 = arith.constant 0 : i32
      %dma_wait3A_583 = tpu.memref_slice %arg8[%dma_wait3A_576, %dma_wait3A_577, %dma_wait3A_582] : memref<2x16x128xi32, #tpu.memory_space<vmem>> -> memref<1x1x128xi32, #tpu.memory_space<vmem>>
      %dma_wait3A_584 = tpu.memref_squeeze %dma_wait3A_583 : memref<1x1x128xi32, #tpu.memory_space<vmem>> -> memref<128xi32, #tpu.memory_space<vmem>>
      %dma_wait3A_585 = arith.constant 0 : i32
      %dma_wait3A_586 = arith.constant 0 : i32
      %dma_wait3A_587 = tpu.memref_slice %arg11[%dma_wait3A_585, %dma_wait3A_586] : memref<10016x64xf32, #tpu.memory_space<vmem_shared>> -> memref<10016x64xf32, #tpu.memory_space<vmem_shared>>
      tpu.wait_indirect_dma semaphore(%arg16 : memref<!tpu.dma_semaphore, #tpu.memory_space<semaphore_mem>>) src(%dma_wait3A_581 : memref<128x64xf32, #tpu.memory_space<vmem>>) dst(%dma_wait3A_587 : memref<10016x64xf32, #tpu.memory_space<vmem_shared>>)
      %add3A_588 = arith.constant 2 : i32
      %add3A_589 = arith.addi %add3A_574, %add3A_588 : i32
      %lt3A_590 = arith.constant 160 : i32
      %lt3A_591 = arith.cmpi slt, %add3A_589, %lt3A_590 : i32
      %convert_element_type3A_592 = arith.extui %lt3A_591 : i1 to i32
      %cond3A_593 = arith.constant 0 : i32
      %cond3A_594 = arith.cmpi ne, %convert_element_type3A_592, %cond3A_593 : i32
      scf.if %cond3A_594 {
        %dma_start3A_866 = arith.constant 12 : i32
        %dma_start3A_867 = arith.constant 0 : i32
        %dma_start3A_868 = arith.constant 0 : i32
        %dma_start3A_869 = arith.constant 0 : i32
        %dma_start3A_870 = tpu.memref_slice %arg9[%dma_start3A_867, %dma_start3A_868, %dma_start3A_869] : memref<4x128x64xf32, #tpu.memory_space<vmem>> -> memref<1x128x64xf32, #tpu.memory_space<vmem>>
        %dma_start3A_871 = tpu.memref_squeeze %dma_start3A_870 : memref<1x128x64xf32, #tpu.memory_space<vmem>> -> memref<128x64xf32, #tpu.memory_space<vmem>>
        %dma_start3A_872 = arith.constant 0 : i32
        %dma_start3A_873 = tpu.memref_slice %arg7[%select_n3A_74, %dma_start3A_866, %dma_start3A_872] : memref<2x16x128xi32, #tpu.memory_space<vmem>> -> memref<1x1x128xi32, #tpu.memory_space<vmem>>
        %dma_start3A_874 = tpu.memref_squeeze %dma_start3A_873 : memref<1x1x128xi32, #tpu.memory_space<vmem>> -> memref<128xi32, #tpu.memory_space<vmem>>
        %dma_start3A_875 = arith.constant 0 : i32
        %dma_start3A_876 = arith.constant 0 : i32
        %dma_start3A_877 = tpu.memref_slice %arg10[%dma_start3A_875, %dma_start3A_876] : memref<10000x64xf32, #tpu.memory_space<vmem_shared>> -> memref<10000x64xf32, #tpu.memory_space<vmem_shared>>
        tpu.enqueue_indirect_dma source(%dma_start3A_877 : memref<10000x64xf32, #tpu.memory_space<vmem_shared>>) target(%dma_start3A_871 : memref<128x64xf32, #tpu.memory_space<vmem>>) offsets(%dma_start3A_874 : memref<128xi32, #tpu.memory_space<vmem>>) semaphore(%arg12 : memref<!tpu.dma_semaphore, #tpu.memory_space<semaphore_mem>>)
      } else {
      }
      %dma_wait3A_595 = arith.constant 10 : i32
      %dma_wait3A_596 = arith.constant 2 : i32
      %dma_wait3A_597 = arith.constant 0 : i32
      %dma_wait3A_598 = arith.constant 0 : i32
      %dma_wait3A_599 = tpu.memref_slice %arg9[%dma_wait3A_596, %dma_wait3A_597, %dma_wait3A_598] : memref<4x128x64xf32, #tpu.memory_space<vmem>> -> memref<1x128x64xf32, #tpu.memory_space<vmem>>
      %dma_wait3A_600 = tpu.memref_squeeze %dma_wait3A_599 : memref<1x128x64xf32, #tpu.memory_space<vmem>> -> memref<128x64xf32, #tpu.memory_space<vmem>>
      %dma_wait3A_601 = arith.constant 0 : i32
      %dma_wait3A_602 = tpu.memref_slice %arg7[%select_n3A_74, %dma_wait3A_595, %dma_wait3A_601] : memref<2x16x128xi32, #tpu.memory_space<vmem>> -> memref<1x1x128xi32, #tpu.memory_space<vmem>>
      %dma_wait3A_603 = tpu.memref_squeeze %dma_wait3A_602 : memref<1x1x128xi32, #tpu.memory_space<vmem>> -> memref<128xi32, #tpu.memory_space<vmem>>
      %dma_wait3A_604 = arith.constant 0 : i32
      %dma_wait3A_605 = arith.constant 0 : i32
      %dma_wait3A_606 = tpu.memref_slice %arg10[%dma_wait3A_604, %dma_wait3A_605] : memref<10000x64xf32, #tpu.memory_space<vmem_shared>> -> memref<10000x64xf32, #tpu.memory_space<vmem_shared>>
      tpu.wait_indirect_dma semaphore(%arg14 : memref<!tpu.dma_semaphore, #tpu.memory_space<semaphore_mem>>) src(%dma_wait3A_606 : memref<10000x64xf32, #tpu.memory_space<vmem_shared>>) dst(%dma_wait3A_600 : memref<128x64xf32, #tpu.memory_space<vmem>>)
      %dma_start3A_607 = arith.constant 2 : i32
      %dma_start3A_608 = arith.constant 10 : i32
      %dma_start3A_609 = arith.constant 0 : i32
      %dma_start3A_610 = arith.constant 0 : i32
      %dma_start3A_611 = tpu.memref_slice %arg9[%dma_start3A_607, %dma_start3A_609, %dma_start3A_610] : memref<4x128x64xf32, #tpu.memory_space<vmem>> -> memref<1x128x64xf32, #tpu.memory_space<vmem>>
      %dma_start3A_612 = tpu.memref_squeeze %dma_start3A_611 : memref<1x128x64xf32, #tpu.memory_space<vmem>> -> memref<128x64xf32, #tpu.memory_space<vmem>>
      %dma_start3A_613 = arith.constant 0 : i32
      %dma_start3A_614 = tpu.memref_slice %arg8[%select_n3A_74, %dma_start3A_608, %dma_start3A_613] : memref<2x16x128xi32, #tpu.memory_space<vmem>> -> memref<1x1x128xi32, #tpu.memory_space<vmem>>
      %dma_start3A_615 = tpu.memref_squeeze %dma_start3A_614 : memref<1x1x128xi32, #tpu.memory_space<vmem>> -> memref<128xi32, #tpu.memory_space<vmem>>
      %dma_start3A_616 = arith.constant 0 : i32
      %dma_start3A_617 = arith.constant 0 : i32
      %dma_start3A_618 = tpu.memref_slice %arg11[%dma_start3A_616, %dma_start3A_617] : memref<10016x64xf32, #tpu.memory_space<vmem_shared>> -> memref<10016x64xf32, #tpu.memory_space<vmem_shared>>
      tpu.enqueue_indirect_dma source(%dma_start3A_612 : memref<128x64xf32, #tpu.memory_space<vmem>>) target(%dma_start3A_618 : memref<10016x64xf32, #tpu.memory_space<vmem_shared>>) offsets(%dma_start3A_615 : memref<128xi32, #tpu.memory_space<vmem>>) semaphore(%arg18 : memref<!tpu.dma_semaphore, #tpu.memory_space<semaphore_mem>>) {add = true}
      %mul3A_619 = arith.constant 16 : i32
      %mul3A_620 = arith.muli %scan3A_66, %mul3A_619 : i32
      %add3A_621 = arith.constant 11 : i32
      %add3A_622 = arith.addi %mul3A_620, %add3A_621 : i32
      %dma_wait3A_623 = arith.constant 1 : i32
      %dma_wait3A_624 = arith.constant 0 : i32
      %dma_wait3A_625 = arith.constant 0 : i32
      %dma_wait3A_626 = arith.constant 0 : i32
      %dma_wait3A_627 = arith.constant 0 : i32
      %dma_wait3A_628 = tpu.memref_slice %arg9[%dma_wait3A_623, %dma_wait3A_626, %dma_wait3A_627] : memref<4x128x64xf32, #tpu.memory_space<vmem>> -> memref<1x128x64xf32, #tpu.memory_space<vmem>>
      %dma_wait3A_629 = tpu.memref_squeeze %dma_wait3A_628 : memref<1x128x64xf32, #tpu.memory_space<vmem>> -> memref<128x64xf32, #tpu.memory_space<vmem>>
      %dma_wait3A_630 = arith.constant 0 : i32
      %dma_wait3A_631 = tpu.memref_slice %arg8[%dma_wait3A_624, %dma_wait3A_625, %dma_wait3A_630] : memref<2x16x128xi32, #tpu.memory_space<vmem>> -> memref<1x1x128xi32, #tpu.memory_space<vmem>>
      %dma_wait3A_632 = tpu.memref_squeeze %dma_wait3A_631 : memref<1x1x128xi32, #tpu.memory_space<vmem>> -> memref<128xi32, #tpu.memory_space<vmem>>
      %dma_wait3A_633 = arith.constant 0 : i32
      %dma_wait3A_634 = arith.constant 0 : i32
      %dma_wait3A_635 = tpu.memref_slice %arg11[%dma_wait3A_633, %dma_wait3A_634] : memref<10016x64xf32, #tpu.memory_space<vmem_shared>> -> memref<10016x64xf32, #tpu.memory_space<vmem_shared>>
      tpu.wait_indirect_dma semaphore(%arg17 : memref<!tpu.dma_semaphore, #tpu.memory_space<semaphore_mem>>) src(%dma_wait3A_629 : memref<128x64xf32, #tpu.memory_space<vmem>>) dst(%dma_wait3A_635 : memref<10016x64xf32, #tpu.memory_space<vmem_shared>>)
      %add3A_636 = arith.constant 2 : i32
      %add3A_637 = arith.addi %add3A_622, %add3A_636 : i32
      %lt3A_638 = arith.constant 160 : i32
      %lt3A_639 = arith.cmpi slt, %add3A_637, %lt3A_638 : i32
      %convert_element_type3A_640 = arith.extui %lt3A_639 : i1 to i32
      %cond3A_641 = arith.constant 0 : i32
      %cond3A_642 = arith.cmpi ne, %convert_element_type3A_640, %cond3A_641 : i32
      scf.if %cond3A_642 {
        %dma_start3A_866 = arith.constant 13 : i32
        %dma_start3A_867 = arith.constant 1 : i32
        %dma_start3A_868 = arith.constant 0 : i32
        %dma_start3A_869 = arith.constant 0 : i32
        %dma_start3A_870 = tpu.memref_slice %arg9[%dma_start3A_867, %dma_start3A_868, %dma_start3A_869] : memref<4x128x64xf32, #tpu.memory_space<vmem>> -> memref<1x128x64xf32, #tpu.memory_space<vmem>>
        %dma_start3A_871 = tpu.memref_squeeze %dma_start3A_870 : memref<1x128x64xf32, #tpu.memory_space<vmem>> -> memref<128x64xf32, #tpu.memory_space<vmem>>
        %dma_start3A_872 = arith.constant 0 : i32
        %dma_start3A_873 = tpu.memref_slice %arg7[%select_n3A_74, %dma_start3A_866, %dma_start3A_872] : memref<2x16x128xi32, #tpu.memory_space<vmem>> -> memref<1x1x128xi32, #tpu.memory_space<vmem>>
        %dma_start3A_874 = tpu.memref_squeeze %dma_start3A_873 : memref<1x1x128xi32, #tpu.memory_space<vmem>> -> memref<128xi32, #tpu.memory_space<vmem>>
        %dma_start3A_875 = arith.constant 0 : i32
        %dma_start3A_876 = arith.constant 0 : i32
        %dma_start3A_877 = tpu.memref_slice %arg10[%dma_start3A_875, %dma_start3A_876] : memref<10000x64xf32, #tpu.memory_space<vmem_shared>> -> memref<10000x64xf32, #tpu.memory_space<vmem_shared>>
        tpu.enqueue_indirect_dma source(%dma_start3A_877 : memref<10000x64xf32, #tpu.memory_space<vmem_shared>>) target(%dma_start3A_871 : memref<128x64xf32, #tpu.memory_space<vmem>>) offsets(%dma_start3A_874 : memref<128xi32, #tpu.memory_space<vmem>>) semaphore(%arg13 : memref<!tpu.dma_semaphore, #tpu.memory_space<semaphore_mem>>)
      } else {
      }
      %dma_wait3A_643 = arith.constant 11 : i32
      %dma_wait3A_644 = arith.constant 3 : i32
      %dma_wait3A_645 = arith.constant 0 : i32
      %dma_wait3A_646 = arith.constant 0 : i32
      %dma_wait3A_647 = tpu.memref_slice %arg9[%dma_wait3A_644, %dma_wait3A_645, %dma_wait3A_646] : memref<4x128x64xf32, #tpu.memory_space<vmem>> -> memref<1x128x64xf32, #tpu.memory_space<vmem>>
      %dma_wait3A_648 = tpu.memref_squeeze %dma_wait3A_647 : memref<1x128x64xf32, #tpu.memory_space<vmem>> -> memref<128x64xf32, #tpu.memory_space<vmem>>
      %dma_wait3A_649 = arith.constant 0 : i32
      %dma_wait3A_650 = tpu.memref_slice %arg7[%select_n3A_74, %dma_wait3A_643, %dma_wait3A_649] : memref<2x16x128xi32, #tpu.memory_space<vmem>> -> memref<1x1x128xi32, #tpu.memory_space<vmem>>
      %dma_wait3A_651 = tpu.memref_squeeze %dma_wait3A_650 : memref<1x1x128xi32, #tpu.memory_space<vmem>> -> memref<128xi32, #tpu.memory_space<vmem>>
      %dma_wait3A_652 = arith.constant 0 : i32
      %dma_wait3A_653 = arith.constant 0 : i32
      %dma_wait3A_654 = tpu.memref_slice %arg10[%dma_wait3A_652, %dma_wait3A_653] : memref<10000x64xf32, #tpu.memory_space<vmem_shared>> -> memref<10000x64xf32, #tpu.memory_space<vmem_shared>>
      tpu.wait_indirect_dma semaphore(%arg15 : memref<!tpu.dma_semaphore, #tpu.memory_space<semaphore_mem>>) src(%dma_wait3A_654 : memref<10000x64xf32, #tpu.memory_space<vmem_shared>>) dst(%dma_wait3A_648 : memref<128x64xf32, #tpu.memory_space<vmem>>)
      %dma_start3A_655 = arith.constant 3 : i32
      %dma_start3A_656 = arith.constant 11 : i32
      %dma_start3A_657 = arith.constant 0 : i32
      %dma_start3A_658 = arith.constant 0 : i32
      %dma_start3A_659 = tpu.memref_slice %arg9[%dma_start3A_655, %dma_start3A_657, %dma_start3A_658] : memref<4x128x64xf32, #tpu.memory_space<vmem>> -> memref<1x128x64xf32, #tpu.memory_space<vmem>>
      %dma_start3A_660 = tpu.memref_squeeze %dma_start3A_659 : memref<1x128x64xf32, #tpu.memory_space<vmem>> -> memref<128x64xf32, #tpu.memory_space<vmem>>
      %dma_start3A_661 = arith.constant 0 : i32
      %dma_start3A_662 = tpu.memref_slice %arg8[%select_n3A_74, %dma_start3A_656, %dma_start3A_661] : memref<2x16x128xi32, #tpu.memory_space<vmem>> -> memref<1x1x128xi32, #tpu.memory_space<vmem>>
      %dma_start3A_663 = tpu.memref_squeeze %dma_start3A_662 : memref<1x1x128xi32, #tpu.memory_space<vmem>> -> memref<128xi32, #tpu.memory_space<vmem>>
      %dma_start3A_664 = arith.constant 0 : i32
      %dma_start3A_665 = arith.constant 0 : i32
      %dma_start3A_666 = tpu.memref_slice %arg11[%dma_start3A_664, %dma_start3A_665] : memref<10016x64xf32, #tpu.memory_space<vmem_shared>> -> memref<10016x64xf32, #tpu.memory_space<vmem_shared>>
      tpu.enqueue_indirect_dma source(%dma_start3A_660 : memref<128x64xf32, #tpu.memory_space<vmem>>) target(%dma_start3A_666 : memref<10016x64xf32, #tpu.memory_space<vmem_shared>>) offsets(%dma_start3A_663 : memref<128xi32, #tpu.memory_space<vmem>>) semaphore(%arg19 : memref<!tpu.dma_semaphore, #tpu.memory_space<semaphore_mem>>) {add = true}
      %mul3A_667 = arith.constant 16 : i32
      %mul3A_668 = arith.muli %scan3A_66, %mul3A_667 : i32
      %add3A_669 = arith.constant 12 : i32
      %add3A_670 = arith.addi %mul3A_668, %add3A_669 : i32
      %dma_wait3A_671 = arith.constant 2 : i32
      %dma_wait3A_672 = arith.constant 0 : i32
      %dma_wait3A_673 = arith.constant 0 : i32
      %dma_wait3A_674 = arith.constant 0 : i32
      %dma_wait3A_675 = arith.constant 0 : i32
      %dma_wait3A_676 = tpu.memref_slice %arg9[%dma_wait3A_671, %dma_wait3A_674, %dma_wait3A_675] : memref<4x128x64xf32, #tpu.memory_space<vmem>> -> memref<1x128x64xf32, #tpu.memory_space<vmem>>
      %dma_wait3A_677 = tpu.memref_squeeze %dma_wait3A_676 : memref<1x128x64xf32, #tpu.memory_space<vmem>> -> memref<128x64xf32, #tpu.memory_space<vmem>>
      %dma_wait3A_678 = arith.constant 0 : i32
      %dma_wait3A_679 = tpu.memref_slice %arg8[%dma_wait3A_672, %dma_wait3A_673, %dma_wait3A_678] : memref<2x16x128xi32, #tpu.memory_space<vmem>> -> memref<1x1x128xi32, #tpu.memory_space<vmem>>
      %dma_wait3A_680 = tpu.memref_squeeze %dma_wait3A_679 : memref<1x1x128xi32, #tpu.memory_space<vmem>> -> memref<128xi32, #tpu.memory_space<vmem>>
      %dma_wait3A_681 = arith.constant 0 : i32
      %dma_wait3A_682 = arith.constant 0 : i32
      %dma_wait3A_683 = tpu.memref_slice %arg11[%dma_wait3A_681, %dma_wait3A_682] : memref<10016x64xf32, #tpu.memory_space<vmem_shared>> -> memref<10016x64xf32, #tpu.memory_space<vmem_shared>>
      tpu.wait_indirect_dma semaphore(%arg18 : memref<!tpu.dma_semaphore, #tpu.memory_space<semaphore_mem>>) src(%dma_wait3A_677 : memref<128x64xf32, #tpu.memory_space<vmem>>) dst(%dma_wait3A_683 : memref<10016x64xf32, #tpu.memory_space<vmem_shared>>)
      %add3A_684 = arith.constant 2 : i32
      %add3A_685 = arith.addi %add3A_670, %add3A_684 : i32
      %lt3A_686 = arith.constant 160 : i32
      %lt3A_687 = arith.cmpi slt, %add3A_685, %lt3A_686 : i32
      %convert_element_type3A_688 = arith.extui %lt3A_687 : i1 to i32
      %cond3A_689 = arith.constant 0 : i32
      %cond3A_690 = arith.cmpi ne, %convert_element_type3A_688, %cond3A_689 : i32
      scf.if %cond3A_690 {
        %dma_start3A_866 = arith.constant 14 : i32
        %dma_start3A_867 = arith.constant 2 : i32
        %dma_start3A_868 = arith.constant 0 : i32
        %dma_start3A_869 = arith.constant 0 : i32
        %dma_start3A_870 = tpu.memref_slice %arg9[%dma_start3A_867, %dma_start3A_868, %dma_start3A_869] : memref<4x128x64xf32, #tpu.memory_space<vmem>> -> memref<1x128x64xf32, #tpu.memory_space<vmem>>
        %dma_start3A_871 = tpu.memref_squeeze %dma_start3A_870 : memref<1x128x64xf32, #tpu.memory_space<vmem>> -> memref<128x64xf32, #tpu.memory_space<vmem>>
        %dma_start3A_872 = arith.constant 0 : i32
        %dma_start3A_873 = tpu.memref_slice %arg7[%select_n3A_74, %dma_start3A_866, %dma_start3A_872] : memref<2x16x128xi32, #tpu.memory_space<vmem>> -> memref<1x1x128xi32, #tpu.memory_space<vmem>>
        %dma_start3A_874 = tpu.memref_squeeze %dma_start3A_873 : memref<1x1x128xi32, #tpu.memory_space<vmem>> -> memref<128xi32, #tpu.memory_space<vmem>>
        %dma_start3A_875 = arith.constant 0 : i32
        %dma_start3A_876 = arith.constant 0 : i32
        %dma_start3A_877 = tpu.memref_slice %arg10[%dma_start3A_875, %dma_start3A_876] : memref<10000x64xf32, #tpu.memory_space<vmem_shared>> -> memref<10000x64xf32, #tpu.memory_space<vmem_shared>>
        tpu.enqueue_indirect_dma source(%dma_start3A_877 : memref<10000x64xf32, #tpu.memory_space<vmem_shared>>) target(%dma_start3A_871 : memref<128x64xf32, #tpu.memory_space<vmem>>) offsets(%dma_start3A_874 : memref<128xi32, #tpu.memory_space<vmem>>) semaphore(%arg14 : memref<!tpu.dma_semaphore, #tpu.memory_space<semaphore_mem>>)
      } else {
      }
      %dma_wait3A_691 = arith.constant 12 : i32
      %dma_wait3A_692 = arith.constant 0 : i32
      %dma_wait3A_693 = arith.constant 0 : i32
      %dma_wait3A_694 = arith.constant 0 : i32
      %dma_wait3A_695 = tpu.memref_slice %arg9[%dma_wait3A_692, %dma_wait3A_693, %dma_wait3A_694] : memref<4x128x64xf32, #tpu.memory_space<vmem>> -> memref<1x128x64xf32, #tpu.memory_space<vmem>>
      %dma_wait3A_696 = tpu.memref_squeeze %dma_wait3A_695 : memref<1x128x64xf32, #tpu.memory_space<vmem>> -> memref<128x64xf32, #tpu.memory_space<vmem>>
      %dma_wait3A_697 = arith.constant 0 : i32
      %dma_wait3A_698 = tpu.memref_slice %arg7[%select_n3A_74, %dma_wait3A_691, %dma_wait3A_697] : memref<2x16x128xi32, #tpu.memory_space<vmem>> -> memref<1x1x128xi32, #tpu.memory_space<vmem>>
      %dma_wait3A_699 = tpu.memref_squeeze %dma_wait3A_698 : memref<1x1x128xi32, #tpu.memory_space<vmem>> -> memref<128xi32, #tpu.memory_space<vmem>>
      %dma_wait3A_700 = arith.constant 0 : i32
      %dma_wait3A_701 = arith.constant 0 : i32
      %dma_wait3A_702 = tpu.memref_slice %arg10[%dma_wait3A_700, %dma_wait3A_701] : memref<10000x64xf32, #tpu.memory_space<vmem_shared>> -> memref<10000x64xf32, #tpu.memory_space<vmem_shared>>
      tpu.wait_indirect_dma semaphore(%arg12 : memref<!tpu.dma_semaphore, #tpu.memory_space<semaphore_mem>>) src(%dma_wait3A_702 : memref<10000x64xf32, #tpu.memory_space<vmem_shared>>) dst(%dma_wait3A_696 : memref<128x64xf32, #tpu.memory_space<vmem>>)
      %dma_start3A_703 = arith.constant 0 : i32
      %dma_start3A_704 = arith.constant 12 : i32
      %dma_start3A_705 = arith.constant 0 : i32
      %dma_start3A_706 = arith.constant 0 : i32
      %dma_start3A_707 = tpu.memref_slice %arg9[%dma_start3A_703, %dma_start3A_705, %dma_start3A_706] : memref<4x128x64xf32, #tpu.memory_space<vmem>> -> memref<1x128x64xf32, #tpu.memory_space<vmem>>
      %dma_start3A_708 = tpu.memref_squeeze %dma_start3A_707 : memref<1x128x64xf32, #tpu.memory_space<vmem>> -> memref<128x64xf32, #tpu.memory_space<vmem>>
      %dma_start3A_709 = arith.constant 0 : i32
      %dma_start3A_710 = tpu.memref_slice %arg8[%select_n3A_74, %dma_start3A_704, %dma_start3A_709] : memref<2x16x128xi32, #tpu.memory_space<vmem>> -> memref<1x1x128xi32, #tpu.memory_space<vmem>>
      %dma_start3A_711 = tpu.memref_squeeze %dma_start3A_710 : memref<1x1x128xi32, #tpu.memory_space<vmem>> -> memref<128xi32, #tpu.memory_space<vmem>>
      %dma_start3A_712 = arith.constant 0 : i32
      %dma_start3A_713 = arith.constant 0 : i32
      %dma_start3A_714 = tpu.memref_slice %arg11[%dma_start3A_712, %dma_start3A_713] : memref<10016x64xf32, #tpu.memory_space<vmem_shared>> -> memref<10016x64xf32, #tpu.memory_space<vmem_shared>>
      tpu.enqueue_indirect_dma source(%dma_start3A_708 : memref<128x64xf32, #tpu.memory_space<vmem>>) target(%dma_start3A_714 : memref<10016x64xf32, #tpu.memory_space<vmem_shared>>) offsets(%dma_start3A_711 : memref<128xi32, #tpu.memory_space<vmem>>) semaphore(%arg16 : memref<!tpu.dma_semaphore, #tpu.memory_space<semaphore_mem>>) {add = true}
      %mul3A_715 = arith.constant 16 : i32
      %mul3A_716 = arith.muli %scan3A_66, %mul3A_715 : i32
      %add3A_717 = arith.constant 13 : i32
      %add3A_718 = arith.addi %mul3A_716, %add3A_717 : i32
      %dma_wait3A_719 = arith.constant 3 : i32
      %dma_wait3A_720 = arith.constant 0 : i32
      %dma_wait3A_721 = arith.constant 0 : i32
      %dma_wait3A_722 = arith.constant 0 : i32
      %dma_wait3A_723 = arith.constant 0 : i32
      %dma_wait3A_724 = tpu.memref_slice %arg9[%dma_wait3A_719, %dma_wait3A_722, %dma_wait3A_723] : memref<4x128x64xf32, #tpu.memory_space<vmem>> -> memref<1x128x64xf32, #tpu.memory_space<vmem>>
      %dma_wait3A_725 = tpu.memref_squeeze %dma_wait3A_724 : memref<1x128x64xf32, #tpu.memory_space<vmem>> -> memref<128x64xf32, #tpu.memory_space<vmem>>
      %dma_wait3A_726 = arith.constant 0 : i32
      %dma_wait3A_727 = tpu.memref_slice %arg8[%dma_wait3A_720, %dma_wait3A_721, %dma_wait3A_726] : memref<2x16x128xi32, #tpu.memory_space<vmem>> -> memref<1x1x128xi32, #tpu.memory_space<vmem>>
      %dma_wait3A_728 = tpu.memref_squeeze %dma_wait3A_727 : memref<1x1x128xi32, #tpu.memory_space<vmem>> -> memref<128xi32, #tpu.memory_space<vmem>>
      %dma_wait3A_729 = arith.constant 0 : i32
      %dma_wait3A_730 = arith.constant 0 : i32
      %dma_wait3A_731 = tpu.memref_slice %arg11[%dma_wait3A_729, %dma_wait3A_730] : memref<10016x64xf32, #tpu.memory_space<vmem_shared>> -> memref<10016x64xf32, #tpu.memory_space<vmem_shared>>
      tpu.wait_indirect_dma semaphore(%arg19 : memref<!tpu.dma_semaphore, #tpu.memory_space<semaphore_mem>>) src(%dma_wait3A_725 : memref<128x64xf32, #tpu.memory_space<vmem>>) dst(%dma_wait3A_731 : memref<10016x64xf32, #tpu.memory_space<vmem_shared>>)
      %add3A_732 = arith.constant 2 : i32
      %add3A_733 = arith.addi %add3A_718, %add3A_732 : i32
      %lt3A_734 = arith.constant 160 : i32
      %lt3A_735 = arith.cmpi slt, %add3A_733, %lt3A_734 : i32
      %convert_element_type3A_736 = arith.extui %lt3A_735 : i1 to i32
      %cond3A_737 = arith.constant 0 : i32
      %cond3A_738 = arith.cmpi ne, %convert_element_type3A_736, %cond3A_737 : i32
      scf.if %cond3A_738 {
        %dma_start3A_866 = arith.constant 15 : i32
        %dma_start3A_867 = arith.constant 3 : i32
        %dma_start3A_868 = arith.constant 0 : i32
        %dma_start3A_869 = arith.constant 0 : i32
        %dma_start3A_870 = tpu.memref_slice %arg9[%dma_start3A_867, %dma_start3A_868, %dma_start3A_869] : memref<4x128x64xf32, #tpu.memory_space<vmem>> -> memref<1x128x64xf32, #tpu.memory_space<vmem>>
        %dma_start3A_871 = tpu.memref_squeeze %dma_start3A_870 : memref<1x128x64xf32, #tpu.memory_space<vmem>> -> memref<128x64xf32, #tpu.memory_space<vmem>>
        %dma_start3A_872 = arith.constant 0 : i32
        %dma_start3A_873 = tpu.memref_slice %arg7[%select_n3A_74, %dma_start3A_866, %dma_start3A_872] : memref<2x16x128xi32, #tpu.memory_space<vmem>> -> memref<1x1x128xi32, #tpu.memory_space<vmem>>
        %dma_start3A_874 = tpu.memref_squeeze %dma_start3A_873 : memref<1x1x128xi32, #tpu.memory_space<vmem>> -> memref<128xi32, #tpu.memory_space<vmem>>
        %dma_start3A_875 = arith.constant 0 : i32
        %dma_start3A_876 = arith.constant 0 : i32
        %dma_start3A_877 = tpu.memref_slice %arg10[%dma_start3A_875, %dma_start3A_876] : memref<10000x64xf32, #tpu.memory_space<vmem_shared>> -> memref<10000x64xf32, #tpu.memory_space<vmem_shared>>
        tpu.enqueue_indirect_dma source(%dma_start3A_877 : memref<10000x64xf32, #tpu.memory_space<vmem_shared>>) target(%dma_start3A_871 : memref<128x64xf32, #tpu.memory_space<vmem>>) offsets(%dma_start3A_874 : memref<128xi32, #tpu.memory_space<vmem>>) semaphore(%arg15 : memref<!tpu.dma_semaphore, #tpu.memory_space<semaphore_mem>>)
      } else {
      }
      %dma_wait3A_739 = arith.constant 13 : i32
      %dma_wait3A_740 = arith.constant 1 : i32
      %dma_wait3A_741 = arith.constant 0 : i32
      %dma_wait3A_742 = arith.constant 0 : i32
      %dma_wait3A_743 = tpu.memref_slice %arg9[%dma_wait3A_740, %dma_wait3A_741, %dma_wait3A_742] : memref<4x128x64xf32, #tpu.memory_space<vmem>> -> memref<1x128x64xf32, #tpu.memory_space<vmem>>
      %dma_wait3A_744 = tpu.memref_squeeze %dma_wait3A_743 : memref<1x128x64xf32, #tpu.memory_space<vmem>> -> memref<128x64xf32, #tpu.memory_space<vmem>>
      %dma_wait3A_745 = arith.constant 0 : i32
      %dma_wait3A_746 = tpu.memref_slice %arg7[%select_n3A_74, %dma_wait3A_739, %dma_wait3A_745] : memref<2x16x128xi32, #tpu.memory_space<vmem>> -> memref<1x1x128xi32, #tpu.memory_space<vmem>>
      %dma_wait3A_747 = tpu.memref_squeeze %dma_wait3A_746 : memref<1x1x128xi32, #tpu.memory_space<vmem>> -> memref<128xi32, #tpu.memory_space<vmem>>
      %dma_wait3A_748 = arith.constant 0 : i32
      %dma_wait3A_749 = arith.constant 0 : i32
      %dma_wait3A_750 = tpu.memref_slice %arg10[%dma_wait3A_748, %dma_wait3A_749] : memref<10000x64xf32, #tpu.memory_space<vmem_shared>> -> memref<10000x64xf32, #tpu.memory_space<vmem_shared>>
      tpu.wait_indirect_dma semaphore(%arg13 : memref<!tpu.dma_semaphore, #tpu.memory_space<semaphore_mem>>) src(%dma_wait3A_750 : memref<10000x64xf32, #tpu.memory_space<vmem_shared>>) dst(%dma_wait3A_744 : memref<128x64xf32, #tpu.memory_space<vmem>>)
      %dma_start3A_751 = arith.constant 1 : i32
      %dma_start3A_752 = arith.constant 13 : i32
      %dma_start3A_753 = arith.constant 0 : i32
      %dma_start3A_754 = arith.constant 0 : i32
      %dma_start3A_755 = tpu.memref_slice %arg9[%dma_start3A_751, %dma_start3A_753, %dma_start3A_754] : memref<4x128x64xf32, #tpu.memory_space<vmem>> -> memref<1x128x64xf32, #tpu.memory_space<vmem>>
      %dma_start3A_756 = tpu.memref_squeeze %dma_start3A_755 : memref<1x128x64xf32, #tpu.memory_space<vmem>> -> memref<128x64xf32, #tpu.memory_space<vmem>>
      %dma_start3A_757 = arith.constant 0 : i32
      %dma_start3A_758 = tpu.memref_slice %arg8[%select_n3A_74, %dma_start3A_752, %dma_start3A_757] : memref<2x16x128xi32, #tpu.memory_space<vmem>> -> memref<1x1x128xi32, #tpu.memory_space<vmem>>
      %dma_start3A_759 = tpu.memref_squeeze %dma_start3A_758 : memref<1x1x128xi32, #tpu.memory_space<vmem>> -> memref<128xi32, #tpu.memory_space<vmem>>
      %dma_start3A_760 = arith.constant 0 : i32
      %dma_start3A_761 = arith.constant 0 : i32
      %dma_start3A_762 = tpu.memref_slice %arg11[%dma_start3A_760, %dma_start3A_761] : memref<10016x64xf32, #tpu.memory_space<vmem_shared>> -> memref<10016x64xf32, #tpu.memory_space<vmem_shared>>
      tpu.enqueue_indirect_dma source(%dma_start3A_756 : memref<128x64xf32, #tpu.memory_space<vmem>>) target(%dma_start3A_762 : memref<10016x64xf32, #tpu.memory_space<vmem_shared>>) offsets(%dma_start3A_759 : memref<128xi32, #tpu.memory_space<vmem>>) semaphore(%arg17 : memref<!tpu.dma_semaphore, #tpu.memory_space<semaphore_mem>>) {add = true}
      %add3A_763 = arith.constant 1 : i32
      %add3A_764 = arith.addi %scan3A_66, %add3A_763 : i32
      %lt3A_765 = arith.constant 10 : i32
      %lt3A_766 = arith.cmpi slt, %add3A_764, %lt3A_765 : i32
      %convert_element_type3A_767 = arith.extui %lt3A_766 : i1 to i32
      %cond3A_768 = arith.constant 0 : i32
      %cond3A_769 = arith.cmpi ne, %convert_element_type3A_767, %cond3A_768 : i32
      scf.if %cond3A_769 {
        %add3A_866 = arith.constant 1 : i32
        %add3A_867 = arith.addi %scan3A_66, %add3A_866 : i32
        %mul3A_868 = arith.constant 16 : i32
        %mul3A_869 = arith.muli %add3A_867, %mul3A_868 : i32
        %dma_wait3A_870 = arith.constant 0 : i32
        %dma_wait3A_871 = arith.constant 0 : i32
        %dma_wait3A_872 = tpu.memref_slice %arg7[%select_n3A_92, %dma_wait3A_870, %dma_wait3A_871] : memref<2x16x128xi32, #tpu.memory_space<vmem>> -> memref<1x16x128xi32, #tpu.memory_space<vmem>>
        %dma_wait3A_873 = tpu.memref_squeeze %dma_wait3A_872 : memref<1x16x128xi32, #tpu.memory_space<vmem>> -> memref<16x128xi32, #tpu.memory_space<vmem>>
        %dma_wait3A_874 = arith.constant 0 : i32
        %dma_wait3A_875 = tpu.memref_slice %arg3[%arg1, %mul3A_869, %dma_wait3A_874] : memref<16x160x128xi32, #tpu.memory_space<hbm>> -> memref<1x16x128xi32, #tpu.memory_space<hbm>>
        %dma_wait3A_876 = tpu.memref_squeeze %dma_wait3A_875 : memref<1x16x128xi32, #tpu.memory_space<hbm>> -> memref<16x128xi32, #tpu.memory_space<hbm>>
        %dma_wait3A_877 = arith.constant 0 : i32
        %dma_wait3A_878 = arith.constant 0 : i32
        %dma_wait3A_879 = tpu.memref_slice %arg7[%select_n3A_92, %dma_wait3A_877, %dma_wait3A_878] : memref<2x16x128xi32, #tpu.memory_space<vmem>> -> memref<1x16x128xi32, #tpu.memory_space<vmem>>
        %dma_wait3A_880 = tpu.memref_squeeze %dma_wait3A_879 : memref<1x16x128xi32, #tpu.memory_space<vmem>> -> memref<16x128xi32, #tpu.memory_space<vmem>>
        %dma_wait3A_881 = arith.constant 0 : i32
        %dma_wait3A_882 = tpu.memref_slice %arg3[%arg1, %mul3A_869, %dma_wait3A_881] : memref<16x160x128xi32, #tpu.memory_space<hbm>> -> memref<1x16x128xi32, #tpu.memory_space<hbm>>
        %dma_wait3A_883 = tpu.memref_squeeze %dma_wait3A_882 : memref<1x16x128xi32, #tpu.memory_space<hbm>> -> memref<16x128xi32, #tpu.memory_space<hbm>>
        tpu.wait_dma2 semaphore(%arg20 : memref<!tpu.dma_semaphore, #tpu.memory_space<semaphore_mem>>) src(%dma_wait3A_883 : memref<16x128xi32, #tpu.memory_space<hbm>>) dst(%dma_wait3A_880 : memref<16x128xi32, #tpu.memory_space<vmem>>)
        %add3A_884 = arith.constant 1 : i32
        %add3A_885 = arith.addi %scan3A_66, %add3A_884 : i32
        %mul3A_886 = arith.constant 16 : i32
        %mul3A_887 = arith.muli %add3A_885, %mul3A_886 : i32
        %dma_wait3A_888 = arith.constant 0 : i32
        %dma_wait3A_889 = arith.constant 0 : i32
        %dma_wait3A_890 = tpu.memref_slice %arg8[%select_n3A_92, %dma_wait3A_888, %dma_wait3A_889] : memref<2x16x128xi32, #tpu.memory_space<vmem>> -> memref<1x16x128xi32, #tpu.memory_space<vmem>>
        %dma_wait3A_891 = tpu.memref_squeeze %dma_wait3A_890 : memref<1x16x128xi32, #tpu.memory_space<vmem>> -> memref<16x128xi32, #tpu.memory_space<vmem>>
        %dma_wait3A_892 = arith.constant 0 : i32
        %dma_wait3A_893 = tpu.memref_slice %arg4[%arg1, %mul3A_887, %dma_wait3A_892] : memref<16x160x128xi32, #tpu.memory_space<hbm>> -> memref<1x16x128xi32, #tpu.memory_space<hbm>>
        %dma_wait3A_894 = tpu.memref_squeeze %dma_wait3A_893 : memref<1x16x128xi32, #tpu.memory_space<hbm>> -> memref<16x128xi32, #tpu.memory_space<hbm>>
        %dma_wait3A_895 = arith.constant 0 : i32
        %dma_wait3A_896 = arith.constant 0 : i32
        %dma_wait3A_897 = tpu.memref_slice %arg8[%select_n3A_92, %dma_wait3A_895, %dma_wait3A_896] : memref<2x16x128xi32, #tpu.memory_space<vmem>> -> memref<1x16x128xi32, #tpu.memory_space<vmem>>
        %dma_wait3A_898 = tpu.memref_squeeze %dma_wait3A_897 : memref<1x16x128xi32, #tpu.memory_space<vmem>> -> memref<16x128xi32, #tpu.memory_space<vmem>>
        %dma_wait3A_899 = arith.constant 0 : i32
        %dma_wait3A_900 = tpu.memref_slice %arg4[%arg1, %mul3A_887, %dma_wait3A_899] : memref<16x160x128xi32, #tpu.memory_space<hbm>> -> memref<1x16x128xi32, #tpu.memory_space<hbm>>
        %dma_wait3A_901 = tpu.memref_squeeze %dma_wait3A_900 : memref<1x16x128xi32, #tpu.memory_space<hbm>> -> memref<16x128xi32, #tpu.memory_space<hbm>>
        tpu.wait_dma2 semaphore(%arg20 : memref<!tpu.dma_semaphore, #tpu.memory_space<semaphore_mem>>) src(%dma_wait3A_901 : memref<16x128xi32, #tpu.memory_space<hbm>>) dst(%dma_wait3A_898 : memref<16x128xi32, #tpu.memory_space<vmem>>)
      } else {
      }
      %mul3A_770 = arith.constant 16 : i32
      %mul3A_771 = arith.muli %scan3A_66, %mul3A_770 : i32
      %add3A_772 = arith.constant 14 : i32
      %add3A_773 = arith.addi %mul3A_771, %add3A_772 : i32
      %dma_wait3A_774 = arith.constant 0 : i32
      %dma_wait3A_775 = arith.constant 0 : i32
      %dma_wait3A_776 = arith.constant 0 : i32
      %dma_wait3A_777 = arith.constant 0 : i32
      %dma_wait3A_778 = arith.constant 0 : i32
      %dma_wait3A_779 = tpu.memref_slice %arg9[%dma_wait3A_774, %dma_wait3A_777, %dma_wait3A_778] : memref<4x128x64xf32, #tpu.memory_space<vmem>> -> memref<1x128x64xf32, #tpu.memory_space<vmem>>
      %dma_wait3A_780 = tpu.memref_squeeze %dma_wait3A_779 : memref<1x128x64xf32, #tpu.memory_space<vmem>> -> memref<128x64xf32, #tpu.memory_space<vmem>>
      %dma_wait3A_781 = arith.constant 0 : i32
      %dma_wait3A_782 = tpu.memref_slice %arg8[%dma_wait3A_775, %dma_wait3A_776, %dma_wait3A_781] : memref<2x16x128xi32, #tpu.memory_space<vmem>> -> memref<1x1x128xi32, #tpu.memory_space<vmem>>
      %dma_wait3A_783 = tpu.memref_squeeze %dma_wait3A_782 : memref<1x1x128xi32, #tpu.memory_space<vmem>> -> memref<128xi32, #tpu.memory_space<vmem>>
      %dma_wait3A_784 = arith.constant 0 : i32
      %dma_wait3A_785 = arith.constant 0 : i32
      %dma_wait3A_786 = tpu.memref_slice %arg11[%dma_wait3A_784, %dma_wait3A_785] : memref<10016x64xf32, #tpu.memory_space<vmem_shared>> -> memref<10016x64xf32, #tpu.memory_space<vmem_shared>>
      tpu.wait_indirect_dma semaphore(%arg16 : memref<!tpu.dma_semaphore, #tpu.memory_space<semaphore_mem>>) src(%dma_wait3A_780 : memref<128x64xf32, #tpu.memory_space<vmem>>) dst(%dma_wait3A_786 : memref<10016x64xf32, #tpu.memory_space<vmem_shared>>)
      %add3A_787 = arith.constant 2 : i32
      %add3A_788 = arith.addi %add3A_773, %add3A_787 : i32
      %lt3A_789 = arith.constant 160 : i32
      %lt3A_790 = arith.cmpi slt, %add3A_788, %lt3A_789 : i32
      %convert_element_type3A_791 = arith.extui %lt3A_790 : i1 to i32
      %cond3A_792 = arith.constant 0 : i32
      %cond3A_793 = arith.cmpi ne, %convert_element_type3A_791, %cond3A_792 : i32
      scf.if %cond3A_793 {
        %dma_start3A_866 = arith.constant 0 : i32
        %dma_start3A_867 = arith.constant 0 : i32
        %dma_start3A_868 = arith.constant 0 : i32
        %dma_start3A_869 = arith.constant 0 : i32
        %dma_start3A_870 = tpu.memref_slice %arg9[%dma_start3A_867, %dma_start3A_868, %dma_start3A_869] : memref<4x128x64xf32, #tpu.memory_space<vmem>> -> memref<1x128x64xf32, #tpu.memory_space<vmem>>
        %dma_start3A_871 = tpu.memref_squeeze %dma_start3A_870 : memref<1x128x64xf32, #tpu.memory_space<vmem>> -> memref<128x64xf32, #tpu.memory_space<vmem>>
        %dma_start3A_872 = arith.constant 0 : i32
        %dma_start3A_873 = tpu.memref_slice %arg7[%select_n3A_92, %dma_start3A_866, %dma_start3A_872] : memref<2x16x128xi32, #tpu.memory_space<vmem>> -> memref<1x1x128xi32, #tpu.memory_space<vmem>>
        %dma_start3A_874 = tpu.memref_squeeze %dma_start3A_873 : memref<1x1x128xi32, #tpu.memory_space<vmem>> -> memref<128xi32, #tpu.memory_space<vmem>>
        %dma_start3A_875 = arith.constant 0 : i32
        %dma_start3A_876 = arith.constant 0 : i32
        %dma_start3A_877 = tpu.memref_slice %arg10[%dma_start3A_875, %dma_start3A_876] : memref<10000x64xf32, #tpu.memory_space<vmem_shared>> -> memref<10000x64xf32, #tpu.memory_space<vmem_shared>>
        tpu.enqueue_indirect_dma source(%dma_start3A_877 : memref<10000x64xf32, #tpu.memory_space<vmem_shared>>) target(%dma_start3A_871 : memref<128x64xf32, #tpu.memory_space<vmem>>) offsets(%dma_start3A_874 : memref<128xi32, #tpu.memory_space<vmem>>) semaphore(%arg12 : memref<!tpu.dma_semaphore, #tpu.memory_space<semaphore_mem>>)
      } else {
      }
      %dma_wait3A_794 = arith.constant 14 : i32
      %dma_wait3A_795 = arith.constant 2 : i32
      %dma_wait3A_796 = arith.constant 0 : i32
      %dma_wait3A_797 = arith.constant 0 : i32
      %dma_wait3A_798 = tpu.memref_slice %arg9[%dma_wait3A_795, %dma_wait3A_796, %dma_wait3A_797] : memref<4x128x64xf32, #tpu.memory_space<vmem>> -> memref<1x128x64xf32, #tpu.memory_space<vmem>>
      %dma_wait3A_799 = tpu.memref_squeeze %dma_wait3A_798 : memref<1x128x64xf32, #tpu.memory_space<vmem>> -> memref<128x64xf32, #tpu.memory_space<vmem>>
      %dma_wait3A_800 = arith.constant 0 : i32
      %dma_wait3A_801 = tpu.memref_slice %arg7[%select_n3A_74, %dma_wait3A_794, %dma_wait3A_800] : memref<2x16x128xi32, #tpu.memory_space<vmem>> -> memref<1x1x128xi32, #tpu.memory_space<vmem>>
      %dma_wait3A_802 = tpu.memref_squeeze %dma_wait3A_801 : memref<1x1x128xi32, #tpu.memory_space<vmem>> -> memref<128xi32, #tpu.memory_space<vmem>>
      %dma_wait3A_803 = arith.constant 0 : i32
      %dma_wait3A_804 = arith.constant 0 : i32
      %dma_wait3A_805 = tpu.memref_slice %arg10[%dma_wait3A_803, %dma_wait3A_804] : memref<10000x64xf32, #tpu.memory_space<vmem_shared>> -> memref<10000x64xf32, #tpu.memory_space<vmem_shared>>
      tpu.wait_indirect_dma semaphore(%arg14 : memref<!tpu.dma_semaphore, #tpu.memory_space<semaphore_mem>>) src(%dma_wait3A_805 : memref<10000x64xf32, #tpu.memory_space<vmem_shared>>) dst(%dma_wait3A_799 : memref<128x64xf32, #tpu.memory_space<vmem>>)
      %dma_start3A_806 = arith.constant 2 : i32
      %dma_start3A_807 = arith.constant 14 : i32
      %dma_start3A_808 = arith.constant 0 : i32
      %dma_start3A_809 = arith.constant 0 : i32
      %dma_start3A_810 = tpu.memref_slice %arg9[%dma_start3A_806, %dma_start3A_808, %dma_start3A_809] : memref<4x128x64xf32, #tpu.memory_space<vmem>> -> memref<1x128x64xf32, #tpu.memory_space<vmem>>
      %dma_start3A_811 = tpu.memref_squeeze %dma_start3A_810 : memref<1x128x64xf32, #tpu.memory_space<vmem>> -> memref<128x64xf32, #tpu.memory_space<vmem>>
      %dma_start3A_812 = arith.constant 0 : i32
      %dma_start3A_813 = tpu.memref_slice %arg8[%select_n3A_74, %dma_start3A_807, %dma_start3A_812] : memref<2x16x128xi32, #tpu.memory_space<vmem>> -> memref<1x1x128xi32, #tpu.memory_space<vmem>>
      %dma_start3A_814 = tpu.memref_squeeze %dma_start3A_813 : memref<1x1x128xi32, #tpu.memory_space<vmem>> -> memref<128xi32, #tpu.memory_space<vmem>>
      %dma_start3A_815 = arith.constant 0 : i32
      %dma_start3A_816 = arith.constant 0 : i32
      %dma_start3A_817 = tpu.memref_slice %arg11[%dma_start3A_815, %dma_start3A_816] : memref<10016x64xf32, #tpu.memory_space<vmem_shared>> -> memref<10016x64xf32, #tpu.memory_space<vmem_shared>>
      tpu.enqueue_indirect_dma source(%dma_start3A_811 : memref<128x64xf32, #tpu.memory_space<vmem>>) target(%dma_start3A_817 : memref<10016x64xf32, #tpu.memory_space<vmem_shared>>) offsets(%dma_start3A_814 : memref<128xi32, #tpu.memory_space<vmem>>) semaphore(%arg18 : memref<!tpu.dma_semaphore, #tpu.memory_space<semaphore_mem>>) {add = true}
      %mul3A_818 = arith.constant 16 : i32
      %mul3A_819 = arith.muli %scan3A_66, %mul3A_818 : i32
      %add3A_820 = arith.constant 15 : i32
      %add3A_821 = arith.addi %mul3A_819, %add3A_820 : i32
      %dma_wait3A_822 = arith.constant 1 : i32
      %dma_wait3A_823 = arith.constant 0 : i32
      %dma_wait3A_824 = arith.constant 0 : i32
      %dma_wait3A_825 = arith.constant 0 : i32
      %dma_wait3A_826 = arith.constant 0 : i32
      %dma_wait3A_827 = tpu.memref_slice %arg9[%dma_wait3A_822, %dma_wait3A_825, %dma_wait3A_826] : memref<4x128x64xf32, #tpu.memory_space<vmem>> -> memref<1x128x64xf32, #tpu.memory_space<vmem>>
      %dma_wait3A_828 = tpu.memref_squeeze %dma_wait3A_827 : memref<1x128x64xf32, #tpu.memory_space<vmem>> -> memref<128x64xf32, #tpu.memory_space<vmem>>
      %dma_wait3A_829 = arith.constant 0 : i32
      %dma_wait3A_830 = tpu.memref_slice %arg8[%dma_wait3A_823, %dma_wait3A_824, %dma_wait3A_829] : memref<2x16x128xi32, #tpu.memory_space<vmem>> -> memref<1x1x128xi32, #tpu.memory_space<vmem>>
      %dma_wait3A_831 = tpu.memref_squeeze %dma_wait3A_830 : memref<1x1x128xi32, #tpu.memory_space<vmem>> -> memref<128xi32, #tpu.memory_space<vmem>>
      %dma_wait3A_832 = arith.constant 0 : i32
      %dma_wait3A_833 = arith.constant 0 : i32
      %dma_wait3A_834 = tpu.memref_slice %arg11[%dma_wait3A_832, %dma_wait3A_833] : memref<10016x64xf32, #tpu.memory_space<vmem_shared>> -> memref<10016x64xf32, #tpu.memory_space<vmem_shared>>
      tpu.wait_indirect_dma semaphore(%arg17 : memref<!tpu.dma_semaphore, #tpu.memory_space<semaphore_mem>>) src(%dma_wait3A_828 : memref<128x64xf32, #tpu.memory_space<vmem>>) dst(%dma_wait3A_834 : memref<10016x64xf32, #tpu.memory_space<vmem_shared>>)
      %add3A_835 = arith.constant 2 : i32
      %add3A_836 = arith.addi %add3A_821, %add3A_835 : i32
      %lt3A_837 = arith.constant 160 : i32
      %lt3A_838 = arith.cmpi slt, %add3A_836, %lt3A_837 : i32
      %convert_element_type3A_839 = arith.extui %lt3A_838 : i1 to i32
      %cond3A_840 = arith.constant 0 : i32
      %cond3A_841 = arith.cmpi ne, %convert_element_type3A_839, %cond3A_840 : i32
      scf.if %cond3A_841 {
        %dma_start3A_866 = arith.constant 1 : i32
        %dma_start3A_867 = arith.constant 1 : i32
        %dma_start3A_868 = arith.constant 0 : i32
        %dma_start3A_869 = arith.constant 0 : i32
        %dma_start3A_870 = tpu.memref_slice %arg9[%dma_start3A_867, %dma_start3A_868, %dma_start3A_869] : memref<4x128x64xf32, #tpu.memory_space<vmem>> -> memref<1x128x64xf32, #tpu.memory_space<vmem>>
        %dma_start3A_871 = tpu.memref_squeeze %dma_start3A_870 : memref<1x128x64xf32, #tpu.memory_space<vmem>> -> memref<128x64xf32, #tpu.memory_space<vmem>>
        %dma_start3A_872 = arith.constant 0 : i32
        %dma_start3A_873 = tpu.memref_slice %arg7[%select_n3A_92, %dma_start3A_866, %dma_start3A_872] : memref<2x16x128xi32, #tpu.memory_space<vmem>> -> memref<1x1x128xi32, #tpu.memory_space<vmem>>
        %dma_start3A_874 = tpu.memref_squeeze %dma_start3A_873 : memref<1x1x128xi32, #tpu.memory_space<vmem>> -> memref<128xi32, #tpu.memory_space<vmem>>
        %dma_start3A_875 = arith.constant 0 : i32
        %dma_start3A_876 = arith.constant 0 : i32
        %dma_start3A_877 = tpu.memref_slice %arg10[%dma_start3A_875, %dma_start3A_876] : memref<10000x64xf32, #tpu.memory_space<vmem_shared>> -> memref<10000x64xf32, #tpu.memory_space<vmem_shared>>
        tpu.enqueue_indirect_dma source(%dma_start3A_877 : memref<10000x64xf32, #tpu.memory_space<vmem_shared>>) target(%dma_start3A_871 : memref<128x64xf32, #tpu.memory_space<vmem>>) offsets(%dma_start3A_874 : memref<128xi32, #tpu.memory_space<vmem>>) semaphore(%arg13 : memref<!tpu.dma_semaphore, #tpu.memory_space<semaphore_mem>>)
      } else {
      }
      %dma_wait3A_842 = arith.constant 15 : i32
      %dma_wait3A_843 = arith.constant 3 : i32
      %dma_wait3A_844 = arith.constant 0 : i32
      %dma_wait3A_845 = arith.constant 0 : i32
      %dma_wait3A_846 = tpu.memref_slice %arg9[%dma_wait3A_843, %dma_wait3A_844, %dma_wait3A_845] : memref<4x128x64xf32, #tpu.memory_space<vmem>> -> memref<1x128x64xf32, #tpu.memory_space<vmem>>
      %dma_wait3A_847 = tpu.memref_squeeze %dma_wait3A_846 : memref<1x128x64xf32, #tpu.memory_space<vmem>> -> memref<128x64xf32, #tpu.memory_space<vmem>>
      %dma_wait3A_848 = arith.constant 0 : i32
      %dma_wait3A_849 = tpu.memref_slice %arg7[%select_n3A_74, %dma_wait3A_842, %dma_wait3A_848] : memref<2x16x128xi32, #tpu.memory_space<vmem>> -> memref<1x1x128xi32, #tpu.memory_space<vmem>>
      %dma_wait3A_850 = tpu.memref_squeeze %dma_wait3A_849 : memref<1x1x128xi32, #tpu.memory_space<vmem>> -> memref<128xi32, #tpu.memory_space<vmem>>
      %dma_wait3A_851 = arith.constant 0 : i32
      %dma_wait3A_852 = arith.constant 0 : i32
      %dma_wait3A_853 = tpu.memref_slice %arg10[%dma_wait3A_851, %dma_wait3A_852] : memref<10000x64xf32, #tpu.memory_space<vmem_shared>> -> memref<10000x64xf32, #tpu.memory_space<vmem_shared>>
      tpu.wait_indirect_dma semaphore(%arg15 : memref<!tpu.dma_semaphore, #tpu.memory_space<semaphore_mem>>) src(%dma_wait3A_853 : memref<10000x64xf32, #tpu.memory_space<vmem_shared>>) dst(%dma_wait3A_847 : memref<128x64xf32, #tpu.memory_space<vmem>>)
      %dma_start3A_854 = arith.constant 3 : i32
      %dma_start3A_855 = arith.constant 15 : i32
      %dma_start3A_856 = arith.constant 0 : i32
      %dma_start3A_857 = arith.constant 0 : i32
      %dma_start3A_858 = tpu.memref_slice %arg9[%dma_start3A_854, %dma_start3A_856, %dma_start3A_857] : memref<4x128x64xf32, #tpu.memory_space<vmem>> -> memref<1x128x64xf32, #tpu.memory_space<vmem>>
      %dma_start3A_859 = tpu.memref_squeeze %dma_start3A_858 : memref<1x128x64xf32, #tpu.memory_space<vmem>> -> memref<128x64xf32, #tpu.memory_space<vmem>>
      %dma_start3A_860 = arith.constant 0 : i32
      %dma_start3A_861 = tpu.memref_slice %arg8[%select_n3A_74, %dma_start3A_855, %dma_start3A_860] : memref<2x16x128xi32, #tpu.memory_space<vmem>> -> memref<1x1x128xi32, #tpu.memory_space<vmem>>
      %dma_start3A_862 = tpu.memref_squeeze %dma_start3A_861 : memref<1x1x128xi32, #tpu.memory_space<vmem>> -> memref<128xi32, #tpu.memory_space<vmem>>
      %dma_start3A_863 = arith.constant 0 : i32
      %dma_start3A_864 = arith.constant 0 : i32
      %dma_start3A_865 = tpu.memref_slice %arg11[%dma_start3A_863, %dma_start3A_864] : memref<10016x64xf32, #tpu.memory_space<vmem_shared>> -> memref<10016x64xf32, #tpu.memory_space<vmem_shared>>
      tpu.enqueue_indirect_dma source(%dma_start3A_859 : memref<128x64xf32, #tpu.memory_space<vmem>>) target(%dma_start3A_865 : memref<10016x64xf32, #tpu.memory_space<vmem_shared>>) offsets(%dma_start3A_862 : memref<128xi32, #tpu.memory_space<vmem>>) semaphore(%arg19 : memref<!tpu.dma_semaphore, #tpu.memory_space<semaphore_mem>>) {add = true}
    }
    %scan3A_35 = arith.constant 10 : i32
    %dma_wait3A = arith.constant 2 : i32
    %dma_wait3A_36 = arith.constant 0 : i32
    %dma_wait3A_37 = arith.constant 0 : i32
    %dma_wait3A_38 = arith.constant 0 : i32
    %dma_wait3A_39 = arith.constant 0 : i32
    %dma_wait3A_40 = tpu.memref_slice %arg9[%dma_wait3A, %dma_wait3A_38, %dma_wait3A_39] : memref<4x128x64xf32, #tpu.memory_space<vmem>> -> memref<1x128x64xf32, #tpu.memory_space<vmem>>
    %dma_wait3A_41 = tpu.memref_squeeze %dma_wait3A_40 : memref<1x128x64xf32, #tpu.memory_space<vmem>> -> memref<128x64xf32, #tpu.memory_space<vmem>>
    %dma_wait3A_42 = arith.constant 0 : i32
    %dma_wait3A_43 = tpu.memref_slice %arg8[%dma_wait3A_36, %dma_wait3A_37, %dma_wait3A_42] : memref<2x16x128xi32, #tpu.memory_space<vmem>> -> memref<1x1x128xi32, #tpu.memory_space<vmem>>
    %dma_wait3A_44 = tpu.memref_squeeze %dma_wait3A_43 : memref<1x1x128xi32, #tpu.memory_space<vmem>> -> memref<128xi32, #tpu.memory_space<vmem>>
    %dma_wait3A_45 = arith.constant 0 : i32
    %dma_wait3A_46 = arith.constant 0 : i32
    %dma_wait3A_47 = tpu.memref_slice %arg11[%dma_wait3A_45, %dma_wait3A_46] : memref<10016x64xf32, #tpu.memory_space<vmem_shared>> -> memref<10016x64xf32, #tpu.memory_space<vmem_shared>>
    tpu.wait_indirect_dma semaphore(%arg18 : memref<!tpu.dma_semaphore, #tpu.memory_space<semaphore_mem>>) src(%dma_wait3A_41 : memref<128x64xf32, #tpu.memory_space<vmem>>) dst(%dma_wait3A_47 : memref<10016x64xf32, #tpu.memory_space<vmem_shared>>)
    %dma_wait3A_48 = arith.constant 3 : i32
    %dma_wait3A_49 = arith.constant 0 : i32
    %dma_wait3A_50 = arith.constant 0 : i32
    %dma_wait3A_51 = arith.constant 0 : i32
    %dma_wait3A_52 = arith.constant 0 : i32
    %dma_wait3A_53 = tpu.memref_slice %arg9[%dma_wait3A_48, %dma_wait3A_51, %dma_wait3A_52] : memref<4x128x64xf32, #tpu.memory_space<vmem>> -> memref<1x128x64xf32, #tpu.memory_space<vmem>>
    %dma_wait3A_54 = tpu.memref_squeeze %dma_wait3A_53 : memref<1x128x64xf32, #tpu.memory_space<vmem>> -> memref<128x64xf32, #tpu.memory_space<vmem>>
    %dma_wait3A_55 = arith.constant 0 : i32
    %dma_wait3A_56 = tpu.memref_slice %arg8[%dma_wait3A_49, %dma_wait3A_50, %dma_wait3A_55] : memref<2x16x128xi32, #tpu.memory_space<vmem>> -> memref<1x1x128xi32, #tpu.memory_space<vmem>>
    %dma_wait3A_57 = tpu.memref_squeeze %dma_wait3A_56 : memref<1x1x128xi32, #tpu.memory_space<vmem>> -> memref<128xi32, #tpu.memory_space<vmem>>
    %dma_wait3A_58 = arith.constant 0 : i32
    %dma_wait3A_59 = arith.constant 0 : i32
    %dma_wait3A_60 = tpu.memref_slice %arg11[%dma_wait3A_58, %dma_wait3A_59] : memref<10016x64xf32, #tpu.memory_space<vmem_shared>> -> memref<10016x64xf32, #tpu.memory_space<vmem_shared>>
    tpu.wait_indirect_dma semaphore(%arg19 : memref<!tpu.dma_semaphore, #tpu.memory_space<semaphore_mem>>) src(%dma_wait3A_54 : memref<128x64xf32, #tpu.memory_space<vmem>>) dst(%dma_wait3A_60 : memref<10016x64xf32, #tpu.memory_space<vmem_shared>>)
    %barrier3A_61 = arith.constant 0 : index
    tpu.barrier barrier_id(%barrier3A_61)
    %mul3A_62 = arith.constant 626 : i32
    %mul3A_63 = arith.muli %arg1, %mul3A_62 : i32
    %mul3A_64 = arith.constant 626 : i32
    %mul3A_65 = arith.muli %arg1, %mul3A_64 : i32
    "tpu.region"() ({
      %run_scoped3A_66 = tpu.sem_alloc : memref<!tpu.dma_semaphore, #tpu.memory_space<semaphore_mem>>
      %dma_start3A_67 = arith.constant 0 : i32
      %dma_start3A_68 = tpu.memref_slice %arg6[%arg0, %mul3A_65, %dma_start3A_67] : memref<2x10016x64xf32, #tpu.memory_space<hbm>> -> memref<1x626x64xf32, #tpu.memory_space<hbm>>
      %dma_start3A_69 = tpu.memref_squeeze %dma_start3A_68 : memref<1x626x64xf32, #tpu.memory_space<hbm>> -> memref<626x64xf32, #tpu.memory_space<hbm>>
      %dma_start3A_70 = arith.constant 0 : i32
      %dma_start3A_71 = tpu.memref_slice %arg11[%mul3A_63, %dma_start3A_70] : memref<10016x64xf32, #tpu.memory_space<vmem_shared>> -> memref<626x64xf32, #tpu.memory_space<vmem_shared>>
      tpu.enqueue_dma source(%dma_start3A_71 : memref<626x64xf32, #tpu.memory_space<vmem_shared>>) target(%dma_start3A_69 : memref<626x64xf32, #tpu.memory_space<hbm>>) target_semaphore(%run_scoped3A_66 : memref<!tpu.dma_semaphore, #tpu.memory_space<semaphore_mem>>)
      %dma_wait3A_72 = arith.constant 0 : i32
      %dma_wait3A_73 = tpu.memref_slice %arg6[%arg0, %mul3A_65, %dma_wait3A_72] : memref<2x10016x64xf32, #tpu.memory_space<hbm>> -> memref<1x626x64xf32, #tpu.memory_space<hbm>>
      %dma_wait3A_74 = tpu.memref_squeeze %dma_wait3A_73 : memref<1x626x64xf32, #tpu.memory_space<hbm>> -> memref<626x64xf32, #tpu.memory_space<hbm>>
      %dma_wait3A_75 = arith.constant 0 : i32
      %dma_wait3A_76 = tpu.memref_slice %arg11[%mul3A_63, %dma_wait3A_75] : memref<10016x64xf32, #tpu.memory_space<vmem_shared>> -> memref<626x64xf32, #tpu.memory_space<vmem_shared>>
      tpu.wait_dma2 semaphore(%run_scoped3A_66 : memref<!tpu.dma_semaphore, #tpu.memory_space<semaphore_mem>>) src(%dma_wait3A_76 : memref<626x64xf32, #tpu.memory_space<vmem_shared>>) dst(%dma_wait3A_74 : memref<626x64xf32, #tpu.memory_space<hbm>>)
      tpu.yield
    }) : () -> ()
    return
  }
}

#map = affine_map<(d0, d1) -> (0, 0, 0)>
#map1 = affine_map<(d0, d1) -> (0, 0)>
module attributes {stable_mosaic.version = 14 : i64} {
  func.func @_seg_body(%arg0: i32, %arg1: i32, %arg2: memref<2x10000x64xf32, #tpu.memory_space<hbm>>, %arg3: memref<16x160x128xi32, #tpu.memory_space<hbm>>, %arg4: memref<16x160x128xi32, #tpu.memory_space<hbm>>, %arg5: memref<626x64xf32, #tpu.memory_space<hbm>>, %arg6: memref<2x10016x64xf32, #tpu.memory_space<hbm>>, %arg7: memref<2x16x128xi32, #tpu.memory_space<vmem>>, %arg8: memref<2x16x128xi32, #tpu.memory_space<vmem>>, %arg9: memref<4x128x64xf32, #tpu.memory_space<vmem>>, %arg10: memref<10000x64xf32, #tpu.memory_space<vmem_shared>>, %arg11: memref<10016x64xf32, #tpu.memory_space<vmem_shared>>, %arg12: memref<!tpu.dma_semaphore, #tpu.memory_space<semaphore_mem>>, %arg13: memref<!tpu.dma_semaphore, #tpu.memory_space<semaphore_mem>>, %arg14: memref<!tpu.dma_semaphore, #tpu.memory_space<semaphore_mem>>, %arg15: memref<!tpu.dma_semaphore, #tpu.memory_space<semaphore_mem>>, %arg16: memref<!tpu.dma_semaphore, #tpu.memory_space<semaphore_mem>>, %arg17: memref<!tpu.dma_semaphore, #tpu.memory_space<semaphore_mem>>, %arg18: memref<!tpu.dma_semaphore, #tpu.memory_space<semaphore_mem>>, %arg19: memref<!tpu.dma_semaphore, #tpu.memory_space<semaphore_mem>>, %arg20: memref<!tpu.dma_semaphore, #tpu.memory_space<semaphore_mem>>) attributes {dimension_semantics = [#tpu.dimension_semantics<core_parallel>, #tpu.dimension_semantics<subcore_parallel>], iteration_bounds = array<i64: 2, 16>, scalar_prefetch = 0 : i64, scratch_operands = 14 : i64, tpu.core_type = #tpu.core_type<sc_vector_subcore>, window_params = [{transform_indices = #map}, {transform_indices = #map}, {transform_indices = #map}, {transform_indices = #map1}, {transform_indices = #map}]} {
    %mul3A = arith.constant 625 : i32
    %mul3A_0 = arith.muli %arg1, %mul3A : i32
    %mul3A_1 = arith.constant 625 : i32
    %mul3A_2 = arith.muli %arg1, %mul3A_1 : i32
    "tpu.region"() ({
      %run_scoped3A_66 = tpu.sem_alloc : memref<!tpu.dma_semaphore, #tpu.memory_space<semaphore_mem>>
      %dma_start3A_67 = arith.constant 0 : i32
      %dma_start3A_68 = tpu.memref_slice %arg10[%mul3A_2, %dma_start3A_67] : memref<10000x64xf32, #tpu.memory_space<vmem_shared>> -> memref<625x64xf32, #tpu.memory_space<vmem_shared>>
      %dma_start3A_69 = arith.constant 0 : i32
      %dma_start3A_70 = arith.constant 0 : i32
      %dma_start3A_71 = tpu.memref_slice %arg2[%arg0, %dma_start3A_69, %dma_start3A_70] : memref<2x10000x64xf32, #tpu.memory_space<hbm>> -> memref<1x10000x64xf32, #tpu.memory_space<hbm>>
      %dma_start3A_72 = tpu.memref_squeeze %dma_start3A_71 : memref<1x10000x64xf32, #tpu.memory_space<hbm>> -> memref<10000x64xf32, #tpu.memory_space<hbm>>
      %dma_start3A_73 = arith.constant 0 : i32
      %dma_start3A_74 = tpu.memref_slice %dma_start3A_72[%mul3A_0, %dma_start3A_73] : memref<10000x64xf32, #tpu.memory_space<hbm>> -> memref<625x64xf32, #tpu.memory_space<hbm>>
      tpu.enqueue_dma source(%dma_start3A_74 : memref<625x64xf32, #tpu.memory_space<hbm>>) target(%dma_start3A_68 : memref<625x64xf32, #tpu.memory_space<vmem_shared>>) target_semaphore(%run_scoped3A_66 : memref<!tpu.dma_semaphore, #tpu.memory_space<semaphore_mem>>)
      %dma_wait3A_75 = arith.constant 0 : i32
      %dma_wait3A_76 = tpu.memref_slice %arg10[%mul3A_2, %dma_wait3A_75] : memref<10000x64xf32, #tpu.memory_space<vmem_shared>> -> memref<625x64xf32, #tpu.memory_space<vmem_shared>>
      %dma_wait3A_77 = arith.constant 0 : i32
      %dma_wait3A_78 = arith.constant 0 : i32
      %dma_wait3A_79 = tpu.memref_slice %arg2[%arg0, %dma_wait3A_77, %dma_wait3A_78] : memref<2x10000x64xf32, #tpu.memory_space<hbm>> -> memref<1x10000x64xf32, #tpu.memory_space<hbm>>
      %dma_wait3A_80 = tpu.memref_squeeze %dma_wait3A_79 : memref<1x10000x64xf32, #tpu.memory_space<hbm>> -> memref<10000x64xf32, #tpu.memory_space<hbm>>
      %dma_wait3A_81 = arith.constant 0 : i32
      %dma_wait3A_82 = tpu.memref_slice %dma_wait3A_80[%mul3A_0, %dma_wait3A_81] : memref<10000x64xf32, #tpu.memory_space<hbm>> -> memref<625x64xf32, #tpu.memory_space<hbm>>
      tpu.wait_dma2 semaphore(%run_scoped3A_66 : memref<!tpu.dma_semaphore, #tpu.memory_space<semaphore_mem>>) src(%dma_wait3A_82 : memref<625x64xf32, #tpu.memory_space<hbm>>) dst(%dma_wait3A_76 : memref<625x64xf32, #tpu.memory_space<vmem_shared>>)
      tpu.yield
    }) : () -> ()
    %mul3A_3 = arith.constant 626 : i32
    %mul3A_4 = arith.muli %arg1, %mul3A_3 : i32
    "tpu.region"() ({
      %run_scoped3A_66 = tpu.sem_alloc : memref<!tpu.dma_semaphore, #tpu.memory_space<semaphore_mem>>
      %dma_start3A_67 = arith.constant 0 : i32
      %dma_start3A_68 = tpu.memref_slice %arg11[%mul3A_4, %dma_start3A_67] : memref<10016x64xf32, #tpu.memory_space<vmem_shared>> -> memref<626x64xf32, #tpu.memory_space<vmem_shared>>
      tpu.enqueue_dma source(%arg5 : memref<626x64xf32, #tpu.memory_space<hbm>>) target(%dma_start3A_68 : memref<626x64xf32, #tpu.memory_space<vmem_shared>>) target_semaphore(%run_scoped3A_66 : memref<!tpu.dma_semaphore, #tpu.memory_space<semaphore_mem>>)
      %dma_wait3A_69 = arith.constant 0 : i32
      %dma_wait3A_70 = tpu.memref_slice %arg11[%mul3A_4, %dma_wait3A_69] : memref<10016x64xf32, #tpu.memory_space<vmem_shared>> -> memref<626x64xf32, #tpu.memory_space<vmem_shared>>
      tpu.wait_dma2 semaphore(%run_scoped3A_66 : memref<!tpu.dma_semaphore, #tpu.memory_space<semaphore_mem>>) src(%arg5 : memref<626x64xf32, #tpu.memory_space<hbm>>) dst(%dma_wait3A_70 : memref<626x64xf32, #tpu.memory_space<vmem_shared>>)
      tpu.yield
    }) : () -> ()
    %run_scoped3A = arith.constant 0 : i32
    "tpu.region"() ({
      %run_scoped3A_66 = tpu.sem_alloc : memref<!tpu.dma_semaphore, #tpu.memory_space<semaphore_mem>>
      %dma_start3A_67 = arith.constant 0 : i32
      %dma_start3A_68 = arith.constant 0 : i32
      %dma_start3A_69 = tpu.memref_slice %arg7[%run_scoped3A, %dma_start3A_67, %dma_start3A_68] : memref<2x16x128xi32, #tpu.memory_space<vmem>> -> memref<1x16x128xi32, #tpu.memory_space<vmem>>
      %dma_start3A_70 = tpu.memref_squeeze %dma_start3A_69 : memref<1x16x128xi32, #tpu.memory_space<vmem>> -> memref<16x128xi32, #tpu.memory_space<vmem>>
      %dma_start3A_71 = arith.constant 0 : i32
      %dma_start3A_72 = arith.constant 0 : i32
      %dma_start3A_73 = tpu.memref_slice %arg3[%arg1, %dma_start3A_71, %dma_start3A_72] : memref<16x160x128xi32, #tpu.memory_space<hbm>> -> memref<1x16x128xi32, #tpu.memory_space<hbm>>
      %dma_start3A_74 = tpu.memref_squeeze %dma_start3A_73 : memref<1x16x128xi32, #tpu.memory_space<hbm>> -> memref<16x128xi32, #tpu.memory_space<hbm>>
      %dma_start3A_75 = arith.constant 0 : i32
      %dma_start3A_76 = arith.constant 0 : i32
      %dma_start3A_77 = tpu.memref_slice %arg7[%run_scoped3A, %dma_start3A_75, %dma_start3A_76] : memref<2x16x128xi32, #tpu.memory_space<vmem>> -> memref<1x16x128xi32, #tpu.memory_space<vmem>>
      %dma_start3A_78 = tpu.memref_squeeze %dma_start3A_77 : memref<1x16x128xi32, #tpu.memory_space<vmem>> -> memref<16x128xi32, #tpu.memory_space<vmem>>
      %dma_start3A_79 = arith.constant 0 : i32
      %dma_start3A_80 = arith.constant 0 : i32
      %dma_start3A_81 = tpu.memref_slice %arg3[%arg1, %dma_start3A_79, %dma_start3A_80] : memref<16x160x128xi32, #tpu.memory_space<hbm>> -> memref<1x16x128xi32, #tpu.memory_space<hbm>>
      %dma_start3A_82 = tpu.memref_squeeze %dma_start3A_81 : memref<1x16x128xi32, #tpu.memory_space<hbm>> -> memref<16x128xi32, #tpu.memory_space<hbm>>
      tpu.enqueue_dma source(%dma_start3A_82 : memref<16x128xi32, #tpu.memory_space<hbm>>) target(%dma_start3A_78 : memref<16x128xi32, #tpu.memory_space<vmem>>) target_semaphore(%run_scoped3A_66 : memref<!tpu.dma_semaphore, #tpu.memory_space<semaphore_mem>>)
      %dma_wait3A_83 = arith.constant 0 : i32
      %dma_wait3A_84 = arith.constant 0 : i32
      %dma_wait3A_85 = tpu.memref_slice %arg7[%run_scoped3A, %dma_wait3A_83, %dma_wait3A_84] : memref<2x16x128xi32, #tpu.memory_space<vmem>> -> memref<1x16x128xi32, #tpu.memory_space<vmem>>
      %dma_wait3A_86 = tpu.memref_squeeze %dma_wait3A_85 : memref<1x16x128xi32, #tpu.memory_space<vmem>> -> memref<16x128xi32, #tpu.memory_space<vmem>>
      %dma_wait3A_87 = arith.constant 0 : i32
      %dma_wait3A_88 = arith.constant 0 : i32
      %dma_wait3A_89 = tpu.memref_slice %arg3[%arg1, %dma_wait3A_87, %dma_wait3A_88] : memref<16x160x128xi32, #tpu.memory_space<hbm>> -> memref<1x16x128xi32, #tpu.memory_space<hbm>>
      %dma_wait3A_90 = tpu.memref_squeeze %dma_wait3A_89 : memref<1x16x128xi32, #tpu.memory_space<hbm>> -> memref<16x128xi32, #tpu.memory_space<hbm>>
      %dma_wait3A_91 = arith.constant 0 : i32
      %dma_wait3A_92 = arith.constant 0 : i32
      %dma_wait3A_93 = tpu.memref_slice %arg7[%run_scoped3A, %dma_wait3A_91, %dma_wait3A_92] : memref<2x16x128xi32, #tpu.memory_space<vmem>> -> memref<1x16x128xi32, #tpu.memory_space<vmem>>
      %dma_wait3A_94 = tpu.memref_squeeze %dma_wait3A_93 : memref<1x16x128xi32, #tpu.memory_space<vmem>> -> memref<16x128xi32, #tpu.memory_space<vmem>>
      %dma_wait3A_95 = arith.constant 0 : i32
      %dma_wait3A_96 = arith.constant 0 : i32
      %dma_wait3A_97 = tpu.memref_slice %arg3[%arg1, %dma_wait3A_95, %dma_wait3A_96] : memref<16x160x128xi32, #tpu.memory_space<hbm>> -> memref<1x16x128xi32, #tpu.memory_space<hbm>>
      %dma_wait3A_98 = tpu.memref_squeeze %dma_wait3A_97 : memref<1x16x128xi32, #tpu.memory_space<hbm>> -> memref<16x128xi32, #tpu.memory_space<hbm>>
      tpu.wait_dma2 semaphore(%run_scoped3A_66 : memref<!tpu.dma_semaphore, #tpu.memory_space<semaphore_mem>>) src(%dma_wait3A_98 : memref<16x128xi32, #tpu.memory_space<hbm>>) dst(%dma_wait3A_94 : memref<16x128xi32, #tpu.memory_space<vmem>>)
      tpu.yield
    }) : () -> ()
    %run_scoped3A_5 = arith.constant 0 : i32
    "tpu.region"() ({
      %run_scoped3A_66 = tpu.sem_alloc : memref<!tpu.dma_semaphore, #tpu.memory_space<semaphore_mem>>
      %dma_start3A_67 = arith.constant 0 : i32
      %dma_start3A_68 = arith.constant 0 : i32
      %dma_start3A_69 = tpu.memref_slice %arg8[%run_scoped3A_5, %dma_start3A_67, %dma_start3A_68] : memref<2x16x128xi32, #tpu.memory_space<vmem>> -> memref<1x16x128xi32, #tpu.memory_space<vmem>>
      %dma_start3A_70 = tpu.memref_squeeze %dma_start3A_69 : memref<1x16x128xi32, #tpu.memory_space<vmem>> -> memref<16x128xi32, #tpu.memory_space<vmem>>
      %dma_start3A_71 = arith.constant 0 : i32
      %dma_start3A_72 = arith.constant 0 : i32
      %dma_start3A_73 = tpu.memref_slice %arg4[%arg1, %dma_start3A_71, %dma_start3A_72] : memref<16x160x128xi32, #tpu.memory_space<hbm>> -> memref<1x16x128xi32, #tpu.memory_space<hbm>>
      %dma_start3A_74 = tpu.memref_squeeze %dma_start3A_73 : memref<1x16x128xi32, #tpu.memory_space<hbm>> -> memref<16x128xi32, #tpu.memory_space<hbm>>
      %dma_start3A_75 = arith.constant 0 : i32
      %dma_start3A_76 = arith.constant 0 : i32
      %dma_start3A_77 = tpu.memref_slice %arg8[%run_scoped3A_5, %dma_start3A_75, %dma_start3A_76] : memref<2x16x128xi32, #tpu.memory_space<vmem>> -> memref<1x16x128xi32, #tpu.memory_space<vmem>>
      %dma_start3A_78 = tpu.memref_squeeze %dma_start3A_77 : memref<1x16x128xi32, #tpu.memory_space<vmem>> -> memref<16x128xi32, #tpu.memory_space<vmem>>
      %dma_start3A_79 = arith.constant 0 : i32
      %dma_start3A_80 = arith.constant 0 : i32
      %dma_start3A_81 = tpu.memref_slice %arg4[%arg1, %dma_start3A_79, %dma_start3A_80] : memref<16x160x128xi32, #tpu.memory_space<hbm>> -> memref<1x16x128xi32, #tpu.memory_space<hbm>>
      %dma_start3A_82 = tpu.memref_squeeze %dma_start3A_81 : memref<1x16x128xi32, #tpu.memory_space<hbm>> -> memref<16x128xi32, #tpu.memory_space<hbm>>
      tpu.enqueue_dma source(%dma_start3A_82 : memref<16x128xi32, #tpu.memory_space<hbm>>) target(%dma_start3A_78 : memref<16x128xi32, #tpu.memory_space<vmem>>) target_semaphore(%run_scoped3A_66 : memref<!tpu.dma_semaphore, #tpu.memory_space<semaphore_mem>>)
      %dma_wait3A_83 = arith.constant 0 : i32
      %dma_wait3A_84 = arith.constant 0 : i32
      %dma_wait3A_85 = tpu.memref_slice %arg8[%run_scoped3A_5, %dma_wait3A_83, %dma_wait3A_84] : memref<2x16x128xi32, #tpu.memory_space<vmem>> -> memref<1x16x128xi32, #tpu.memory_space<vmem>>
      %dma_wait3A_86 = tpu.memref_squeeze %dma_wait3A_85 : memref<1x16x128xi32, #tpu.memory_space<vmem>> -> memref<16x128xi32, #tpu.memory_space<vmem>>
      %dma_wait3A_87 = arith.constant 0 : i32
      %dma_wait3A_88 = arith.constant 0 : i32
      %dma_wait3A_89 = tpu.memref_slice %arg4[%arg1, %dma_wait3A_87, %dma_wait3A_88] : memref<16x160x128xi32, #tpu.memory_space<hbm>> -> memref<1x16x128xi32, #tpu.memory_space<hbm>>
      %dma_wait3A_90 = tpu.memref_squeeze %dma_wait3A_89 : memref<1x16x128xi32, #tpu.memory_space<hbm>> -> memref<16x128xi32, #tpu.memory_space<hbm>>
      %dma_wait3A_91 = arith.constant 0 : i32
      %dma_wait3A_92 = arith.constant 0 : i32
      %dma_wait3A_93 = tpu.memref_slice %arg8[%run_scoped3A_5, %dma_wait3A_91, %dma_wait3A_92] : memref<2x16x128xi32, #tpu.memory_space<vmem>> -> memref<1x16x128xi32, #tpu.memory_space<vmem>>
      %dma_wait3A_94 = tpu.memref_squeeze %dma_wait3A_93 : memref<1x16x128xi32, #tpu.memory_space<vmem>> -> memref<16x128xi32, #tpu.memory_space<vmem>>
      %dma_wait3A_95 = arith.constant 0 : i32
      %dma_wait3A_96 = arith.constant 0 : i32
      %dma_wait3A_97 = tpu.memref_slice %arg4[%arg1, %dma_wait3A_95, %dma_wait3A_96] : memref<16x160x128xi32, #tpu.memory_space<hbm>> -> memref<1x16x128xi32, #tpu.memory_space<hbm>>
      %dma_wait3A_98 = tpu.memref_squeeze %dma_wait3A_97 : memref<1x16x128xi32, #tpu.memory_space<hbm>> -> memref<16x128xi32, #tpu.memory_space<hbm>>
      tpu.wait_dma2 semaphore(%run_scoped3A_66 : memref<!tpu.dma_semaphore, #tpu.memory_space<semaphore_mem>>) src(%dma_wait3A_98 : memref<16x128xi32, #tpu.memory_space<hbm>>) dst(%dma_wait3A_94 : memref<16x128xi32, #tpu.memory_space<vmem>>)
      tpu.yield
    }) : () -> ()
    %barrier3A = arith.constant 0 : index
    tpu.barrier barrier_id(%barrier3A)
    %dma_start3A = arith.constant 0 : i32
    %dma_start3A_6 = arith.constant 0 : i32
    %dma_start3A_7 = arith.constant 0 : i32
    %dma_start3A_8 = arith.constant 0 : i32
    %dma_start3A_9 = arith.constant 0 : i32
    %dma_start3A_10 = tpu.memref_slice %arg9[%dma_start3A_7, %dma_start3A_8, %dma_start3A_9] : memref<4x128x64xf32, #tpu.memory_space<vmem>> -> memref<1x128x64xf32, #tpu.memory_space<vmem>>
    %dma_start3A_11 = tpu.memref_squeeze %dma_start3A_10 : memref<1x128x64xf32, #tpu.memory_space<vmem>> -> memref<128x64xf32, #tpu.memory_space<vmem>>
    %dma_start3A_12 = arith.constant 0 : i32
    %dma_start3A_13 = tpu.memref_slice %arg7[%dma_start3A, %dma_start3A_6, %dma_start3A_12] : memref<2x16x128xi32, #tpu.memory_space<vmem>> -> memref<1x1x128xi32, #tpu.memory_space<vmem>>
    %dma_start3A_14 = tpu.memref_squeeze %dma_start3A_13 : memref<1x1x128xi32, #tpu.memory_space<vmem>> -> memref<128xi32, #tpu.memory_space<vmem>>
    %dma_start3A_15 = arith.constant 0 : i32
    %dma_start3A_16 = arith.constant 0 : i32
    %dma_start3A_17 = tpu.memref_slice %arg10[%dma_start3A_15, %dma_start3A_16] : memref<10000x64xf32, #tpu.memory_space<vmem_shared>> -> memref<10000x64xf32, #tpu.memory_space<vmem_shared>>
    tpu.enqueue_indirect_dma source(%dma_start3A_17 : memref<10000x64xf32, #tpu.memory_space<vmem_shared>>) target(%dma_start3A_11 : memref<128x64xf32, #tpu.memory_space<vmem>>) offsets(%dma_start3A_14 : memref<128xi32, #tpu.memory_space<vmem>>) semaphore(%arg12 : memref<!tpu.dma_semaphore, #tpu.memory_space<semaphore_mem>>)
    %dma_start3A_18 = arith.constant 0 : i32
    %dma_start3A_19 = arith.constant 1 : i32
    %dma_start3A_20 = arith.constant 1 : i32
    %dma_start3A_21 = arith.constant 0 : i32
    %dma_start3A_22 = arith.constant 0 : i32
    %dma_start3A_23 = tpu.memref_slice %arg9[%dma_start3A_20, %dma_start3A_21, %dma_start3A_22] : memref<4x128x64xf32, #tpu.memory_space<vmem>> -> memref<1x128x64xf32, #tpu.memory_space<vmem>>
    %dma_start3A_24 = tpu.memref_squeeze %dma_start3A_23 : memref<1x128x64xf32, #tpu.memory_space<vmem>> -> memref<128x64xf32, #tpu.memory_space<vmem>>
    %dma_start3A_25 = arith.constant 0 : i32
    %dma_start3A_26 = tpu.memref_slice %arg7[%dma_start3A_18, %dma_start3A_19, %dma_start3A_25] : memref<2x16x128xi32, #tpu.memory_space<vmem>> -> memref<1x1x128xi32, #tpu.memory_space<vmem>>
    %dma_start3A_27 = tpu.memref_squeeze %dma_start3A_26 : memref<1x1x128xi32, #tpu.memory_space<vmem>> -> memref<128xi32, #tpu.memory_space<vmem>>
    %dma_start3A_28 = arith.constant 0 : i32
    %dma_start3A_29 = arith.constant 0 : i32
    %dma_start3A_30 = tpu.memref_slice %arg10[%dma_start3A_28, %dma_start3A_29] : memref<10000x64xf32, #tpu.memory_space<vmem_shared>> -> memref<10000x64xf32, #tpu.memory_space<vmem_shared>>
    tpu.enqueue_indirect_dma source(%dma_start3A_30 : memref<10000x64xf32, #tpu.memory_space<vmem_shared>>) target(%dma_start3A_24 : memref<128x64xf32, #tpu.memory_space<vmem>>) offsets(%dma_start3A_27 : memref<128xi32, #tpu.memory_space<vmem>>) semaphore(%arg13 : memref<!tpu.dma_semaphore, #tpu.memory_space<semaphore_mem>>)
    %scan3A = arith.constant 0 : i32
    %scan3A_31 = arith.constant 0 : i32
    %scan3A_32 = arith.constant 10 : i32
    %scan3A_33 = arith.addi %scan3A_31, %scan3A_32 : i32
    %scan3A_34 = arith.constant 1 : i32
    scf.for %scan3A_66 = %scan3A_31 to %scan3A_33 step %scan3A_34  : i32 {
      %jit3A = arith.constant 2 : i32
      %eq3A = arith.constant 0 : i32
      %eq3A_67 = arith.cmpi eq, %jit3A, %eq3A : i32
      %jit3A_68 = arith.constant 1 : i32
      %select_n3A = arith.select %eq3A_67, %jit3A_68, %jit3A : i32
      %rem3A = arith.remsi %scan3A_66, %select_n3A : i32
      %ne3A = arith.constant 0 : i32
      %ne3A_69 = arith.cmpi ne, %rem3A, %ne3A : i32
      %lt3A = arith.constant 0 : i32
      %lt3A_70 = arith.cmpi slt, %rem3A, %lt3A : i32
      %lt3A_71 = arith.constant 0 : i32
      %lt3A_72 = arith.cmpi slt, %select_n3A, %lt3A_71 : i32
      %ne3A_73 = arith.xori %lt3A_70, %lt3A_72 : i1
      %and3A = arith.andi %ne3A_73, %ne3A_69 : i1
      %add3A = arith.addi %rem3A, %select_n3A : i32
      %select_n3A_74 = arith.select %and3A, %add3A, %rem3A : i32
      %add3A_75 = arith.constant 1 : i32
      %add3A_76 = arith.addi %scan3A_66, %add3A_75 : i32
      %jit3A_77 = arith.constant 2 : i32
      %eq3A_78 = arith.constant 0 : i32
      %eq3A_79 = arith.cmpi eq, %jit3A_77, %eq3A_78 : i32
      %jit3A_80 = arith.constant 1 : i32
      %select_n3A_81 = arith.select %eq3A_79, %jit3A_80, %jit3A_77 : i32
      %rem3A_82 = arith.remsi %add3A_76, %select_n3A_81 : i32
      %ne3A_83 = arith.constant 0 : i32
      %ne3A_84 = arith.cmpi ne, %rem3A_82, %ne3A_83 : i32
      %lt3A_85 = arith.constant 0 : i32
      %lt3A_86 = arith.cmpi slt, %rem3A_82, %lt3A_85 : i32
      %lt3A_87 = arith.constant 0 : i32
      %lt3A_88 = arith.cmpi slt, %select_n3A_81, %lt3A_87 : i32
      %ne3A_89 = arith.xori %lt3A_86, %lt3A_88 : i1
      %and3A_90 = arith.andi %ne3A_89, %ne3A_84 : i1
      %add3A_91 = arith.addi %rem3A_82, %select_n3A_81 : i32
      %select_n3A_92 = arith.select %and3A_90, %add3A_91, %rem3A_82 : i32
      %mul3A_93 = arith.constant 16 : i32
      %mul3A_94 = arith.muli %scan3A_66, %mul3A_93 : i32
      %add3A_95 = arith.constant 0 : i32
      %add3A_96 = arith.addi %mul3A_94, %add3A_95 : i32
      %gt3A = arith.constant 0 : i32
      %gt3A_97 = arith.cmpi sgt, %scan3A_66, %gt3A : i32
      %convert_element_type3A = arith.extui %gt3A_97 : i1 to i32
      %cond3A = arith.constant 0 : i32
      %cond3A_98 = arith.cmpi ne, %convert_element_type3A, %cond3A : i32
      scf.if %cond3A_98 {
        %dma_wait3A_866 = arith.constant 2 : i32
        %dma_wait3A_867 = arith.constant 0 : i32
        %dma_wait3A_868 = arith.constant 0 : i32
        %dma_wait3A_869 = arith.constant 0 : i32
        %dma_wait3A_870 = arith.constant 0 : i32
        %dma_wait3A_871 = tpu.memref_slice %arg9[%dma_wait3A_866, %dma_wait3A_869, %dma_wait3A_870] : memref<4x128x64xf32, #tpu.memory_space<vmem>> -> memref<1x128x64xf32, #tpu.memory_space<vmem>>
        %dma_wait3A_872 = tpu.memref_squeeze %dma_wait3A_871 : memref<1x128x64xf32, #tpu.memory_space<vmem>> -> memref<128x64xf32, #tpu.memory_space<vmem>>
        %dma_wait3A_873 = arith.constant 0 : i32
        %dma_wait3A_874 = tpu.memref_slice %arg8[%dma_wait3A_867, %dma_wait3A_868, %dma_wait3A_873] : memref<2x16x128xi32, #tpu.memory_space<vmem>> -> memref<1x1x128xi32, #tpu.memory_space<vmem>>
        %dma_wait3A_875 = tpu.memref_squeeze %dma_wait3A_874 : memref<1x1x128xi32, #tpu.memory_space<vmem>> -> memref<128xi32, #tpu.memory_space<vmem>>
        %dma_wait3A_876 = arith.constant 0 : i32
        %dma_wait3A_877 = arith.constant 0 : i32
        %dma_wait3A_878 = tpu.memref_slice %arg11[%dma_wait3A_876, %dma_wait3A_877] : memref<10016x64xf32, #tpu.memory_space<vmem_shared>> -> memref<10016x64xf32, #tpu.memory_space<vmem_shared>>
        tpu.wait_indirect_dma semaphore(%arg18 : memref<!tpu.dma_semaphore, #tpu.memory_space<semaphore_mem>>) src(%dma_wait3A_872 : memref<128x64xf32, #tpu.memory_space<vmem>>) dst(%dma_wait3A_878 : memref<10016x64xf32, #tpu.memory_space<vmem_shared>>)
      } else {
      }
      %dma_start3A_99 = arith.constant 2 : i32
      %dma_start3A_100 = arith.constant 2 : i32
      %dma_start3A_101 = arith.constant 0 : i32
      %dma_start3A_102 = arith.constant 0 : i32
      %dma_start3A_103 = tpu.memref_slice %arg9[%dma_start3A_100, %dma_start3A_101, %dma_start3A_102] : memref<4x128x64xf32, #tpu.memory_space<vmem>> -> memref<1x128x64xf32, #tpu.memory_space<vmem>>
      %dma_start3A_104 = tpu.memref_squeeze %dma_start3A_103 : memref<1x128x64xf32, #tpu.memory_space<vmem>> -> memref<128x64xf32, #tpu.memory_space<vmem>>
      %dma_start3A_105 = arith.constant 0 : i32
      %dma_start3A_106 = tpu.memref_slice %arg7[%select_n3A_74, %dma_start3A_99, %dma_start3A_105] : memref<2x16x128xi32, #tpu.memory_space<vmem>> -> memref<1x1x128xi32, #tpu.memory_space<vmem>>
      %dma_start3A_107 = tpu.memref_squeeze %dma_start3A_106 : memref<1x1x128xi32, #tpu.memory_space<vmem>> -> memref<128xi32, #tpu.memory_space<vmem>>
      %dma_start3A_108 = arith.constant 0 : i32
      %dma_start3A_109 = arith.constant 0 : i32
      %dma_start3A_110 = tpu.memref_slice %arg10[%dma_start3A_108, %dma_start3A_109] : memref<10000x64xf32, #tpu.memory_space<vmem_shared>> -> memref<10000x64xf32, #tpu.memory_space<vmem_shared>>
      tpu.enqueue_indirect_dma source(%dma_start3A_110 : memref<10000x64xf32, #tpu.memory_space<vmem_shared>>) target(%dma_start3A_104 : memref<128x64xf32, #tpu.memory_space<vmem>>) offsets(%dma_start3A_107 : memref<128xi32, #tpu.memory_space<vmem>>) semaphore(%arg14 : memref<!tpu.dma_semaphore, #tpu.memory_space<semaphore_mem>>)
      %dma_wait3A_111 = arith.constant 0 : i32
      %dma_wait3A_112 = arith.constant 0 : i32
      %dma_wait3A_113 = arith.constant 0 : i32
      %dma_wait3A_114 = arith.constant 0 : i32
      %dma_wait3A_115 = tpu.memref_slice %arg9[%dma_wait3A_112, %dma_wait3A_113, %dma_wait3A_114] : memref<4x128x64xf32, #tpu.memory_space<vmem>> -> memref<1x128x64xf32, #tpu.memory_space<vmem>>
      %dma_wait3A_116 = tpu.memref_squeeze %dma_wait3A_115 : memref<1x128x64xf32, #tpu.memory_space<vmem>> -> memref<128x64xf32, #tpu.memory_space<vmem>>
      %dma_wait3A_117 = arith.constant 0 : i32
      %dma_wait3A_118 = tpu.memref_slice %arg7[%select_n3A_74, %dma_wait3A_111, %dma_wait3A_117] : memref<2x16x128xi32, #tpu.memory_space<vmem>> -> memref<1x1x128xi32, #tpu.memory_space<vmem>>
      %dma_wait3A_119 = tpu.memref_squeeze %dma_wait3A_118 : memref<1x1x128xi32, #tpu.memory_space<vmem>> -> memref<128xi32, #tpu.memory_space<vmem>>
      %dma_wait3A_120 = arith.constant 0 : i32
      %dma_wait3A_121 = arith.constant 0 : i32
      %dma_wait3A_122 = tpu.memref_slice %arg10[%dma_wait3A_120, %dma_wait3A_121] : memref<10000x64xf32, #tpu.memory_space<vmem_shared>> -> memref<10000x64xf32, #tpu.memory_space<vmem_shared>>
      tpu.wait_indirect_dma semaphore(%arg12 : memref<!tpu.dma_semaphore, #tpu.memory_space<semaphore_mem>>) src(%dma_wait3A_122 : memref<10000x64xf32, #tpu.memory_space<vmem_shared>>) dst(%dma_wait3A_116 : memref<128x64xf32, #tpu.memory_space<vmem>>)
      %dma_start3A_123 = arith.constant 0 : i32
      %dma_start3A_124 = arith.constant 0 : i32
      %dma_start3A_125 = arith.constant 0 : i32
      %dma_start3A_126 = arith.constant 0 : i32
      %dma_start3A_127 = tpu.memref_slice %arg9[%dma_start3A_123, %dma_start3A_125, %dma_start3A_126] : memref<4x128x64xf32, #tpu.memory_space<vmem>> -> memref<1x128x64xf32, #tpu.memory_space<vmem>>
      %dma_start3A_128 = tpu.memref_squeeze %dma_start3A_127 : memref<1x128x64xf32, #tpu.memory_space<vmem>> -> memref<128x64xf32, #tpu.memory_space<vmem>>
      %dma_start3A_129 = arith.constant 0 : i32
      %dma_start3A_130 = tpu.memref_slice %arg8[%select_n3A_74, %dma_start3A_124, %dma_start3A_129] : memref<2x16x128xi32, #tpu.memory_space<vmem>> -> memref<1x1x128xi32, #tpu.memory_space<vmem>>
      %dma_start3A_131 = tpu.memref_squeeze %dma_start3A_130 : memref<1x1x128xi32, #tpu.memory_space<vmem>> -> memref<128xi32, #tpu.memory_space<vmem>>
      %dma_start3A_132 = arith.constant 0 : i32
      %dma_start3A_133 = arith.constant 0 : i32
      %dma_start3A_134 = tpu.memref_slice %arg11[%dma_start3A_132, %dma_start3A_133] : memref<10016x64xf32, #tpu.memory_space<vmem_shared>> -> memref<10016x64xf32, #tpu.memory_space<vmem_shared>>
      tpu.enqueue_indirect_dma source(%dma_start3A_128 : memref<128x64xf32, #tpu.memory_space<vmem>>) target(%dma_start3A_134 : memref<10016x64xf32, #tpu.memory_space<vmem_shared>>) offsets(%dma_start3A_131 : memref<128xi32, #tpu.memory_space<vmem>>) semaphore(%arg16 : memref<!tpu.dma_semaphore, #tpu.memory_space<semaphore_mem>>) {add = true}
      %mul3A_135 = arith.constant 16 : i32
      %mul3A_136 = arith.muli %scan3A_66, %mul3A_135 : i32
      %add3A_137 = arith.constant 1 : i32
      %add3A_138 = arith.addi %mul3A_136, %add3A_137 : i32
      %gt3A_139 = arith.constant 0 : i32
      %gt3A_140 = arith.cmpi sgt, %scan3A_66, %gt3A_139 : i32
      %convert_element_type3A_141 = arith.extui %gt3A_140 : i1 to i32
      %cond3A_142 = arith.constant 0 : i32
      %cond3A_143 = arith.cmpi ne, %convert_element_type3A_141, %cond3A_142 : i32
      scf.if %cond3A_143 {
        %dma_wait3A_866 = arith.constant 3 : i32
        %dma_wait3A_867 = arith.constant 0 : i32
        %dma_wait3A_868 = arith.constant 0 : i32
        %dma_wait3A_869 = arith.constant 0 : i32
        %dma_wait3A_870 = arith.constant 0 : i32
        %dma_wait3A_871 = tpu.memref_slice %arg9[%dma_wait3A_866, %dma_wait3A_869, %dma_wait3A_870] : memref<4x128x64xf32, #tpu.memory_space<vmem>> -> memref<1x128x64xf32, #tpu.memory_space<vmem>>
        %dma_wait3A_872 = tpu.memref_squeeze %dma_wait3A_871 : memref<1x128x64xf32, #tpu.memory_space<vmem>> -> memref<128x64xf32, #tpu.memory_space<vmem>>
        %dma_wait3A_873 = arith.constant 0 : i32
        %dma_wait3A_874 = tpu.memref_slice %arg8[%dma_wait3A_867, %dma_wait3A_868, %dma_wait3A_873] : memref<2x16x128xi32, #tpu.memory_space<vmem>> -> memref<1x1x128xi32, #tpu.memory_space<vmem>>
        %dma_wait3A_875 = tpu.memref_squeeze %dma_wait3A_874 : memref<1x1x128xi32, #tpu.memory_space<vmem>> -> memref<128xi32, #tpu.memory_space<vmem>>
        %dma_wait3A_876 = arith.constant 0 : i32
        %dma_wait3A_877 = arith.constant 0 : i32
        %dma_wait3A_878 = tpu.memref_slice %arg11[%dma_wait3A_876, %dma_wait3A_877] : memref<10016x64xf32, #tpu.memory_space<vmem_shared>> -> memref<10016x64xf32, #tpu.memory_space<vmem_shared>>
        tpu.wait_indirect_dma semaphore(%arg19 : memref<!tpu.dma_semaphore, #tpu.memory_space<semaphore_mem>>) src(%dma_wait3A_872 : memref<128x64xf32, #tpu.memory_space<vmem>>) dst(%dma_wait3A_878 : memref<10016x64xf32, #tpu.memory_space<vmem_shared>>)
      } else {
      }
      %dma_start3A_144 = arith.constant 3 : i32
      %dma_start3A_145 = arith.constant 3 : i32
      %dma_start3A_146 = arith.constant 0 : i32
      %dma_start3A_147 = arith.constant 0 : i32
      %dma_start3A_148 = tpu.memref_slice %arg9[%dma_start3A_145, %dma_start3A_146, %dma_start3A_147] : memref<4x128x64xf32, #tpu.memory_space<vmem>> -> memref<1x128x64xf32, #tpu.memory_space<vmem>>
      %dma_start3A_149 = tpu.memref_squeeze %dma_start3A_148 : memref<1x128x64xf32, #tpu.memory_space<vmem>> -> memref<128x64xf32, #tpu.memory_space<vmem>>
      %dma_start3A_150 = arith.constant 0 : i32
      %dma_start3A_151 = tpu.memref_slice %arg7[%select_n3A_74, %dma_start3A_144, %dma_start3A_150] : memref<2x16x128xi32, #tpu.memory_space<vmem>> -> memref<1x1x128xi32, #tpu.memory_space<vmem>>
      %dma_start3A_152 = tpu.memref_squeeze %dma_start3A_151 : memref<1x1x128xi32, #tpu.memory_space<vmem>> -> memref<128xi32, #tpu.memory_space<vmem>>
      %dma_start3A_153 = arith.constant 0 : i32
      %dma_start3A_154 = arith.constant 0 : i32
      %dma_start3A_155 = tpu.memref_slice %arg10[%dma_start3A_153, %dma_start3A_154] : memref<10000x64xf32, #tpu.memory_space<vmem_shared>> -> memref<10000x64xf32, #tpu.memory_space<vmem_shared>>
      tpu.enqueue_indirect_dma source(%dma_start3A_155 : memref<10000x64xf32, #tpu.memory_space<vmem_shared>>) target(%dma_start3A_149 : memref<128x64xf32, #tpu.memory_space<vmem>>) offsets(%dma_start3A_152 : memref<128xi32, #tpu.memory_space<vmem>>) semaphore(%arg15 : memref<!tpu.dma_semaphore, #tpu.memory_space<semaphore_mem>>)
      %dma_wait3A_156 = arith.constant 1 : i32
      %dma_wait3A_157 = arith.constant 1 : i32
      %dma_wait3A_158 = arith.constant 0 : i32
      %dma_wait3A_159 = arith.constant 0 : i32
      %dma_wait3A_160 = tpu.memref_slice %arg9[%dma_wait3A_157, %dma_wait3A_158, %dma_wait3A_159] : memref<4x128x64xf32, #tpu.memory_space<vmem>> -> memref<1x128x64xf32, #tpu.memory_space<vmem>>
      %dma_wait3A_161 = tpu.memref_squeeze %dma_wait3A_160 : memref<1x128x64xf32, #tpu.memory_space<vmem>> -> memref<128x64xf32, #tpu.memory_space<vmem>>
      %dma_wait3A_162 = arith.constant 0 : i32
      %dma_wait3A_163 = tpu.memref_slice %arg7[%select_n3A_74, %dma_wait3A_156, %dma_wait3A_162] : memref<2x16x128xi32, #tpu.memory_space<vmem>> -> memref<1x1x128xi32, #tpu.memory_space<vmem>>
      %dma_wait3A_164 = tpu.memref_squeeze %dma_wait3A_163 : memref<1x1x128xi32, #tpu.memory_space<vmem>> -> memref<128xi32, #tpu.memory_space<vmem>>
      %dma_wait3A_165 = arith.constant 0 : i32
      %dma_wait3A_166 = arith.constant 0 : i32
      %dma_wait3A_167 = tpu.memref_slice %arg10[%dma_wait3A_165, %dma_wait3A_166] : memref<10000x64xf32, #tpu.memory_space<vmem_shared>> -> memref<10000x64xf32, #tpu.memory_space<vmem_shared>>
      tpu.wait_indirect_dma semaphore(%arg13 : memref<!tpu.dma_semaphore, #tpu.memory_space<semaphore_mem>>) src(%dma_wait3A_167 : memref<10000x64xf32, #tpu.memory_space<vmem_shared>>) dst(%dma_wait3A_161 : memref<128x64xf32, #tpu.memory_space<vmem>>)
      %dma_start3A_168 = arith.constant 1 : i32
      %dma_start3A_169 = arith.constant 1 : i32
      %dma_start3A_170 = arith.constant 0 : i32
      %dma_start3A_171 = arith.constant 0 : i32
      %dma_start3A_172 = tpu.memref_slice %arg9[%dma_start3A_168, %dma_start3A_170, %dma_start3A_171] : memref<4x128x64xf32, #tpu.memory_space<vmem>> -> memref<1x128x64xf32, #tpu.memory_space<vmem>>
      %dma_start3A_173 = tpu.memref_squeeze %dma_start3A_172 : memref<1x128x64xf32, #tpu.memory_space<vmem>> -> memref<128x64xf32, #tpu.memory_space<vmem>>
      %dma_start3A_174 = arith.constant 0 : i32
      %dma_start3A_175 = tpu.memref_slice %arg8[%select_n3A_74, %dma_start3A_169, %dma_start3A_174] : memref<2x16x128xi32, #tpu.memory_space<vmem>> -> memref<1x1x128xi32, #tpu.memory_space<vmem>>
      %dma_start3A_176 = tpu.memref_squeeze %dma_start3A_175 : memref<1x1x128xi32, #tpu.memory_space<vmem>> -> memref<128xi32, #tpu.memory_space<vmem>>
      %dma_start3A_177 = arith.constant 0 : i32
      %dma_start3A_178 = arith.constant 0 : i32
      %dma_start3A_179 = tpu.memref_slice %arg11[%dma_start3A_177, %dma_start3A_178] : memref<10016x64xf32, #tpu.memory_space<vmem_shared>> -> memref<10016x64xf32, #tpu.memory_space<vmem_shared>>
      tpu.enqueue_indirect_dma source(%dma_start3A_173 : memref<128x64xf32, #tpu.memory_space<vmem>>) target(%dma_start3A_179 : memref<10016x64xf32, #tpu.memory_space<vmem_shared>>) offsets(%dma_start3A_176 : memref<128xi32, #tpu.memory_space<vmem>>) semaphore(%arg17 : memref<!tpu.dma_semaphore, #tpu.memory_space<semaphore_mem>>) {add = true}
      %add3A_180 = arith.constant 1 : i32
      %add3A_181 = arith.addi %scan3A_66, %add3A_180 : i32
      %lt3A_182 = arith.constant 10 : i32
      %lt3A_183 = arith.cmpi slt, %add3A_181, %lt3A_182 : i32
      %convert_element_type3A_184 = arith.extui %lt3A_183 : i1 to i32
      %cond3A_185 = arith.constant 0 : i32
      %cond3A_186 = arith.cmpi ne, %convert_element_type3A_184, %cond3A_185 : i32
      scf.if %cond3A_186 {
        %add3A_866 = arith.constant 1 : i32
        %add3A_867 = arith.addi %scan3A_66, %add3A_866 : i32
        %mul3A_868 = arith.constant 16 : i32
        %mul3A_869 = arith.muli %add3A_867, %mul3A_868 : i32
        %dma_start3A_870 = arith.constant 0 : i32
        %dma_start3A_871 = arith.constant 0 : i32
        %dma_start3A_872 = tpu.memref_slice %arg7[%select_n3A_92, %dma_start3A_870, %dma_start3A_871] : memref<2x16x128xi32, #tpu.memory_space<vmem>> -> memref<1x16x128xi32, #tpu.memory_space<vmem>>
        %dma_start3A_873 = tpu.memref_squeeze %dma_start3A_872 : memref<1x16x128xi32, #tpu.memory_space<vmem>> -> memref<16x128xi32, #tpu.memory_space<vmem>>
        %dma_start3A_874 = arith.constant 0 : i32
        %dma_start3A_875 = tpu.memref_slice %arg3[%arg1, %mul3A_869, %dma_start3A_874] : memref<16x160x128xi32, #tpu.memory_space<hbm>> -> memref<1x16x128xi32, #tpu.memory_space<hbm>>
        %dma_start3A_876 = tpu.memref_squeeze %dma_start3A_875 : memref<1x16x128xi32, #tpu.memory_space<hbm>> -> memref<16x128xi32, #tpu.memory_space<hbm>>
        %dma_start3A_877 = arith.constant 0 : i32
        %dma_start3A_878 = arith.constant 0 : i32
        %dma_start3A_879 = tpu.memref_slice %arg7[%select_n3A_92, %dma_start3A_877, %dma_start3A_878] : memref<2x16x128xi32, #tpu.memory_space<vmem>> -> memref<1x16x128xi32, #tpu.memory_space<vmem>>
        %dma_start3A_880 = tpu.memref_squeeze %dma_start3A_879 : memref<1x16x128xi32, #tpu.memory_space<vmem>> -> memref<16x128xi32, #tpu.memory_space<vmem>>
        %dma_start3A_881 = arith.constant 0 : i32
        %dma_start3A_882 = tpu.memref_slice %arg3[%arg1, %mul3A_869, %dma_start3A_881] : memref<16x160x128xi32, #tpu.memory_space<hbm>> -> memref<1x16x128xi32, #tpu.memory_space<hbm>>
        %dma_start3A_883 = tpu.memref_squeeze %dma_start3A_882 : memref<1x16x128xi32, #tpu.memory_space<hbm>> -> memref<16x128xi32, #tpu.memory_space<hbm>>
        tpu.enqueue_dma source(%dma_start3A_883 : memref<16x128xi32, #tpu.memory_space<hbm>>) target(%dma_start3A_880 : memref<16x128xi32, #tpu.memory_space<vmem>>) target_semaphore(%arg20 : memref<!tpu.dma_semaphore, #tpu.memory_space<semaphore_mem>>)
        %add3A_884 = arith.constant 1 : i32
        %add3A_885 = arith.addi %scan3A_66, %add3A_884 : i32
        %mul3A_886 = arith.constant 16 : i32
        %mul3A_887 = arith.muli %add3A_885, %mul3A_886 : i32
        %dma_start3A_888 = arith.constant 0 : i32
        %dma_start3A_889 = arith.constant 0 : i32
        %dma_start3A_890 = tpu.memref_slice %arg8[%select_n3A_92, %dma_start3A_888, %dma_start3A_889] : memref<2x16x128xi32, #tpu.memory_space<vmem>> -> memref<1x16x128xi32, #tpu.memory_space<vmem>>
        %dma_start3A_891 = tpu.memref_squeeze %dma_start3A_890 : memref<1x16x128xi32, #tpu.memory_space<vmem>> -> memref<16x128xi32, #tpu.memory_space<vmem>>
        %dma_start3A_892 = arith.constant 0 : i32
        %dma_start3A_893 = tpu.memref_slice %arg4[%arg1, %mul3A_887, %dma_start3A_892] : memref<16x160x128xi32, #tpu.memory_space<hbm>> -> memref<1x16x128xi32, #tpu.memory_space<hbm>>
        %dma_start3A_894 = tpu.memref_squeeze %dma_start3A_893 : memref<1x16x128xi32, #tpu.memory_space<hbm>> -> memref<16x128xi32, #tpu.memory_space<hbm>>
        %dma_start3A_895 = arith.constant 0 : i32
        %dma_start3A_896 = arith.constant 0 : i32
        %dma_start3A_897 = tpu.memref_slice %arg8[%select_n3A_92, %dma_start3A_895, %dma_start3A_896] : memref<2x16x128xi32, #tpu.memory_space<vmem>> -> memref<1x16x128xi32, #tpu.memory_space<vmem>>
        %dma_start3A_898 = tpu.memref_squeeze %dma_start3A_897 : memref<1x16x128xi32, #tpu.memory_space<vmem>> -> memref<16x128xi32, #tpu.memory_space<vmem>>
        %dma_start3A_899 = arith.constant 0 : i32
        %dma_start3A_900 = tpu.memref_slice %arg4[%arg1, %mul3A_887, %dma_start3A_899] : memref<16x160x128xi32, #tpu.memory_space<hbm>> -> memref<1x16x128xi32, #tpu.memory_space<hbm>>
        %dma_start3A_901 = tpu.memref_squeeze %dma_start3A_900 : memref<1x16x128xi32, #tpu.memory_space<hbm>> -> memref<16x128xi32, #tpu.memory_space<hbm>>
        tpu.enqueue_dma source(%dma_start3A_901 : memref<16x128xi32, #tpu.memory_space<hbm>>) target(%dma_start3A_898 : memref<16x128xi32, #tpu.memory_space<vmem>>) target_semaphore(%arg20 : memref<!tpu.dma_semaphore, #tpu.memory_space<semaphore_mem>>)
      } else {
      }
      %mul3A_187 = arith.constant 16 : i32
      %mul3A_188 = arith.muli %scan3A_66, %mul3A_187 : i32
      %add3A_189 = arith.constant 2 : i32
      %add3A_190 = arith.addi %mul3A_188, %add3A_189 : i32
      %dma_wait3A_191 = arith.constant 0 : i32
      %dma_wait3A_192 = arith.constant 0 : i32
      %dma_wait3A_193 = arith.constant 0 : i32
      %dma_wait3A_194 = arith.constant 0 : i32
      %dma_wait3A_195 = arith.constant 0 : i32
      %dma_wait3A_196 = tpu.memref_slice %arg9[%dma_wait3A_191, %dma_wait3A_194, %dma_wait3A_195] : memref<4x128x64xf32, #tpu.memory_space<vmem>> -> memref<1x128x64xf32, #tpu.memory_space<vmem>>
      %dma_wait3A_197 = tpu.memref_squeeze %dma_wait3A_196 : memref<1x128x64xf32, #tpu.memory_space<vmem>> -> memref<128x64xf32, #tpu.memory_space<vmem>>
      %dma_wait3A_198 = arith.constant 0 : i32
      %dma_wait3A_199 = tpu.memref_slice %arg8[%dma_wait3A_192, %dma_wait3A_193, %dma_wait3A_198] : memref<2x16x128xi32, #tpu.memory_space<vmem>> -> memref<1x1x128xi32, #tpu.memory_space<vmem>>
      %dma_wait3A_200 = tpu.memref_squeeze %dma_wait3A_199 : memref<1x1x128xi32, #tpu.memory_space<vmem>> -> memref<128xi32, #tpu.memory_space<vmem>>
      %dma_wait3A_201 = arith.constant 0 : i32
      %dma_wait3A_202 = arith.constant 0 : i32
      %dma_wait3A_203 = tpu.memref_slice %arg11[%dma_wait3A_201, %dma_wait3A_202] : memref<10016x64xf32, #tpu.memory_space<vmem_shared>> -> memref<10016x64xf32, #tpu.memory_space<vmem_shared>>
      tpu.wait_indirect_dma semaphore(%arg16 : memref<!tpu.dma_semaphore, #tpu.memory_space<semaphore_mem>>) src(%dma_wait3A_197 : memref<128x64xf32, #tpu.memory_space<vmem>>) dst(%dma_wait3A_203 : memref<10016x64xf32, #tpu.memory_space<vmem_shared>>)
      %add3A_204 = arith.constant 2 : i32
      %add3A_205 = arith.addi %add3A_190, %add3A_204 : i32
      %lt3A_206 = arith.constant 160 : i32
      %lt3A_207 = arith.cmpi slt, %add3A_205, %lt3A_206 : i32
      %convert_element_type3A_208 = arith.extui %lt3A_207 : i1 to i32
      %cond3A_209 = arith.constant 0 : i32
      %cond3A_210 = arith.cmpi ne, %convert_element_type3A_208, %cond3A_209 : i32
      scf.if %cond3A_210 {
        %dma_start3A_866 = arith.constant 4 : i32
        %dma_start3A_867 = arith.constant 0 : i32
        %dma_start3A_868 = arith.constant 0 : i32
        %dma_start3A_869 = arith.constant 0 : i32
        %dma_start3A_870 = tpu.memref_slice %arg9[%dma_start3A_867, %dma_start3A_868, %dma_start3A_869] : memref<4x128x64xf32, #tpu.memory_space<vmem>> -> memref<1x128x64xf32, #tpu.memory_space<vmem>>
        %dma_start3A_871 = tpu.memref_squeeze %dma_start3A_870 : memref<1x128x64xf32, #tpu.memory_space<vmem>> -> memref<128x64xf32, #tpu.memory_space<vmem>>
        %dma_start3A_872 = arith.constant 0 : i32
        %dma_start3A_873 = tpu.memref_slice %arg7[%select_n3A_74, %dma_start3A_866, %dma_start3A_872] : memref<2x16x128xi32, #tpu.memory_space<vmem>> -> memref<1x1x128xi32, #tpu.memory_space<vmem>>
        %dma_start3A_874 = tpu.memref_squeeze %dma_start3A_873 : memref<1x1x128xi32, #tpu.memory_space<vmem>> -> memref<128xi32, #tpu.memory_space<vmem>>
        %dma_start3A_875 = arith.constant 0 : i32
        %dma_start3A_876 = arith.constant 0 : i32
        %dma_start3A_877 = tpu.memref_slice %arg10[%dma_start3A_875, %dma_start3A_876] : memref<10000x64xf32, #tpu.memory_space<vmem_shared>> -> memref<10000x64xf32, #tpu.memory_space<vmem_shared>>
        tpu.enqueue_indirect_dma source(%dma_start3A_877 : memref<10000x64xf32, #tpu.memory_space<vmem_shared>>) target(%dma_start3A_871 : memref<128x64xf32, #tpu.memory_space<vmem>>) offsets(%dma_start3A_874 : memref<128xi32, #tpu.memory_space<vmem>>) semaphore(%arg12 : memref<!tpu.dma_semaphore, #tpu.memory_space<semaphore_mem>>)
      } else {
      }
      %dma_wait3A_211 = arith.constant 2 : i32
      %dma_wait3A_212 = arith.constant 2 : i32
      %dma_wait3A_213 = arith.constant 0 : i32
      %dma_wait3A_214 = arith.constant 0 : i32
      %dma_wait3A_215 = tpu.memref_slice %arg9[%dma_wait3A_212, %dma_wait3A_213, %dma_wait3A_214] : memref<4x128x64xf32, #tpu.memory_space<vmem>> -> memref<1x128x64xf32, #tpu.memory_space<vmem>>
      %dma_wait3A_216 = tpu.memref_squeeze %dma_wait3A_215 : memref<1x128x64xf32, #tpu.memory_space<vmem>> -> memref<128x64xf32, #tpu.memory_space<vmem>>
      %dma_wait3A_217 = arith.constant 0 : i32
      %dma_wait3A_218 = tpu.memref_slice %arg7[%select_n3A_74, %dma_wait3A_211, %dma_wait3A_217] : memref<2x16x128xi32, #tpu.memory_space<vmem>> -> memref<1x1x128xi32, #tpu.memory_space<vmem>>
      %dma_wait3A_219 = tpu.memref_squeeze %dma_wait3A_218 : memref<1x1x128xi32, #tpu.memory_space<vmem>> -> memref<128xi32, #tpu.memory_space<vmem>>
      %dma_wait3A_220 = arith.constant 0 : i32
      %dma_wait3A_221 = arith.constant 0 : i32
      %dma_wait3A_222 = tpu.memref_slice %arg10[%dma_wait3A_220, %dma_wait3A_221] : memref<10000x64xf32, #tpu.memory_space<vmem_shared>> -> memref<10000x64xf32, #tpu.memory_space<vmem_shared>>
      tpu.wait_indirect_dma semaphore(%arg14 : memref<!tpu.dma_semaphore, #tpu.memory_space<semaphore_mem>>) src(%dma_wait3A_222 : memref<10000x64xf32, #tpu.memory_space<vmem_shared>>) dst(%dma_wait3A_216 : memref<128x64xf32, #tpu.memory_space<vmem>>)
      %dma_start3A_223 = arith.constant 2 : i32
      %dma_start3A_224 = arith.constant 2 : i32
      %dma_start3A_225 = arith.constant 0 : i32
      %dma_start3A_226 = arith.constant 0 : i32
      %dma_start3A_227 = tpu.memref_slice %arg9[%dma_start3A_223, %dma_start3A_225, %dma_start3A_226] : memref<4x128x64xf32, #tpu.memory_space<vmem>> -> memref<1x128x64xf32, #tpu.memory_space<vmem>>
      %dma_start3A_228 = tpu.memref_squeeze %dma_start3A_227 : memref<1x128x64xf32, #tpu.memory_space<vmem>> -> memref<128x64xf32, #tpu.memory_space<vmem>>
      %dma_start3A_229 = arith.constant 0 : i32
      %dma_start3A_230 = tpu.memref_slice %arg8[%select_n3A_74, %dma_start3A_224, %dma_start3A_229] : memref<2x16x128xi32, #tpu.memory_space<vmem>> -> memref<1x1x128xi32, #tpu.memory_space<vmem>>
      %dma_start3A_231 = tpu.memref_squeeze %dma_start3A_230 : memref<1x1x128xi32, #tpu.memory_space<vmem>> -> memref<128xi32, #tpu.memory_space<vmem>>
      %dma_start3A_232 = arith.constant 0 : i32
      %dma_start3A_233 = arith.constant 0 : i32
      %dma_start3A_234 = tpu.memref_slice %arg11[%dma_start3A_232, %dma_start3A_233] : memref<10016x64xf32, #tpu.memory_space<vmem_shared>> -> memref<10016x64xf32, #tpu.memory_space<vmem_shared>>
      tpu.enqueue_indirect_dma source(%dma_start3A_228 : memref<128x64xf32, #tpu.memory_space<vmem>>) target(%dma_start3A_234 : memref<10016x64xf32, #tpu.memory_space<vmem_shared>>) offsets(%dma_start3A_231 : memref<128xi32, #tpu.memory_space<vmem>>) semaphore(%arg18 : memref<!tpu.dma_semaphore, #tpu.memory_space<semaphore_mem>>) {add = true}
      %mul3A_235 = arith.constant 16 : i32
      %mul3A_236 = arith.muli %scan3A_66, %mul3A_235 : i32
      %add3A_237 = arith.constant 3 : i32
      %add3A_238 = arith.addi %mul3A_236, %add3A_237 : i32
      %dma_wait3A_239 = arith.constant 1 : i32
      %dma_wait3A_240 = arith.constant 0 : i32
      %dma_wait3A_241 = arith.constant 0 : i32
      %dma_wait3A_242 = arith.constant 0 : i32
      %dma_wait3A_243 = arith.constant 0 : i32
      %dma_wait3A_244 = tpu.memref_slice %arg9[%dma_wait3A_239, %dma_wait3A_242, %dma_wait3A_243] : memref<4x128x64xf32, #tpu.memory_space<vmem>> -> memref<1x128x64xf32, #tpu.memory_space<vmem>>
      %dma_wait3A_245 = tpu.memref_squeeze %dma_wait3A_244 : memref<1x128x64xf32, #tpu.memory_space<vmem>> -> memref<128x64xf32, #tpu.memory_space<vmem>>
      %dma_wait3A_246 = arith.constant 0 : i32
      %dma_wait3A_247 = tpu.memref_slice %arg8[%dma_wait3A_240, %dma_wait3A_241, %dma_wait3A_246] : memref<2x16x128xi32, #tpu.memory_space<vmem>> -> memref<1x1x128xi32, #tpu.memory_space<vmem>>
      %dma_wait3A_248 = tpu.memref_squeeze %dma_wait3A_247 : memref<1x1x128xi32, #tpu.memory_space<vmem>> -> memref<128xi32, #tpu.memory_space<vmem>>
      %dma_wait3A_249 = arith.constant 0 : i32
      %dma_wait3A_250 = arith.constant 0 : i32
      %dma_wait3A_251 = tpu.memref_slice %arg11[%dma_wait3A_249, %dma_wait3A_250] : memref<10016x64xf32, #tpu.memory_space<vmem_shared>> -> memref<10016x64xf32, #tpu.memory_space<vmem_shared>>
      tpu.wait_indirect_dma semaphore(%arg17 : memref<!tpu.dma_semaphore, #tpu.memory_space<semaphore_mem>>) src(%dma_wait3A_245 : memref<128x64xf32, #tpu.memory_space<vmem>>) dst(%dma_wait3A_251 : memref<10016x64xf32, #tpu.memory_space<vmem_shared>>)
      %add3A_252 = arith.constant 2 : i32
      %add3A_253 = arith.addi %add3A_238, %add3A_252 : i32
      %lt3A_254 = arith.constant 160 : i32
      %lt3A_255 = arith.cmpi slt, %add3A_253, %lt3A_254 : i32
      %convert_element_type3A_256 = arith.extui %lt3A_255 : i1 to i32
      %cond3A_257 = arith.constant 0 : i32
      %cond3A_258 = arith.cmpi ne, %convert_element_type3A_256, %cond3A_257 : i32
      scf.if %cond3A_258 {
        %dma_start3A_866 = arith.constant 5 : i32
        %dma_start3A_867 = arith.constant 1 : i32
        %dma_start3A_868 = arith.constant 0 : i32
        %dma_start3A_869 = arith.constant 0 : i32
        %dma_start3A_870 = tpu.memref_slice %arg9[%dma_start3A_867, %dma_start3A_868, %dma_start3A_869] : memref<4x128x64xf32, #tpu.memory_space<vmem>> -> memref<1x128x64xf32, #tpu.memory_space<vmem>>
        %dma_start3A_871 = tpu.memref_squeeze %dma_start3A_870 : memref<1x128x64xf32, #tpu.memory_space<vmem>> -> memref<128x64xf32, #tpu.memory_space<vmem>>
        %dma_start3A_872 = arith.constant 0 : i32
        %dma_start3A_873 = tpu.memref_slice %arg7[%select_n3A_74, %dma_start3A_866, %dma_start3A_872] : memref<2x16x128xi32, #tpu.memory_space<vmem>> -> memref<1x1x128xi32, #tpu.memory_space<vmem>>
        %dma_start3A_874 = tpu.memref_squeeze %dma_start3A_873 : memref<1x1x128xi32, #tpu.memory_space<vmem>> -> memref<128xi32, #tpu.memory_space<vmem>>
        %dma_start3A_875 = arith.constant 0 : i32
        %dma_start3A_876 = arith.constant 0 : i32
        %dma_start3A_877 = tpu.memref_slice %arg10[%dma_start3A_875, %dma_start3A_876] : memref<10000x64xf32, #tpu.memory_space<vmem_shared>> -> memref<10000x64xf32, #tpu.memory_space<vmem_shared>>
        tpu.enqueue_indirect_dma source(%dma_start3A_877 : memref<10000x64xf32, #tpu.memory_space<vmem_shared>>) target(%dma_start3A_871 : memref<128x64xf32, #tpu.memory_space<vmem>>) offsets(%dma_start3A_874 : memref<128xi32, #tpu.memory_space<vmem>>) semaphore(%arg13 : memref<!tpu.dma_semaphore, #tpu.memory_space<semaphore_mem>>)
      } else {
      }
      %dma_wait3A_259 = arith.constant 3 : i32
      %dma_wait3A_260 = arith.constant 3 : i32
      %dma_wait3A_261 = arith.constant 0 : i32
      %dma_wait3A_262 = arith.constant 0 : i32
      %dma_wait3A_263 = tpu.memref_slice %arg9[%dma_wait3A_260, %dma_wait3A_261, %dma_wait3A_262] : memref<4x128x64xf32, #tpu.memory_space<vmem>> -> memref<1x128x64xf32, #tpu.memory_space<vmem>>
      %dma_wait3A_264 = tpu.memref_squeeze %dma_wait3A_263 : memref<1x128x64xf32, #tpu.memory_space<vmem>> -> memref<128x64xf32, #tpu.memory_space<vmem>>
      %dma_wait3A_265 = arith.constant 0 : i32
      %dma_wait3A_266 = tpu.memref_slice %arg7[%select_n3A_74, %dma_wait3A_259, %dma_wait3A_265] : memref<2x16x128xi32, #tpu.memory_space<vmem>> -> memref<1x1x128xi32, #tpu.memory_space<vmem>>
      %dma_wait3A_267 = tpu.memref_squeeze %dma_wait3A_266 : memref<1x1x128xi32, #tpu.memory_space<vmem>> -> memref<128xi32, #tpu.memory_space<vmem>>
      %dma_wait3A_268 = arith.constant 0 : i32
      %dma_wait3A_269 = arith.constant 0 : i32
      %dma_wait3A_270 = tpu.memref_slice %arg10[%dma_wait3A_268, %dma_wait3A_269] : memref<10000x64xf32, #tpu.memory_space<vmem_shared>> -> memref<10000x64xf32, #tpu.memory_space<vmem_shared>>
      tpu.wait_indirect_dma semaphore(%arg15 : memref<!tpu.dma_semaphore, #tpu.memory_space<semaphore_mem>>) src(%dma_wait3A_270 : memref<10000x64xf32, #tpu.memory_space<vmem_shared>>) dst(%dma_wait3A_264 : memref<128x64xf32, #tpu.memory_space<vmem>>)
      %dma_start3A_271 = arith.constant 3 : i32
      %dma_start3A_272 = arith.constant 3 : i32
      %dma_start3A_273 = arith.constant 0 : i32
      %dma_start3A_274 = arith.constant 0 : i32
      %dma_start3A_275 = tpu.memref_slice %arg9[%dma_start3A_271, %dma_start3A_273, %dma_start3A_274] : memref<4x128x64xf32, #tpu.memory_space<vmem>> -> memref<1x128x64xf32, #tpu.memory_space<vmem>>
      %dma_start3A_276 = tpu.memref_squeeze %dma_start3A_275 : memref<1x128x64xf32, #tpu.memory_space<vmem>> -> memref<128x64xf32, #tpu.memory_space<vmem>>
      %dma_start3A_277 = arith.constant 0 : i32
      %dma_start3A_278 = tpu.memref_slice %arg8[%select_n3A_74, %dma_start3A_272, %dma_start3A_277] : memref<2x16x128xi32, #tpu.memory_space<vmem>> -> memref<1x1x128xi32, #tpu.memory_space<vmem>>
      %dma_start3A_279 = tpu.memref_squeeze %dma_start3A_278 : memref<1x1x128xi32, #tpu.memory_space<vmem>> -> memref<128xi32, #tpu.memory_space<vmem>>
      %dma_start3A_280 = arith.constant 0 : i32
      %dma_start3A_281 = arith.constant 0 : i32
      %dma_start3A_282 = tpu.memref_slice %arg11[%dma_start3A_280, %dma_start3A_281] : memref<10016x64xf32, #tpu.memory_space<vmem_shared>> -> memref<10016x64xf32, #tpu.memory_space<vmem_shared>>
      tpu.enqueue_indirect_dma source(%dma_start3A_276 : memref<128x64xf32, #tpu.memory_space<vmem>>) target(%dma_start3A_282 : memref<10016x64xf32, #tpu.memory_space<vmem_shared>>) offsets(%dma_start3A_279 : memref<128xi32, #tpu.memory_space<vmem>>) semaphore(%arg19 : memref<!tpu.dma_semaphore, #tpu.memory_space<semaphore_mem>>) {add = true}
      %mul3A_283 = arith.constant 16 : i32
      %mul3A_284 = arith.muli %scan3A_66, %mul3A_283 : i32
      %add3A_285 = arith.constant 4 : i32
      %add3A_286 = arith.addi %mul3A_284, %add3A_285 : i32
      %dma_wait3A_287 = arith.constant 2 : i32
      %dma_wait3A_288 = arith.constant 0 : i32
      %dma_wait3A_289 = arith.constant 0 : i32
      %dma_wait3A_290 = arith.constant 0 : i32
      %dma_wait3A_291 = arith.constant 0 : i32
      %dma_wait3A_292 = tpu.memref_slice %arg9[%dma_wait3A_287, %dma_wait3A_290, %dma_wait3A_291] : memref<4x128x64xf32, #tpu.memory_space<vmem>> -> memref<1x128x64xf32, #tpu.memory_space<vmem>>
      %dma_wait3A_293 = tpu.memref_squeeze %dma_wait3A_292 : memref<1x128x64xf32, #tpu.memory_space<vmem>> -> memref<128x64xf32, #tpu.memory_space<vmem>>
      %dma_wait3A_294 = arith.constant 0 : i32
      %dma_wait3A_295 = tpu.memref_slice %arg8[%dma_wait3A_288, %dma_wait3A_289, %dma_wait3A_294] : memref<2x16x128xi32, #tpu.memory_space<vmem>> -> memref<1x1x128xi32, #tpu.memory_space<vmem>>
      %dma_wait3A_296 = tpu.memref_squeeze %dma_wait3A_295 : memref<1x1x128xi32, #tpu.memory_space<vmem>> -> memref<128xi32, #tpu.memory_space<vmem>>
      %dma_wait3A_297 = arith.constant 0 : i32
      %dma_wait3A_298 = arith.constant 0 : i32
      %dma_wait3A_299 = tpu.memref_slice %arg11[%dma_wait3A_297, %dma_wait3A_298] : memref<10016x64xf32, #tpu.memory_space<vmem_shared>> -> memref<10016x64xf32, #tpu.memory_space<vmem_shared>>
      tpu.wait_indirect_dma semaphore(%arg18 : memref<!tpu.dma_semaphore, #tpu.memory_space<semaphore_mem>>) src(%dma_wait3A_293 : memref<128x64xf32, #tpu.memory_space<vmem>>) dst(%dma_wait3A_299 : memref<10016x64xf32, #tpu.memory_space<vmem_shared>>)
      %add3A_300 = arith.constant 2 : i32
      %add3A_301 = arith.addi %add3A_286, %add3A_300 : i32
      %lt3A_302 = arith.constant 160 : i32
      %lt3A_303 = arith.cmpi slt, %add3A_301, %lt3A_302 : i32
      %convert_element_type3A_304 = arith.extui %lt3A_303 : i1 to i32
      %cond3A_305 = arith.constant 0 : i32
      %cond3A_306 = arith.cmpi ne, %convert_element_type3A_304, %cond3A_305 : i32
      scf.if %cond3A_306 {
        %dma_start3A_866 = arith.constant 6 : i32
        %dma_start3A_867 = arith.constant 2 : i32
        %dma_start3A_868 = arith.constant 0 : i32
        %dma_start3A_869 = arith.constant 0 : i32
        %dma_start3A_870 = tpu.memref_slice %arg9[%dma_start3A_867, %dma_start3A_868, %dma_start3A_869] : memref<4x128x64xf32, #tpu.memory_space<vmem>> -> memref<1x128x64xf32, #tpu.memory_space<vmem>>
        %dma_start3A_871 = tpu.memref_squeeze %dma_start3A_870 : memref<1x128x64xf32, #tpu.memory_space<vmem>> -> memref<128x64xf32, #tpu.memory_space<vmem>>
        %dma_start3A_872 = arith.constant 0 : i32
        %dma_start3A_873 = tpu.memref_slice %arg7[%select_n3A_74, %dma_start3A_866, %dma_start3A_872] : memref<2x16x128xi32, #tpu.memory_space<vmem>> -> memref<1x1x128xi32, #tpu.memory_space<vmem>>
        %dma_start3A_874 = tpu.memref_squeeze %dma_start3A_873 : memref<1x1x128xi32, #tpu.memory_space<vmem>> -> memref<128xi32, #tpu.memory_space<vmem>>
        %dma_start3A_875 = arith.constant 0 : i32
        %dma_start3A_876 = arith.constant 0 : i32
        %dma_start3A_877 = tpu.memref_slice %arg10[%dma_start3A_875, %dma_start3A_876] : memref<10000x64xf32, #tpu.memory_space<vmem_shared>> -> memref<10000x64xf32, #tpu.memory_space<vmem_shared>>
        tpu.enqueue_indirect_dma source(%dma_start3A_877 : memref<10000x64xf32, #tpu.memory_space<vmem_shared>>) target(%dma_start3A_871 : memref<128x64xf32, #tpu.memory_space<vmem>>) offsets(%dma_start3A_874 : memref<128xi32, #tpu.memory_space<vmem>>) semaphore(%arg14 : memref<!tpu.dma_semaphore, #tpu.memory_space<semaphore_mem>>)
      } else {
      }
      %dma_wait3A_307 = arith.constant 4 : i32
      %dma_wait3A_308 = arith.constant 0 : i32
      %dma_wait3A_309 = arith.constant 0 : i32
      %dma_wait3A_310 = arith.constant 0 : i32
      %dma_wait3A_311 = tpu.memref_slice %arg9[%dma_wait3A_308, %dma_wait3A_309, %dma_wait3A_310] : memref<4x128x64xf32, #tpu.memory_space<vmem>> -> memref<1x128x64xf32, #tpu.memory_space<vmem>>
      %dma_wait3A_312 = tpu.memref_squeeze %dma_wait3A_311 : memref<1x128x64xf32, #tpu.memory_space<vmem>> -> memref<128x64xf32, #tpu.memory_space<vmem>>
      %dma_wait3A_313 = arith.constant 0 : i32
      %dma_wait3A_314 = tpu.memref_slice %arg7[%select_n3A_74, %dma_wait3A_307, %dma_wait3A_313] : memref<2x16x128xi32, #tpu.memory_space<vmem>> -> memref<1x1x128xi32, #tpu.memory_space<vmem>>
      %dma_wait3A_315 = tpu.memref_squeeze %dma_wait3A_314 : memref<1x1x128xi32, #tpu.memory_space<vmem>> -> memref<128xi32, #tpu.memory_space<vmem>>
      %dma_wait3A_316 = arith.constant 0 : i32
      %dma_wait3A_317 = arith.constant 0 : i32
      %dma_wait3A_318 = tpu.memref_slice %arg10[%dma_wait3A_316, %dma_wait3A_317] : memref<10000x64xf32, #tpu.memory_space<vmem_shared>> -> memref<10000x64xf32, #tpu.memory_space<vmem_shared>>
      tpu.wait_indirect_dma semaphore(%arg12 : memref<!tpu.dma_semaphore, #tpu.memory_space<semaphore_mem>>) src(%dma_wait3A_318 : memref<10000x64xf32, #tpu.memory_space<vmem_shared>>) dst(%dma_wait3A_312 : memref<128x64xf32, #tpu.memory_space<vmem>>)
      %dma_start3A_319 = arith.constant 0 : i32
      %dma_start3A_320 = arith.constant 4 : i32
      %dma_start3A_321 = arith.constant 0 : i32
      %dma_start3A_322 = arith.constant 0 : i32
      %dma_start3A_323 = tpu.memref_slice %arg9[%dma_start3A_319, %dma_start3A_321, %dma_start3A_322] : memref<4x128x64xf32, #tpu.memory_space<vmem>> -> memref<1x128x64xf32, #tpu.memory_space<vmem>>
      %dma_start3A_324 = tpu.memref_squeeze %dma_start3A_323 : memref<1x128x64xf32, #tpu.memory_space<vmem>> -> memref<128x64xf32, #tpu.memory_space<vmem>>
      %dma_start3A_325 = arith.constant 0 : i32
      %dma_start3A_326 = tpu.memref_slice %arg8[%select_n3A_74, %dma_start3A_320, %dma_start3A_325] : memref<2x16x128xi32, #tpu.memory_space<vmem>> -> memref<1x1x128xi32, #tpu.memory_space<vmem>>
      %dma_start3A_327 = tpu.memref_squeeze %dma_start3A_326 : memref<1x1x128xi32, #tpu.memory_space<vmem>> -> memref<128xi32, #tpu.memory_space<vmem>>
      %dma_start3A_328 = arith.constant 0 : i32
      %dma_start3A_329 = arith.constant 0 : i32
      %dma_start3A_330 = tpu.memref_slice %arg11[%dma_start3A_328, %dma_start3A_329] : memref<10016x64xf32, #tpu.memory_space<vmem_shared>> -> memref<10016x64xf32, #tpu.memory_space<vmem_shared>>
      tpu.enqueue_indirect_dma source(%dma_start3A_324 : memref<128x64xf32, #tpu.memory_space<vmem>>) target(%dma_start3A_330 : memref<10016x64xf32, #tpu.memory_space<vmem_shared>>) offsets(%dma_start3A_327 : memref<128xi32, #tpu.memory_space<vmem>>) semaphore(%arg16 : memref<!tpu.dma_semaphore, #tpu.memory_space<semaphore_mem>>) {add = true}
      %mul3A_331 = arith.constant 16 : i32
      %mul3A_332 = arith.muli %scan3A_66, %mul3A_331 : i32
      %add3A_333 = arith.constant 5 : i32
      %add3A_334 = arith.addi %mul3A_332, %add3A_333 : i32
      %dma_wait3A_335 = arith.constant 3 : i32
      %dma_wait3A_336 = arith.constant 0 : i32
      %dma_wait3A_337 = arith.constant 0 : i32
      %dma_wait3A_338 = arith.constant 0 : i32
      %dma_wait3A_339 = arith.constant 0 : i32
      %dma_wait3A_340 = tpu.memref_slice %arg9[%dma_wait3A_335, %dma_wait3A_338, %dma_wait3A_339] : memref<4x128x64xf32, #tpu.memory_space<vmem>> -> memref<1x128x64xf32, #tpu.memory_space<vmem>>
      %dma_wait3A_341 = tpu.memref_squeeze %dma_wait3A_340 : memref<1x128x64xf32, #tpu.memory_space<vmem>> -> memref<128x64xf32, #tpu.memory_space<vmem>>
      %dma_wait3A_342 = arith.constant 0 : i32
      %dma_wait3A_343 = tpu.memref_slice %arg8[%dma_wait3A_336, %dma_wait3A_337, %dma_wait3A_342] : memref<2x16x128xi32, #tpu.memory_space<vmem>> -> memref<1x1x128xi32, #tpu.memory_space<vmem>>
      %dma_wait3A_344 = tpu.memref_squeeze %dma_wait3A_343 : memref<1x1x128xi32, #tpu.memory_space<vmem>> -> memref<128xi32, #tpu.memory_space<vmem>>
      %dma_wait3A_345 = arith.constant 0 : i32
      %dma_wait3A_346 = arith.constant 0 : i32
      %dma_wait3A_347 = tpu.memref_slice %arg11[%dma_wait3A_345, %dma_wait3A_346] : memref<10016x64xf32, #tpu.memory_space<vmem_shared>> -> memref<10016x64xf32, #tpu.memory_space<vmem_shared>>
      tpu.wait_indirect_dma semaphore(%arg19 : memref<!tpu.dma_semaphore, #tpu.memory_space<semaphore_mem>>) src(%dma_wait3A_341 : memref<128x64xf32, #tpu.memory_space<vmem>>) dst(%dma_wait3A_347 : memref<10016x64xf32, #tpu.memory_space<vmem_shared>>)
      %add3A_348 = arith.constant 2 : i32
      %add3A_349 = arith.addi %add3A_334, %add3A_348 : i32
      %lt3A_350 = arith.constant 160 : i32
      %lt3A_351 = arith.cmpi slt, %add3A_349, %lt3A_350 : i32
      %convert_element_type3A_352 = arith.extui %lt3A_351 : i1 to i32
      %cond3A_353 = arith.constant 0 : i32
      %cond3A_354 = arith.cmpi ne, %convert_element_type3A_352, %cond3A_353 : i32
      scf.if %cond3A_354 {
        %dma_start3A_866 = arith.constant 7 : i32
        %dma_start3A_867 = arith.constant 3 : i32
        %dma_start3A_868 = arith.constant 0 : i32
        %dma_start3A_869 = arith.constant 0 : i32
        %dma_start3A_870 = tpu.memref_slice %arg9[%dma_start3A_867, %dma_start3A_868, %dma_start3A_869] : memref<4x128x64xf32, #tpu.memory_space<vmem>> -> memref<1x128x64xf32, #tpu.memory_space<vmem>>
        %dma_start3A_871 = tpu.memref_squeeze %dma_start3A_870 : memref<1x128x64xf32, #tpu.memory_space<vmem>> -> memref<128x64xf32, #tpu.memory_space<vmem>>
        %dma_start3A_872 = arith.constant 0 : i32
        %dma_start3A_873 = tpu.memref_slice %arg7[%select_n3A_74, %dma_start3A_866, %dma_start3A_872] : memref<2x16x128xi32, #tpu.memory_space<vmem>> -> memref<1x1x128xi32, #tpu.memory_space<vmem>>
        %dma_start3A_874 = tpu.memref_squeeze %dma_start3A_873 : memref<1x1x128xi32, #tpu.memory_space<vmem>> -> memref<128xi32, #tpu.memory_space<vmem>>
        %dma_start3A_875 = arith.constant 0 : i32
        %dma_start3A_876 = arith.constant 0 : i32
        %dma_start3A_877 = tpu.memref_slice %arg10[%dma_start3A_875, %dma_start3A_876] : memref<10000x64xf32, #tpu.memory_space<vmem_shared>> -> memref<10000x64xf32, #tpu.memory_space<vmem_shared>>
        tpu.enqueue_indirect_dma source(%dma_start3A_877 : memref<10000x64xf32, #tpu.memory_space<vmem_shared>>) target(%dma_start3A_871 : memref<128x64xf32, #tpu.memory_space<vmem>>) offsets(%dma_start3A_874 : memref<128xi32, #tpu.memory_space<vmem>>) semaphore(%arg15 : memref<!tpu.dma_semaphore, #tpu.memory_space<semaphore_mem>>)
      } else {
      }
      %dma_wait3A_355 = arith.constant 5 : i32
      %dma_wait3A_356 = arith.constant 1 : i32
      %dma_wait3A_357 = arith.constant 0 : i32
      %dma_wait3A_358 = arith.constant 0 : i32
      %dma_wait3A_359 = tpu.memref_slice %arg9[%dma_wait3A_356, %dma_wait3A_357, %dma_wait3A_358] : memref<4x128x64xf32, #tpu.memory_space<vmem>> -> memref<1x128x64xf32, #tpu.memory_space<vmem>>
      %dma_wait3A_360 = tpu.memref_squeeze %dma_wait3A_359 : memref<1x128x64xf32, #tpu.memory_space<vmem>> -> memref<128x64xf32, #tpu.memory_space<vmem>>
      %dma_wait3A_361 = arith.constant 0 : i32
      %dma_wait3A_362 = tpu.memref_slice %arg7[%select_n3A_74, %dma_wait3A_355, %dma_wait3A_361] : memref<2x16x128xi32, #tpu.memory_space<vmem>> -> memref<1x1x128xi32, #tpu.memory_space<vmem>>
      %dma_wait3A_363 = tpu.memref_squeeze %dma_wait3A_362 : memref<1x1x128xi32, #tpu.memory_space<vmem>> -> memref<128xi32, #tpu.memory_space<vmem>>
      %dma_wait3A_364 = arith.constant 0 : i32
      %dma_wait3A_365 = arith.constant 0 : i32
      %dma_wait3A_366 = tpu.memref_slice %arg10[%dma_wait3A_364, %dma_wait3A_365] : memref<10000x64xf32, #tpu.memory_space<vmem_shared>> -> memref<10000x64xf32, #tpu.memory_space<vmem_shared>>
      tpu.wait_indirect_dma semaphore(%arg13 : memref<!tpu.dma_semaphore, #tpu.memory_space<semaphore_mem>>) src(%dma_wait3A_366 : memref<10000x64xf32, #tpu.memory_space<vmem_shared>>) dst(%dma_wait3A_360 : memref<128x64xf32, #tpu.memory_space<vmem>>)
      %dma_start3A_367 = arith.constant 1 : i32
      %dma_start3A_368 = arith.constant 5 : i32
      %dma_start3A_369 = arith.constant 0 : i32
      %dma_start3A_370 = arith.constant 0 : i32
      %dma_start3A_371 = tpu.memref_slice %arg9[%dma_start3A_367, %dma_start3A_369, %dma_start3A_370] : memref<4x128x64xf32, #tpu.memory_space<vmem>> -> memref<1x128x64xf32, #tpu.memory_space<vmem>>
      %dma_start3A_372 = tpu.memref_squeeze %dma_start3A_371 : memref<1x128x64xf32, #tpu.memory_space<vmem>> -> memref<128x64xf32, #tpu.memory_space<vmem>>
      %dma_start3A_373 = arith.constant 0 : i32
      %dma_start3A_374 = tpu.memref_slice %arg8[%select_n3A_74, %dma_start3A_368, %dma_start3A_373] : memref<2x16x128xi32, #tpu.memory_space<vmem>> -> memref<1x1x128xi32, #tpu.memory_space<vmem>>
      %dma_start3A_375 = tpu.memref_squeeze %dma_start3A_374 : memref<1x1x128xi32, #tpu.memory_space<vmem>> -> memref<128xi32, #tpu.memory_space<vmem>>
      %dma_start3A_376 = arith.constant 0 : i32
      %dma_start3A_377 = arith.constant 0 : i32
      %dma_start3A_378 = tpu.memref_slice %arg11[%dma_start3A_376, %dma_start3A_377] : memref<10016x64xf32, #tpu.memory_space<vmem_shared>> -> memref<10016x64xf32, #tpu.memory_space<vmem_shared>>
      tpu.enqueue_indirect_dma source(%dma_start3A_372 : memref<128x64xf32, #tpu.memory_space<vmem>>) target(%dma_start3A_378 : memref<10016x64xf32, #tpu.memory_space<vmem_shared>>) offsets(%dma_start3A_375 : memref<128xi32, #tpu.memory_space<vmem>>) semaphore(%arg17 : memref<!tpu.dma_semaphore, #tpu.memory_space<semaphore_mem>>) {add = true}
      %mul3A_379 = arith.constant 16 : i32
      %mul3A_380 = arith.muli %scan3A_66, %mul3A_379 : i32
      %add3A_381 = arith.constant 6 : i32
      %add3A_382 = arith.addi %mul3A_380, %add3A_381 : i32
      %dma_wait3A_383 = arith.constant 0 : i32
      %dma_wait3A_384 = arith.constant 0 : i32
      %dma_wait3A_385 = arith.constant 0 : i32
      %dma_wait3A_386 = arith.constant 0 : i32
      %dma_wait3A_387 = arith.constant 0 : i32
      %dma_wait3A_388 = tpu.memref_slice %arg9[%dma_wait3A_383, %dma_wait3A_386, %dma_wait3A_387] : memref<4x128x64xf32, #tpu.memory_space<vmem>> -> memref<1x128x64xf32, #tpu.memory_space<vmem>>
      %dma_wait3A_389 = tpu.memref_squeeze %dma_wait3A_388 : memref<1x128x64xf32, #tpu.memory_space<vmem>> -> memref<128x64xf32, #tpu.memory_space<vmem>>
      %dma_wait3A_390 = arith.constant 0 : i32
      %dma_wait3A_391 = tpu.memref_slice %arg8[%dma_wait3A_384, %dma_wait3A_385, %dma_wait3A_390] : memref<2x16x128xi32, #tpu.memory_space<vmem>> -> memref<1x1x128xi32, #tpu.memory_space<vmem>>
      %dma_wait3A_392 = tpu.memref_squeeze %dma_wait3A_391 : memref<1x1x128xi32, #tpu.memory_space<vmem>> -> memref<128xi32, #tpu.memory_space<vmem>>
      %dma_wait3A_393 = arith.constant 0 : i32
      %dma_wait3A_394 = arith.constant 0 : i32
      %dma_wait3A_395 = tpu.memref_slice %arg11[%dma_wait3A_393, %dma_wait3A_394] : memref<10016x64xf32, #tpu.memory_space<vmem_shared>> -> memref<10016x64xf32, #tpu.memory_space<vmem_shared>>
      tpu.wait_indirect_dma semaphore(%arg16 : memref<!tpu.dma_semaphore, #tpu.memory_space<semaphore_mem>>) src(%dma_wait3A_389 : memref<128x64xf32, #tpu.memory_space<vmem>>) dst(%dma_wait3A_395 : memref<10016x64xf32, #tpu.memory_space<vmem_shared>>)
      %add3A_396 = arith.constant 2 : i32
      %add3A_397 = arith.addi %add3A_382, %add3A_396 : i32
      %lt3A_398 = arith.constant 160 : i32
      %lt3A_399 = arith.cmpi slt, %add3A_397, %lt3A_398 : i32
      %convert_element_type3A_400 = arith.extui %lt3A_399 : i1 to i32
      %cond3A_401 = arith.constant 0 : i32
      %cond3A_402 = arith.cmpi ne, %convert_element_type3A_400, %cond3A_401 : i32
      scf.if %cond3A_402 {
        %dma_start3A_866 = arith.constant 8 : i32
        %dma_start3A_867 = arith.constant 0 : i32
        %dma_start3A_868 = arith.constant 0 : i32
        %dma_start3A_869 = arith.constant 0 : i32
        %dma_start3A_870 = tpu.memref_slice %arg9[%dma_start3A_867, %dma_start3A_868, %dma_start3A_869] : memref<4x128x64xf32, #tpu.memory_space<vmem>> -> memref<1x128x64xf32, #tpu.memory_space<vmem>>
        %dma_start3A_871 = tpu.memref_squeeze %dma_start3A_870 : memref<1x128x64xf32, #tpu.memory_space<vmem>> -> memref<128x64xf32, #tpu.memory_space<vmem>>
        %dma_start3A_872 = arith.constant 0 : i32
        %dma_start3A_873 = tpu.memref_slice %arg7[%select_n3A_74, %dma_start3A_866, %dma_start3A_872] : memref<2x16x128xi32, #tpu.memory_space<vmem>> -> memref<1x1x128xi32, #tpu.memory_space<vmem>>
        %dma_start3A_874 = tpu.memref_squeeze %dma_start3A_873 : memref<1x1x128xi32, #tpu.memory_space<vmem>> -> memref<128xi32, #tpu.memory_space<vmem>>
        %dma_start3A_875 = arith.constant 0 : i32
        %dma_start3A_876 = arith.constant 0 : i32
        %dma_start3A_877 = tpu.memref_slice %arg10[%dma_start3A_875, %dma_start3A_876] : memref<10000x64xf32, #tpu.memory_space<vmem_shared>> -> memref<10000x64xf32, #tpu.memory_space<vmem_shared>>
        tpu.enqueue_indirect_dma source(%dma_start3A_877 : memref<10000x64xf32, #tpu.memory_space<vmem_shared>>) target(%dma_start3A_871 : memref<128x64xf32, #tpu.memory_space<vmem>>) offsets(%dma_start3A_874 : memref<128xi32, #tpu.memory_space<vmem>>) semaphore(%arg12 : memref<!tpu.dma_semaphore, #tpu.memory_space<semaphore_mem>>)
      } else {
      }
      %dma_wait3A_403 = arith.constant 6 : i32
      %dma_wait3A_404 = arith.constant 2 : i32
      %dma_wait3A_405 = arith.constant 0 : i32
      %dma_wait3A_406 = arith.constant 0 : i32
      %dma_wait3A_407 = tpu.memref_slice %arg9[%dma_wait3A_404, %dma_wait3A_405, %dma_wait3A_406] : memref<4x128x64xf32, #tpu.memory_space<vmem>> -> memref<1x128x64xf32, #tpu.memory_space<vmem>>
      %dma_wait3A_408 = tpu.memref_squeeze %dma_wait3A_407 : memref<1x128x64xf32, #tpu.memory_space<vmem>> -> memref<128x64xf32, #tpu.memory_space<vmem>>
      %dma_wait3A_409 = arith.constant 0 : i32
      %dma_wait3A_410 = tpu.memref_slice %arg7[%select_n3A_74, %dma_wait3A_403, %dma_wait3A_409] : memref<2x16x128xi32, #tpu.memory_space<vmem>> -> memref<1x1x128xi32, #tpu.memory_space<vmem>>
      %dma_wait3A_411 = tpu.memref_squeeze %dma_wait3A_410 : memref<1x1x128xi32, #tpu.memory_space<vmem>> -> memref<128xi32, #tpu.memory_space<vmem>>
      %dma_wait3A_412 = arith.constant 0 : i32
      %dma_wait3A_413 = arith.constant 0 : i32
      %dma_wait3A_414 = tpu.memref_slice %arg10[%dma_wait3A_412, %dma_wait3A_413] : memref<10000x64xf32, #tpu.memory_space<vmem_shared>> -> memref<10000x64xf32, #tpu.memory_space<vmem_shared>>
      tpu.wait_indirect_dma semaphore(%arg14 : memref<!tpu.dma_semaphore, #tpu.memory_space<semaphore_mem>>) src(%dma_wait3A_414 : memref<10000x64xf32, #tpu.memory_space<vmem_shared>>) dst(%dma_wait3A_408 : memref<128x64xf32, #tpu.memory_space<vmem>>)
      %dma_start3A_415 = arith.constant 2 : i32
      %dma_start3A_416 = arith.constant 6 : i32
      %dma_start3A_417 = arith.constant 0 : i32
      %dma_start3A_418 = arith.constant 0 : i32
      %dma_start3A_419 = tpu.memref_slice %arg9[%dma_start3A_415, %dma_start3A_417, %dma_start3A_418] : memref<4x128x64xf32, #tpu.memory_space<vmem>> -> memref<1x128x64xf32, #tpu.memory_space<vmem>>
      %dma_start3A_420 = tpu.memref_squeeze %dma_start3A_419 : memref<1x128x64xf32, #tpu.memory_space<vmem>> -> memref<128x64xf32, #tpu.memory_space<vmem>>
      %dma_start3A_421 = arith.constant 0 : i32
      %dma_start3A_422 = tpu.memref_slice %arg8[%select_n3A_74, %dma_start3A_416, %dma_start3A_421] : memref<2x16x128xi32, #tpu.memory_space<vmem>> -> memref<1x1x128xi32, #tpu.memory_space<vmem>>
      %dma_start3A_423 = tpu.memref_squeeze %dma_start3A_422 : memref<1x1x128xi32, #tpu.memory_space<vmem>> -> memref<128xi32, #tpu.memory_space<vmem>>
      %dma_start3A_424 = arith.constant 0 : i32
      %dma_start3A_425 = arith.constant 0 : i32
      %dma_start3A_426 = tpu.memref_slice %arg11[%dma_start3A_424, %dma_start3A_425] : memref<10016x64xf32, #tpu.memory_space<vmem_shared>> -> memref<10016x64xf32, #tpu.memory_space<vmem_shared>>
      tpu.enqueue_indirect_dma source(%dma_start3A_420 : memref<128x64xf32, #tpu.memory_space<vmem>>) target(%dma_start3A_426 : memref<10016x64xf32, #tpu.memory_space<vmem_shared>>) offsets(%dma_start3A_423 : memref<128xi32, #tpu.memory_space<vmem>>) semaphore(%arg18 : memref<!tpu.dma_semaphore, #tpu.memory_space<semaphore_mem>>) {add = true}
      %mul3A_427 = arith.constant 16 : i32
      %mul3A_428 = arith.muli %scan3A_66, %mul3A_427 : i32
      %add3A_429 = arith.constant 7 : i32
      %add3A_430 = arith.addi %mul3A_428, %add3A_429 : i32
      %dma_wait3A_431 = arith.constant 1 : i32
      %dma_wait3A_432 = arith.constant 0 : i32
      %dma_wait3A_433 = arith.constant 0 : i32
      %dma_wait3A_434 = arith.constant 0 : i32
      %dma_wait3A_435 = arith.constant 0 : i32
      %dma_wait3A_436 = tpu.memref_slice %arg9[%dma_wait3A_431, %dma_wait3A_434, %dma_wait3A_435] : memref<4x128x64xf32, #tpu.memory_space<vmem>> -> memref<1x128x64xf32, #tpu.memory_space<vmem>>
      %dma_wait3A_437 = tpu.memref_squeeze %dma_wait3A_436 : memref<1x128x64xf32, #tpu.memory_space<vmem>> -> memref<128x64xf32, #tpu.memory_space<vmem>>
      %dma_wait3A_438 = arith.constant 0 : i32
      %dma_wait3A_439 = tpu.memref_slice %arg8[%dma_wait3A_432, %dma_wait3A_433, %dma_wait3A_438] : memref<2x16x128xi32, #tpu.memory_space<vmem>> -> memref<1x1x128xi32, #tpu.memory_space<vmem>>
      %dma_wait3A_440 = tpu.memref_squeeze %dma_wait3A_439 : memref<1x1x128xi32, #tpu.memory_space<vmem>> -> memref<128xi32, #tpu.memory_space<vmem>>
      %dma_wait3A_441 = arith.constant 0 : i32
      %dma_wait3A_442 = arith.constant 0 : i32
      %dma_wait3A_443 = tpu.memref_slice %arg11[%dma_wait3A_441, %dma_wait3A_442] : memref<10016x64xf32, #tpu.memory_space<vmem_shared>> -> memref<10016x64xf32, #tpu.memory_space<vmem_shared>>
      tpu.wait_indirect_dma semaphore(%arg17 : memref<!tpu.dma_semaphore, #tpu.memory_space<semaphore_mem>>) src(%dma_wait3A_437 : memref<128x64xf32, #tpu.memory_space<vmem>>) dst(%dma_wait3A_443 : memref<10016x64xf32, #tpu.memory_space<vmem_shared>>)
      %add3A_444 = arith.constant 2 : i32
      %add3A_445 = arith.addi %add3A_430, %add3A_444 : i32
      %lt3A_446 = arith.constant 160 : i32
      %lt3A_447 = arith.cmpi slt, %add3A_445, %lt3A_446 : i32
      %convert_element_type3A_448 = arith.extui %lt3A_447 : i1 to i32
      %cond3A_449 = arith.constant 0 : i32
      %cond3A_450 = arith.cmpi ne, %convert_element_type3A_448, %cond3A_449 : i32
      scf.if %cond3A_450 {
        %dma_start3A_866 = arith.constant 9 : i32
        %dma_start3A_867 = arith.constant 1 : i32
        %dma_start3A_868 = arith.constant 0 : i32
        %dma_start3A_869 = arith.constant 0 : i32
        %dma_start3A_870 = tpu.memref_slice %arg9[%dma_start3A_867, %dma_start3A_868, %dma_start3A_869] : memref<4x128x64xf32, #tpu.memory_space<vmem>> -> memref<1x128x64xf32, #tpu.memory_space<vmem>>
        %dma_start3A_871 = tpu.memref_squeeze %dma_start3A_870 : memref<1x128x64xf32, #tpu.memory_space<vmem>> -> memref<128x64xf32, #tpu.memory_space<vmem>>
        %dma_start3A_872 = arith.constant 0 : i32
        %dma_start3A_873 = tpu.memref_slice %arg7[%select_n3A_74, %dma_start3A_866, %dma_start3A_872] : memref<2x16x128xi32, #tpu.memory_space<vmem>> -> memref<1x1x128xi32, #tpu.memory_space<vmem>>
        %dma_start3A_874 = tpu.memref_squeeze %dma_start3A_873 : memref<1x1x128xi32, #tpu.memory_space<vmem>> -> memref<128xi32, #tpu.memory_space<vmem>>
        %dma_start3A_875 = arith.constant 0 : i32
        %dma_start3A_876 = arith.constant 0 : i32
        %dma_start3A_877 = tpu.memref_slice %arg10[%dma_start3A_875, %dma_start3A_876] : memref<10000x64xf32, #tpu.memory_space<vmem_shared>> -> memref<10000x64xf32, #tpu.memory_space<vmem_shared>>
        tpu.enqueue_indirect_dma source(%dma_start3A_877 : memref<10000x64xf32, #tpu.memory_space<vmem_shared>>) target(%dma_start3A_871 : memref<128x64xf32, #tpu.memory_space<vmem>>) offsets(%dma_start3A_874 : memref<128xi32, #tpu.memory_space<vmem>>) semaphore(%arg13 : memref<!tpu.dma_semaphore, #tpu.memory_space<semaphore_mem>>)
      } else {
      }
      %dma_wait3A_451 = arith.constant 7 : i32
      %dma_wait3A_452 = arith.constant 3 : i32
      %dma_wait3A_453 = arith.constant 0 : i32
      %dma_wait3A_454 = arith.constant 0 : i32
      %dma_wait3A_455 = tpu.memref_slice %arg9[%dma_wait3A_452, %dma_wait3A_453, %dma_wait3A_454] : memref<4x128x64xf32, #tpu.memory_space<vmem>> -> memref<1x128x64xf32, #tpu.memory_space<vmem>>
      %dma_wait3A_456 = tpu.memref_squeeze %dma_wait3A_455 : memref<1x128x64xf32, #tpu.memory_space<vmem>> -> memref<128x64xf32, #tpu.memory_space<vmem>>
      %dma_wait3A_457 = arith.constant 0 : i32
      %dma_wait3A_458 = tpu.memref_slice %arg7[%select_n3A_74, %dma_wait3A_451, %dma_wait3A_457] : memref<2x16x128xi32, #tpu.memory_space<vmem>> -> memref<1x1x128xi32, #tpu.memory_space<vmem>>
      %dma_wait3A_459 = tpu.memref_squeeze %dma_wait3A_458 : memref<1x1x128xi32, #tpu.memory_space<vmem>> -> memref<128xi32, #tpu.memory_space<vmem>>
      %dma_wait3A_460 = arith.constant 0 : i32
      %dma_wait3A_461 = arith.constant 0 : i32
      %dma_wait3A_462 = tpu.memref_slice %arg10[%dma_wait3A_460, %dma_wait3A_461] : memref<10000x64xf32, #tpu.memory_space<vmem_shared>> -> memref<10000x64xf32, #tpu.memory_space<vmem_shared>>
      tpu.wait_indirect_dma semaphore(%arg15 : memref<!tpu.dma_semaphore, #tpu.memory_space<semaphore_mem>>) src(%dma_wait3A_462 : memref<10000x64xf32, #tpu.memory_space<vmem_shared>>) dst(%dma_wait3A_456 : memref<128x64xf32, #tpu.memory_space<vmem>>)
      %dma_start3A_463 = arith.constant 3 : i32
      %dma_start3A_464 = arith.constant 7 : i32
      %dma_start3A_465 = arith.constant 0 : i32
      %dma_start3A_466 = arith.constant 0 : i32
      %dma_start3A_467 = tpu.memref_slice %arg9[%dma_start3A_463, %dma_start3A_465, %dma_start3A_466] : memref<4x128x64xf32, #tpu.memory_space<vmem>> -> memref<1x128x64xf32, #tpu.memory_space<vmem>>
      %dma_start3A_468 = tpu.memref_squeeze %dma_start3A_467 : memref<1x128x64xf32, #tpu.memory_space<vmem>> -> memref<128x64xf32, #tpu.memory_space<vmem>>
      %dma_start3A_469 = arith.constant 0 : i32
      %dma_start3A_470 = tpu.memref_slice %arg8[%select_n3A_74, %dma_start3A_464, %dma_start3A_469] : memref<2x16x128xi32, #tpu.memory_space<vmem>> -> memref<1x1x128xi32, #tpu.memory_space<vmem>>
      %dma_start3A_471 = tpu.memref_squeeze %dma_start3A_470 : memref<1x1x128xi32, #tpu.memory_space<vmem>> -> memref<128xi32, #tpu.memory_space<vmem>>
      %dma_start3A_472 = arith.constant 0 : i32
      %dma_start3A_473 = arith.constant 0 : i32
      %dma_start3A_474 = tpu.memref_slice %arg11[%dma_start3A_472, %dma_start3A_473] : memref<10016x64xf32, #tpu.memory_space<vmem_shared>> -> memref<10016x64xf32, #tpu.memory_space<vmem_shared>>
      tpu.enqueue_indirect_dma source(%dma_start3A_468 : memref<128x64xf32, #tpu.memory_space<vmem>>) target(%dma_start3A_474 : memref<10016x64xf32, #tpu.memory_space<vmem_shared>>) offsets(%dma_start3A_471 : memref<128xi32, #tpu.memory_space<vmem>>) semaphore(%arg19 : memref<!tpu.dma_semaphore, #tpu.memory_space<semaphore_mem>>) {add = true}
      %mul3A_475 = arith.constant 16 : i32
      %mul3A_476 = arith.muli %scan3A_66, %mul3A_475 : i32
      %add3A_477 = arith.constant 8 : i32
      %add3A_478 = arith.addi %mul3A_476, %add3A_477 : i32
      %dma_wait3A_479 = arith.constant 2 : i32
      %dma_wait3A_480 = arith.constant 0 : i32
      %dma_wait3A_481 = arith.constant 0 : i32
      %dma_wait3A_482 = arith.constant 0 : i32
      %dma_wait3A_483 = arith.constant 0 : i32
      %dma_wait3A_484 = tpu.memref_slice %arg9[%dma_wait3A_479, %dma_wait3A_482, %dma_wait3A_483] : memref<4x128x64xf32, #tpu.memory_space<vmem>> -> memref<1x128x64xf32, #tpu.memory_space<vmem>>
      %dma_wait3A_485 = tpu.memref_squeeze %dma_wait3A_484 : memref<1x128x64xf32, #tpu.memory_space<vmem>> -> memref<128x64xf32, #tpu.memory_space<vmem>>
      %dma_wait3A_486 = arith.constant 0 : i32
      %dma_wait3A_487 = tpu.memref_slice %arg8[%dma_wait3A_480, %dma_wait3A_481, %dma_wait3A_486] : memref<2x16x128xi32, #tpu.memory_space<vmem>> -> memref<1x1x128xi32, #tpu.memory_space<vmem>>
      %dma_wait3A_488 = tpu.memref_squeeze %dma_wait3A_487 : memref<1x1x128xi32, #tpu.memory_space<vmem>> -> memref<128xi32, #tpu.memory_space<vmem>>
      %dma_wait3A_489 = arith.constant 0 : i32
      %dma_wait3A_490 = arith.constant 0 : i32
      %dma_wait3A_491 = tpu.memref_slice %arg11[%dma_wait3A_489, %dma_wait3A_490] : memref<10016x64xf32, #tpu.memory_space<vmem_shared>> -> memref<10016x64xf32, #tpu.memory_space<vmem_shared>>
      tpu.wait_indirect_dma semaphore(%arg18 : memref<!tpu.dma_semaphore, #tpu.memory_space<semaphore_mem>>) src(%dma_wait3A_485 : memref<128x64xf32, #tpu.memory_space<vmem>>) dst(%dma_wait3A_491 : memref<10016x64xf32, #tpu.memory_space<vmem_shared>>)
      %add3A_492 = arith.constant 2 : i32
      %add3A_493 = arith.addi %add3A_478, %add3A_492 : i32
      %lt3A_494 = arith.constant 160 : i32
      %lt3A_495 = arith.cmpi slt, %add3A_493, %lt3A_494 : i32
      %convert_element_type3A_496 = arith.extui %lt3A_495 : i1 to i32
      %cond3A_497 = arith.constant 0 : i32
      %cond3A_498 = arith.cmpi ne, %convert_element_type3A_496, %cond3A_497 : i32
      scf.if %cond3A_498 {
        %dma_start3A_866 = arith.constant 10 : i32
        %dma_start3A_867 = arith.constant 2 : i32
        %dma_start3A_868 = arith.constant 0 : i32
        %dma_start3A_869 = arith.constant 0 : i32
        %dma_start3A_870 = tpu.memref_slice %arg9[%dma_start3A_867, %dma_start3A_868, %dma_start3A_869] : memref<4x128x64xf32, #tpu.memory_space<vmem>> -> memref<1x128x64xf32, #tpu.memory_space<vmem>>
        %dma_start3A_871 = tpu.memref_squeeze %dma_start3A_870 : memref<1x128x64xf32, #tpu.memory_space<vmem>> -> memref<128x64xf32, #tpu.memory_space<vmem>>
        %dma_start3A_872 = arith.constant 0 : i32
        %dma_start3A_873 = tpu.memref_slice %arg7[%select_n3A_74, %dma_start3A_866, %dma_start3A_872] : memref<2x16x128xi32, #tpu.memory_space<vmem>> -> memref<1x1x128xi32, #tpu.memory_space<vmem>>
        %dma_start3A_874 = tpu.memref_squeeze %dma_start3A_873 : memref<1x1x128xi32, #tpu.memory_space<vmem>> -> memref<128xi32, #tpu.memory_space<vmem>>
        %dma_start3A_875 = arith.constant 0 : i32
        %dma_start3A_876 = arith.constant 0 : i32
        %dma_start3A_877 = tpu.memref_slice %arg10[%dma_start3A_875, %dma_start3A_876] : memref<10000x64xf32, #tpu.memory_space<vmem_shared>> -> memref<10000x64xf32, #tpu.memory_space<vmem_shared>>
        tpu.enqueue_indirect_dma source(%dma_start3A_877 : memref<10000x64xf32, #tpu.memory_space<vmem_shared>>) target(%dma_start3A_871 : memref<128x64xf32, #tpu.memory_space<vmem>>) offsets(%dma_start3A_874 : memref<128xi32, #tpu.memory_space<vmem>>) semaphore(%arg14 : memref<!tpu.dma_semaphore, #tpu.memory_space<semaphore_mem>>)
      } else {
      }
      %dma_wait3A_499 = arith.constant 8 : i32
      %dma_wait3A_500 = arith.constant 0 : i32
      %dma_wait3A_501 = arith.constant 0 : i32
      %dma_wait3A_502 = arith.constant 0 : i32
      %dma_wait3A_503 = tpu.memref_slice %arg9[%dma_wait3A_500, %dma_wait3A_501, %dma_wait3A_502] : memref<4x128x64xf32, #tpu.memory_space<vmem>> -> memref<1x128x64xf32, #tpu.memory_space<vmem>>
      %dma_wait3A_504 = tpu.memref_squeeze %dma_wait3A_503 : memref<1x128x64xf32, #tpu.memory_space<vmem>> -> memref<128x64xf32, #tpu.memory_space<vmem>>
      %dma_wait3A_505 = arith.constant 0 : i32
      %dma_wait3A_506 = tpu.memref_slice %arg7[%select_n3A_74, %dma_wait3A_499, %dma_wait3A_505] : memref<2x16x128xi32, #tpu.memory_space<vmem>> -> memref<1x1x128xi32, #tpu.memory_space<vmem>>
      %dma_wait3A_507 = tpu.memref_squeeze %dma_wait3A_506 : memref<1x1x128xi32, #tpu.memory_space<vmem>> -> memref<128xi32, #tpu.memory_space<vmem>>
      %dma_wait3A_508 = arith.constant 0 : i32
      %dma_wait3A_509 = arith.constant 0 : i32
      %dma_wait3A_510 = tpu.memref_slice %arg10[%dma_wait3A_508, %dma_wait3A_509] : memref<10000x64xf32, #tpu.memory_space<vmem_shared>> -> memref<10000x64xf32, #tpu.memory_space<vmem_shared>>
      tpu.wait_indirect_dma semaphore(%arg12 : memref<!tpu.dma_semaphore, #tpu.memory_space<semaphore_mem>>) src(%dma_wait3A_510 : memref<10000x64xf32, #tpu.memory_space<vmem_shared>>) dst(%dma_wait3A_504 : memref<128x64xf32, #tpu.memory_space<vmem>>)
      %dma_start3A_511 = arith.constant 0 : i32
      %dma_start3A_512 = arith.constant 8 : i32
      %dma_start3A_513 = arith.constant 0 : i32
      %dma_start3A_514 = arith.constant 0 : i32
      %dma_start3A_515 = tpu.memref_slice %arg9[%dma_start3A_511, %dma_start3A_513, %dma_start3A_514] : memref<4x128x64xf32, #tpu.memory_space<vmem>> -> memref<1x128x64xf32, #tpu.memory_space<vmem>>
      %dma_start3A_516 = tpu.memref_squeeze %dma_start3A_515 : memref<1x128x64xf32, #tpu.memory_space<vmem>> -> memref<128x64xf32, #tpu.memory_space<vmem>>
      %dma_start3A_517 = arith.constant 0 : i32
      %dma_start3A_518 = tpu.memref_slice %arg8[%select_n3A_74, %dma_start3A_512, %dma_start3A_517] : memref<2x16x128xi32, #tpu.memory_space<vmem>> -> memref<1x1x128xi32, #tpu.memory_space<vmem>>
      %dma_start3A_519 = tpu.memref_squeeze %dma_start3A_518 : memref<1x1x128xi32, #tpu.memory_space<vmem>> -> memref<128xi32, #tpu.memory_space<vmem>>
      %dma_start3A_520 = arith.constant 0 : i32
      %dma_start3A_521 = arith.constant 0 : i32
      %dma_start3A_522 = tpu.memref_slice %arg11[%dma_start3A_520, %dma_start3A_521] : memref<10016x64xf32, #tpu.memory_space<vmem_shared>> -> memref<10016x64xf32, #tpu.memory_space<vmem_shared>>
      tpu.enqueue_indirect_dma source(%dma_start3A_516 : memref<128x64xf32, #tpu.memory_space<vmem>>) target(%dma_start3A_522 : memref<10016x64xf32, #tpu.memory_space<vmem_shared>>) offsets(%dma_start3A_519 : memref<128xi32, #tpu.memory_space<vmem>>) semaphore(%arg16 : memref<!tpu.dma_semaphore, #tpu.memory_space<semaphore_mem>>) {add = true}
      %mul3A_523 = arith.constant 16 : i32
      %mul3A_524 = arith.muli %scan3A_66, %mul3A_523 : i32
      %add3A_525 = arith.constant 9 : i32
      %add3A_526 = arith.addi %mul3A_524, %add3A_525 : i32
      %dma_wait3A_527 = arith.constant 3 : i32
      %dma_wait3A_528 = arith.constant 0 : i32
      %dma_wait3A_529 = arith.constant 0 : i32
      %dma_wait3A_530 = arith.constant 0 : i32
      %dma_wait3A_531 = arith.constant 0 : i32
      %dma_wait3A_532 = tpu.memref_slice %arg9[%dma_wait3A_527, %dma_wait3A_530, %dma_wait3A_531] : memref<4x128x64xf32, #tpu.memory_space<vmem>> -> memref<1x128x64xf32, #tpu.memory_space<vmem>>
      %dma_wait3A_533 = tpu.memref_squeeze %dma_wait3A_532 : memref<1x128x64xf32, #tpu.memory_space<vmem>> -> memref<128x64xf32, #tpu.memory_space<vmem>>
      %dma_wait3A_534 = arith.constant 0 : i32
      %dma_wait3A_535 = tpu.memref_slice %arg8[%dma_wait3A_528, %dma_wait3A_529, %dma_wait3A_534] : memref<2x16x128xi32, #tpu.memory_space<vmem>> -> memref<1x1x128xi32, #tpu.memory_space<vmem>>
      %dma_wait3A_536 = tpu.memref_squeeze %dma_wait3A_535 : memref<1x1x128xi32, #tpu.memory_space<vmem>> -> memref<128xi32, #tpu.memory_space<vmem>>
      %dma_wait3A_537 = arith.constant 0 : i32
      %dma_wait3A_538 = arith.constant 0 : i32
      %dma_wait3A_539 = tpu.memref_slice %arg11[%dma_wait3A_537, %dma_wait3A_538] : memref<10016x64xf32, #tpu.memory_space<vmem_shared>> -> memref<10016x64xf32, #tpu.memory_space<vmem_shared>>
      tpu.wait_indirect_dma semaphore(%arg19 : memref<!tpu.dma_semaphore, #tpu.memory_space<semaphore_mem>>) src(%dma_wait3A_533 : memref<128x64xf32, #tpu.memory_space<vmem>>) dst(%dma_wait3A_539 : memref<10016x64xf32, #tpu.memory_space<vmem_shared>>)
      %add3A_540 = arith.constant 2 : i32
      %add3A_541 = arith.addi %add3A_526, %add3A_540 : i32
      %lt3A_542 = arith.constant 160 : i32
      %lt3A_543 = arith.cmpi slt, %add3A_541, %lt3A_542 : i32
      %convert_element_type3A_544 = arith.extui %lt3A_543 : i1 to i32
      %cond3A_545 = arith.constant 0 : i32
      %cond3A_546 = arith.cmpi ne, %convert_element_type3A_544, %cond3A_545 : i32
      scf.if %cond3A_546 {
        %dma_start3A_866 = arith.constant 11 : i32
        %dma_start3A_867 = arith.constant 3 : i32
        %dma_start3A_868 = arith.constant 0 : i32
        %dma_start3A_869 = arith.constant 0 : i32
        %dma_start3A_870 = tpu.memref_slice %arg9[%dma_start3A_867, %dma_start3A_868, %dma_start3A_869] : memref<4x128x64xf32, #tpu.memory_space<vmem>> -> memref<1x128x64xf32, #tpu.memory_space<vmem>>
        %dma_start3A_871 = tpu.memref_squeeze %dma_start3A_870 : memref<1x128x64xf32, #tpu.memory_space<vmem>> -> memref<128x64xf32, #tpu.memory_space<vmem>>
        %dma_start3A_872 = arith.constant 0 : i32
        %dma_start3A_873 = tpu.memref_slice %arg7[%select_n3A_74, %dma_start3A_866, %dma_start3A_872] : memref<2x16x128xi32, #tpu.memory_space<vmem>> -> memref<1x1x128xi32, #tpu.memory_space<vmem>>
        %dma_start3A_874 = tpu.memref_squeeze %dma_start3A_873 : memref<1x1x128xi32, #tpu.memory_space<vmem>> -> memref<128xi32, #tpu.memory_space<vmem>>
        %dma_start3A_875 = arith.constant 0 : i32
        %dma_start3A_876 = arith.constant 0 : i32
        %dma_start3A_877 = tpu.memref_slice %arg10[%dma_start3A_875, %dma_start3A_876] : memref<10000x64xf32, #tpu.memory_space<vmem_shared>> -> memref<10000x64xf32, #tpu.memory_space<vmem_shared>>
        tpu.enqueue_indirect_dma source(%dma_start3A_877 : memref<10000x64xf32, #tpu.memory_space<vmem_shared>>) target(%dma_start3A_871 : memref<128x64xf32, #tpu.memory_space<vmem>>) offsets(%dma_start3A_874 : memref<128xi32, #tpu.memory_space<vmem>>) semaphore(%arg15 : memref<!tpu.dma_semaphore, #tpu.memory_space<semaphore_mem>>)
      } else {
      }
      %dma_wait3A_547 = arith.constant 9 : i32
      %dma_wait3A_548 = arith.constant 1 : i32
      %dma_wait3A_549 = arith.constant 0 : i32
      %dma_wait3A_550 = arith.constant 0 : i32
      %dma_wait3A_551 = tpu.memref_slice %arg9[%dma_wait3A_548, %dma_wait3A_549, %dma_wait3A_550] : memref<4x128x64xf32, #tpu.memory_space<vmem>> -> memref<1x128x64xf32, #tpu.memory_space<vmem>>
      %dma_wait3A_552 = tpu.memref_squeeze %dma_wait3A_551 : memref<1x128x64xf32, #tpu.memory_space<vmem>> -> memref<128x64xf32, #tpu.memory_space<vmem>>
      %dma_wait3A_553 = arith.constant 0 : i32
      %dma_wait3A_554 = tpu.memref_slice %arg7[%select_n3A_74, %dma_wait3A_547, %dma_wait3A_553] : memref<2x16x128xi32, #tpu.memory_space<vmem>> -> memref<1x1x128xi32, #tpu.memory_space<vmem>>
      %dma_wait3A_555 = tpu.memref_squeeze %dma_wait3A_554 : memref<1x1x128xi32, #tpu.memory_space<vmem>> -> memref<128xi32, #tpu.memory_space<vmem>>
      %dma_wait3A_556 = arith.constant 0 : i32
      %dma_wait3A_557 = arith.constant 0 : i32
      %dma_wait3A_558 = tpu.memref_slice %arg10[%dma_wait3A_556, %dma_wait3A_557] : memref<10000x64xf32, #tpu.memory_space<vmem_shared>> -> memref<10000x64xf32, #tpu.memory_space<vmem_shared>>
      tpu.wait_indirect_dma semaphore(%arg13 : memref<!tpu.dma_semaphore, #tpu.memory_space<semaphore_mem>>) src(%dma_wait3A_558 : memref<10000x64xf32, #tpu.memory_space<vmem_shared>>) dst(%dma_wait3A_552 : memref<128x64xf32, #tpu.memory_space<vmem>>)
      %dma_start3A_559 = arith.constant 1 : i32
      %dma_start3A_560 = arith.constant 9 : i32
      %dma_start3A_561 = arith.constant 0 : i32
      %dma_start3A_562 = arith.constant 0 : i32
      %dma_start3A_563 = tpu.memref_slice %arg9[%dma_start3A_559, %dma_start3A_561, %dma_start3A_562] : memref<4x128x64xf32, #tpu.memory_space<vmem>> -> memref<1x128x64xf32, #tpu.memory_space<vmem>>
      %dma_start3A_564 = tpu.memref_squeeze %dma_start3A_563 : memref<1x128x64xf32, #tpu.memory_space<vmem>> -> memref<128x64xf32, #tpu.memory_space<vmem>>
      %dma_start3A_565 = arith.constant 0 : i32
      %dma_start3A_566 = tpu.memref_slice %arg8[%select_n3A_74, %dma_start3A_560, %dma_start3A_565] : memref<2x16x128xi32, #tpu.memory_space<vmem>> -> memref<1x1x128xi32, #tpu.memory_space<vmem>>
      %dma_start3A_567 = tpu.memref_squeeze %dma_start3A_566 : memref<1x1x128xi32, #tpu.memory_space<vmem>> -> memref<128xi32, #tpu.memory_space<vmem>>
      %dma_start3A_568 = arith.constant 0 : i32
      %dma_start3A_569 = arith.constant 0 : i32
      %dma_start3A_570 = tpu.memref_slice %arg11[%dma_start3A_568, %dma_start3A_569] : memref<10016x64xf32, #tpu.memory_space<vmem_shared>> -> memref<10016x64xf32, #tpu.memory_space<vmem_shared>>
      tpu.enqueue_indirect_dma source(%dma_start3A_564 : memref<128x64xf32, #tpu.memory_space<vmem>>) target(%dma_start3A_570 : memref<10016x64xf32, #tpu.memory_space<vmem_shared>>) offsets(%dma_start3A_567 : memref<128xi32, #tpu.memory_space<vmem>>) semaphore(%arg17 : memref<!tpu.dma_semaphore, #tpu.memory_space<semaphore_mem>>) {add = true}
      %mul3A_571 = arith.constant 16 : i32
      %mul3A_572 = arith.muli %scan3A_66, %mul3A_571 : i32
      %add3A_573 = arith.constant 10 : i32
      %add3A_574 = arith.addi %mul3A_572, %add3A_573 : i32
      %dma_wait3A_575 = arith.constant 0 : i32
      %dma_wait3A_576 = arith.constant 0 : i32
      %dma_wait3A_577 = arith.constant 0 : i32
      %dma_wait3A_578 = arith.constant 0 : i32
      %dma_wait3A_579 = arith.constant 0 : i32
      %dma_wait3A_580 = tpu.memref_slice %arg9[%dma_wait3A_575, %dma_wait3A_578, %dma_wait3A_579] : memref<4x128x64xf32, #tpu.memory_space<vmem>> -> memref<1x128x64xf32, #tpu.memory_space<vmem>>
      %dma_wait3A_581 = tpu.memref_squeeze %dma_wait3A_580 : memref<1x128x64xf32, #tpu.memory_space<vmem>> -> memref<128x64xf32, #tpu.memory_space<vmem>>
      %dma_wait3A_582 = arith.constant 0 : i32
      %dma_wait3A_583 = tpu.memref_slice %arg8[%dma_wait3A_576, %dma_wait3A_577, %dma_wait3A_582] : memref<2x16x128xi32, #tpu.memory_space<vmem>> -> memref<1x1x128xi32, #tpu.memory_space<vmem>>
      %dma_wait3A_584 = tpu.memref_squeeze %dma_wait3A_583 : memref<1x1x128xi32, #tpu.memory_space<vmem>> -> memref<128xi32, #tpu.memory_space<vmem>>
      %dma_wait3A_585 = arith.constant 0 : i32
      %dma_wait3A_586 = arith.constant 0 : i32
      %dma_wait3A_587 = tpu.memref_slice %arg11[%dma_wait3A_585, %dma_wait3A_586] : memref<10016x64xf32, #tpu.memory_space<vmem_shared>> -> memref<10016x64xf32, #tpu.memory_space<vmem_shared>>
      tpu.wait_indirect_dma semaphore(%arg16 : memref<!tpu.dma_semaphore, #tpu.memory_space<semaphore_mem>>) src(%dma_wait3A_581 : memref<128x64xf32, #tpu.memory_space<vmem>>) dst(%dma_wait3A_587 : memref<10016x64xf32, #tpu.memory_space<vmem_shared>>)
      %add3A_588 = arith.constant 2 : i32
      %add3A_589 = arith.addi %add3A_574, %add3A_588 : i32
      %lt3A_590 = arith.constant 160 : i32
      %lt3A_591 = arith.cmpi slt, %add3A_589, %lt3A_590 : i32
      %convert_element_type3A_592 = arith.extui %lt3A_591 : i1 to i32
      %cond3A_593 = arith.constant 0 : i32
      %cond3A_594 = arith.cmpi ne, %convert_element_type3A_592, %cond3A_593 : i32
      scf.if %cond3A_594 {
        %dma_start3A_866 = arith.constant 12 : i32
        %dma_start3A_867 = arith.constant 0 : i32
        %dma_start3A_868 = arith.constant 0 : i32
        %dma_start3A_869 = arith.constant 0 : i32
        %dma_start3A_870 = tpu.memref_slice %arg9[%dma_start3A_867, %dma_start3A_868, %dma_start3A_869] : memref<4x128x64xf32, #tpu.memory_space<vmem>> -> memref<1x128x64xf32, #tpu.memory_space<vmem>>
        %dma_start3A_871 = tpu.memref_squeeze %dma_start3A_870 : memref<1x128x64xf32, #tpu.memory_space<vmem>> -> memref<128x64xf32, #tpu.memory_space<vmem>>
        %dma_start3A_872 = arith.constant 0 : i32
        %dma_start3A_873 = tpu.memref_slice %arg7[%select_n3A_74, %dma_start3A_866, %dma_start3A_872] : memref<2x16x128xi32, #tpu.memory_space<vmem>> -> memref<1x1x128xi32, #tpu.memory_space<vmem>>
        %dma_start3A_874 = tpu.memref_squeeze %dma_start3A_873 : memref<1x1x128xi32, #tpu.memory_space<vmem>> -> memref<128xi32, #tpu.memory_space<vmem>>
        %dma_start3A_875 = arith.constant 0 : i32
        %dma_start3A_876 = arith.constant 0 : i32
        %dma_start3A_877 = tpu.memref_slice %arg10[%dma_start3A_875, %dma_start3A_876] : memref<10000x64xf32, #tpu.memory_space<vmem_shared>> -> memref<10000x64xf32, #tpu.memory_space<vmem_shared>>
        tpu.enqueue_indirect_dma source(%dma_start3A_877 : memref<10000x64xf32, #tpu.memory_space<vmem_shared>>) target(%dma_start3A_871 : memref<128x64xf32, #tpu.memory_space<vmem>>) offsets(%dma_start3A_874 : memref<128xi32, #tpu.memory_space<vmem>>) semaphore(%arg12 : memref<!tpu.dma_semaphore, #tpu.memory_space<semaphore_mem>>)
      } else {
      }
      %dma_wait3A_595 = arith.constant 10 : i32
      %dma_wait3A_596 = arith.constant 2 : i32
      %dma_wait3A_597 = arith.constant 0 : i32
      %dma_wait3A_598 = arith.constant 0 : i32
      %dma_wait3A_599 = tpu.memref_slice %arg9[%dma_wait3A_596, %dma_wait3A_597, %dma_wait3A_598] : memref<4x128x64xf32, #tpu.memory_space<vmem>> -> memref<1x128x64xf32, #tpu.memory_space<vmem>>
      %dma_wait3A_600 = tpu.memref_squeeze %dma_wait3A_599 : memref<1x128x64xf32, #tpu.memory_space<vmem>> -> memref<128x64xf32, #tpu.memory_space<vmem>>
      %dma_wait3A_601 = arith.constant 0 : i32
      %dma_wait3A_602 = tpu.memref_slice %arg7[%select_n3A_74, %dma_wait3A_595, %dma_wait3A_601] : memref<2x16x128xi32, #tpu.memory_space<vmem>> -> memref<1x1x128xi32, #tpu.memory_space<vmem>>
      %dma_wait3A_603 = tpu.memref_squeeze %dma_wait3A_602 : memref<1x1x128xi32, #tpu.memory_space<vmem>> -> memref<128xi32, #tpu.memory_space<vmem>>
      %dma_wait3A_604 = arith.constant 0 : i32
      %dma_wait3A_605 = arith.constant 0 : i32
      %dma_wait3A_606 = tpu.memref_slice %arg10[%dma_wait3A_604, %dma_wait3A_605] : memref<10000x64xf32, #tpu.memory_space<vmem_shared>> -> memref<10000x64xf32, #tpu.memory_space<vmem_shared>>
      tpu.wait_indirect_dma semaphore(%arg14 : memref<!tpu.dma_semaphore, #tpu.memory_space<semaphore_mem>>) src(%dma_wait3A_606 : memref<10000x64xf32, #tpu.memory_space<vmem_shared>>) dst(%dma_wait3A_600 : memref<128x64xf32, #tpu.memory_space<vmem>>)
      %dma_start3A_607 = arith.constant 2 : i32
      %dma_start3A_608 = arith.constant 10 : i32
      %dma_start3A_609 = arith.constant 0 : i32
      %dma_start3A_610 = arith.constant 0 : i32
      %dma_start3A_611 = tpu.memref_slice %arg9[%dma_start3A_607, %dma_start3A_609, %dma_start3A_610] : memref<4x128x64xf32, #tpu.memory_space<vmem>> -> memref<1x128x64xf32, #tpu.memory_space<vmem>>
      %dma_start3A_612 = tpu.memref_squeeze %dma_start3A_611 : memref<1x128x64xf32, #tpu.memory_space<vmem>> -> memref<128x64xf32, #tpu.memory_space<vmem>>
      %dma_start3A_613 = arith.constant 0 : i32
      %dma_start3A_614 = tpu.memref_slice %arg8[%select_n3A_74, %dma_start3A_608, %dma_start3A_613] : memref<2x16x128xi32, #tpu.memory_space<vmem>> -> memref<1x1x128xi32, #tpu.memory_space<vmem>>
      %dma_start3A_615 = tpu.memref_squeeze %dma_start3A_614 : memref<1x1x128xi32, #tpu.memory_space<vmem>> -> memref<128xi32, #tpu.memory_space<vmem>>
      %dma_start3A_616 = arith.constant 0 : i32
      %dma_start3A_617 = arith.constant 0 : i32
      %dma_start3A_618 = tpu.memref_slice %arg11[%dma_start3A_616, %dma_start3A_617] : memref<10016x64xf32, #tpu.memory_space<vmem_shared>> -> memref<10016x64xf32, #tpu.memory_space<vmem_shared>>
      tpu.enqueue_indirect_dma source(%dma_start3A_612 : memref<128x64xf32, #tpu.memory_space<vmem>>) target(%dma_start3A_618 : memref<10016x64xf32, #tpu.memory_space<vmem_shared>>) offsets(%dma_start3A_615 : memref<128xi32, #tpu.memory_space<vmem>>) semaphore(%arg18 : memref<!tpu.dma_semaphore, #tpu.memory_space<semaphore_mem>>) {add = true}
      %mul3A_619 = arith.constant 16 : i32
      %mul3A_620 = arith.muli %scan3A_66, %mul3A_619 : i32
      %add3A_621 = arith.constant 11 : i32
      %add3A_622 = arith.addi %mul3A_620, %add3A_621 : i32
      %dma_wait3A_623 = arith.constant 1 : i32
      %dma_wait3A_624 = arith.constant 0 : i32
      %dma_wait3A_625 = arith.constant 0 : i32
      %dma_wait3A_626 = arith.constant 0 : i32
      %dma_wait3A_627 = arith.constant 0 : i32
      %dma_wait3A_628 = tpu.memref_slice %arg9[%dma_wait3A_623, %dma_wait3A_626, %dma_wait3A_627] : memref<4x128x64xf32, #tpu.memory_space<vmem>> -> memref<1x128x64xf32, #tpu.memory_space<vmem>>
      %dma_wait3A_629 = tpu.memref_squeeze %dma_wait3A_628 : memref<1x128x64xf32, #tpu.memory_space<vmem>> -> memref<128x64xf32, #tpu.memory_space<vmem>>
      %dma_wait3A_630 = arith.constant 0 : i32
      %dma_wait3A_631 = tpu.memref_slice %arg8[%dma_wait3A_624, %dma_wait3A_625, %dma_wait3A_630] : memref<2x16x128xi32, #tpu.memory_space<vmem>> -> memref<1x1x128xi32, #tpu.memory_space<vmem>>
      %dma_wait3A_632 = tpu.memref_squeeze %dma_wait3A_631 : memref<1x1x128xi32, #tpu.memory_space<vmem>> -> memref<128xi32, #tpu.memory_space<vmem>>
      %dma_wait3A_633 = arith.constant 0 : i32
      %dma_wait3A_634 = arith.constant 0 : i32
      %dma_wait3A_635 = tpu.memref_slice %arg11[%dma_wait3A_633, %dma_wait3A_634] : memref<10016x64xf32, #tpu.memory_space<vmem_shared>> -> memref<10016x64xf32, #tpu.memory_space<vmem_shared>>
      tpu.wait_indirect_dma semaphore(%arg17 : memref<!tpu.dma_semaphore, #tpu.memory_space<semaphore_mem>>) src(%dma_wait3A_629 : memref<128x64xf32, #tpu.memory_space<vmem>>) dst(%dma_wait3A_635 : memref<10016x64xf32, #tpu.memory_space<vmem_shared>>)
      %add3A_636 = arith.constant 2 : i32
      %add3A_637 = arith.addi %add3A_622, %add3A_636 : i32
      %lt3A_638 = arith.constant 160 : i32
      %lt3A_639 = arith.cmpi slt, %add3A_637, %lt3A_638 : i32
      %convert_element_type3A_640 = arith.extui %lt3A_639 : i1 to i32
      %cond3A_641 = arith.constant 0 : i32
      %cond3A_642 = arith.cmpi ne, %convert_element_type3A_640, %cond3A_641 : i32
      scf.if %cond3A_642 {
        %dma_start3A_866 = arith.constant 13 : i32
        %dma_start3A_867 = arith.constant 1 : i32
        %dma_start3A_868 = arith.constant 0 : i32
        %dma_start3A_869 = arith.constant 0 : i32
        %dma_start3A_870 = tpu.memref_slice %arg9[%dma_start3A_867, %dma_start3A_868, %dma_start3A_869] : memref<4x128x64xf32, #tpu.memory_space<vmem>> -> memref<1x128x64xf32, #tpu.memory_space<vmem>>
        %dma_start3A_871 = tpu.memref_squeeze %dma_start3A_870 : memref<1x128x64xf32, #tpu.memory_space<vmem>> -> memref<128x64xf32, #tpu.memory_space<vmem>>
        %dma_start3A_872 = arith.constant 0 : i32
        %dma_start3A_873 = tpu.memref_slice %arg7[%select_n3A_74, %dma_start3A_866, %dma_start3A_872] : memref<2x16x128xi32, #tpu.memory_space<vmem>> -> memref<1x1x128xi32, #tpu.memory_space<vmem>>
        %dma_start3A_874 = tpu.memref_squeeze %dma_start3A_873 : memref<1x1x128xi32, #tpu.memory_space<vmem>> -> memref<128xi32, #tpu.memory_space<vmem>>
        %dma_start3A_875 = arith.constant 0 : i32
        %dma_start3A_876 = arith.constant 0 : i32
        %dma_start3A_877 = tpu.memref_slice %arg10[%dma_start3A_875, %dma_start3A_876] : memref<10000x64xf32, #tpu.memory_space<vmem_shared>> -> memref<10000x64xf32, #tpu.memory_space<vmem_shared>>
        tpu.enqueue_indirect_dma source(%dma_start3A_877 : memref<10000x64xf32, #tpu.memory_space<vmem_shared>>) target(%dma_start3A_871 : memref<128x64xf32, #tpu.memory_space<vmem>>) offsets(%dma_start3A_874 : memref<128xi32, #tpu.memory_space<vmem>>) semaphore(%arg13 : memref<!tpu.dma_semaphore, #tpu.memory_space<semaphore_mem>>)
      } else {
      }
      %dma_wait3A_643 = arith.constant 11 : i32
      %dma_wait3A_644 = arith.constant 3 : i32
      %dma_wait3A_645 = arith.constant 0 : i32
      %dma_wait3A_646 = arith.constant 0 : i32
      %dma_wait3A_647 = tpu.memref_slice %arg9[%dma_wait3A_644, %dma_wait3A_645, %dma_wait3A_646] : memref<4x128x64xf32, #tpu.memory_space<vmem>> -> memref<1x128x64xf32, #tpu.memory_space<vmem>>
      %dma_wait3A_648 = tpu.memref_squeeze %dma_wait3A_647 : memref<1x128x64xf32, #tpu.memory_space<vmem>> -> memref<128x64xf32, #tpu.memory_space<vmem>>
      %dma_wait3A_649 = arith.constant 0 : i32
      %dma_wait3A_650 = tpu.memref_slice %arg7[%select_n3A_74, %dma_wait3A_643, %dma_wait3A_649] : memref<2x16x128xi32, #tpu.memory_space<vmem>> -> memref<1x1x128xi32, #tpu.memory_space<vmem>>
      %dma_wait3A_651 = tpu.memref_squeeze %dma_wait3A_650 : memref<1x1x128xi32, #tpu.memory_space<vmem>> -> memref<128xi32, #tpu.memory_space<vmem>>
      %dma_wait3A_652 = arith.constant 0 : i32
      %dma_wait3A_653 = arith.constant 0 : i32
      %dma_wait3A_654 = tpu.memref_slice %arg10[%dma_wait3A_652, %dma_wait3A_653] : memref<10000x64xf32, #tpu.memory_space<vmem_shared>> -> memref<10000x64xf32, #tpu.memory_space<vmem_shared>>
      tpu.wait_indirect_dma semaphore(%arg15 : memref<!tpu.dma_semaphore, #tpu.memory_space<semaphore_mem>>) src(%dma_wait3A_654 : memref<10000x64xf32, #tpu.memory_space<vmem_shared>>) dst(%dma_wait3A_648 : memref<128x64xf32, #tpu.memory_space<vmem>>)
      %dma_start3A_655 = arith.constant 3 : i32
      %dma_start3A_656 = arith.constant 11 : i32
      %dma_start3A_657 = arith.constant 0 : i32
      %dma_start3A_658 = arith.constant 0 : i32
      %dma_start3A_659 = tpu.memref_slice %arg9[%dma_start3A_655, %dma_start3A_657, %dma_start3A_658] : memref<4x128x64xf32, #tpu.memory_space<vmem>> -> memref<1x128x64xf32, #tpu.memory_space<vmem>>
      %dma_start3A_660 = tpu.memref_squeeze %dma_start3A_659 : memref<1x128x64xf32, #tpu.memory_space<vmem>> -> memref<128x64xf32, #tpu.memory_space<vmem>>
      %dma_start3A_661 = arith.constant 0 : i32
      %dma_start3A_662 = tpu.memref_slice %arg8[%select_n3A_74, %dma_start3A_656, %dma_start3A_661] : memref<2x16x128xi32, #tpu.memory_space<vmem>> -> memref<1x1x128xi32, #tpu.memory_space<vmem>>
      %dma_start3A_663 = tpu.memref_squeeze %dma_start3A_662 : memref<1x1x128xi32, #tpu.memory_space<vmem>> -> memref<128xi32, #tpu.memory_space<vmem>>
      %dma_start3A_664 = arith.constant 0 : i32
      %dma_start3A_665 = arith.constant 0 : i32
      %dma_start3A_666 = tpu.memref_slice %arg11[%dma_start3A_664, %dma_start3A_665] : memref<10016x64xf32, #tpu.memory_space<vmem_shared>> -> memref<10016x64xf32, #tpu.memory_space<vmem_shared>>
      tpu.enqueue_indirect_dma source(%dma_start3A_660 : memref<128x64xf32, #tpu.memory_space<vmem>>) target(%dma_start3A_666 : memref<10016x64xf32, #tpu.memory_space<vmem_shared>>) offsets(%dma_start3A_663 : memref<128xi32, #tpu.memory_space<vmem>>) semaphore(%arg19 : memref<!tpu.dma_semaphore, #tpu.memory_space<semaphore_mem>>) {add = true}
      %mul3A_667 = arith.constant 16 : i32
      %mul3A_668 = arith.muli %scan3A_66, %mul3A_667 : i32
      %add3A_669 = arith.constant 12 : i32
      %add3A_670 = arith.addi %mul3A_668, %add3A_669 : i32
      %dma_wait3A_671 = arith.constant 2 : i32
      %dma_wait3A_672 = arith.constant 0 : i32
      %dma_wait3A_673 = arith.constant 0 : i32
      %dma_wait3A_674 = arith.constant 0 : i32
      %dma_wait3A_675 = arith.constant 0 : i32
      %dma_wait3A_676 = tpu.memref_slice %arg9[%dma_wait3A_671, %dma_wait3A_674, %dma_wait3A_675] : memref<4x128x64xf32, #tpu.memory_space<vmem>> -> memref<1x128x64xf32, #tpu.memory_space<vmem>>
      %dma_wait3A_677 = tpu.memref_squeeze %dma_wait3A_676 : memref<1x128x64xf32, #tpu.memory_space<vmem>> -> memref<128x64xf32, #tpu.memory_space<vmem>>
      %dma_wait3A_678 = arith.constant 0 : i32
      %dma_wait3A_679 = tpu.memref_slice %arg8[%dma_wait3A_672, %dma_wait3A_673, %dma_wait3A_678] : memref<2x16x128xi32, #tpu.memory_space<vmem>> -> memref<1x1x128xi32, #tpu.memory_space<vmem>>
      %dma_wait3A_680 = tpu.memref_squeeze %dma_wait3A_679 : memref<1x1x128xi32, #tpu.memory_space<vmem>> -> memref<128xi32, #tpu.memory_space<vmem>>
      %dma_wait3A_681 = arith.constant 0 : i32
      %dma_wait3A_682 = arith.constant 0 : i32
      %dma_wait3A_683 = tpu.memref_slice %arg11[%dma_wait3A_681, %dma_wait3A_682] : memref<10016x64xf32, #tpu.memory_space<vmem_shared>> -> memref<10016x64xf32, #tpu.memory_space<vmem_shared>>
      tpu.wait_indirect_dma semaphore(%arg18 : memref<!tpu.dma_semaphore, #tpu.memory_space<semaphore_mem>>) src(%dma_wait3A_677 : memref<128x64xf32, #tpu.memory_space<vmem>>) dst(%dma_wait3A_683 : memref<10016x64xf32, #tpu.memory_space<vmem_shared>>)
      %add3A_684 = arith.constant 2 : i32
      %add3A_685 = arith.addi %add3A_670, %add3A_684 : i32
      %lt3A_686 = arith.constant 160 : i32
      %lt3A_687 = arith.cmpi slt, %add3A_685, %lt3A_686 : i32
      %convert_element_type3A_688 = arith.extui %lt3A_687 : i1 to i32
      %cond3A_689 = arith.constant 0 : i32
      %cond3A_690 = arith.cmpi ne, %convert_element_type3A_688, %cond3A_689 : i32
      scf.if %cond3A_690 {
        %dma_start3A_866 = arith.constant 14 : i32
        %dma_start3A_867 = arith.constant 2 : i32
        %dma_start3A_868 = arith.constant 0 : i32
        %dma_start3A_869 = arith.constant 0 : i32
        %dma_start3A_870 = tpu.memref_slice %arg9[%dma_start3A_867, %dma_start3A_868, %dma_start3A_869] : memref<4x128x64xf32, #tpu.memory_space<vmem>> -> memref<1x128x64xf32, #tpu.memory_space<vmem>>
        %dma_start3A_871 = tpu.memref_squeeze %dma_start3A_870 : memref<1x128x64xf32, #tpu.memory_space<vmem>> -> memref<128x64xf32, #tpu.memory_space<vmem>>
        %dma_start3A_872 = arith.constant 0 : i32
        %dma_start3A_873 = tpu.memref_slice %arg7[%select_n3A_74, %dma_start3A_866, %dma_start3A_872] : memref<2x16x128xi32, #tpu.memory_space<vmem>> -> memref<1x1x128xi32, #tpu.memory_space<vmem>>
        %dma_start3A_874 = tpu.memref_squeeze %dma_start3A_873 : memref<1x1x128xi32, #tpu.memory_space<vmem>> -> memref<128xi32, #tpu.memory_space<vmem>>
        %dma_start3A_875 = arith.constant 0 : i32
        %dma_start3A_876 = arith.constant 0 : i32
        %dma_start3A_877 = tpu.memref_slice %arg10[%dma_start3A_875, %dma_start3A_876] : memref<10000x64xf32, #tpu.memory_space<vmem_shared>> -> memref<10000x64xf32, #tpu.memory_space<vmem_shared>>
        tpu.enqueue_indirect_dma source(%dma_start3A_877 : memref<10000x64xf32, #tpu.memory_space<vmem_shared>>) target(%dma_start3A_871 : memref<128x64xf32, #tpu.memory_space<vmem>>) offsets(%dma_start3A_874 : memref<128xi32, #tpu.memory_space<vmem>>) semaphore(%arg14 : memref<!tpu.dma_semaphore, #tpu.memory_space<semaphore_mem>>)
      } else {
      }
      %dma_wait3A_691 = arith.constant 12 : i32
      %dma_wait3A_692 = arith.constant 0 : i32
      %dma_wait3A_693 = arith.constant 0 : i32
      %dma_wait3A_694 = arith.constant 0 : i32
      %dma_wait3A_695 = tpu.memref_slice %arg9[%dma_wait3A_692, %dma_wait3A_693, %dma_wait3A_694] : memref<4x128x64xf32, #tpu.memory_space<vmem>> -> memref<1x128x64xf32, #tpu.memory_space<vmem>>
      %dma_wait3A_696 = tpu.memref_squeeze %dma_wait3A_695 : memref<1x128x64xf32, #tpu.memory_space<vmem>> -> memref<128x64xf32, #tpu.memory_space<vmem>>
      %dma_wait3A_697 = arith.constant 0 : i32
      %dma_wait3A_698 = tpu.memref_slice %arg7[%select_n3A_74, %dma_wait3A_691, %dma_wait3A_697] : memref<2x16x128xi32, #tpu.memory_space<vmem>> -> memref<1x1x128xi32, #tpu.memory_space<vmem>>
      %dma_wait3A_699 = tpu.memref_squeeze %dma_wait3A_698 : memref<1x1x128xi32, #tpu.memory_space<vmem>> -> memref<128xi32, #tpu.memory_space<vmem>>
      %dma_wait3A_700 = arith.constant 0 : i32
      %dma_wait3A_701 = arith.constant 0 : i32
      %dma_wait3A_702 = tpu.memref_slice %arg10[%dma_wait3A_700, %dma_wait3A_701] : memref<10000x64xf32, #tpu.memory_space<vmem_shared>> -> memref<10000x64xf32, #tpu.memory_space<vmem_shared>>
      tpu.wait_indirect_dma semaphore(%arg12 : memref<!tpu.dma_semaphore, #tpu.memory_space<semaphore_mem>>) src(%dma_wait3A_702 : memref<10000x64xf32, #tpu.memory_space<vmem_shared>>) dst(%dma_wait3A_696 : memref<128x64xf32, #tpu.memory_space<vmem>>)
      %dma_start3A_703 = arith.constant 0 : i32
      %dma_start3A_704 = arith.constant 12 : i32
      %dma_start3A_705 = arith.constant 0 : i32
      %dma_start3A_706 = arith.constant 0 : i32
      %dma_start3A_707 = tpu.memref_slice %arg9[%dma_start3A_703, %dma_start3A_705, %dma_start3A_706] : memref<4x128x64xf32, #tpu.memory_space<vmem>> -> memref<1x128x64xf32, #tpu.memory_space<vmem>>
      %dma_start3A_708 = tpu.memref_squeeze %dma_start3A_707 : memref<1x128x64xf32, #tpu.memory_space<vmem>> -> memref<128x64xf32, #tpu.memory_space<vmem>>
      %dma_start3A_709 = arith.constant 0 : i32
      %dma_start3A_710 = tpu.memref_slice %arg8[%select_n3A_74, %dma_start3A_704, %dma_start3A_709] : memref<2x16x128xi32, #tpu.memory_space<vmem>> -> memref<1x1x128xi32, #tpu.memory_space<vmem>>
      %dma_start3A_711 = tpu.memref_squeeze %dma_start3A_710 : memref<1x1x128xi32, #tpu.memory_space<vmem>> -> memref<128xi32, #tpu.memory_space<vmem>>
      %dma_start3A_712 = arith.constant 0 : i32
      %dma_start3A_713 = arith.constant 0 : i32
      %dma_start3A_714 = tpu.memref_slice %arg11[%dma_start3A_712, %dma_start3A_713] : memref<10016x64xf32, #tpu.memory_space<vmem_shared>> -> memref<10016x64xf32, #tpu.memory_space<vmem_shared>>
      tpu.enqueue_indirect_dma source(%dma_start3A_708 : memref<128x64xf32, #tpu.memory_space<vmem>>) target(%dma_start3A_714 : memref<10016x64xf32, #tpu.memory_space<vmem_shared>>) offsets(%dma_start3A_711 : memref<128xi32, #tpu.memory_space<vmem>>) semaphore(%arg16 : memref<!tpu.dma_semaphore, #tpu.memory_space<semaphore_mem>>) {add = true}
      %mul3A_715 = arith.constant 16 : i32
      %mul3A_716 = arith.muli %scan3A_66, %mul3A_715 : i32
      %add3A_717 = arith.constant 13 : i32
      %add3A_718 = arith.addi %mul3A_716, %add3A_717 : i32
      %dma_wait3A_719 = arith.constant 3 : i32
      %dma_wait3A_720 = arith.constant 0 : i32
      %dma_wait3A_721 = arith.constant 0 : i32
      %dma_wait3A_722 = arith.constant 0 : i32
      %dma_wait3A_723 = arith.constant 0 : i32
      %dma_wait3A_724 = tpu.memref_slice %arg9[%dma_wait3A_719, %dma_wait3A_722, %dma_wait3A_723] : memref<4x128x64xf32, #tpu.memory_space<vmem>> -> memref<1x128x64xf32, #tpu.memory_space<vmem>>
      %dma_wait3A_725 = tpu.memref_squeeze %dma_wait3A_724 : memref<1x128x64xf32, #tpu.memory_space<vmem>> -> memref<128x64xf32, #tpu.memory_space<vmem>>
      %dma_wait3A_726 = arith.constant 0 : i32
      %dma_wait3A_727 = tpu.memref_slice %arg8[%dma_wait3A_720, %dma_wait3A_721, %dma_wait3A_726] : memref<2x16x128xi32, #tpu.memory_space<vmem>> -> memref<1x1x128xi32, #tpu.memory_space<vmem>>
      %dma_wait3A_728 = tpu.memref_squeeze %dma_wait3A_727 : memref<1x1x128xi32, #tpu.memory_space<vmem>> -> memref<128xi32, #tpu.memory_space<vmem>>
      %dma_wait3A_729 = arith.constant 0 : i32
      %dma_wait3A_730 = arith.constant 0 : i32
      %dma_wait3A_731 = tpu.memref_slice %arg11[%dma_wait3A_729, %dma_wait3A_730] : memref<10016x64xf32, #tpu.memory_space<vmem_shared>> -> memref<10016x64xf32, #tpu.memory_space<vmem_shared>>
      tpu.wait_indirect_dma semaphore(%arg19 : memref<!tpu.dma_semaphore, #tpu.memory_space<semaphore_mem>>) src(%dma_wait3A_725 : memref<128x64xf32, #tpu.memory_space<vmem>>) dst(%dma_wait3A_731 : memref<10016x64xf32, #tpu.memory_space<vmem_shared>>)
      %add3A_732 = arith.constant 2 : i32
      %add3A_733 = arith.addi %add3A_718, %add3A_732 : i32
      %lt3A_734 = arith.constant 160 : i32
      %lt3A_735 = arith.cmpi slt, %add3A_733, %lt3A_734 : i32
      %convert_element_type3A_736 = arith.extui %lt3A_735 : i1 to i32
      %cond3A_737 = arith.constant 0 : i32
      %cond3A_738 = arith.cmpi ne, %convert_element_type3A_736, %cond3A_737 : i32
      scf.if %cond3A_738 {
        %dma_start3A_866 = arith.constant 15 : i32
        %dma_start3A_867 = arith.constant 3 : i32
        %dma_start3A_868 = arith.constant 0 : i32
        %dma_start3A_869 = arith.constant 0 : i32
        %dma_start3A_870 = tpu.memref_slice %arg9[%dma_start3A_867, %dma_start3A_868, %dma_start3A_869] : memref<4x128x64xf32, #tpu.memory_space<vmem>> -> memref<1x128x64xf32, #tpu.memory_space<vmem>>
        %dma_start3A_871 = tpu.memref_squeeze %dma_start3A_870 : memref<1x128x64xf32, #tpu.memory_space<vmem>> -> memref<128x64xf32, #tpu.memory_space<vmem>>
        %dma_start3A_872 = arith.constant 0 : i32
        %dma_start3A_873 = tpu.memref_slice %arg7[%select_n3A_74, %dma_start3A_866, %dma_start3A_872] : memref<2x16x128xi32, #tpu.memory_space<vmem>> -> memref<1x1x128xi32, #tpu.memory_space<vmem>>
        %dma_start3A_874 = tpu.memref_squeeze %dma_start3A_873 : memref<1x1x128xi32, #tpu.memory_space<vmem>> -> memref<128xi32, #tpu.memory_space<vmem>>
        %dma_start3A_875 = arith.constant 0 : i32
        %dma_start3A_876 = arith.constant 0 : i32
        %dma_start3A_877 = tpu.memref_slice %arg10[%dma_start3A_875, %dma_start3A_876] : memref<10000x64xf32, #tpu.memory_space<vmem_shared>> -> memref<10000x64xf32, #tpu.memory_space<vmem_shared>>
        tpu.enqueue_indirect_dma source(%dma_start3A_877 : memref<10000x64xf32, #tpu.memory_space<vmem_shared>>) target(%dma_start3A_871 : memref<128x64xf32, #tpu.memory_space<vmem>>) offsets(%dma_start3A_874 : memref<128xi32, #tpu.memory_space<vmem>>) semaphore(%arg15 : memref<!tpu.dma_semaphore, #tpu.memory_space<semaphore_mem>>)
      } else {
      }
      %dma_wait3A_739 = arith.constant 13 : i32
      %dma_wait3A_740 = arith.constant 1 : i32
      %dma_wait3A_741 = arith.constant 0 : i32
      %dma_wait3A_742 = arith.constant 0 : i32
      %dma_wait3A_743 = tpu.memref_slice %arg9[%dma_wait3A_740, %dma_wait3A_741, %dma_wait3A_742] : memref<4x128x64xf32, #tpu.memory_space<vmem>> -> memref<1x128x64xf32, #tpu.memory_space<vmem>>
      %dma_wait3A_744 = tpu.memref_squeeze %dma_wait3A_743 : memref<1x128x64xf32, #tpu.memory_space<vmem>> -> memref<128x64xf32, #tpu.memory_space<vmem>>
      %dma_wait3A_745 = arith.constant 0 : i32
      %dma_wait3A_746 = tpu.memref_slice %arg7[%select_n3A_74, %dma_wait3A_739, %dma_wait3A_745] : memref<2x16x128xi32, #tpu.memory_space<vmem>> -> memref<1x1x128xi32, #tpu.memory_space<vmem>>
      %dma_wait3A_747 = tpu.memref_squeeze %dma_wait3A_746 : memref<1x1x128xi32, #tpu.memory_space<vmem>> -> memref<128xi32, #tpu.memory_space<vmem>>
      %dma_wait3A_748 = arith.constant 0 : i32
      %dma_wait3A_749 = arith.constant 0 : i32
      %dma_wait3A_750 = tpu.memref_slice %arg10[%dma_wait3A_748, %dma_wait3A_749] : memref<10000x64xf32, #tpu.memory_space<vmem_shared>> -> memref<10000x64xf32, #tpu.memory_space<vmem_shared>>
      tpu.wait_indirect_dma semaphore(%arg13 : memref<!tpu.dma_semaphore, #tpu.memory_space<semaphore_mem>>) src(%dma_wait3A_750 : memref<10000x64xf32, #tpu.memory_space<vmem_shared>>) dst(%dma_wait3A_744 : memref<128x64xf32, #tpu.memory_space<vmem>>)
      %dma_start3A_751 = arith.constant 1 : i32
      %dma_start3A_752 = arith.constant 13 : i32
      %dma_start3A_753 = arith.constant 0 : i32
      %dma_start3A_754 = arith.constant 0 : i32
      %dma_start3A_755 = tpu.memref_slice %arg9[%dma_start3A_751, %dma_start3A_753, %dma_start3A_754] : memref<4x128x64xf32, #tpu.memory_space<vmem>> -> memref<1x128x64xf32, #tpu.memory_space<vmem>>
      %dma_start3A_756 = tpu.memref_squeeze %dma_start3A_755 : memref<1x128x64xf32, #tpu.memory_space<vmem>> -> memref<128x64xf32, #tpu.memory_space<vmem>>
      %dma_start3A_757 = arith.constant 0 : i32
      %dma_start3A_758 = tpu.memref_slice %arg8[%select_n3A_74, %dma_start3A_752, %dma_start3A_757] : memref<2x16x128xi32, #tpu.memory_space<vmem>> -> memref<1x1x128xi32, #tpu.memory_space<vmem>>
      %dma_start3A_759 = tpu.memref_squeeze %dma_start3A_758 : memref<1x1x128xi32, #tpu.memory_space<vmem>> -> memref<128xi32, #tpu.memory_space<vmem>>
      %dma_start3A_760 = arith.constant 0 : i32
      %dma_start3A_761 = arith.constant 0 : i32
      %dma_start3A_762 = tpu.memref_slice %arg11[%dma_start3A_760, %dma_start3A_761] : memref<10016x64xf32, #tpu.memory_space<vmem_shared>> -> memref<10016x64xf32, #tpu.memory_space<vmem_shared>>
      tpu.enqueue_indirect_dma source(%dma_start3A_756 : memref<128x64xf32, #tpu.memory_space<vmem>>) target(%dma_start3A_762 : memref<10016x64xf32, #tpu.memory_space<vmem_shared>>) offsets(%dma_start3A_759 : memref<128xi32, #tpu.memory_space<vmem>>) semaphore(%arg17 : memref<!tpu.dma_semaphore, #tpu.memory_space<semaphore_mem>>) {add = true}
      %add3A_763 = arith.constant 1 : i32
      %add3A_764 = arith.addi %scan3A_66, %add3A_763 : i32
      %lt3A_765 = arith.constant 10 : i32
      %lt3A_766 = arith.cmpi slt, %add3A_764, %lt3A_765 : i32
      %convert_element_type3A_767 = arith.extui %lt3A_766 : i1 to i32
      %cond3A_768 = arith.constant 0 : i32
      %cond3A_769 = arith.cmpi ne, %convert_element_type3A_767, %cond3A_768 : i32
      scf.if %cond3A_769 {
        %add3A_866 = arith.constant 1 : i32
        %add3A_867 = arith.addi %scan3A_66, %add3A_866 : i32
        %mul3A_868 = arith.constant 16 : i32
        %mul3A_869 = arith.muli %add3A_867, %mul3A_868 : i32
        %dma_wait3A_870 = arith.constant 0 : i32
        %dma_wait3A_871 = arith.constant 0 : i32
        %dma_wait3A_872 = tpu.memref_slice %arg7[%select_n3A_92, %dma_wait3A_870, %dma_wait3A_871] : memref<2x16x128xi32, #tpu.memory_space<vmem>> -> memref<1x16x128xi32, #tpu.memory_space<vmem>>
        %dma_wait3A_873 = tpu.memref_squeeze %dma_wait3A_872 : memref<1x16x128xi32, #tpu.memory_space<vmem>> -> memref<16x128xi32, #tpu.memory_space<vmem>>
        %dma_wait3A_874 = arith.constant 0 : i32
        %dma_wait3A_875 = tpu.memref_slice %arg3[%arg1, %mul3A_869, %dma_wait3A_874] : memref<16x160x128xi32, #tpu.memory_space<hbm>> -> memref<1x16x128xi32, #tpu.memory_space<hbm>>
        %dma_wait3A_876 = tpu.memref_squeeze %dma_wait3A_875 : memref<1x16x128xi32, #tpu.memory_space<hbm>> -> memref<16x128xi32, #tpu.memory_space<hbm>>
        %dma_wait3A_877 = arith.constant 0 : i32
        %dma_wait3A_878 = arith.constant 0 : i32
        %dma_wait3A_879 = tpu.memref_slice %arg7[%select_n3A_92, %dma_wait3A_877, %dma_wait3A_878] : memref<2x16x128xi32, #tpu.memory_space<vmem>> -> memref<1x16x128xi32, #tpu.memory_space<vmem>>
        %dma_wait3A_880 = tpu.memref_squeeze %dma_wait3A_879 : memref<1x16x128xi32, #tpu.memory_space<vmem>> -> memref<16x128xi32, #tpu.memory_space<vmem>>
        %dma_wait3A_881 = arith.constant 0 : i32
        %dma_wait3A_882 = tpu.memref_slice %arg3[%arg1, %mul3A_869, %dma_wait3A_881] : memref<16x160x128xi32, #tpu.memory_space<hbm>> -> memref<1x16x128xi32, #tpu.memory_space<hbm>>
        %dma_wait3A_883 = tpu.memref_squeeze %dma_wait3A_882 : memref<1x16x128xi32, #tpu.memory_space<hbm>> -> memref<16x128xi32, #tpu.memory_space<hbm>>
        tpu.wait_dma2 semaphore(%arg20 : memref<!tpu.dma_semaphore, #tpu.memory_space<semaphore_mem>>) src(%dma_wait3A_883 : memref<16x128xi32, #tpu.memory_space<hbm>>) dst(%dma_wait3A_880 : memref<16x128xi32, #tpu.memory_space<vmem>>)
        %add3A_884 = arith.constant 1 : i32
        %add3A_885 = arith.addi %scan3A_66, %add3A_884 : i32
        %mul3A_886 = arith.constant 16 : i32
        %mul3A_887 = arith.muli %add3A_885, %mul3A_886 : i32
        %dma_wait3A_888 = arith.constant 0 : i32
        %dma_wait3A_889 = arith.constant 0 : i32
        %dma_wait3A_890 = tpu.memref_slice %arg8[%select_n3A_92, %dma_wait3A_888, %dma_wait3A_889] : memref<2x16x128xi32, #tpu.memory_space<vmem>> -> memref<1x16x128xi32, #tpu.memory_space<vmem>>
        %dma_wait3A_891 = tpu.memref_squeeze %dma_wait3A_890 : memref<1x16x128xi32, #tpu.memory_space<vmem>> -> memref<16x128xi32, #tpu.memory_space<vmem>>
        %dma_wait3A_892 = arith.constant 0 : i32
        %dma_wait3A_893 = tpu.memref_slice %arg4[%arg1, %mul3A_887, %dma_wait3A_892] : memref<16x160x128xi32, #tpu.memory_space<hbm>> -> memref<1x16x128xi32, #tpu.memory_space<hbm>>
        %dma_wait3A_894 = tpu.memref_squeeze %dma_wait3A_893 : memref<1x16x128xi32, #tpu.memory_space<hbm>> -> memref<16x128xi32, #tpu.memory_space<hbm>>
        %dma_wait3A_895 = arith.constant 0 : i32
        %dma_wait3A_896 = arith.constant 0 : i32
        %dma_wait3A_897 = tpu.memref_slice %arg8[%select_n3A_92, %dma_wait3A_895, %dma_wait3A_896] : memref<2x16x128xi32, #tpu.memory_space<vmem>> -> memref<1x16x128xi32, #tpu.memory_space<vmem>>
        %dma_wait3A_898 = tpu.memref_squeeze %dma_wait3A_897 : memref<1x16x128xi32, #tpu.memory_space<vmem>> -> memref<16x128xi32, #tpu.memory_space<vmem>>
        %dma_wait3A_899 = arith.constant 0 : i32
        %dma_wait3A_900 = tpu.memref_slice %arg4[%arg1, %mul3A_887, %dma_wait3A_899] : memref<16x160x128xi32, #tpu.memory_space<hbm>> -> memref<1x16x128xi32, #tpu.memory_space<hbm>>
        %dma_wait3A_901 = tpu.memref_squeeze %dma_wait3A_900 : memref<1x16x128xi32, #tpu.memory_space<hbm>> -> memref<16x128xi32, #tpu.memory_space<hbm>>
        tpu.wait_dma2 semaphore(%arg20 : memref<!tpu.dma_semaphore, #tpu.memory_space<semaphore_mem>>) src(%dma_wait3A_901 : memref<16x128xi32, #tpu.memory_space<hbm>>) dst(%dma_wait3A_898 : memref<16x128xi32, #tpu.memory_space<vmem>>)
      } else {
      }
      %mul3A_770 = arith.constant 16 : i32
      %mul3A_771 = arith.muli %scan3A_66, %mul3A_770 : i32
      %add3A_772 = arith.constant 14 : i32
      %add3A_773 = arith.addi %mul3A_771, %add3A_772 : i32
      %dma_wait3A_774 = arith.constant 0 : i32
      %dma_wait3A_775 = arith.constant 0 : i32
      %dma_wait3A_776 = arith.constant 0 : i32
      %dma_wait3A_777 = arith.constant 0 : i32
      %dma_wait3A_778 = arith.constant 0 : i32
      %dma_wait3A_779 = tpu.memref_slice %arg9[%dma_wait3A_774, %dma_wait3A_777, %dma_wait3A_778] : memref<4x128x64xf32, #tpu.memory_space<vmem>> -> memref<1x128x64xf32, #tpu.memory_space<vmem>>
      %dma_wait3A_780 = tpu.memref_squeeze %dma_wait3A_779 : memref<1x128x64xf32, #tpu.memory_space<vmem>> -> memref<128x64xf32, #tpu.memory_space<vmem>>
      %dma_wait3A_781 = arith.constant 0 : i32
      %dma_wait3A_782 = tpu.memref_slice %arg8[%dma_wait3A_775, %dma_wait3A_776, %dma_wait3A_781] : memref<2x16x128xi32, #tpu.memory_space<vmem>> -> memref<1x1x128xi32, #tpu.memory_space<vmem>>
      %dma_wait3A_783 = tpu.memref_squeeze %dma_wait3A_782 : memref<1x1x128xi32, #tpu.memory_space<vmem>> -> memref<128xi32, #tpu.memory_space<vmem>>
      %dma_wait3A_784 = arith.constant 0 : i32
      %dma_wait3A_785 = arith.constant 0 : i32
      %dma_wait3A_786 = tpu.memref_slice %arg11[%dma_wait3A_784, %dma_wait3A_785] : memref<10016x64xf32, #tpu.memory_space<vmem_shared>> -> memref<10016x64xf32, #tpu.memory_space<vmem_shared>>
      tpu.wait_indirect_dma semaphore(%arg16 : memref<!tpu.dma_semaphore, #tpu.memory_space<semaphore_mem>>) src(%dma_wait3A_780 : memref<128x64xf32, #tpu.memory_space<vmem>>) dst(%dma_wait3A_786 : memref<10016x64xf32, #tpu.memory_space<vmem_shared>>)
      %add3A_787 = arith.constant 2 : i32
      %add3A_788 = arith.addi %add3A_773, %add3A_787 : i32
      %lt3A_789 = arith.constant 160 : i32
      %lt3A_790 = arith.cmpi slt, %add3A_788, %lt3A_789 : i32
      %convert_element_type3A_791 = arith.extui %lt3A_790 : i1 to i32
      %cond3A_792 = arith.constant 0 : i32
      %cond3A_793 = arith.cmpi ne, %convert_element_type3A_791, %cond3A_792 : i32
      scf.if %cond3A_793 {
        %dma_start3A_866 = arith.constant 0 : i32
        %dma_start3A_867 = arith.constant 0 : i32
        %dma_start3A_868 = arith.constant 0 : i32
        %dma_start3A_869 = arith.constant 0 : i32
        %dma_start3A_870 = tpu.memref_slice %arg9[%dma_start3A_867, %dma_start3A_868, %dma_start3A_869] : memref<4x128x64xf32, #tpu.memory_space<vmem>> -> memref<1x128x64xf32, #tpu.memory_space<vmem>>
        %dma_start3A_871 = tpu.memref_squeeze %dma_start3A_870 : memref<1x128x64xf32, #tpu.memory_space<vmem>> -> memref<128x64xf32, #tpu.memory_space<vmem>>
        %dma_start3A_872 = arith.constant 0 : i32
        %dma_start3A_873 = tpu.memref_slice %arg7[%select_n3A_92, %dma_start3A_866, %dma_start3A_872] : memref<2x16x128xi32, #tpu.memory_space<vmem>> -> memref<1x1x128xi32, #tpu.memory_space<vmem>>
        %dma_start3A_874 = tpu.memref_squeeze %dma_start3A_873 : memref<1x1x128xi32, #tpu.memory_space<vmem>> -> memref<128xi32, #tpu.memory_space<vmem>>
        %dma_start3A_875 = arith.constant 0 : i32
        %dma_start3A_876 = arith.constant 0 : i32
        %dma_start3A_877 = tpu.memref_slice %arg10[%dma_start3A_875, %dma_start3A_876] : memref<10000x64xf32, #tpu.memory_space<vmem_shared>> -> memref<10000x64xf32, #tpu.memory_space<vmem_shared>>
        tpu.enqueue_indirect_dma source(%dma_start3A_877 : memref<10000x64xf32, #tpu.memory_space<vmem_shared>>) target(%dma_start3A_871 : memref<128x64xf32, #tpu.memory_space<vmem>>) offsets(%dma_start3A_874 : memref<128xi32, #tpu.memory_space<vmem>>) semaphore(%arg12 : memref<!tpu.dma_semaphore, #tpu.memory_space<semaphore_mem>>)
      } else {
      }
      %dma_wait3A_794 = arith.constant 14 : i32
      %dma_wait3A_795 = arith.constant 2 : i32
      %dma_wait3A_796 = arith.constant 0 : i32
      %dma_wait3A_797 = arith.constant 0 : i32
      %dma_wait3A_798 = tpu.memref_slice %arg9[%dma_wait3A_795, %dma_wait3A_796, %dma_wait3A_797] : memref<4x128x64xf32, #tpu.memory_space<vmem>> -> memref<1x128x64xf32, #tpu.memory_space<vmem>>
      %dma_wait3A_799 = tpu.memref_squeeze %dma_wait3A_798 : memref<1x128x64xf32, #tpu.memory_space<vmem>> -> memref<128x64xf32, #tpu.memory_space<vmem>>
      %dma_wait3A_800 = arith.constant 0 : i32
      %dma_wait3A_801 = tpu.memref_slice %arg7[%select_n3A_74, %dma_wait3A_794, %dma_wait3A_800] : memref<2x16x128xi32, #tpu.memory_space<vmem>> -> memref<1x1x128xi32, #tpu.memory_space<vmem>>
      %dma_wait3A_802 = tpu.memref_squeeze %dma_wait3A_801 : memref<1x1x128xi32, #tpu.memory_space<vmem>> -> memref<128xi32, #tpu.memory_space<vmem>>
      %dma_wait3A_803 = arith.constant 0 : i32
      %dma_wait3A_804 = arith.constant 0 : i32
      %dma_wait3A_805 = tpu.memref_slice %arg10[%dma_wait3A_803, %dma_wait3A_804] : memref<10000x64xf32, #tpu.memory_space<vmem_shared>> -> memref<10000x64xf32, #tpu.memory_space<vmem_shared>>
      tpu.wait_indirect_dma semaphore(%arg14 : memref<!tpu.dma_semaphore, #tpu.memory_space<semaphore_mem>>) src(%dma_wait3A_805 : memref<10000x64xf32, #tpu.memory_space<vmem_shared>>) dst(%dma_wait3A_799 : memref<128x64xf32, #tpu.memory_space<vmem>>)
      %dma_start3A_806 = arith.constant 2 : i32
      %dma_start3A_807 = arith.constant 14 : i32
      %dma_start3A_808 = arith.constant 0 : i32
      %dma_start3A_809 = arith.constant 0 : i32
      %dma_start3A_810 = tpu.memref_slice %arg9[%dma_start3A_806, %dma_start3A_808, %dma_start3A_809] : memref<4x128x64xf32, #tpu.memory_space<vmem>> -> memref<1x128x64xf32, #tpu.memory_space<vmem>>
      %dma_start3A_811 = tpu.memref_squeeze %dma_start3A_810 : memref<1x128x64xf32, #tpu.memory_space<vmem>> -> memref<128x64xf32, #tpu.memory_space<vmem>>
      %dma_start3A_812 = arith.constant 0 : i32
      %dma_start3A_813 = tpu.memref_slice %arg8[%select_n3A_74, %dma_start3A_807, %dma_start3A_812] : memref<2x16x128xi32, #tpu.memory_space<vmem>> -> memref<1x1x128xi32, #tpu.memory_space<vmem>>
      %dma_start3A_814 = tpu.memref_squeeze %dma_start3A_813 : memref<1x1x128xi32, #tpu.memory_space<vmem>> -> memref<128xi32, #tpu.memory_space<vmem>>
      %dma_start3A_815 = arith.constant 0 : i32
      %dma_start3A_816 = arith.constant 0 : i32
      %dma_start3A_817 = tpu.memref_slice %arg11[%dma_start3A_815, %dma_start3A_816] : memref<10016x64xf32, #tpu.memory_space<vmem_shared>> -> memref<10016x64xf32, #tpu.memory_space<vmem_shared>>
      tpu.enqueue_indirect_dma source(%dma_start3A_811 : memref<128x64xf32, #tpu.memory_space<vmem>>) target(%dma_start3A_817 : memref<10016x64xf32, #tpu.memory_space<vmem_shared>>) offsets(%dma_start3A_814 : memref<128xi32, #tpu.memory_space<vmem>>) semaphore(%arg18 : memref<!tpu.dma_semaphore, #tpu.memory_space<semaphore_mem>>) {add = true}
      %mul3A_818 = arith.constant 16 : i32
      %mul3A_819 = arith.muli %scan3A_66, %mul3A_818 : i32
      %add3A_820 = arith.constant 15 : i32
      %add3A_821 = arith.addi %mul3A_819, %add3A_820 : i32
      %dma_wait3A_822 = arith.constant 1 : i32
      %dma_wait3A_823 = arith.constant 0 : i32
      %dma_wait3A_824 = arith.constant 0 : i32
      %dma_wait3A_825 = arith.constant 0 : i32
      %dma_wait3A_826 = arith.constant 0 : i32
      %dma_wait3A_827 = tpu.memref_slice %arg9[%dma_wait3A_822, %dma_wait3A_825, %dma_wait3A_826] : memref<4x128x64xf32, #tpu.memory_space<vmem>> -> memref<1x128x64xf32, #tpu.memory_space<vmem>>
      %dma_wait3A_828 = tpu.memref_squeeze %dma_wait3A_827 : memref<1x128x64xf32, #tpu.memory_space<vmem>> -> memref<128x64xf32, #tpu.memory_space<vmem>>
      %dma_wait3A_829 = arith.constant 0 : i32
      %dma_wait3A_830 = tpu.memref_slice %arg8[%dma_wait3A_823, %dma_wait3A_824, %dma_wait3A_829] : memref<2x16x128xi32, #tpu.memory_space<vmem>> -> memref<1x1x128xi32, #tpu.memory_space<vmem>>
      %dma_wait3A_831 = tpu.memref_squeeze %dma_wait3A_830 : memref<1x1x128xi32, #tpu.memory_space<vmem>> -> memref<128xi32, #tpu.memory_space<vmem>>
      %dma_wait3A_832 = arith.constant 0 : i32
      %dma_wait3A_833 = arith.constant 0 : i32
      %dma_wait3A_834 = tpu.memref_slice %arg11[%dma_wait3A_832, %dma_wait3A_833] : memref<10016x64xf32, #tpu.memory_space<vmem_shared>> -> memref<10016x64xf32, #tpu.memory_space<vmem_shared>>
      tpu.wait_indirect_dma semaphore(%arg17 : memref<!tpu.dma_semaphore, #tpu.memory_space<semaphore_mem>>) src(%dma_wait3A_828 : memref<128x64xf32, #tpu.memory_space<vmem>>) dst(%dma_wait3A_834 : memref<10016x64xf32, #tpu.memory_space<vmem_shared>>)
      %add3A_835 = arith.constant 2 : i32
      %add3A_836 = arith.addi %add3A_821, %add3A_835 : i32
      %lt3A_837 = arith.constant 160 : i32
      %lt3A_838 = arith.cmpi slt, %add3A_836, %lt3A_837 : i32
      %convert_element_type3A_839 = arith.extui %lt3A_838 : i1 to i32
      %cond3A_840 = arith.constant 0 : i32
      %cond3A_841 = arith.cmpi ne, %convert_element_type3A_839, %cond3A_840 : i32
      scf.if %cond3A_841 {
        %dma_start3A_866 = arith.constant 1 : i32
        %dma_start3A_867 = arith.constant 1 : i32
        %dma_start3A_868 = arith.constant 0 : i32
        %dma_start3A_869 = arith.constant 0 : i32
        %dma_start3A_870 = tpu.memref_slice %arg9[%dma_start3A_867, %dma_start3A_868, %dma_start3A_869] : memref<4x128x64xf32, #tpu.memory_space<vmem>> -> memref<1x128x64xf32, #tpu.memory_space<vmem>>
        %dma_start3A_871 = tpu.memref_squeeze %dma_start3A_870 : memref<1x128x64xf32, #tpu.memory_space<vmem>> -> memref<128x64xf32, #tpu.memory_space<vmem>>
        %dma_start3A_872 = arith.constant 0 : i32
        %dma_start3A_873 = tpu.memref_slice %arg7[%select_n3A_92, %dma_start3A_866, %dma_start3A_872] : memref<2x16x128xi32, #tpu.memory_space<vmem>> -> memref<1x1x128xi32, #tpu.memory_space<vmem>>
        %dma_start3A_874 = tpu.memref_squeeze %dma_start3A_873 : memref<1x1x128xi32, #tpu.memory_space<vmem>> -> memref<128xi32, #tpu.memory_space<vmem>>
        %dma_start3A_875 = arith.constant 0 : i32
        %dma_start3A_876 = arith.constant 0 : i32
        %dma_start3A_877 = tpu.memref_slice %arg10[%dma_start3A_875, %dma_start3A_876] : memref<10000x64xf32, #tpu.memory_space<vmem_shared>> -> memref<10000x64xf32, #tpu.memory_space<vmem_shared>>
        tpu.enqueue_indirect_dma source(%dma_start3A_877 : memref<10000x64xf32, #tpu.memory_space<vmem_shared>>) target(%dma_start3A_871 : memref<128x64xf32, #tpu.memory_space<vmem>>) offsets(%dma_start3A_874 : memref<128xi32, #tpu.memory_space<vmem>>) semaphore(%arg13 : memref<!tpu.dma_semaphore, #tpu.memory_space<semaphore_mem>>)
      } else {
      }
      %dma_wait3A_842 = arith.constant 15 : i32
      %dma_wait3A_843 = arith.constant 3 : i32
      %dma_wait3A_844 = arith.constant 0 : i32
      %dma_wait3A_845 = arith.constant 0 : i32
      %dma_wait3A_846 = tpu.memref_slice %arg9[%dma_wait3A_843, %dma_wait3A_844, %dma_wait3A_845] : memref<4x128x64xf32, #tpu.memory_space<vmem>> -> memref<1x128x64xf32, #tpu.memory_space<vmem>>
      %dma_wait3A_847 = tpu.memref_squeeze %dma_wait3A_846 : memref<1x128x64xf32, #tpu.memory_space<vmem>> -> memref<128x64xf32, #tpu.memory_space<vmem>>
      %dma_wait3A_848 = arith.constant 0 : i32
      %dma_wait3A_849 = tpu.memref_slice %arg7[%select_n3A_74, %dma_wait3A_842, %dma_wait3A_848] : memref<2x16x128xi32, #tpu.memory_space<vmem>> -> memref<1x1x128xi32, #tpu.memory_space<vmem>>
      %dma_wait3A_850 = tpu.memref_squeeze %dma_wait3A_849 : memref<1x1x128xi32, #tpu.memory_space<vmem>> -> memref<128xi32, #tpu.memory_space<vmem>>
      %dma_wait3A_851 = arith.constant 0 : i32
      %dma_wait3A_852 = arith.constant 0 : i32
      %dma_wait3A_853 = tpu.memref_slice %arg10[%dma_wait3A_851, %dma_wait3A_852] : memref<10000x64xf32, #tpu.memory_space<vmem_shared>> -> memref<10000x64xf32, #tpu.memory_space<vmem_shared>>
      tpu.wait_indirect_dma semaphore(%arg15 : memref<!tpu.dma_semaphore, #tpu.memory_space<semaphore_mem>>) src(%dma_wait3A_853 : memref<10000x64xf32, #tpu.memory_space<vmem_shared>>) dst(%dma_wait3A_847 : memref<128x64xf32, #tpu.memory_space<vmem>>)
      %dma_start3A_854 = arith.constant 3 : i32
      %dma_start3A_855 = arith.constant 15 : i32
      %dma_start3A_856 = arith.constant 0 : i32
      %dma_start3A_857 = arith.constant 0 : i32
      %dma_start3A_858 = tpu.memref_slice %arg9[%dma_start3A_854, %dma_start3A_856, %dma_start3A_857] : memref<4x128x64xf32, #tpu.memory_space<vmem>> -> memref<1x128x64xf32, #tpu.memory_space<vmem>>
      %dma_start3A_859 = tpu.memref_squeeze %dma_start3A_858 : memref<1x128x64xf32, #tpu.memory_space<vmem>> -> memref<128x64xf32, #tpu.memory_space<vmem>>
      %dma_start3A_860 = arith.constant 0 : i32
      %dma_start3A_861 = tpu.memref_slice %arg8[%select_n3A_74, %dma_start3A_855, %dma_start3A_860] : memref<2x16x128xi32, #tpu.memory_space<vmem>> -> memref<1x1x128xi32, #tpu.memory_space<vmem>>
      %dma_start3A_862 = tpu.memref_squeeze %dma_start3A_861 : memref<1x1x128xi32, #tpu.memory_space<vmem>> -> memref<128xi32, #tpu.memory_space<vmem>>
      %dma_start3A_863 = arith.constant 0 : i32
      %dma_start3A_864 = arith.constant 0 : i32
      %dma_start3A_865 = tpu.memref_slice %arg11[%dma_start3A_863, %dma_start3A_864] : memref<10016x64xf32, #tpu.memory_space<vmem_shared>> -> memref<10016x64xf32, #tpu.memory_space<vmem_shared>>
      tpu.enqueue_indirect_dma source(%dma_start3A_859 : memref<128x64xf32, #tpu.memory_space<vmem>>) target(%dma_start3A_865 : memref<10016x64xf32, #tpu.memory_space<vmem_shared>>) offsets(%dma_start3A_862 : memref<128xi32, #tpu.memory_space<vmem>>) semaphore(%arg19 : memref<!tpu.dma_semaphore, #tpu.memory_space<semaphore_mem>>) {add = true}
    }
    %scan3A_35 = arith.constant 10 : i32
    %dma_wait3A = arith.constant 2 : i32
    %dma_wait3A_36 = arith.constant 0 : i32
    %dma_wait3A_37 = arith.constant 0 : i32
    %dma_wait3A_38 = arith.constant 0 : i32
    %dma_wait3A_39 = arith.constant 0 : i32
    %dma_wait3A_40 = tpu.memref_slice %arg9[%dma_wait3A, %dma_wait3A_38, %dma_wait3A_39] : memref<4x128x64xf32, #tpu.memory_space<vmem>> -> memref<1x128x64xf32, #tpu.memory_space<vmem>>
    %dma_wait3A_41 = tpu.memref_squeeze %dma_wait3A_40 : memref<1x128x64xf32, #tpu.memory_space<vmem>> -> memref<128x64xf32, #tpu.memory_space<vmem>>
    %dma_wait3A_42 = arith.constant 0 : i32
    %dma_wait3A_43 = tpu.memref_slice %arg8[%dma_wait3A_36, %dma_wait3A_37, %dma_wait3A_42] : memref<2x16x128xi32, #tpu.memory_space<vmem>> -> memref<1x1x128xi32, #tpu.memory_space<vmem>>
    %dma_wait3A_44 = tpu.memref_squeeze %dma_wait3A_43 : memref<1x1x128xi32, #tpu.memory_space<vmem>> -> memref<128xi32, #tpu.memory_space<vmem>>
    %dma_wait3A_45 = arith.constant 0 : i32
    %dma_wait3A_46 = arith.constant 0 : i32
    %dma_wait3A_47 = tpu.memref_slice %arg11[%dma_wait3A_45, %dma_wait3A_46] : memref<10016x64xf32, #tpu.memory_space<vmem_shared>> -> memref<10016x64xf32, #tpu.memory_space<vmem_shared>>
    tpu.wait_indirect_dma semaphore(%arg18 : memref<!tpu.dma_semaphore, #tpu.memory_space<semaphore_mem>>) src(%dma_wait3A_41 : memref<128x64xf32, #tpu.memory_space<vmem>>) dst(%dma_wait3A_47 : memref<10016x64xf32, #tpu.memory_space<vmem_shared>>)
    %dma_wait3A_48 = arith.constant 3 : i32
    %dma_wait3A_49 = arith.constant 0 : i32
    %dma_wait3A_50 = arith.constant 0 : i32
    %dma_wait3A_51 = arith.constant 0 : i32
    %dma_wait3A_52 = arith.constant 0 : i32
    %dma_wait3A_53 = tpu.memref_slice %arg9[%dma_wait3A_48, %dma_wait3A_51, %dma_wait3A_52] : memref<4x128x64xf32, #tpu.memory_space<vmem>> -> memref<1x128x64xf32, #tpu.memory_space<vmem>>
    %dma_wait3A_54 = tpu.memref_squeeze %dma_wait3A_53 : memref<1x128x64xf32, #tpu.memory_space<vmem>> -> memref<128x64xf32, #tpu.memory_space<vmem>>
    %dma_wait3A_55 = arith.constant 0 : i32
    %dma_wait3A_56 = tpu.memref_slice %arg8[%dma_wait3A_49, %dma_wait3A_50, %dma_wait3A_55] : memref<2x16x128xi32, #tpu.memory_space<vmem>> -> memref<1x1x128xi32, #tpu.memory_space<vmem>>
    %dma_wait3A_57 = tpu.memref_squeeze %dma_wait3A_56 : memref<1x1x128xi32, #tpu.memory_space<vmem>> -> memref<128xi32, #tpu.memory_space<vmem>>
    %dma_wait3A_58 = arith.constant 0 : i32
    %dma_wait3A_59 = arith.constant 0 : i32
    %dma_wait3A_60 = tpu.memref_slice %arg11[%dma_wait3A_58, %dma_wait3A_59] : memref<10016x64xf32, #tpu.memory_space<vmem_shared>> -> memref<10016x64xf32, #tpu.memory_space<vmem_shared>>
    tpu.wait_indirect_dma semaphore(%arg19 : memref<!tpu.dma_semaphore, #tpu.memory_space<semaphore_mem>>) src(%dma_wait3A_54 : memref<128x64xf32, #tpu.memory_space<vmem>>) dst(%dma_wait3A_60 : memref<10016x64xf32, #tpu.memory_space<vmem_shared>>)
    %barrier3A_61 = arith.constant 0 : index
    tpu.barrier barrier_id(%barrier3A_61)
    %mul3A_62 = arith.constant 626 : i32
    %mul3A_63 = arith.muli %arg1, %mul3A_62 : i32
    %mul3A_64 = arith.constant 626 : i32
    %mul3A_65 = arith.muli %arg1, %mul3A_64 : i32
    "tpu.region"() ({
      %run_scoped3A_66 = tpu.sem_alloc : memref<!tpu.dma_semaphore, #tpu.memory_space<semaphore_mem>>
      %dma_start3A_67 = arith.constant 0 : i32
      %dma_start3A_68 = tpu.memref_slice %arg6[%arg0, %mul3A_65, %dma_start3A_67] : memref<2x10016x64xf32, #tpu.memory_space<hbm>> -> memref<1x626x64xf32, #tpu.memory_space<hbm>>
      %dma_start3A_69 = tpu.memref_squeeze %dma_start3A_68 : memref<1x626x64xf32, #tpu.memory_space<hbm>> -> memref<626x64xf32, #tpu.memory_space<hbm>>
      %dma_start3A_70 = arith.constant 0 : i32
      %dma_start3A_71 = tpu.memref_slice %arg11[%mul3A_63, %dma_start3A_70] : memref<10016x64xf32, #tpu.memory_space<vmem_shared>> -> memref<626x64xf32, #tpu.memory_space<vmem_shared>>
      tpu.enqueue_dma source(%dma_start3A_71 : memref<626x64xf32, #tpu.memory_space<vmem_shared>>) target(%dma_start3A_69 : memref<626x64xf32, #tpu.memory_space<hbm>>) target_semaphore(%run_scoped3A_66 : memref<!tpu.dma_semaphore, #tpu.memory_space<semaphore_mem>>)
      %dma_wait3A_72 = arith.constant 0 : i32
      %dma_wait3A_73 = tpu.memref_slice %arg6[%arg0, %mul3A_65, %dma_wait3A_72] : memref<2x10016x64xf32, #tpu.memory_space<hbm>> -> memref<1x626x64xf32, #tpu.memory_space<hbm>>
      %dma_wait3A_74 = tpu.memref_squeeze %dma_wait3A_73 : memref<1x626x64xf32, #tpu.memory_space<hbm>> -> memref<626x64xf32, #tpu.memory_space<hbm>>
      %dma_wait3A_75 = arith.constant 0 : i32
      %dma_wait3A_76 = tpu.memref_slice %arg11[%mul3A_63, %dma_wait3A_75] : memref<10016x64xf32, #tpu.memory_space<vmem_shared>> -> memref<626x64xf32, #tpu.memory_space<vmem_shared>>
      tpu.wait_dma2 semaphore(%run_scoped3A_66 : memref<!tpu.dma_semaphore, #tpu.memory_space<semaphore_mem>>) src(%dma_wait3A_76 : memref<626x64xf32, #tpu.memory_space<vmem_shared>>) dst(%dma_wait3A_74 : memref<626x64xf32, #tpu.memory_space<hbm>>)
      tpu.yield
    }) : () -> ()
    return
  }
}

module attributes {stable_mosaic.version = 14 : i64} {
  func.func @_proj_body(%arg0: i32, %arg1: memref<1000x128xf32, #tpu.memory_space<vmem>>, %arg2: memref<128x128xf32, #tpu.memory_space<vmem>>, %arg3: memref<1x128xf32, #tpu.memory_space<vmem>>, %arg4: memref<2x1000x64xf32, #tpu.memory_space<vmem>>) attributes {dimension_semantics = [#tpu.dimension_semantics<arbitrary>], iteration_bounds = array<i64: 10>, scalar_prefetch = 0 : i64, scratch_operands = 0 : i64, tpu.core_type = #tpu.core_type<tc>, window_params = [{transform_indices = @transform_0, window_bounds = array<i64: 1000, 128>}, {pipeline_mode = #tpu.pipeline_mode<synchronous>, transform_indices = @transform_1, window_bounds = array<i64: 128, 128>}, {pipeline_mode = #tpu.pipeline_mode<synchronous>, transform_indices = @transform_2, window_bounds = array<i64: 1, 128>}, {transform_indices = @transform_3, window_bounds = array<i64: 2, 1000, 64>}]} {
    %get3A = arith.constant 0 : index
    %get3A_0 = arith.constant 0 : index
    %get3A_1 = vector.load %arg1[%get3A, %get3A_0] : memref<1000x128xf32, #tpu.memory_space<vmem>>, vector<1000x128xf32>
    %get3A_2 = arith.constant 0 : index
    %get3A_3 = arith.constant 0 : index
    %get3A_4 = vector.load %arg2[%get3A_2, %get3A_3] : memref<128x128xf32, #tpu.memory_space<vmem>>, vector<128x128xf32>
    %dot_general3A = arith.constant dense<0.000000e+00> : vector<1000x128xf32>
    %dot_general3A_5 = tpu.matmul %get3A_1, %get3A_4, %dot_general3A {dimension_numbers = #tpu.dot_dimension_numbers<[1], [0], [0], [1], [0, 0, 1, 1], [], []>, transpose_lhs_hint = false} : vector<1000x128xf32>, vector<128x128xf32>, vector<1000x128xf32> -> vector<1000x128xf32>
    %get3A_6 = arith.constant 0 : index
    %get3A_7 = arith.constant 0 : index
    %get3A_8 = vector.load %arg3[%get3A_6, %get3A_7] : memref<1x128xf32, #tpu.memory_space<vmem>>, vector<1x128xf32>
    %add3A = vector.broadcast %get3A_8 : vector<1x128xf32> to vector<1000x128xf32>
    %add3A_9 = arith.addf %dot_general3A_5, %add3A : vector<1000x128xf32>
    %slice3A = vector.extract_strided_slice %add3A_9 {offsets = [0, 0], sizes = [1000, 64], strides = [1, 1]} : vector<1000x128xf32> to vector<1000x64xf32>
    %swap3A = arith.constant 0 : index
    %swap3A_10 = arith.constant 0 : index
    %swap3A_11 = arith.constant 0 : index
    %swap3A_12 = vector.load %arg4[%swap3A, %swap3A_10, %swap3A_11] : memref<2x1000x64xf32, #tpu.memory_space<vmem>>, vector<1x1000x64xf32>
    %swap3A_13 = vector.shape_cast %swap3A_12 : vector<1x1000x64xf32> to vector<1000x64xf32>
    %swap3A_14 = vector.shape_cast %slice3A : vector<1000x64xf32> to vector<1x1000x64xf32>
    tpu.vector_store %arg4[%swap3A, %swap3A_10, %swap3A_11], %swap3A_14 {strides = array<i32>} : memref<2x1000x64xf32, #tpu.memory_space<vmem>>, vector<1x1000x64xf32>,
    %slice3A_15 = vector.extract_strided_slice %add3A_9 {offsets = [0, 64], sizes = [1000, 64], strides = [1, 1]} : vector<1000x128xf32> to vector<1000x64xf32>
    %swap3A_16 = arith.constant 1 : index
    %swap3A_17 = arith.constant 0 : index
    %swap3A_18 = arith.constant 0 : index
    %swap3A_19 = vector.load %arg4[%swap3A_16, %swap3A_17, %swap3A_18] : memref<2x1000x64xf32, #tpu.memory_space<vmem>>, vector<1x1000x64xf32>
    %swap3A_20 = vector.shape_cast %swap3A_19 : vector<1x1000x64xf32> to vector<1000x64xf32>
    %swap3A_21 = vector.shape_cast %slice3A_15 : vector<1000x64xf32> to vector<1x1000x64xf32>
    tpu.vector_store %arg4[%swap3A_16, %swap3A_17, %swap3A_18], %swap3A_21 {strides = array<i32>} : memref<2x1000x64xf32, #tpu.memory_space<vmem>>, vector<1x1000x64xf32>,
    return
  }
  func.func @transform_0(%arg0: i32) -> (i32, i32) {
    %c0_i32 = arith.constant 0 : i32
    %c0_i32_0 = arith.constant 0 : i32
    return %arg0, %c0_i32 : i32, i32
  }
  func.func @transform_1(%arg0: i32) -> (i32, i32) {
    %c0_i32 = arith.constant 0 : i32
    %c0_i32_0 = arith.constant 0 : i32
    %c0_i32_1 = arith.constant 0 : i32
    return %c0_i32, %c0_i32_0 : i32, i32
  }
  func.func @transform_2(%arg0: i32) -> (i32, i32) {
    %c0_i32 = arith.constant 0 : i32
    %c0_i32_0 = arith.constant 0 : i32
    %c0_i32_1 = arith.constant 0 : i32
    return %c0_i32, %c0_i32_0 : i32, i32
  }
  func.func @transform_3(%arg0: i32) -> (i32, i32, i32) {
    %c0_i32 = arith.constant 0 : i32
    %c0_i32_0 = arith.constant 0 : i32
    %c0_i32_1 = arith.constant 0 : i32
    return %c0_i32, %arg0, %c0_i32_0 : i32, i32, i32
  }
}

module attributes {stable_mosaic.version = 14 : i64} {
  func.func @_p1_body(%arg0: i32, %arg1: memref<2x1000x64xf32, #tpu.memory_space<vmem>>, %arg2: memref<2x1000x64xf32, #tpu.memory_space<vmem>>, %arg3: memref<128x256xf32, #tpu.memory_space<vmem>>, %arg4: memref<1x256xf32, #tpu.memory_space<vmem>>, %arg5: memref<1000x256xf32, #tpu.memory_space<vmem>>, %arg6: memref<8x256xf32, #tpu.memory_space<vmem>>) attributes {dimension_semantics = [#tpu.dimension_semantics<arbitrary>], iteration_bounds = array<i64: 10>, scalar_prefetch = 0 : i64, scratch_operands = 0 : i64, tpu.core_type = #tpu.core_type<tc>, window_params = [{transform_indices = @transform_0, window_bounds = array<i64: 2, 1000, 64>}, {transform_indices = @transform_1, window_bounds = array<i64: 2, 1000, 64>}, {pipeline_mode = #tpu.pipeline_mode<synchronous>, transform_indices = @transform_2, window_bounds = array<i64: 128, 256>}, {pipeline_mode = #tpu.pipeline_mode<synchronous>, transform_indices = @transform_3, window_bounds = array<i64: 1, 256>}, {transform_indices = @transform_4, window_bounds = array<i64: 1000, 256>}, {pipeline_mode = #tpu.pipeline_mode<synchronous>, transform_indices = @transform_5, window_bounds = array<i64: 8, 256>}]} {
    %get3A = arith.constant 0 : index
    %get3A_0 = arith.constant 0 : index
    %get3A_1 = arith.constant 0 : index
    %get3A_2 = vector.load %arg1[%get3A, %get3A_0, %get3A_1] : memref<2x1000x64xf32, #tpu.memory_space<vmem>>, vector<1x1000x64xf32>
    %get3A_3 = vector.shape_cast %get3A_2 : vector<1x1000x64xf32> to vector<1000x64xf32>
    %get3A_4 = arith.constant 0 : index
    %get3A_5 = arith.constant 0 : index
    %get3A_6 = arith.constant 0 : index
    %get3A_7 = vector.load %arg2[%get3A_4, %get3A_5, %get3A_6] : memref<2x1000x64xf32, #tpu.memory_space<vmem>>, vector<1x1000x64xf32>
    %get3A_8 = vector.shape_cast %get3A_7 : vector<1x1000x64xf32> to vector<1000x64xf32>
    %add3A = arith.addf %get3A_3, %get3A_8 : vector<1000x64xf32>
    %get3A_9 = arith.constant 1 : index
    %get3A_10 = arith.constant 0 : index
    %get3A_11 = arith.constant 0 : index
    %get3A_12 = vector.load %arg1[%get3A_9, %get3A_10, %get3A_11] : memref<2x1000x64xf32, #tpu.memory_space<vmem>>, vector<1x1000x64xf32>
    %get3A_13 = vector.shape_cast %get3A_12 : vector<1x1000x64xf32> to vector<1000x64xf32>
    %get3A_14 = arith.constant 1 : index
    %get3A_15 = arith.constant 0 : index
    %get3A_16 = arith.constant 0 : index
    %get3A_17 = vector.load %arg2[%get3A_14, %get3A_15, %get3A_16] : memref<2x1000x64xf32, #tpu.memory_space<vmem>>, vector<1x1000x64xf32>
    %get3A_18 = vector.shape_cast %get3A_17 : vector<1x1000x64xf32> to vector<1000x64xf32>
    %add3A_19 = arith.addf %get3A_13, %get3A_18 : vector<1000x64xf32>
    %concatenate3A = tpu.concatenate %add3A, %add3A_19 in 1 : vector<1000x64xf32>, vector<1000x64xf32> -> vector<1000x128xf32>
    %get3A_20 = arith.constant 0 : index
    %get3A_21 = arith.constant 0 : index
    %get3A_22 = vector.load %arg3[%get3A_20, %get3A_21] : memref<128x256xf32, #tpu.memory_space<vmem>>, vector<128x256xf32>
    %dot_general3A = arith.constant dense<0.000000e+00> : vector<1000x256xf32>
    %dot_general3A_23 = tpu.matmul %concatenate3A, %get3A_22, %dot_general3A {dimension_numbers = #tpu.dot_dimension_numbers<[1], [0], [0], [1], [0, 0, 1, 1], [], []>, transpose_lhs_hint = false} : vector<1000x128xf32>, vector<128x256xf32>, vector<1000x256xf32> -> vector<1000x256xf32>
    %get3A_24 = arith.constant 0 : index
    %get3A_25 = arith.constant 0 : index
    %get3A_26 = vector.load %arg4[%get3A_24, %get3A_25] : memref<1x256xf32, #tpu.memory_space<vmem>>, vector<1x256xf32>
    %add3A_27 = vector.broadcast %get3A_26 : vector<1x256xf32> to vector<1000x256xf32>
    %add3A_28 = arith.addf %dot_general3A_23, %add3A_27 : vector<1000x256xf32>
    %swap3A = arith.constant 0 : index
    %swap3A_29 = arith.constant 0 : index
    %swap3A_30 = vector.load %arg5[%swap3A, %swap3A_29] : memref<1000x256xf32, #tpu.memory_space<vmem>>, vector<1000x256xf32>
    tpu.vector_store %arg5[%swap3A, %swap3A_29], %add3A_28 {strides = array<i32>} : memref<1000x256xf32, #tpu.memory_space<vmem>>, vector<1000x256xf32>,
    %eq3A = arith.constant 0 : i32
    %eq3A_31 = arith.cmpi eq, %arg0, %eq3A : i32
    %convert_element_type3A = arith.extui %eq3A_31 : i1 to i32
    %cond3A = arith.constant 0 : i32
    %cond3A_32 = arith.cmpi ne, %convert_element_type3A, %cond3A : i32
    scf.if %cond3A_32 {
      %broadcast_in_dim3A_51 = arith.constant 0.000000e+00 : f32
      %broadcast_in_dim3A_52 = vector.broadcast %broadcast_in_dim3A_51 : f32 to vector<8x256xf32>
      %swap3A_53 = arith.constant 0 : index
      %swap3A_54 = arith.constant 0 : index
      %swap3A_55 = vector.load %arg6[%swap3A_53, %swap3A_54] : memref<8x256xf32, #tpu.memory_space<vmem>>, vector<8x256xf32>
      tpu.vector_store %arg6[%swap3A_53, %swap3A_54], %broadcast_in_dim3A_52 {strides = array<i32>} : memref<8x256xf32, #tpu.memory_space<vmem>>, vector<8x256xf32>,
    } else {
    }
    %get3A_33 = arith.constant 0 : index
    %get3A_34 = arith.constant 0 : index
    %get3A_35 = vector.load %arg6[%get3A_33, %get3A_34] : memref<8x256xf32, #tpu.memory_space<vmem>>, vector<1x256xf32>
    %reduce_sum3A = arith.constant dense<0.000000e+00> : vector<256xf32>
    %reduce_sum3A_36 = vector.multi_reduction <add>, %add3A_28, %reduce_sum3A [0] : vector<1000x256xf32> to vector<256xf32>
    %broadcast_in_dim3A = vector.shape_cast %reduce_sum3A_36 : vector<256xf32> to vector<1x256xf32>
    %add3A_37 = arith.addf %get3A_35, %broadcast_in_dim3A : vector<1x256xf32>
    %swap3A_38 = arith.constant 0 : index
    %swap3A_39 = arith.constant 0 : index
    %swap3A_40 = vector.load %arg6[%swap3A_38, %swap3A_39] : memref<8x256xf32, #tpu.memory_space<vmem>>, vector<1x256xf32>
    tpu.vector_store %arg6[%swap3A_38, %swap3A_39], %add3A_37 {strides = array<i32>} : memref<8x256xf32, #tpu.memory_space<vmem>>, vector<1x256xf32>,
    %get3A_41 = arith.constant 1 : index
    %get3A_42 = arith.constant 0 : index
    %get3A_43 = vector.load %arg6[%get3A_41, %get3A_42] : memref<8x256xf32, #tpu.memory_space<vmem>>, vector<1x256xf32>
    %mul3A = arith.mulf %add3A_28, %add3A_28 : vector<1000x256xf32>
    %reduce_sum3A_44 = arith.constant dense<0.000000e+00> : vector<256xf32>
    %reduce_sum3A_45 = vector.multi_reduction <add>, %mul3A, %reduce_sum3A_44 [0] : vector<1000x256xf32> to vector<256xf32>
    %broadcast_in_dim3A_46 = vector.shape_cast %reduce_sum3A_45 : vector<256xf32> to vector<1x256xf32>
    %add3A_47 = arith.addf %get3A_43, %broadcast_in_dim3A_46 : vector<1x256xf32>
    %swap3A_48 = arith.constant 1 : index
    %swap3A_49 = arith.constant 0 : index
    %swap3A_50 = vector.load %arg6[%swap3A_48, %swap3A_49] : memref<8x256xf32, #tpu.memory_space<vmem>>, vector<1x256xf32>
    tpu.vector_store %arg6[%swap3A_48, %swap3A_49], %add3A_47 {strides = array<i32>} : memref<8x256xf32, #tpu.memory_space<vmem>>, vector<1x256xf32>,
    return
  }
  func.func @transform_0(%arg0: i32) -> (i32, i32, i32) {
    %c0_i32 = arith.constant 0 : i32
    %c0_i32_0 = arith.constant 0 : i32
    %c0_i32_1 = arith.constant 0 : i32
    return %c0_i32, %arg0, %c0_i32_0 : i32, i32, i32
  }
  func.func @transform_1(%arg0: i32) -> (i32, i32, i32) {
    %c0_i32 = arith.constant 0 : i32
    %c0_i32_0 = arith.constant 0 : i32
    %c0_i32_1 = arith.constant 0 : i32
    return %c0_i32, %arg0, %c0_i32_0 : i32, i32, i32
  }
  func.func @transform_2(%arg0: i32) -> (i32, i32) {
    %c0_i32 = arith.constant 0 : i32
    %c0_i32_0 = arith.constant 0 : i32
    %c0_i32_1 = arith.constant 0 : i32
    return %c0_i32, %c0_i32_0 : i32, i32
  }
  func.func @transform_3(%arg0: i32) -> (i32, i32) {
    %c0_i32 = arith.constant 0 : i32
    %c0_i32_0 = arith.constant 0 : i32
    %c0_i32_1 = arith.constant 0 : i32
    return %c0_i32, %c0_i32_0 : i32, i32
  }
  func.func @transform_4(%arg0: i32) -> (i32, i32) {
    %c0_i32 = arith.constant 0 : i32
    %c0_i32_0 = arith.constant 0 : i32
    return %arg0, %c0_i32 : i32, i32
  }
  func.func @transform_5(%arg0: i32) -> (i32, i32) {
    %c0_i32 = arith.constant 0 : i32
    %c0_i32_0 = arith.constant 0 : i32
    %c0_i32_1 = arith.constant 0 : i32
    return %c0_i32, %c0_i32_0 : i32, i32
  }
}

module attributes {stable_mosaic.version = 14 : i64} {
  func.func @_p2_body(%arg0: i32, %arg1: memref<1000x256xf32, #tpu.memory_space<vmem>>, %arg2: memref<1x256xf32, #tpu.memory_space<vmem>>, %arg3: memref<1x256xf32, #tpu.memory_space<vmem>>, %arg4: memref<256x128xf32, #tpu.memory_space<vmem>>, %arg5: memref<1x128xf32, #tpu.memory_space<vmem>>, %arg6: memref<2x1000x64xf32, #tpu.memory_space<vmem>>) attributes {dimension_semantics = [#tpu.dimension_semantics<arbitrary>], iteration_bounds = array<i64: 10>, scalar_prefetch = 0 : i64, scratch_operands = 0 : i64, tpu.core_type = #tpu.core_type<tc>, window_params = [{transform_indices = @transform_0, window_bounds = array<i64: 1000, 256>}, {pipeline_mode = #tpu.pipeline_mode<synchronous>, transform_indices = @transform_1, window_bounds = array<i64: 1, 256>}, {pipeline_mode = #tpu.pipeline_mode<synchronous>, transform_indices = @transform_2, window_bounds = array<i64: 1, 256>}, {pipeline_mode = #tpu.pipeline_mode<synchronous>, transform_indices = @transform_3, window_bounds = array<i64: 256, 128>}, {pipeline_mode = #tpu.pipeline_mode<synchronous>, transform_indices = @transform_4, window_bounds = array<i64: 1, 128>}, {transform_indices = @transform_5, window_bounds = array<i64: 2, 1000, 64>}]} {
    %get3A = arith.constant 0 : index
    %get3A_0 = arith.constant 0 : index
    %get3A_1 = vector.load %arg1[%get3A, %get3A_0] : memref<1000x256xf32, #tpu.memory_space<vmem>>, vector<1000x256xf32>
    %get3A_2 = arith.constant 0 : index
    %get3A_3 = arith.constant 0 : index
    %get3A_4 = vector.load %arg2[%get3A_2, %get3A_3] : memref<1x256xf32, #tpu.memory_space<vmem>>, vector<1x256xf32>
    %mul3A = vector.broadcast %get3A_4 : vector<1x256xf32> to vector<1000x256xf32>
    %mul3A_5 = arith.mulf %get3A_1, %mul3A : vector<1000x256xf32>
    %get3A_6 = arith.constant 0 : index
    %get3A_7 = arith.constant 0 : index
    %get3A_8 = vector.load %arg3[%get3A_6, %get3A_7] : memref<1x256xf32, #tpu.memory_space<vmem>>, vector<1x256xf32>
    %add3A = vector.broadcast %get3A_8 : vector<1x256xf32> to vector<1000x256xf32>
    %add3A_9 = arith.addf %mul3A_5, %add3A : vector<1000x256xf32>
    %max3A = arith.constant 0.000000e+00 : f32
    %max3A_10 = vector.broadcast %max3A : f32 to vector<1000x256xf32>
    %max3A_11 = arith.maximumf %add3A_9, %max3A_10 : vector<1000x256xf32>
    %get3A_12 = arith.constant 0 : index
    %get3A_13 = arith.constant 0 : index
    %get3A_14 = vector.load %arg4[%get3A_12, %get3A_13] : memref<256x128xf32, #tpu.memory_space<vmem>>, vector<256x128xf32>
    %dot_general3A = arith.constant dense<0.000000e+00> : vector<1000x128xf32>
    %dot_general3A_15 = tpu.matmul %max3A_11, %get3A_14, %dot_general3A {dimension_numbers = #tpu.dot_dimension_numbers<[1], [0], [0], [1], [0, 0, 1, 1], [], []>, transpose_lhs_hint = false} : vector<1000x256xf32>, vector<256x128xf32>, vector<1000x128xf32> -> vector<1000x128xf32>
    %get3A_16 = arith.constant 0 : index
    %get3A_17 = arith.constant 0 : index
    %get3A_18 = vector.load %arg5[%get3A_16, %get3A_17] : memref<1x128xf32, #tpu.memory_space<vmem>>, vector<1x128xf32>
    %add3A_19 = vector.broadcast %get3A_18 : vector<1x128xf32> to vector<1000x128xf32>
    %add3A_20 = arith.addf %dot_general3A_15, %add3A_19 : vector<1000x128xf32>
    %max3A_21 = arith.constant 0.000000e+00 : f32
    %max3A_22 = vector.broadcast %max3A_21 : f32 to vector<1000x128xf32>
    %max3A_23 = arith.maximumf %add3A_20, %max3A_22 : vector<1000x128xf32>
    %slice3A = vector.extract_strided_slice %max3A_23 {offsets = [0, 0], sizes = [1000, 64], strides = [1, 1]} : vector<1000x128xf32> to vector<1000x64xf32>
    %swap3A = arith.constant 0 : index
    %swap3A_24 = arith.constant 0 : index
    %swap3A_25 = arith.constant 0 : index
    %swap3A_26 = vector.load %arg6[%swap3A, %swap3A_24, %swap3A_25] : memref<2x1000x64xf32, #tpu.memory_space<vmem>>, vector<1x1000x64xf32>
    %swap3A_27 = vector.shape_cast %swap3A_26 : vector<1x1000x64xf32> to vector<1000x64xf32>
    %swap3A_28 = vector.shape_cast %slice3A : vector<1000x64xf32> to vector<1x1000x64xf32>
    tpu.vector_store %arg6[%swap3A, %swap3A_24, %swap3A_25], %swap3A_28 {strides = array<i32>} : memref<2x1000x64xf32, #tpu.memory_space<vmem>>, vector<1x1000x64xf32>,
    %slice3A_29 = vector.extract_strided_slice %max3A_23 {offsets = [0, 64], sizes = [1000, 64], strides = [1, 1]} : vector<1000x128xf32> to vector<1000x64xf32>
    %swap3A_30 = arith.constant 1 : index
    %swap3A_31 = arith.constant 0 : index
    %swap3A_32 = arith.constant 0 : index
    %swap3A_33 = vector.load %arg6[%swap3A_30, %swap3A_31, %swap3A_32] : memref<2x1000x64xf32, #tpu.memory_space<vmem>>, vector<1x1000x64xf32>
    %swap3A_34 = vector.shape_cast %swap3A_33 : vector<1x1000x64xf32> to vector<1000x64xf32>
    %swap3A_35 = vector.shape_cast %slice3A_29 : vector<1000x64xf32> to vector<1x1000x64xf32>
    tpu.vector_store %arg6[%swap3A_30, %swap3A_31, %swap3A_32], %swap3A_35 {strides = array<i32>} : memref<2x1000x64xf32, #tpu.memory_space<vmem>>, vector<1x1000x64xf32>,
    return
  }
  func.func @transform_0(%arg0: i32) -> (i32, i32) {
    %c0_i32 = arith.constant 0 : i32
    %c0_i32_0 = arith.constant 0 : i32
    return %arg0, %c0_i32 : i32, i32
  }
  func.func @transform_1(%arg0: i32) -> (i32, i32) {
    %c0_i32 = arith.constant 0 : i32
    %c0_i32_0 = arith.constant 0 : i32
    %c0_i32_1 = arith.constant 0 : i32
    return %c0_i32, %c0_i32_0 : i32, i32
  }
  func.func @transform_2(%arg0: i32) -> (i32, i32) {
    %c0_i32 = arith.constant 0 : i32
    %c0_i32_0 = arith.constant 0 : i32
    %c0_i32_1 = arith.constant 0 : i32
    return %c0_i32, %c0_i32_0 : i32, i32
  }
  func.func @transform_3(%arg0: i32) -> (i32, i32) {
    %c0_i32 = arith.constant 0 : i32
    %c0_i32_0 = arith.constant 0 : i32
    %c0_i32_1 = arith.constant 0 : i32
    return %c0_i32, %c0_i32_0 : i32, i32
  }
  func.func @transform_4(%arg0: i32) -> (i32, i32) {
    %c0_i32 = arith.constant 0 : i32
    %c0_i32_0 = arith.constant 0 : i32
    %c0_i32_1 = arith.constant 0 : i32
    return %c0_i32, %c0_i32_0 : i32, i32
  }
  func.func @transform_5(%arg0: i32) -> (i32, i32, i32) {
    %c0_i32 = arith.constant 0 : i32
    %c0_i32_0 = arith.constant 0 : i32
    %c0_i32_1 = arith.constant 0 : i32
    return %c0_i32, %arg0, %c0_i32_0 : i32, i32, i32
  }
}

module attributes {stable_mosaic.version = 14 : i64} {
  func.func @_p2_body(%arg0: i32, %arg1: memref<1000x256xf32, #tpu.memory_space<vmem>>, %arg2: memref<1x256xf32, #tpu.memory_space<vmem>>, %arg3: memref<1x256xf32, #tpu.memory_space<vmem>>, %arg4: memref<256x128xf32, #tpu.memory_space<vmem>>, %arg5: memref<1x128xf32, #tpu.memory_space<vmem>>, %arg6: memref<1000x128xf32, #tpu.memory_space<vmem>>) attributes {dimension_semantics = [#tpu.dimension_semantics<arbitrary>], iteration_bounds = array<i64: 10>, scalar_prefetch = 0 : i64, scratch_operands = 0 : i64, tpu.core_type = #tpu.core_type<tc>, window_params = [{transform_indices = @transform_0, window_bounds = array<i64: 1000, 256>}, {pipeline_mode = #tpu.pipeline_mode<synchronous>, transform_indices = @transform_1, window_bounds = array<i64: 1, 256>}, {pipeline_mode = #tpu.pipeline_mode<synchronous>, transform_indices = @transform_2, window_bounds = array<i64: 1, 256>}, {pipeline_mode = #tpu.pipeline_mode<synchronous>, transform_indices = @transform_3, window_bounds = array<i64: 256, 128>}, {pipeline_mode = #tpu.pipeline_mode<synchronous>, transform_indices = @transform_4, window_bounds = array<i64: 1, 128>}, {transform_indices = @transform_5, window_bounds = array<i64: 1000, 128>}]} {
    %get3A = arith.constant 0 : index
    %get3A_0 = arith.constant 0 : index
    %get3A_1 = vector.load %arg1[%get3A, %get3A_0] : memref<1000x256xf32, #tpu.memory_space<vmem>>, vector<1000x256xf32>
    %get3A_2 = arith.constant 0 : index
    %get3A_3 = arith.constant 0 : index
    %get3A_4 = vector.load %arg2[%get3A_2, %get3A_3] : memref<1x256xf32, #tpu.memory_space<vmem>>, vector<1x256xf32>
    %mul3A = vector.broadcast %get3A_4 : vector<1x256xf32> to vector<1000x256xf32>
    %mul3A_5 = arith.mulf %get3A_1, %mul3A : vector<1000x256xf32>
    %get3A_6 = arith.constant 0 : index
    %get3A_7 = arith.constant 0 : index
    %get3A_8 = vector.load %arg3[%get3A_6, %get3A_7] : memref<1x256xf32, #tpu.memory_space<vmem>>, vector<1x256xf32>
    %add3A = vector.broadcast %get3A_8 : vector<1x256xf32> to vector<1000x256xf32>
    %add3A_9 = arith.addf %mul3A_5, %add3A : vector<1000x256xf32>
    %max3A = arith.constant 0.000000e+00 : f32
    %max3A_10 = vector.broadcast %max3A : f32 to vector<1000x256xf32>
    %max3A_11 = arith.maximumf %add3A_9, %max3A_10 : vector<1000x256xf32>
    %get3A_12 = arith.constant 0 : index
    %get3A_13 = arith.constant 0 : index
    %get3A_14 = vector.load %arg4[%get3A_12, %get3A_13] : memref<256x128xf32, #tpu.memory_space<vmem>>, vector<256x128xf32>
    %dot_general3A = arith.constant dense<0.000000e+00> : vector<1000x128xf32>
    %dot_general3A_15 = tpu.matmul %max3A_11, %get3A_14, %dot_general3A {dimension_numbers = #tpu.dot_dimension_numbers<[1], [0], [0], [1], [0, 0, 1, 1], [], []>, transpose_lhs_hint = false} : vector<1000x256xf32>, vector<256x128xf32>, vector<1000x128xf32> -> vector<1000x128xf32>
    %get3A_16 = arith.constant 0 : index
    %get3A_17 = arith.constant 0 : index
    %get3A_18 = vector.load %arg5[%get3A_16, %get3A_17] : memref<1x128xf32, #tpu.memory_space<vmem>>, vector<1x128xf32>
    %add3A_19 = vector.broadcast %get3A_18 : vector<1x128xf32> to vector<1000x128xf32>
    %add3A_20 = arith.addf %dot_general3A_15, %add3A_19 : vector<1000x128xf32>
    %swap3A = arith.constant 0 : index
    %swap3A_21 = arith.constant 0 : index
    %swap3A_22 = vector.load %arg6[%swap3A, %swap3A_21] : memref<1000x128xf32, #tpu.memory_space<vmem>>, vector<1000x128xf32>
    tpu.vector_store %arg6[%swap3A, %swap3A_21], %add3A_20 {strides = array<i32>} : memref<1000x128xf32, #tpu.memory_space<vmem>>, vector<1000x128xf32>,
    return
  }
  func.func @transform_0(%arg0: i32) -> (i32, i32) {
    %c0_i32 = arith.constant 0 : i32
    %c0_i32_0 = arith.constant 0 : i32
    return %arg0, %c0_i32 : i32, i32
  }
  func.func @transform_1(%arg0: i32) -> (i32, i32) {
    %c0_i32 = arith.constant 0 : i32
    %c0_i32_0 = arith.constant 0 : i32
    %c0_i32_1 = arith.constant 0 : i32
    return %c0_i32, %c0_i32_0 : i32, i32
  }
  func.func @transform_2(%arg0: i32) -> (i32, i32) {
    %c0_i32 = arith.constant 0 : i32
    %c0_i32_0 = arith.constant 0 : i32
    %c0_i32_1 = arith.constant 0 : i32
    return %c0_i32, %c0_i32_0 : i32, i32
  }
  func.func @transform_3(%arg0: i32) -> (i32, i32) {
    %c0_i32 = arith.constant 0 : i32
    %c0_i32_0 = arith.constant 0 : i32
    %c0_i32_1 = arith.constant 0 : i32
    return %c0_i32, %c0_i32_0 : i32, i32
  }
  func.func @transform_4(%arg0: i32) -> (i32, i32) {
    %c0_i32 = arith.constant 0 : i32
    %c0_i32_0 = arith.constant 0 : i32
    %c0_i32_1 = arith.constant 0 : i32
    return %c0_i32, %c0_i32_0 : i32, i32
  }
  func.func @transform_5(%arg0: i32) -> (i32, i32) {
    %c0_i32 = arith.constant 0 : i32
    %c0_i32_0 = arith.constant 0 : i32
    return %arg0, %c0_i32 : i32, i32
  }
}

</mosaic_0001>

<sc_bundles>
// kernel: kernel.12.cloned.1.call-start
scs
__scs_entry_jumppad:
0x0: {  	(pc) =	sbr.rel $0x88, $3  }
0x1: {  	(tag) =	ssettag $0x0;
	lr =	simm.s32 $0x1  }
0x2: {  	[smem:$0x3F91] =	sst lr;
	_ =	strace $0xD0000000  }
0x3: {  	_ = 	snop  }
0x4: {  	_ = 	snop  }
0x5: {  	_ = 	snop  }
0x6: {  	_ = 	snop  }
0x7: {  	_ = 	snop  }
__scs_overlays_trampoline_lowered:
0x8: {  	[smem:$0x3FA0] =	sst s0  }
0x9: {  	[smem:$0x3FA1] =	sst s1  }
0xa: {  	[smem:$0x3FA2] =	sst s2  }
0xb: {  	[smem:$0x3FA3] =	sst s3  }
0xc: {  	[smem:$0x3FA4] =	sst s4  }
0xd: {  	[smem:$0x3FA5] =	sst s5  }
0xe: {  	[smem:$0x3FA6] =	sst s6  }
0xf: {  	[smem:$0x3FA7] =	sst s7  }
0x10: {  	[smem:$0x3FA8] =	sst s8  }
0x11: {  	[smem:$0x3FA9] =	sst s9;
	s0 =	simm.s32 @!p0 $0x0  }
0x12: {  	s1 =	sld [smem:$0x3F8F];
	s0 =	simm.s32 @p0 $0x1  }
0x13: {  	[smem:$0x3FAA] =	sst s0;
	s0 =	simm.s32 @!p1 $0x0  }
0x14: {  	s2 =	sld [smem:$0x3F8E];
	s0 =	simm.s32 @p1 $0x1  }
0x15: {  	[smem:$0x3FAB] =	sst s0;
	s0 =	simm.s32 @!p2 $0x0  }
0x16: {  	s3 =	sld [smem:$0x3FDB];
	s0 =	simm.s32 @p2 $0x1  }
0x17: {  	s4 =	simm.s32 $0x1BF5;
	[smem:$0x3FAD] =	sst s0  }
0x18: {  	s0 =	sld [smem:$0x3F90];
	_ =	swait.ge [sflag:s4], $0x0  }
0x19: {  	s7 =	sld [smem:$0x3F91]  }
0x1a: {  	s8 =	sadd.s32 $0xFFFFE003, lr  }
0x1b: {  	s9 =	sadd.s32 $0xFFFFFEF7, lr;
	s5 =	simm.s32 $0xFFFFFFFF;
	p2 =	slt.u32 s8, $0xFFFFF086  }
0x1c: {  	p1 =	slt.u32 s9, $0xF7A;
	s5 =	simm.s32 @!p2 $0x0  }
0x1d: {  	s5 =	simm.s32 @p1 $0x1;
	p0 =	seq.s32 s7, s2  }
0x1e: {  	s7 =	smul.u32 @!p0 $0xF7A, s2;
	p2 =	seq.s32 @!p0 s5, $0x0  }
0x1f: {  	s9 =	smul.u32 $0xF7A, s1;
	s8 =	simm.s32 @!p0 $0x1BF5;
	p2 =	por !p2, p0  }
0x20: {  	[sflag:s8] =	ssyncset.s32 @!p0 $0xFFFFF086;
	s6 =	sadd.s32 @!p0 s3, s7;
	s7 =	simm.s32 @!p0 $0x108  }
0x21: {  	s3 =	sadd.s32 s3, s9;
	s6 =	sadd.s32 @!p0 $0x88, s6;
	s7 =	simm.s32 @p2 $0x1082  }
0x22: {  	[simem:s7], [sflag:s8] =	dma.local @!p0 [hbm:s6], $0xF7A  }
0x23: {  	s9 =	sor.u32 $0xD0000000, s2;
	s6 =	simm.s32 $0x108;
	_ =	swait.ge @!p0 [sflag:s8], $0x0  }
0x24: {  	s3 =	sadd.s32 $0x88, s3;
	s6 =	simm.s32 @!p1 $0x1082;
	[sflag:s4] =	ssyncset.s32 $0xFFFFF086  }
0x25: {  	[simem:s6], [sflag:s4] =	dma.local [hbm:s3], $0xF7A  }
0x26: {  	[smem:$0x3F91] =	sst s1;
	(tag) =	ssettag s2;
	_ =	strace s9  }
0x27: {  	s1 =	sld [smem:$0x3FA1]  }
0x28: {  	s2 =	sld [smem:$0x3FA2]  }
0x29: {  	s4 =	sld [smem:$0x3FA4]  }
0x2a: {  	p0 =	seq.s32 s5, $0x0;
	s5 =	sld [smem:$0x3FA5]  }
0x2b: {  	s6 =	sld [smem:$0x3FA6]  }
0x2c: {  	s7 =	sld [smem:$0x3FA7]  }
0x2d: {  	s3 =	simm.s32 $0x108;
	s8 =	sld [smem:$0x3FA8]  }
0x2e: {  	s3 =	simm.s32 @!p0 $0x1082;
	s9 =	sld [smem:$0x3FA9]  }
0x2f: {  	lr =	sadd.s32 s0, s3;
	s0 =	sld [smem:$0x3FA0]  }
0x30: {  	s3 =	sld [smem:$0x3FA3]  }
0x31: {  	[smem:$0x3FAC] =	sst s10  }
0x32: {  	s10 =	sld [smem:$0x3FAA];
	_ =	sdelay $0x3  }
0x33: {  	p0 =	seq.s32 s10, $0x1;
	s10 =	sld [smem:$0x3FAC];
	_ =	sdelay $0x3  }
0x34: {  	[smem:$0x3FAC] =	sst s10  }
0x35: {  	s10 =	sld [smem:$0x3FAB];
	_ =	sdelay $0x3  }
0x36: {  	p1 =	seq.s32 s10, $0x1;
	s10 =	sld [smem:$0x3FAC];
	_ =	sdelay $0x3  }
0x37: {  	[smem:$0x3FAC] =	sst s10  }
0x38: {  	s10 =	sld [smem:$0x3FAD]  }
0x39: {  	_ = 	snop;
	(pc) =	sbr.ind lr, $3  }
0x3a: {  	_ = 	snop  }
0x3b: {  	_ = 	snop  }
0x3c: {  	p2 =	seq.s32 s10, $0x1;
	s10 =	sld [smem:$0x3FAC]  }
0x3d: {  	_ =	shalt  }
0x3e: {  	_ =	shalt  }
0x3f: {  	_ =	shalt  }
0x40: {  	_ =	shalt  }
0x41: {  	_ =	shalt  }
0x42: {  	_ =	shalt  }
0x43: {  	_ =	shalt  }
0x44: {  	_ =	shalt  }
0x45: {  	_ =	shalt  }
0x46: {  	_ =	shalt  }
0x47: {  	_ =	shalt  }
0x48: {  	_ =	shalt  }
0x49: {  	_ =	shalt  }
0x4a: {  	_ =	shalt  }
0x4b: {  	_ =	shalt  }
0x4c: {  	_ =	shalt  }
0x4d: {  	_ =	shalt  }
0x4e: {  	_ =	shalt  }
0x4f: {  	_ =	shalt  }
0x50: {  	_ =	shalt  }
0x51: {  	_ =	shalt  }
0x52: {  	_ =	shalt  }
0x53: {  	_ =	shalt  }
0x54: {  	_ =	shalt  }
0x55: {  	_ =	shalt  }
0x56: {  	_ =	shalt  }
0x57: {  	_ =	shalt  }
0x58: {  	_ =	shalt  }
0x59: {  	_ =	shalt  }
0x5a: {  	_ =	shalt  }
0x5b: {  	_ =	shalt  }
0x5c: {  	_ =	shalt  }
0x5d: {  	_ =	shalt  }
0x5e: {  	_ =	shalt  }
0x5f: {  	_ =	shalt  }
0x60: {  	_ =	shalt  }
0x61: {  	_ =	shalt  }
0x62: {  	_ =	shalt  }
0x63: {  	_ =	shalt  }
0x64: {  	_ =	shalt  }
0x65: {  	_ =	shalt  }
0x66: {  	_ =	shalt  }
0x67: {  	_ =	shalt  }
0x68: {  	_ =	shalt  }
0x69: {  	_ =	shalt  }
0x6a: {  	_ =	shalt  }
0x6b: {  	_ =	shalt  }
0x6c: {  	_ =	shalt  }
0x6d: {  	_ =	shalt  }
0x6e: {  	_ =	shalt  }
0x6f: {  	_ =	shalt  }
0x70: {  	_ =	shalt  }
0x71: {  	_ =	shalt  }
0x72: {  	_ =	shalt  }
0x73: {  	_ =	shalt  }
0x74: {  	_ =	shalt  }
0x75: {  	_ =	shalt  }
0x76: {  	_ =	shalt  }
0x77: {  	_ =	shalt  }
0x78: {  	_ =	shalt  }
0x79: {  	_ =	shalt  }
0x7a: {  	_ =	shalt  }
0x7b: {  	_ =	shalt  }
0x7c: {  	_ =	shalt  }
0x7d: {  	_ =	shalt  }
0x7e: {  	_ =	shalt  }
0x7f: {  	_ =	shalt  }
0x80: {  	_ =	shalt  }
0x81: {  	_ =	shalt  }
0x82: {  	_ =	shalt  }
0x83: {  	_ =	shalt  }
0x84: {  	_ =	shalt  }
0x85: {  	_ =	shalt  }
0x86: {  	_ =	shalt  }
0x87: {  	_ =	shalt  }
.Lfunc_end0:
.L_simem_size_0:
called_computation.1_lowered:
.L_overlay_start_0:
0x88: {  	s2 =	sld [smem:$0x3FD9]  }
0x89: {  	s3 =	sld [smem:$0x3FFE];
	_ =	sdelay $0x1  }
0x8a: {  	s1 =	srdreg.scid  }
0x8b: {  	s0 =	sand.u32 $0x1, s1  }
0x8c: {  	s17 =	sshll.u32 s0, $0xA;
	s2 =	sadd.s32 s3, s2  }
0x8d: {  	s2 =	sadd.s32 s2, s17  }
0x8e: {  	[smem:$0x3FB8] =	sst s2  }
0x8f: {  	_ = 	snop  }
0x90: {  	s2 =	sld [smem:$0x3FD0];
	(tm) =	ssettm $0x1  }
0x91: {  	s18 =	sld [smem:$0x3FFB];
	_ =	sdelay $0x3  }
0x92: {  	_ =	strace s18  }
0x93: {  	s3 =	sld [smem:$0x3FFC];
	_ =	sdelay $0x3  }
0x94: {  	_ =	strace s3  }
0x95: {  	s3 =	sld [smem:$0x3FFD];
	_ =	sdelay $0x3  }
0x96: {  	_ =	strace s3  }
0x97: {  	_ =	strace $0x8FFFFFFF  }
0x98: {  	s19 =	sld [smem:$0x3FDB];
	_ =	sdelay $0x1  }
0x99: {  	s4 =	simm.s32 $_scs_section_size  }
0x9a: {  	s5 =	simm.s32 $_size__tile_overlayer_lowered;
	s6 =	simm.s32 $_tile_overlayer_lowered  }
0x9b: {  	s22 =	simm.s32 $0x1BFF;
	s21 =	sshll.u32 s6, $0x1;
	s3 =	sadd.s32 s4, s19  }
0x9c: {  	s7 =	simm.s32 $0x0;
	s20 =	sshll.u32 s5, $0x1;
	s5 =	sadd.s32 s21, s3  }
0x9d: {  	[timem:s7], [sflag:s22] =	dma.local [hbm:s5], s20  }
0x9e: {  	_ =	swait.ge [sflag:s22], s20  }
0x9f: {  	s4 =	ssub.s32 $0x0, s20;
	[sflag:s22] =	ssyncset.done $0x0  }
0xa0: {  	[sflag:s22] =	ssyncadd.s32 s4;
	_ =	sdelay $0x1  }
0xa1: {  	s23 =	simm.s32 $0x1B8B  }
0xa2: {  	_ =	swait.ge [sflag:s23], $0x1  }
0xa3: {  	[sflag:s23] =	ssyncset.done $0x0  }
0xa4: {  	s25 =	simm.s32 $0x1B8E;
	s24 =	sld [smem:$0x3FFE];
	[sflag:s23] =	ssyncadd.s32 $0xFFFFFFFF  }
0xa5: {  	s26 =	simm.s32 $execute0_lowered;
	[smem:$0x3FD2] =	sst s25  }
0xa6: {  	s5 =	sshll.u32 s26, $0x1;
	_ =	strace $0x80000049;
	[dreg:$0x1] =	wrdreg $0xFFFFFFFF  }
0xa7: {  	s28 =	simm.s32 $_size_execute0_lowered;
	s3 =	sadd.s32 s3, s5;
	[dreg:$0x0] =	wrdreg $0x0  }
0xa8: {  	s5 =	sshll.u32 s28, $0x1;
	[dreg:$0x2] =	wrdreg s3  }
0xa9: {  	[dreg:$0x3] =	wrdreg s5  }
0xaa: {  	[dreg:$0x4] =	wrdreg $0xC0  }
0xab: {  	_ =	task [dreg:s7], $0x5FFFF  }
0xac: {  	[dreg:$0x1] =	wrdreg $0xFFFFFFFF  }
0xad: {  	[dreg:$0x0] =	wrdreg $0x60  }
0xae: {  	[dreg:$0x2] =	wrdreg s2  }
0xaf: {  	[dreg:$0x3] =	wrdreg s24  }
0xb0: {  	[dreg:$0x4] =	wrdreg $0xA0000  }
0xb1: {  	[dreg:$0x5] =	wrdreg $0x13C400  }
0xb2: {  	[dreg:$0x6] =	wrdreg $0x9  }
0xb3: {  	_ =	task.clear_ibuf [dreg:s7], $0x7FFFF;
	_ =	strace $0x90000049  }
0xb4: {  	s29 =	simm.s32 $0x9;
	_ =	strace $0x8000004B  }
0xb5: {  	_ =	swait.ge [sflag:s29], $0x1  }
0xb6: {  	[sflag:s29] =	ssyncadd.s32 $0xFFFFFFFF  }
0xb7: {  	_ =	strace $0x9000004B  }
0xb8: {  	_ =	sfence  }
0xb9: {  	s30 =	sld [smem:$0x0];
	_ =	sdelay $0x2  }
0xba: {  	s31 =	sshll.u32 s1, $0xD;
	s1 =	sshrl.u32 s1, $0x2  }
0xbb: {  	s3 =	sand.u32 $0x4000, s31;
	s1 =	sadd.s32 s1, s30  }
0xbc: {  	s0 =	sor.u32 s3, s0;
	s1 =	sshll.u32 s1, $0x11  }
0xbd: {  	s0 =	sor.u32 s1, s0  }
0xbe: {  	s0 =	sadd.s32 $0x8F2B, s0  }
0xbf: {  	[sflag:s0] =	ssyncadd.remote.s32 $0x1  }
0xc0: {  	_ =	sfence.sel $0xFFFF  }
0xc1: {  	[dreg:$0x0] =	wrdreg $0xFFFFFFFF;
	(pc) =	sbr.abs _section_cstart, $3  }
0xc2: {  	[dreg:$0x1] =	wrdreg $0xFFFFFFFF  }
0xc3: {  	_ =	task.clear_ibuf [dreg:s7], $0x2FFFF;
	_ =	strace $0x9FFFFFFF  }
0xc4: {  	(tm) =	ssettm $0x7FFFFFFF  }
0xc5: {  	_ =	shalt  }
tec
execute0_lowered:
.L_overlay_start_1:
0x0: {  	(tag) =	ssettag $0x1  }
0x1: {  	s0 =	rddreg [dreg:$0x0]  }
0x2: {  	s1 =	rddreg [dreg:$0x1]  }
0x3: {  	s2 =	rddreg [dreg:$0x2]  }
0x4: {  	s3 =	rddreg [dreg:$0x3];
	s5 =	srdreg.scid  }
0x5: {  	s4 =	stileid.u32;
	s7 =	simm.s32 $0x0;
	s28 =	simm.s32 $0x7  }
0x6: {  	s29 =	simm.s32 $0x8;
	s30 =	simm.s32 $0x0;
	s6 =	smul.u32 $0x9C80, s4  }
0x7: {  	s5 =	sand.u32 $0x1, s5;
	[smem:$0x7FF] =	sst s7;
	s11 =	smul.u32 $0x9C40, s4  }
0x8: {  	s8 =	sadd.s32 $0xCA00, s1;
	s9 =	sadd.s32 $0x2A00, s1;
	s18 =	smul.u32 $0x5000, s4  }
0x9: {  	s10 =	sadd.s32 $0x16A00, s1;
	s20 =	sshll.u32 s4, $0x6;
	s13 =	smul.u32 $0xA00, s4  }
0xa: {  	s15 =	smul.u32 $0x9C800, s5;
	_ =	strace $0x8000004A;
	s16 =	ssub.s32 $0x2, s5  }
0xb: {  	[dreg:$0x7] =	wrdreg s10;
	s5 =	smul.u32 $0x13880, s5;
	s17 =	sshrl.u32 s16, $0x1  }
0xc: {  	s19 =	sshrl.u32 s11, $0x3;
	s14 =	sadd.s32 s11, s2;
	s21 =	sadd.s32 s6, s3  }
0xd: {  	s22 =	sadd.s32 s13, s9;
	s7 =	sadd.s32 s6, s15;
	s12 =	ssub.s32 s16, s17  }
0xe: {  	s0 =	sadd.s32 s0, s5;
	s5 =	sshrl.u32 s18, $0x3;
	s6 =	sadd.s32 $0x100, s22  }
0xf: {  	s31 =	sshrl.u32 s14, $0x3;
	s4 =	sshrl.u32 s21, $0x3;
	s16 =	simm.s32 $0x80  }
0x10: {  	s17 =	simm.s32 $0x2000;
	s18 =	simm.s32 $0x4000;
	s21 =	simm.s32 $0x8000  }
0x11: {  	s22 =	simm.s32 $0x2;
	s7 =	sshrl.u32 s7, $0x3;
	[dreg:$0x5] =	wrdreg s6  }
0x12: {  	s0 =	sadd.s32 s19, s0;
	s23 =	sadd.s32 s8, s5;
	[dreg:$0xd] =	wrdreg s31  }
0x13: {  	s8 =	sadd.s32 s13, s8;
	s24 =	sadd.s32 s9, s5;
	[dreg:$0xe] =	wrdreg s4  }
0x14: {  	s26 =	smax.u32 s12, $0x1;
	s13 =	simm.s32 $0xA;
	[dreg:$0x8] =	wrdreg s0  }
0x15: {  	s19 =	simm.s32 $0x6000;
	s1 =	sadd.s32 s7, s1;
	[dreg:$0x9] =	wrdreg s23  }
0x16: {  	s7 =	sor.u32 $0x1C0A, s20;
	[dreg:$0xa] =	wrdreg s24;
	s25 =	sadd.s32 $0x100, s8  }
0x17: {  	[dreg:$0xc] =	wrdreg s26;
	s20 =	simm.s32 $0x1;
	s23 =	simm.s32 $0x5  }
0x18: {  	s24 =	simm.s32 $0x3;
	s1 =	sadd.s32 $0x17E00, s1;
	[dreg:$0x6] =	wrdreg s25  }
0x19: {  	s26 =	simm.s32 $0x4;
	s25 =	simm.s32 $0x6;
	[dreg:$0xb] =	wrdreg s1  }
.LBB2_1:
0x1a: {  	s0 =	rddreg [dreg:$0x8]  }
0x1b: {  	s1 =	rddreg [dreg:$0xd]  }
0x1c: {  	[spmem:s1], [sflag:s7] =	dma.local [hbm:s0], $0x1388  }
0x1d: {  	_ =	swait.ge [sflag:s13], $0x1388  }
0x1e: {  	[sflag:s13] =	ssyncset.done $0x0  }
0x1f: {  	s6 =	rddreg [dreg:$0x7];
	[sflag:s13] =	ssyncadd.s32 $0xFFFFEC78  }
0x20: {  	[spmem:s4], [sflag:s7] =	dma.local [hbm:s6], $0x1390  }
0x21: {  	_ =	swait.ge [sflag:s13], $0x1390  }
0x22: {  	[sflag:s13] =	ssyncset.done $0x0  }
0x23: {  	s8 =	simm.s32 $0x0;
	s9 =	rddreg [dreg:$0x9];
	[sflag:s13] =	ssyncadd.s32 $0xFFFFEC70  }
0x24: {  	[tilespmem:s8], [sflag:$0xA] =	stream.linear.gather [hbm4b:s9+s8], $0x800, $0x38;
	[tilespmem:$0x1D8C0] =	vst v63  }
0x25: {  	_ =	swait.ge [sflag:s13], $0x800  }
0x26: {  	[sflag:s13] =	ssyncset.done $0x0  }
0x27: {  	s11 =	simm.s32 $0x1000;
	s10 =	rddreg [dreg:$0xa];
	[sflag:s13] =	ssyncadd.s32 $0xFFFFF800  }
0x28: {  	[tilespmem:s11], [sflag:$0xA] =	stream.linear.gather [hbm4b:s10+s8], $0x800, $0x38;
	[tilespmem:$0x1D8C0] =	vst v63  }
0x29: {  	_ =	swait.ge [sflag:s13], $0x800  }
0x2a: {  	[sflag:s13] =	ssyncset.done $0x0  }
0x2b: {  	[sflag:s13] =	ssyncadd.s32 $0xFFFFF800  }
0x2c: {  	p0 =	por $0x1, $0x1;
	[bflag:$0x0] =	sbarrier.arrive $0xFFFF  }
0x2d: {  	[tilespmem:s17], [sflag:$0x1] =	stream.indirect.gather [spmem:s2], $0x40, s8, s16, $0xb8;
	[tilespmem:$0x1D8C0] =	vst v63  }
0x2e: {  	s0 =	simm.s32 @!p0 $0x7  }
0x2f: {  	[tilespmem:s18], [sflag:$0x2] =	stream.indirect.gather [spmem:s2], $0x40, s16, s16, $0xb8;
	[tilespmem:$0x1D8C0] =	vst v63  }
0x30: {  	_ =	swait.ge @!p0 [sflag:s0], $0x2000  }
0x31: {  	s5 =	sand.u32 $0x800, s8;
	[sflag:s0] =	ssyncset.done @!p0 $0x0  }
0x32: {  	s6 =	sor.u32 $0x100, s5;
	[sflag:s0] =	ssyncadd.s32 @!p0 $0xFFFFE000  }
0x33: {  	[tilespmem:s19], [sflag:$0x3] =	stream.indirect.gather [spmem:s2], $0x40, s6, s16, $0xb8;
	[tilespmem:$0x1D8C0] =	vst v63  }
0x34: {  	_ =	swait.ge [sflag:s20], $0x2000  }
0x35: {  	[sflag:s20] =	ssyncset.done $0x0  }
0x36: {  	s1 =	simm.s32 @!p0 $0x8;
	s12 =	sor.u32 $0x1000, s5;
	[sflag:s20] =	ssyncadd.s32 $0xFFFFE000  }
0x37: {  	[spmem:s3] =	stream.indirect.scatter.add.f32 [tilespmem:s17], [sflag:$0x5], $0x40, s12, s16, $0xb8;
	[tilespmem:$0x1D8C0] =	vst v63  }
0x38: {  	_ =	swait.ge @!p0 [sflag:s1], $0x2000  }
0x39: {  	[sflag:s1] =	ssyncset.done @!p0 $0x0  }
0x3a: {  	s8 =	sor.u32 $0x180, s5;
	[sflag:s1] =	ssyncadd.s32 @!p0 $0xFFFFE000  }
0x3b: {  	[tilespmem:s21], [sflag:$0x4] =	stream.indirect.gather [spmem:s2], $0x40, s8, s16, $0xb8;
	[tilespmem:$0x1D8C0] =	vst v63  }
0x3c: {  	s14 =	sadd.s32 $0x1080, s5;
	_ =	swait.ge [sflag:s22], $0x2000  }
0x3d: {  	p0 =	por $0x0, $0x0;
	s1 =	sand.u32 $0x1, s20;
	[sflag:s22] =	ssyncset.done $0x0  }
0x3e: {  	s0 =	sshll.u32 @!p0 s1, $0xB;
	s9 =	rddreg [dreg:$0x6];
	[sflag:s22] =	ssyncadd.s32 $0xFFFFE000  }
0x3f: {  	[spmem:s3] =	stream.indirect.scatter.add.f32 [tilespmem:s18], [sflag:$0x6], $0x40, s14, s16, $0xb8;
	[tilespmem:$0x1D8C0] =	vst v63  }
0x40: {  	s31 =	simm.s32 @!p0 $0x0;
	s15 =	rddreg [dreg:$0x5];
	s9 =	sadd.s32 @!p0 $0x0, s9  }
0x41: {  	[tilespmem:s0], [sflag:$0x9] =	stream.linear.gather @!p0 [hbm4b:s9+s31], $0x800, $0x38;
	[tilespmem:$0x1D8C0] =	vst v63  }
0x42: {  	s15 =	sadd.s32 @!p0 $0x0, s15;
	s9 =	sor.u32 @!p0 $0x1000, s0  }
0x43: {  	[tilespmem:s9], [sflag:$0x9] =	stream.linear.gather @!p0 [hbm4b:s15+s31], $0x800, $0x38;
	[tilespmem:$0x1D8C0] =	vst v63  }
0x44: {  	_ =	swait.ge [sflag:s23], $0x2000  }
0x45: {  	[sflag:s23] =	ssyncset.done $0x0  }
0x46: {  	s15 =	sadd.s32 $0x200, s5;
	[sflag:s23] =	ssyncadd.s32 $0xFFFFE000  }
0x47: {  	[tilespmem:s17], [sflag:$0x1] =	stream.indirect.gather [spmem:s2], $0x40, s15, s16, $0xb8;
	[tilespmem:$0x1D8C0] =	vst v63  }
0x48: {  	_ =	swait.ge [sflag:s24], $0x2000  }
0x49: {  	[sflag:s24] =	ssyncset.done $0x0  }
0x4a: {  	s6 =	sor.u32 $0x1000, s6;
	[sflag:s24] =	ssyncadd.s32 $0xFFFFE000  }
0x4b: {  	[spmem:s3] =	stream.indirect.scatter.add.f32 [tilespmem:s19], [sflag:$0x7], $0x40, s6, s16, $0xb8;
	[tilespmem:$0x1D8C0] =	vst v63  }
0x4c: {  	_ =	swait.ge [sflag:s25], $0x2000  }
0x4d: {  	[sflag:s25] =	ssyncset.done $0x0  }
0x4e: {  	s4 =	sadd.s32 $0x280, s5;
	[sflag:s25] =	ssyncadd.s32 $0xFFFFE000  }
0x4f: {  	[tilespmem:s18], [sflag:$0x2] =	stream.indirect.gather [spmem:s2], $0x40, s4, s16, $0xb8;
	[tilespmem:$0x1D8C0] =	vst v63  }
0x50: {  	_ =	swait.ge [sflag:s26], $0x2000  }
0x51: {  	[sflag:s26] =	ssyncset.done $0x0  }
0x52: {  	s9 =	sor.u32 $0x1000, s8;
	[sflag:s26] =	ssyncadd.s32 $0xFFFFE000  }
0x53: {  	[spmem:s3] =	stream.indirect.scatter.add.f32 [tilespmem:s21], [sflag:$0x8], $0x40, s9, s16, $0xb8;
	[tilespmem:$0x1D8C0] =	vst v63  }
0x54: {  	_ =	swait.ge [sflag:s28], $0x2000  }
0x55: {  	[sflag:s28] =	ssyncset.done $0x0  }
0x56: {  	s10 =	sadd.s32 $0x300, s5;
	[sflag:s28] =	ssyncadd.s32 $0xFFFFE000  }
0x57: {  	[tilespmem:s19], [sflag:$0x3] =	stream.indirect.gather [spmem:s2], $0x40, s10, s16, $0xb8;
	[tilespmem:$0x1D8C0] =	vst v63  }
0x58: {  	_ =	swait.ge [sflag:s20], $0x2000  }
0x59: {  	[sflag:s20] =	ssyncset.done $0x0  }
0x5a: {  	s11 =	sadd.s32 $0x1200, s5;
	[sflag:s20] =	ssyncadd.s32 $0xFFFFE000  }
0x5b: {  	[spmem:s3] =	stream.indirect.scatter.add.f32 [tilespmem:s17], [sflag:$0x5], $0x40, s11, s16, $0xb8;
	[tilespmem:$0x1D8C0] =	vst v63  }
0x5c: {  	_ =	swait.ge [sflag:s29], $0x2000  }
0x5d: {  	[sflag:s29] =	ssyncset.done $0x0  }
0x5e: {  	s12 =	sadd.s32 $0x380, s5;
	[sflag:s29] =	ssyncadd.s32 $0xFFFFE000  }
0x5f: {  	[tilespmem:s21], [sflag:$0x4] =	stream.indirect.gather [spmem:s2], $0x40, s12, s16, $0xb8;
	[tilespmem:$0x1D8C0] =	vst v63  }
0x60: {  	_ =	swait.ge [sflag:s22], $0x2000  }
0x61: {  	[sflag:s22] =	ssyncset.done $0x0  }
0x62: {  	s14 =	sadd.s32 $0x1280, s5;
	[sflag:s22] =	ssyncadd.s32 $0xFFFFE000  }
0x63: {  	[spmem:s3] =	stream.indirect.scatter.add.f32 [tilespmem:s18], [sflag:$0x6], $0x40, s14, s16, $0xb8;
	[tilespmem:$0x1D8C0] =	vst v63  }
0x64: {  	_ =	swait.ge [sflag:s23], $0x2000  }
0x65: {  	[sflag:s23] =	ssyncset.done $0x0  }
0x66: {  	s15 =	sadd.s32 $0x400, s5;
	[sflag:s23] =	ssyncadd.s32 $0xFFFFE000  }
0x67: {  	[tilespmem:s17], [sflag:$0x1] =	stream.indirect.gather [spmem:s2], $0x40, s15, s16, $0xb8;
	[tilespmem:$0x1D8C0] =	vst v63  }
0x68: {  	_ =	swait.ge [sflag:s24], $0x2000  }
0x69: {  	[sflag:s24] =	ssyncset.done $0x0  }
0x6a: {  	s4 =	sadd.s32 $0x1300, s5;
	[sflag:s24] =	ssyncadd.s32 $0xFFFFE000  }
0x6b: {  	[spmem:s3] =	stream.indirect.scatter.add.f32 [tilespmem:s19], [sflag:$0x7], $0x40, s4, s16, $0xb8;
	[tilespmem:$0x1D8C0] =	vst v63  }
0x6c: {  	_ =	swait.ge [sflag:s25], $0x2000  }
0x6d: {  	[sflag:s25] =	ssyncset.done $0x0  }
0x6e: {  	s8 =	sadd.s32 $0x480, s5;
	[sflag:s25] =	ssyncadd.s32 $0xFFFFE000  }
0x6f: {  	[tilespmem:s18], [sflag:$0x2] =	stream.indirect.gather [spmem:s2], $0x40, s8, s16, $0xb8;
	[tilespmem:$0x1D8C0] =	vst v63  }
0x70: {  	_ =	swait.ge [sflag:s26], $0x2000  }
0x71: {  	[sflag:s26] =	ssyncset.done $0x0  }
0x72: {  	s9 =	sadd.s32 $0x1380, s5;
	[sflag:s26] =	ssyncadd.s32 $0xFFFFE000  }
0x73: {  	[spmem:s3] =	stream.indirect.scatter.add.f32 [tilespmem:s21], [sflag:$0x8], $0x40, s9, s16, $0xb8;
	[tilespmem:$0x1D8C0] =	vst v63  }
0x74: {  	_ =	swait.ge [sflag:s28], $0x2000  }
0x75: {  	[sflag:s28] =	ssyncset.done $0x0  }
0x76: {  	s10 =	sadd.s32 $0x500, s5;
	[sflag:s28] =	ssyncadd.s32 $0xFFFFE000  }
0x77: {  	[tilespmem:s19], [sflag:$0x3] =	stream.indirect.gather [spmem:s2], $0x40, s10, s16, $0xb8;
	[tilespmem:$0x1D8C0] =	vst v63  }
0x78: {  	_ =	swait.ge [sflag:s20], $0x2000  }
0x79: {  	[sflag:s20] =	ssyncset.done $0x0  }
0x7a: {  	s11 =	sadd.s32 $0x1400, s5;
	[sflag:s20] =	ssyncadd.s32 $0xFFFFE000  }
0x7b: {  	[spmem:s3] =	stream.indirect.scatter.add.f32 [tilespmem:s17], [sflag:$0x5], $0x40, s11, s16, $0xb8;
	[tilespmem:$0x1D8C0] =	vst v63  }
0x7c: {  	_ =	swait.ge [sflag:s29], $0x2000  }
0x7d: {  	[sflag:s29] =	ssyncset.done $0x0  }
0x7e: {  	s12 =	sadd.s32 $0x580, s5;
	[sflag:s29] =	ssyncadd.s32 $0xFFFFE000  }
0x7f: {  	[tilespmem:s21], [sflag:$0x4] =	stream.indirect.gather [spmem:s2], $0x40, s12, s16, $0xb8;
	[tilespmem:$0x1D8C0] =	vst v63  }
0x80: {  	_ =	swait.ge [sflag:s22], $0x2000  }
0x81: {  	[sflag:s22] =	ssyncset.done $0x0  }
0x82: {  	s14 =	sadd.s32 $0x1480, s5;
	[sflag:s22] =	ssyncadd.s32 $0xFFFFE000  }
0x83: {  	[spmem:s3] =	stream.indirect.scatter.add.f32 [tilespmem:s18], [sflag:$0x6], $0x40, s14, s16, $0xb8;
	[tilespmem:$0x1D8C0] =	vst v63  }
0x84: {  	_ =	swait.ge [sflag:s23], $0x2000  }
0x85: {  	[sflag:s23] =	ssyncset.done $0x0  }
0x86: {  	s15 =	sadd.s32 $0x600, s5;
	[sflag:s23] =	ssyncadd.s32 $0xFFFFE000  }
0x87: {  	[tilespmem:s17], [sflag:$0x1] =	stream.indirect.gather [spmem:s2], $0x40, s15, s16, $0xb8;
	[tilespmem:$0x1D8C0] =	vst v63  }
0x88: {  	_ =	swait.ge [sflag:s24], $0x2000  }
0x89: {  	[sflag:s24] =	ssyncset.done $0x0  }
0x8a: {  	s4 =	sadd.s32 $0x1500, s5;
	[sflag:s24] =	ssyncadd.s32 $0xFFFFE000  }
0x8b: {  	[spmem:s3] =	stream.indirect.scatter.add.f32 [tilespmem:s19], [sflag:$0x7], $0x40, s4, s16, $0xb8;
	[tilespmem:$0x1D8C0] =	vst v63  }
0x8c: {  	_ =	swait.ge [sflag:s25], $0x2000  }
0x8d: {  	[sflag:s25] =	ssyncset.done $0x0  }
0x8e: {  	s8 =	sadd.s32 $0x680, s5;
	[sflag:s25] =	ssyncadd.s32 $0xFFFFE000  }
0x8f: {  	[tilespmem:s18], [sflag:$0x2] =	stream.indirect.gather [spmem:s2], $0x40, s8, s16, $0xb8;
	[tilespmem:$0x1D8C0] =	vst v63  }
0x90: {  	_ =	swait.ge [sflag:s26], $0x2000  }
0x91: {  	[sflag:s26] =	ssyncset.done $0x0  }
0x92: {  	s9 =	sadd.s32 $0x1580, s5;
	[sflag:s26] =	ssyncadd.s32 $0xFFFFE000  }
0x93: {  	[spmem:s3] =	stream.indirect.scatter.add.f32 [tilespmem:s21], [sflag:$0x8], $0x40, s9, s16, $0xb8;
	[tilespmem:$0x1D8C0] =	vst v63  }
0x94: {  	_ =	swait.ge [sflag:s28], $0x2000  }
0x95: {  	[sflag:s28] =	ssyncset.done $0x0  }
0x96: {  	s10 =	sadd.s32 $0x700, s5;
	[sflag:s28] =	ssyncadd.s32 $0xFFFFE000  }
0x97: {  	[tilespmem:s19], [sflag:$0x3] =	stream.indirect.gather [spmem:s2], $0x40, s10, s16, $0xb8;
	[tilespmem:$0x1D8C0] =	vst v63  }
0x98: {  	_ =	swait.ge [sflag:s20], $0x2000  }
0x99: {  	[sflag:s20] =	ssyncset.done $0x0  }
0x9a: {  	s11 =	sadd.s32 $0x1600, s5;
	[sflag:s20] =	ssyncadd.s32 $0xFFFFE000  }
0x9b: {  	[spmem:s3] =	stream.indirect.scatter.add.f32 [tilespmem:s17], [sflag:$0x5], $0x40, s11, s16, $0xb8;
	[tilespmem:$0x1D8C0] =	vst v63  }
0x9c: {  	_ =	swait.ge [sflag:s29], $0x2000  }
0x9d: {  	[sflag:s29] =	ssyncset.done $0x0  }
0x9e: {  	s12 =	sadd.s32 $0x780, s5;
	[sflag:s29] =	ssyncadd.s32 $0xFFFFE000  }
0x9f: {  	[tilespmem:s21], [sflag:$0x4] =	stream.indirect.gather [spmem:s2], $0x40, s12, s16, $0xb8;
	[tilespmem:$0x1D8C0] =	vst v63  }
0xa0: {  	_ =	swait.ge [sflag:s22], $0x2000  }
0xa1: {  	p1 =	por $0x1, $0x1;
	[sflag:s22] =	ssyncset.done $0x0  }
0xa2: {  	s14 =	sadd.s32 $0x1680, s5;
	s8 =	simm.s32 @p1 $0x9;
	[sflag:s22] =	ssyncadd.s32 $0xFFFFE000  }
0xa3: {  	[spmem:s3] =	stream.indirect.scatter.add.f32 [tilespmem:s18], [sflag:$0x6], $0x40, s14, s16, $0xb8;
	[tilespmem:$0x1D8C0] =	vst v63  }
0xa4: {  	_ =	swait.ge @p1 [sflag:s8], $0x800  }
0xa5: {  	[sflag:s8] =	ssyncset.done @p1 $0x0  }
0xa6: {  	[sflag:s8] =	ssyncadd.s32 @p1 $0xFFFFF800  }
0xa7: {  	_ =	swait.ge @p1 [sflag:s8], $0x800  }
0xa8: {  	[sflag:s8] =	ssyncset.done @p1 $0x0  }
0xa9: {  	s6 =	simm.s32 @p1 $0x5;
	[sflag:s8] =	ssyncadd.s32 @p1 $0xFFFFF800  }
0xaa: {  	_ =	swait.ge @p1 [sflag:s6], $0x2000  }
0xab: {  	s1 =	sshll.u32 @p1 s1, $0xB;
	[sflag:s6] =	ssyncset.done @p1 $0x0  }
0xac: {  	s8 =	simm.s32 @p1 $0x2000;
	[sflag:s6] =	ssyncadd.s32 @p1 $0xFFFFE000;
	s6 =	simm.s32 @p1 $0x80  }
0xad: {  	[tilespmem:s8], [sflag:$0x1] =	stream.indirect.gather @p1 [spmem:s2], $0x40, s1, s6, $0xb8;
	[tilespmem:$0x1D8C0] =	vst v63  }
0xae: {  	s1 =	simm.s32 @!p1 $0x5  }
0xaf: {  	_ =	swait.ge @!p1 [sflag:s1], $0x2000  }
0xb0: {  	[sflag:s1] =	ssyncset.done @!p1 $0x0  }
0xb1: {  	[sflag:s1] =	ssyncadd.s32 @!p1 $0xFFFFE000  }
0xb2: {  	_ =	swait.ge [sflag:s24], $0x2000  }
0xb3: {  	[sflag:s24] =	ssyncset.done $0x0  }
0xb4: {  	s0 =	sor.u32 @!p0 $0x80, s0;
	s15 =	sadd.s32 $0x1700, s5;
	[sflag:s24] =	ssyncadd.s32 $0xFFFFE000  }
0xb5: {  	[spmem:s3] =	stream.indirect.scatter.add.f32 [tilespmem:s19], [sflag:$0x7], $0x40, s15, s16, $0xb8;
	[tilespmem:$0x1D8C0] =	vst v63  }
0xb6: {  	s31 =	simm.s32 $0x100;
	s5 =	sadd.s32 $0x1780, s5;
	_ =	swait.ge [sflag:s25], $0x2000  }
0xb7: {  	s6 =	simm.s32 @!p0 $0x4000;
	s1 =	simm.s32 @!p0 $0x80;
	[sflag:s25] =	ssyncset.done $0x0  }
0xb8: {  	p1 =	por $0x0, $0x0;
	s15 =	simm.s32 $0x200;
	[sflag:s25] =	ssyncadd.s32 $0xFFFFE000  }
0xb9: {  	[tilespmem:s6], [sflag:$0x2] =	stream.indirect.gather @!p0 [spmem:s2], $0x40, s0, s1, $0xb8;
	[tilespmem:$0x1D8C0] =	vst v63  }
0xba: {  	s1 =	simm.s32 $0x800;
	s0 =	simm.s32 $0x2;
	_ =	swait.ge [sflag:s26], $0x2000  }
.LBB2_2:
0xbb: {  	[sflag:s26] =	ssyncset.done $0x0  }
0xbc: {  	s8 =	simm.s32 @!p1 $0x7;
	[sflag:s26] =	ssyncadd.s32 $0xFFFFE000  }
0xbd: {  	[spmem:s3] =	stream.indirect.scatter.add.f32 [tilespmem:s21], [sflag:$0x8], $0x40, s5, s16, $0xb8;
	[tilespmem:$0x1D8C0] =	vst v63  }
0xbe: {  	_ =	swait.ge @!p1 [sflag:s8], $0x2000  }
0xbf: {  	s5 =	sand.u32 $0x800, s1;
	[sflag:s8] =	ssyncset.done @!p1 $0x0  }
0xc0: {  	s10 =	sor.u32 $0x100, s5;
	[sflag:s8] =	ssyncadd.s32 @!p1 $0xFFFFE000  }
0xc1: {  	[tilespmem:s19], [sflag:$0x3] =	stream.indirect.gather [spmem:s2], $0x40, s10, s16, $0xb8;
	[tilespmem:$0x1D8C0] =	vst v63  }
0xc2: {  	_ =	swait.ge [sflag:s20], $0x2000  }
0xc3: {  	[sflag:s20] =	ssyncset.done $0x0  }
0xc4: {  	s9 =	simm.s32 @!p1 $0x8;
	s12 =	sor.u32 $0x1000, s5;
	[sflag:s20] =	ssyncadd.s32 $0xFFFFE000  }
0xc5: {  	[spmem:s3] =	stream.indirect.scatter.add.f32 [tilespmem:s17], [sflag:$0x5], $0x40, s12, s16, $0xb8;
	[tilespmem:$0x1D8C0] =	vst v63  }
0xc6: {  	_ =	swait.ge @!p1 [sflag:s9], $0x2000  }
0xc7: {  	[sflag:s9] =	ssyncset.done @!p1 $0x0  }
0xc8: {  	s11 =	sor.u32 $0x180, s5;
	[sflag:s9] =	ssyncadd.s32 @!p1 $0xFFFFE000  }
0xc9: {  	[tilespmem:s21], [sflag:$0x4] =	stream.indirect.gather [spmem:s2], $0x40, s11, s16, $0xb8;
	[tilespmem:$0x1D8C0] =	vst v63  }
0xca: {  	s14 =	sadd.s32 $0x1080, s5;
	_ =	swait.ge [sflag:s22], $0x2000  }
0xcb: {  	p1 =	seq.s32 s31, $0x900;
	s9 =	sand.u32 $0x1, s0;
	[sflag:s22] =	ssyncset.done $0x0  }
0xcc: {  	s8 =	sshll.u32 @!p1 s9, $0xB;
	s12 =	rddreg [dreg:$0x6];
	[sflag:s22] =	ssyncadd.s32 $0xFFFFE000  }
0xcd: {  	[spmem:s3] =	stream.indirect.scatter.add.f32 [tilespmem:s18], [sflag:$0x6], $0x40, s14, s16, $0xb8;
	[tilespmem:$0x1D8C0] =	vst v63  }
0xce: {  	s4 =	rddreg [dreg:$0x5];
	s12 =	sadd.s32 @!p1 s31, s12;
	s14 =	simm.s32 @!p1 $0x0  }
0xcf: {  	[tilespmem:s8], [sflag:$0x9] =	stream.linear.gather @!p1 [hbm4b:s12+s14], $0x800, $0x38;
	[tilespmem:$0x1D8C0] =	vst v63  }
0xd0: {  	s4 =	sadd.s32 @!p1 s31, s4;
	s12 =	sor.u32 @!p1 $0x1000, s8  }
0xd1: {  	[tilespmem:s12], [sflag:$0x9] =	stream.linear.gather @!p1 [hbm4b:s4+s14], $0x800, $0x38;
	[tilespmem:$0x1D8C0] =	vst v63  }
0xd2: {  	_ =	swait.ge [sflag:s23], $0x2000  }
0xd3: {  	[sflag:s23] =	ssyncset.done $0x0  }
0xd4: {  	s12 =	sadd.s32 $0x200, s5;
	[sflag:s23] =	ssyncadd.s32 $0xFFFFE000  }
0xd5: {  	[tilespmem:s17], [sflag:$0x1] =	stream.indirect.gather [spmem:s2], $0x40, s12, s16, $0xb8;
	[tilespmem:$0x1D8C0] =	vst v63  }
0xd6: {  	_ =	swait.ge [sflag:s24], $0x2000  }
0xd7: {  	[sflag:s24] =	ssyncset.done $0x0  }
0xd8: {  	s14 =	sor.u32 $0x1000, s10;
	[sflag:s24] =	ssyncadd.s32 $0xFFFFE000  }
0xd9: {  	[spmem:s3] =	stream.indirect.scatter.add.f32 [tilespmem:s19], [sflag:$0x7], $0x40, s14, s16, $0xb8;
	[tilespmem:$0x1D8C0] =	vst v63  }
0xda: {  	_ =	swait.ge [sflag:s25], $0x2000  }
0xdb: {  	[sflag:s25] =	ssyncset.done $0x0  }
0xdc: {  	s10 =	sadd.s32 $0x280, s5;
	[sflag:s25] =	ssyncadd.s32 $0xFFFFE000  }
0xdd: {  	[tilespmem:s18], [sflag:$0x2] =	stream.indirect.gather [spmem:s2], $0x40, s10, s16, $0xb8;
	[tilespmem:$0x1D8C0] =	vst v63  }
0xde: {  	_ =	swait.ge [sflag:s26], $0x2000  }
0xdf: {  	[sflag:s26] =	ssyncset.done $0x0  }
0xe0: {  	s12 =	sor.u32 $0x1000, s11;
	[sflag:s26] =	ssyncadd.s32 $0xFFFFE000  }
0xe1: {  	[spmem:s3] =	stream.indirect.scatter.add.f32 [tilespmem:s21], [sflag:$0x8], $0x40, s12, s16, $0xb8;
	[tilespmem:$0x1D8C0] =	vst v63  }
0xe2: {  	_ =	swait.ge [sflag:s28], $0x2000  }
0xe3: {  	[sflag:s28] =	ssyncset.done $0x0  }
0xe4: {  	s14 =	sadd.s32 $0x300, s5;
	[sflag:s28] =	ssyncadd.s32 $0xFFFFE000  }
0xe5: {  	[tilespmem:s19], [sflag:$0x3] =	stream.indirect.gather [spmem:s2], $0x40, s14, s16, $0xb8;
	[tilespmem:$0x1D8C0] =	vst v63  }
0xe6: {  	_ =	swait.ge [sflag:s20], $0x2000  }
0xe7: {  	[sflag:s20] =	ssyncset.done $0x0  }
0xe8: {  	s10 =	sadd.s32 $0x1200, s5;
	[sflag:s20] =	ssyncadd.s32 $0xFFFFE000  }
0xe9: {  	[spmem:s3] =	stream.indirect.scatter.add.f32 [tilespmem:s17], [sflag:$0x5], $0x40, s10, s16, $0xb8;
	[tilespmem:$0x1D8C0] =	vst v63  }
0xea: {  	_ =	swait.ge [sflag:s29], $0x2000  }
0xeb: {  	[sflag:s29] =	ssyncset.done $0x0  }
0xec: {  	s11 =	sadd.s32 $0x380, s5;
	[sflag:s29] =	ssyncadd.s32 $0xFFFFE000  }
0xed: {  	[tilespmem:s21], [sflag:$0x4] =	stream.indirect.gather [spmem:s2], $0x40, s11, s16, $0xb8;
	[tilespmem:$0x1D8C0] =	vst v63  }
0xee: {  	_ =	swait.ge [sflag:s22], $0x2000  }
0xef: {  	[sflag:s22] =	ssyncset.done $0x0  }
0xf0: {  	s12 =	sadd.s32 $0x1280, s5;
	[sflag:s22] =	ssyncadd.s32 $0xFFFFE000  }
0xf1: {  	[spmem:s3] =	stream.indirect.scatter.add.f32 [tilespmem:s18], [sflag:$0x6], $0x40, s12, s16, $0xb8;
	[tilespmem:$0x1D8C0] =	vst v63  }
0xf2: {  	_ =	swait.ge [sflag:s23], $0x2000  }
0xf3: {  	[sflag:s23] =	ssyncset.done $0x0  }
0xf4: {  	s14 =	sadd.s32 $0x400, s5;
	[sflag:s23] =	ssyncadd.s32 $0xFFFFE000  }
0xf5: {  	[tilespmem:s17], [sflag:$0x1] =	stream.indirect.gather [spmem:s2], $0x40, s14, s16, $0xb8;
	[tilespmem:$0x1D8C0] =	vst v63  }
0xf6: {  	_ =	swait.ge [sflag:s24], $0x2000  }
0xf7: {  	[sflag:s24] =	ssyncset.done $0x0  }
0xf8: {  	s10 =	sadd.s32 $0x1300, s5;
	[sflag:s24] =	ssyncadd.s32 $0xFFFFE000  }
0xf9: {  	[spmem:s3] =	stream.indirect.scatter.add.f32 [tilespmem:s19], [sflag:$0x7], $0x40, s10, s16, $0xb8;
	[tilespmem:$0x1D8C0] =	vst v63  }
0xfa: {  	_ =	swait.ge [sflag:s25], $0x2000  }
0xfb: {  	[sflag:s25] =	ssyncset.done $0x0  }
0xfc: {  	s11 =	sadd.s32 $0x480, s5;
	[sflag:s25] =	ssyncadd.s32 $0xFFFFE000  }
0xfd: {  	[tilespmem:s18], [sflag:$0x2] =	stream.indirect.gather [spmem:s2], $0x40, s11, s16, $0xb8;
	[tilespmem:$0x1D8C0] =	vst v63  }
0xfe: {  	_ =	swait.ge [sflag:s26], $0x2000  }
0xff: {  	[sflag:s26] =	ssyncset.done $0x0  }
0x100: {  	s12 =	sadd.s32 $0x1380, s5;
	[sflag:s26] =	ssyncadd.s32 $0xFFFFE000  }
0x101: {  	[spmem:s3] =	stream.indirect.scatter.add.f32 [tilespmem:s21], [sflag:$0x8], $0x40, s12, s16, $0xb8;
	[tilespmem:$0x1D8C0] =	vst v63  }
0x102: {  	_ =	swait.ge [sflag:s28], $0x2000  }
0x103: {  	[sflag:s28] =	ssyncset.done $0x0  }
0x104: {  	s14 =	sadd.s32 $0x500, s5;
	[sflag:s28] =	ssyncadd.s32 $0xFFFFE000  }
0x105: {  	[tilespmem:s19], [sflag:$0x3] =	stream.indirect.gather [spmem:s2], $0x40, s14, s16, $0xb8;
	[tilespmem:$0x1D8C0] =	vst v63  }
0x106: {  	_ =	swait.ge [sflag:s20], $0x2000  }
0x107: {  	[sflag:s20] =	ssyncset.done $0x0  }
0x108: {  	s10 =	sadd.s32 $0x1400, s5;
	[sflag:s20] =	ssyncadd.s32 $0xFFFFE000  }
0x109: {  	[spmem:s3] =	stream.indirect.scatter.add.f32 [tilespmem:s17], [sflag:$0x5], $0x40, s10, s16, $0xb8;
	[tilespmem:$0x1D8C0] =	vst v63  }
0x10a: {  	_ =	swait.ge [sflag:s29], $0x2000  }
0x10b: {  	[sflag:s29] =	ssyncset.done $0x0  }
0x10c: {  	s11 =	sadd.s32 $0x580, s5;
	[sflag:s29] =	ssyncadd.s32 $0xFFFFE000  }
0x10d: {  	[tilespmem:s21], [sflag:$0x4] =	stream.indirect.gather [spmem:s2], $0x40, s11, s16, $0xb8;
	[tilespmem:$0x1D8C0] =	vst v63  }
0x10e: {  	_ =	swait.ge [sflag:s22], $0x2000  }
0x10f: {  	[sflag:s22] =	ssyncset.done $0x0  }
0x110: {  	s12 =	sadd.s32 $0x1480, s5;
	[sflag:s22] =	ssyncadd.s32 $0xFFFFE000  }
0x111: {  	[spmem:s3] =	stream.indirect.scatter.add.f32 [tilespmem:s18], [sflag:$0x6], $0x40, s12, s16, $0xb8;
	[tilespmem:$0x1D8C0] =	vst v63  }
0x112: {  	_ =	swait.ge [sflag:s23], $0x2000  }
0x113: {  	[sflag:s23] =	ssyncset.done $0x0  }
0x114: {  	s14 =	sadd.s32 $0x600, s5;
	[sflag:s23] =	ssyncadd.s32 $0xFFFFE000  }
0x115: {  	[tilespmem:s17], [sflag:$0x1] =	stream.indirect.gather [spmem:s2], $0x40, s14, s16, $0xb8;
	[tilespmem:$0x1D8C0] =	vst v63  }
0x116: {  	_ =	swait.ge [sflag:s24], $0x2000  }
0x117: {  	[sflag:s24] =	ssyncset.done $0x0  }
0x118: {  	s10 =	sadd.s32 $0x1500, s5;
	[sflag:s24] =	ssyncadd.s32 $0xFFFFE000  }
0x119: {  	[spmem:s3] =	stream.indirect.scatter.add.f32 [tilespmem:s19], [sflag:$0x7], $0x40, s10, s16, $0xb8;
	[tilespmem:$0x1D8C0] =	vst v63  }
0x11a: {  	_ =	swait.ge [sflag:s25], $0x2000  }
0x11b: {  	[sflag:s25] =	ssyncset.done $0x0  }
0x11c: {  	s11 =	sadd.s32 $0x680, s5;
	[sflag:s25] =	ssyncadd.s32 $0xFFFFE000  }
0x11d: {  	[tilespmem:s18], [sflag:$0x2] =	stream.indirect.gather [spmem:s2], $0x40, s11, s16, $0xb8;
	[tilespmem:$0x1D8C0] =	vst v63  }
0x11e: {  	_ =	swait.ge [sflag:s26], $0x2000  }
0x11f: {  	[sflag:s26] =	ssyncset.done $0x0  }
0x120: {  	s12 =	sadd.s32 $0x1580, s5;
	[sflag:s26] =	ssyncadd.s32 $0xFFFFE000  }
0x121: {  	[spmem:s3] =	stream.indirect.scatter.add.f32 [tilespmem:s21], [sflag:$0x8], $0x40, s12, s16, $0xb8;
	[tilespmem:$0x1D8C0] =	vst v63  }
0x122: {  	_ =	swait.ge [sflag:s28], $0x2000  }
0x123: {  	[sflag:s28] =	ssyncset.done $0x0  }
0x124: {  	s14 =	sadd.s32 $0x700, s5;
	[sflag:s28] =	ssyncadd.s32 $0xFFFFE000  }
0x125: {  	[tilespmem:s19], [sflag:$0x3] =	stream.indirect.gather [spmem:s2], $0x40, s14, s16, $0xb8;
	[tilespmem:$0x1D8C0] =	vst v63  }
0x126: {  	_ =	swait.ge [sflag:s20], $0x2000  }
0x127: {  	[sflag:s20] =	ssyncset.done $0x0  }
0x128: {  	s10 =	sadd.s32 $0x1600, s5;
	[sflag:s20] =	ssyncadd.s32 $0xFFFFE000  }
0x129: {  	[spmem:s3] =	stream.indirect.scatter.add.f32 [tilespmem:s17], [sflag:$0x5], $0x40, s10, s16, $0xb8;
	[tilespmem:$0x1D8C0] =	vst v63  }
0x12a: {  	_ =	swait.ge [sflag:s29], $0x2000  }
0x12b: {  	[sflag:s29] =	ssyncset.done $0x0  }
0x12c: {  	s11 =	sadd.s32 $0x780, s5;
	[sflag:s29] =	ssyncadd.s32 $0xFFFFE000  }
0x12d: {  	[tilespmem:s21], [sflag:$0x4] =	stream.indirect.gather [spmem:s2], $0x40, s11, s16, $0xb8;
	[tilespmem:$0x1D8C0] =	vst v63  }
0x12e: {  	_ =	swait.ge [sflag:s22], $0x2000  }
0x12f: {  	p2 =	sne.s32 s31, $0x900;
	[sflag:s22] =	ssyncset.done $0x0  }
0x130: {  	s12 =	sadd.s32 $0x1680, s5;
	s10 =	simm.s32 @p2 $0x9;
	[sflag:s22] =	ssyncadd.s32 $0xFFFFE000  }
0x131: {  	[spmem:s3] =	stream.indirect.scatter.add.f32 [tilespmem:s18], [sflag:$0x6], $0x40, s12, s16, $0xb8;
	[tilespmem:$0x1D8C0] =	vst v63  }
0x132: {  	_ =	swait.ge @p2 [sflag:s10], $0x800  }
0x133: {  	[sflag:s10] =	ssyncset.done @p2 $0x0  }
0x134: {  	[sflag:s10] =	ssyncadd.s32 @p2 $0xFFFFF800  }
0x135: {  	_ =	swait.ge @p2 [sflag:s10], $0x800  }
0x136: {  	[sflag:s10] =	ssyncset.done @p2 $0x0  }
0x137: {  	s4 =	simm.s32 @p2 $0x5;
	[sflag:s10] =	ssyncadd.s32 @p2 $0xFFFFF800  }
0x138: {  	s6 =	smov.u32 s15;
	s9 =	sshll.u32 @p2 s9, $0xB;
	_ =	swait.ge @p2 [sflag:s4], $0x2000  }
0x139: {  	s31 =	smov.u32 s6;
	s6 =	simm.s32 @p2 $0x2000;
	[sflag:s4] =	ssyncset.done @p2 $0x0  }
0x13a: {  	s10 =	simm.s32 @p2 $0x80;
	[sflag:s4] =	ssyncadd.s32 @p2 $0xFFFFE000;
	s4 =	simm.s32 @!p2 $0x5  }
0x13b: {  	[tilespmem:s6], [sflag:$0x1] =	stream.indirect.gather @p2 [spmem:s2], $0x40, s9, s10, $0xb8;
	[tilespmem:$0x1D8C0] =	vst v63  }
0x13c: {  	_ =	swait.ge @!p2 [sflag:s4], $0x2000  }
0x13d: {  	[sflag:s4] =	ssyncset.done @!p2 $0x0  }
0x13e: {  	[sflag:s4] =	ssyncadd.s32 @!p2 $0xFFFFE000  }
0x13f: {  	_ =	swait.ge [sflag:s24], $0x2000  }
0x140: {  	s15 =	sadd.s32 $0x100, s15;
	[sflag:s24] =	ssyncset.done $0x0  }
0x141: {  	p0 =	sne.s32 s15, $0xA00;
	s14 =	sadd.s32 $0x1700, s5;
	[sflag:s24] =	ssyncadd.s32 $0xFFFFE000  }
0x142: {  	[spmem:s3] =	stream.indirect.scatter.add.f32 [tilespmem:s19], [sflag:$0x7], $0x40, s14, s16, $0xb8;
	[tilespmem:$0x1D8C0] =	vst v63  }
.Ltmp0:
0x143: {  	s1 =	sadd.s32 $0x800, s1;
	_ =	swait.ge [sflag:s25], $0x2000;
	(pc) =	sbr.rel @p0 .LBB2_2-.Ltmp0, $4  }
0x144: {  	s0 =	sadd.s32 $0x1, s0;
	s8 =	sor.u32 @!p1 $0x80, s8;
	[sflag:s25] =	ssyncset.done $0x0  }
0x145: {  	s6 =	simm.s32 @!p1 $0x4000;
	s4 =	simm.s32 @!p1 $0x80;
	[sflag:s25] =	ssyncadd.s32 $0xFFFFE000  }
0x146: {  	[tilespmem:s6], [sflag:$0x2] =	stream.indirect.gather @!p1 [spmem:s2], $0x40, s8, s4, $0xb8;
	[tilespmem:$0x1D8C0] =	vst v63  }
0x147: {  	s5 =	sadd.s32 $0x1780, s5;
	p1 =	seq.s32 s31, $0x0;
	_ =	swait.ge [sflag:s26], $0x2000  }
0x148: {  	[sflag:s26] =	ssyncset.done $0x0  }
0x149: {  	s4 =	simm.s32 @!p1 $0x7;
	[sflag:s26] =	ssyncadd.s32 $0xFFFFE000  }
0x14a: {  	[spmem:s3] =	stream.indirect.scatter.add.f32 [tilespmem:s21], [sflag:$0x8], $0x40, s5, s16, $0xb8;
	[tilespmem:$0x1D8C0] =	vst v63  }
0x14b: {  	_ =	swait.ge @!p1 [sflag:s4], $0x2000  }
0x14c: {  	s1 =	sand.u32 $0x800, s1;
	[sflag:s4] =	ssyncset.done @!p1 $0x0  }
0x14d: {  	s6 =	sor.u32 $0x100, s1;
	[sflag:s4] =	ssyncadd.s32 @!p1 $0xFFFFE000  }
0x14e: {  	[tilespmem:s19], [sflag:$0x3] =	stream.indirect.gather [spmem:s2], $0x40, s6, s16, $0xb8;
	[tilespmem:$0x1D8C0] =	vst v63  }
0x14f: {  	_ =	swait.ge [sflag:s20], $0x2000  }
0x150: {  	[sflag:s20] =	ssyncset.done $0x0  }
0x151: {  	s11 =	sor.u32 $0x1000, s1;
	s5 =	simm.s32 @!p1 $0x8;
	[sflag:s20] =	ssyncadd.s32 $0xFFFFE000  }
0x152: {  	[spmem:s3] =	stream.indirect.scatter.add.f32 [tilespmem:s17], [sflag:$0x5], $0x40, s11, s16, $0xb8;
	[tilespmem:$0x1D8C0] =	vst v63  }
0x153: {  	_ =	swait.ge @!p1 [sflag:s5], $0x2000  }
0x154: {  	[sflag:s5] =	ssyncset.done @!p1 $0x0  }
0x155: {  	s12 =	sor.u32 $0x180, s1;
	[sflag:s5] =	ssyncadd.s32 @!p1 $0xFFFFE000  }
0x156: {  	[tilespmem:s21], [sflag:$0x4] =	stream.indirect.gather [spmem:s2], $0x40, s12, s16, $0xb8;
	[tilespmem:$0x1D8C0] =	vst v63  }
0x157: {  	p0 =	seq.s32 s31, $0x900;
	_ =	swait.ge [sflag:s22], $0x2000  }
0x158: {  	s8 =	sadd.s32 $0x1080, s1;
	s5 =	sand.u32 $0x1, s0;
	[sflag:s22] =	ssyncset.done $0x0  }
0x159: {  	s0 =	sshll.u32 @!p0 s5, $0xB;
	s9 =	rddreg [dreg:$0x6];
	[sflag:s22] =	ssyncadd.s32 $0xFFFFE000  }
0x15a: {  	[spmem:s3] =	stream.indirect.scatter.add.f32 [tilespmem:s18], [sflag:$0x6], $0x40, s8, s16, $0xb8;
	[tilespmem:$0x1D8C0] =	vst v63  }
0x15b: {  	s10 =	rddreg [dreg:$0x5];
	s8 =	sadd.s32 @!p0 s31, s9;
	s9 =	simm.s32 @!p0 $0x0  }
0x15c: {  	[tilespmem:s0], [sflag:$0x9] =	stream.linear.gather @!p0 [hbm4b:s8+s9], $0x800, $0x38;
	[tilespmem:$0x1D8C0] =	vst v63  }
0x15d: {  	s10 =	sadd.s32 @!p0 s31, s10;
	s8 =	sor.u32 @!p0 $0x1000, s0  }
0x15e: {  	[tilespmem:s8], [sflag:$0x9] =	stream.linear.gather @!p0 [hbm4b:s10+s9], $0x800, $0x38;
	[tilespmem:$0x1D8C0] =	vst v63  }
0x15f: {  	_ =	swait.ge [sflag:s23], $0x2000  }
0x160: {  	[sflag:s23] =	ssyncset.done $0x0  }
0x161: {  	s14 =	sadd.s32 $0x200, s1;
	[sflag:s23] =	ssyncadd.s32 $0xFFFFE000  }
0x162: {  	[tilespmem:s17], [sflag:$0x1] =	stream.indirect.gather [spmem:s2], $0x40, s14, s16, $0xb8;
	[tilespmem:$0x1D8C0] =	vst v63  }
0x163: {  	_ =	swait.ge [sflag:s24], $0x2000  }
0x164: {  	[sflag:s24] =	ssyncset.done $0x0  }
0x165: {  	s6 =	sor.u32 $0x1000, s6;
	[sflag:s24] =	ssyncadd.s32 $0xFFFFE000  }
0x166: {  	[spmem:s3] =	stream.indirect.scatter.add.f32 [tilespmem:s19], [sflag:$0x7], $0x40, s6, s16, $0xb8;
	[tilespmem:$0x1D8C0] =	vst v63  }
0x167: {  	_ =	swait.ge [sflag:s25], $0x2000  }
0x168: {  	[sflag:s25] =	ssyncset.done $0x0  }
0x169: {  	s15 =	sadd.s32 $0x280, s1;
	[sflag:s25] =	ssyncadd.s32 $0xFFFFE000  }
0x16a: {  	[tilespmem:s18], [sflag:$0x2] =	stream.indirect.gather [spmem:s2], $0x40, s15, s16, $0xb8;
	[tilespmem:$0x1D8C0] =	vst v63  }
0x16b: {  	_ =	swait.ge [sflag:s26], $0x2000  }
0x16c: {  	[sflag:s26] =	ssyncset.done $0x0  }
0x16d: {  	s4 =	sor.u32 $0x1000, s12;
	[sflag:s26] =	ssyncadd.s32 $0xFFFFE000  }
0x16e: {  	[spmem:s3] =	stream.indirect.scatter.add.f32 [tilespmem:s21], [sflag:$0x8], $0x40, s4, s16, $0xb8;
	[tilespmem:$0x1D8C0] =	vst v63  }
0x16f: {  	_ =	swait.ge [sflag:s28], $0x2000  }
0x170: {  	[sflag:s28] =	ssyncset.done $0x0  }
0x171: {  	s8 =	sadd.s32 $0x300, s1;
	[sflag:s28] =	ssyncadd.s32 $0xFFFFE000  }
0x172: {  	[tilespmem:s19], [sflag:$0x3] =	stream.indirect.gather [spmem:s2], $0x40, s8, s16, $0xb8;
	[tilespmem:$0x1D8C0] =	vst v63  }
0x173: {  	_ =	swait.ge [sflag:s20], $0x2000  }
0x174: {  	[sflag:s20] =	ssyncset.done $0x0  }
0x175: {  	s9 =	sadd.s32 $0x1200, s1;
	[sflag:s20] =	ssyncadd.s32 $0xFFFFE000  }
0x176: {  	[spmem:s3] =	stream.indirect.scatter.add.f32 [tilespmem:s17], [sflag:$0x5], $0x40, s9, s16, $0xb8;
	[tilespmem:$0x1D8C0] =	vst v63  }
0x177: {  	_ =	swait.ge [sflag:s29], $0x2000  }
0x178: {  	[sflag:s29] =	ssyncset.done $0x0  }
0x179: {  	s10 =	sadd.s32 $0x380, s1;
	[sflag:s29] =	ssyncadd.s32 $0xFFFFE000  }
0x17a: {  	[tilespmem:s21], [sflag:$0x4] =	stream.indirect.gather [spmem:s2], $0x40, s10, s16, $0xb8;
	[tilespmem:$0x1D8C0] =	vst v63  }
0x17b: {  	_ =	swait.ge [sflag:s22], $0x2000  }
0x17c: {  	[sflag:s22] =	ssyncset.done $0x0  }
0x17d: {  	s11 =	sadd.s32 $0x1280, s1;
	[sflag:s22] =	ssyncadd.s32 $0xFFFFE000  }
0x17e: {  	[spmem:s3] =	stream.indirect.scatter.add.f32 [tilespmem:s18], [sflag:$0x6], $0x40, s11, s16, $0xb8;
	[tilespmem:$0x1D8C0] =	vst v63  }
0x17f: {  	_ =	swait.ge [sflag:s23], $0x2000  }
0x180: {  	[sflag:s23] =	ssyncset.done $0x0  }
0x181: {  	s12 =	sadd.s32 $0x400, s1;
	[sflag:s23] =	ssyncadd.s32 $0xFFFFE000  }
0x182: {  	[tilespmem:s17], [sflag:$0x1] =	stream.indirect.gather [spmem:s2], $0x40, s12, s16, $0xb8;
	[tilespmem:$0x1D8C0] =	vst v63  }
0x183: {  	_ =	swait.ge [sflag:s24], $0x2000  }
0x184: {  	[sflag:s24] =	ssyncset.done $0x0  }
0x185: {  	s14 =	sadd.s32 $0x1300, s1;
	[sflag:s24] =	ssyncadd.s32 $0xFFFFE000  }
0x186: {  	[spmem:s3] =	stream.indirect.scatter.add.f32 [tilespmem:s19], [sflag:$0x7], $0x40, s14, s16, $0xb8;
	[tilespmem:$0x1D8C0] =	vst v63  }
0x187: {  	_ =	swait.ge [sflag:s25], $0x2000  }
0x188: {  	[sflag:s25] =	ssyncset.done $0x0  }
0x189: {  	s15 =	sadd.s32 $0x480, s1;
	[sflag:s25] =	ssyncadd.s32 $0xFFFFE000  }
0x18a: {  	[tilespmem:s18], [sflag:$0x2] =	stream.indirect.gather [spmem:s2], $0x40, s15, s16, $0xb8;
	[tilespmem:$0x1D8C0] =	vst v63  }
0x18b: {  	_ =	swait.ge [sflag:s26], $0x2000  }
0x18c: {  	[sflag:s26] =	ssyncset.done $0x0  }
0x18d: {  	s6 =	sadd.s32 $0x1380, s1;
	[sflag:s26] =	ssyncadd.s32 $0xFFFFE000  }
0x18e: {  	[spmem:s3] =	stream.indirect.scatter.add.f32 [tilespmem:s21], [sflag:$0x8], $0x40, s6, s16, $0xb8;
	[tilespmem:$0x1D8C0] =	vst v63  }
0x18f: {  	_ =	swait.ge [sflag:s28], $0x2000  }
0x190: {  	[sflag:s28] =	ssyncset.done $0x0  }
0x191: {  	s8 =	sadd.s32 $0x500, s1;
	[sflag:s28] =	ssyncadd.s32 $0xFFFFE000  }
0x192: {  	[tilespmem:s19], [sflag:$0x3] =	stream.indirect.gather [spmem:s2], $0x40, s8, s16, $0xb8;
	[tilespmem:$0x1D8C0] =	vst v63  }
0x193: {  	_ =	swait.ge [sflag:s20], $0x2000  }
0x194: {  	[sflag:s20] =	ssyncset.done $0x0  }
0x195: {  	s9 =	sadd.s32 $0x1400, s1;
	[sflag:s20] =	ssyncadd.s32 $0xFFFFE000  }
0x196: {  	[spmem:s3] =	stream.indirect.scatter.add.f32 [tilespmem:s17], [sflag:$0x5], $0x40, s9, s16, $0xb8;
	[tilespmem:$0x1D8C0] =	vst v63  }
0x197: {  	_ =	swait.ge [sflag:s29], $0x2000  }
0x198: {  	[sflag:s29] =	ssyncset.done $0x0  }
0x199: {  	s10 =	sadd.s32 $0x580, s1;
	[sflag:s29] =	ssyncadd.s32 $0xFFFFE000  }
0x19a: {  	[tilespmem:s21], [sflag:$0x4] =	stream.indirect.gather [spmem:s2], $0x40, s10, s16, $0xb8;
	[tilespmem:$0x1D8C0] =	vst v63  }
0x19b: {  	_ =	swait.ge [sflag:s22], $0x2000  }
0x19c: {  	[sflag:s22] =	ssyncset.done $0x0  }
0x19d: {  	s11 =	sadd.s32 $0x1480, s1;
	[sflag:s22] =	ssyncadd.s32 $0xFFFFE000  }
0x19e: {  	[spmem:s3] =	stream.indirect.scatter.add.f32 [tilespmem:s18], [sflag:$0x6], $0x40, s11, s16, $0xb8;
	[tilespmem:$0x1D8C0] =	vst v63  }
0x19f: {  	_ =	swait.ge [sflag:s23], $0x2000  }
0x1a0: {  	[sflag:s23] =	ssyncset.done $0x0  }
0x1a1: {  	s12 =	sadd.s32 $0x600, s1;
	[sflag:s23] =	ssyncadd.s32 $0xFFFFE000  }
0x1a2: {  	[tilespmem:s17], [sflag:$0x1] =	stream.indirect.gather [spmem:s2], $0x40, s12, s16, $0xb8;
	[tilespmem:$0x1D8C0] =	vst v63  }
0x1a3: {  	_ =	swait.ge [sflag:s24], $0x2000  }
0x1a4: {  	[sflag:s24] =	ssyncset.done $0x0  }
0x1a5: {  	s14 =	sadd.s32 $0x1500, s1;
	[sflag:s24] =	ssyncadd.s32 $0xFFFFE000  }
0x1a6: {  	[spmem:s3] =	stream.indirect.scatter.add.f32 [tilespmem:s19], [sflag:$0x7], $0x40, s14, s16, $0xb8;
	[tilespmem:$0x1D8C0] =	vst v63  }
0x1a7: {  	_ =	swait.ge [sflag:s25], $0x2000  }
0x1a8: {  	[sflag:s25] =	ssyncset.done $0x0  }
0x1a9: {  	s15 =	sadd.s32 $0x680, s1;
	[sflag:s25] =	ssyncadd.s32 $0xFFFFE000  }
0x1aa: {  	[tilespmem:s18], [sflag:$0x2] =	stream.indirect.gather [spmem:s2], $0x40, s15, s16, $0xb8;
	[tilespmem:$0x1D8C0] =	vst v63  }
0x1ab: {  	_ =	swait.ge [sflag:s26], $0x2000  }
0x1ac: {  	[sflag:s26] =	ssyncset.done $0x0  }
0x1ad: {  	s6 =	sadd.s32 $0x1580, s1;
	[sflag:s26] =	ssyncadd.s32 $0xFFFFE000  }
0x1ae: {  	[spmem:s3] =	stream.indirect.scatter.add.f32 [tilespmem:s21], [sflag:$0x8], $0x40, s6, s16, $0xb8;
	[tilespmem:$0x1D8C0] =	vst v63  }
0x1af: {  	_ =	swait.ge [sflag:s28], $0x2000  }
0x1b0: {  	[sflag:s28] =	ssyncset.done $0x0  }
0x1b1: {  	s8 =	sadd.s32 $0x700, s1;
	[sflag:s28] =	ssyncadd.s32 $0xFFFFE000  }
0x1b2: {  	[tilespmem:s19], [sflag:$0x3] =	stream.indirect.gather [spmem:s2], $0x40, s8, s16, $0xb8;
	[tilespmem:$0x1D8C0] =	vst v63  }
0x1b3: {  	_ =	swait.ge [sflag:s20], $0x2000  }
0x1b4: {  	[sflag:s20] =	ssyncset.done $0x0  }
0x1b5: {  	s9 =	sadd.s32 $0x1600, s1;
	[sflag:s20] =	ssyncadd.s32 $0xFFFFE000  }
0x1b6: {  	[spmem:s3] =	stream.indirect.scatter.add.f32 [tilespmem:s17], [sflag:$0x5], $0x40, s9, s16, $0xb8;
	[tilespmem:$0x1D8C0] =	vst v63  }
0x1b7: {  	_ =	swait.ge [sflag:s29], $0x2000  }
0x1b8: {  	[sflag:s29] =	ssyncset.done $0x0  }
0x1b9: {  	s10 =	sadd.s32 $0x780, s1;
	[sflag:s29] =	ssyncadd.s32 $0xFFFFE000  }
0x1ba: {  	[tilespmem:s21], [sflag:$0x4] =	stream.indirect.gather [spmem:s2], $0x40, s10, s16, $0xb8;
	[tilespmem:$0x1D8C0] =	vst v63  }
0x1bb: {  	_ =	swait.ge [sflag:s22], $0x2000  }
0x1bc: {  	p1 =	sne.s32 s31, $0x900;
	[sflag:s22] =	ssyncset.done $0x0  }
0x1bd: {  	s11 =	sadd.s32 $0x1680, s1;
	s6 =	simm.s32 @p1 $0x9;
	[sflag:s22] =	ssyncadd.s32 $0xFFFFE000  }
0x1be: {  	[spmem:s3] =	stream.indirect.scatter.add.f32 [tilespmem:s18], [sflag:$0x6], $0x40, s11, s16, $0xb8;
	[tilespmem:$0x1D8C0] =	vst v63  }
0x1bf: {  	_ =	swait.ge @p1 [sflag:s6], $0x800  }
0x1c0: {  	[sflag:s6] =	ssyncset.done @p1 $0x0  }
0x1c1: {  	[sflag:s6] =	ssyncadd.s32 @p1 $0xFFFFF800  }
0x1c2: {  	_ =	swait.ge @p1 [sflag:s6], $0x800  }
0x1c3: {  	[sflag:s6] =	ssyncset.done @p1 $0x0  }
0x1c4: {  	s4 =	simm.s32 @p1 $0x5;
	[sflag:s6] =	ssyncadd.s32 @p1 $0xFFFFF800  }
0x1c5: {  	_ =	swait.ge @p1 [sflag:s4], $0x2000  }
0x1c6: {  	s5 =	sshll.u32 @p1 s5, $0xB;
	[sflag:s4] =	ssyncset.done @p1 $0x0  }
0x1c7: {  	s6 =	simm.s32 @p1 $0x2000;
	[sflag:s4] =	ssyncadd.s32 @p1 $0xFFFFE000;
	s4 =	simm.s32 @p1 $0x80  }
0x1c8: {  	[tilespmem:s6], [sflag:$0x1] =	stream.indirect.gather @p1 [spmem:s2], $0x40, s5, s4, $0xb8;
	[tilespmem:$0x1D8C0] =	vst v63  }
0x1c9: {  	s4 =	simm.s32 @!p1 $0x5  }
0x1ca: {  	_ =	swait.ge @!p1 [sflag:s4], $0x2000  }
0x1cb: {  	[sflag:s4] =	ssyncset.done @!p1 $0x0  }
0x1cc: {  	[sflag:s4] =	ssyncadd.s32 @!p1 $0xFFFFE000  }
0x1cd: {  	_ =	swait.ge [sflag:s24], $0x2000  }
0x1ce: {  	[sflag:s24] =	ssyncset.done $0x0  }
0x1cf: {  	s12 =	sadd.s32 $0x1700, s1;
	[sflag:s24] =	ssyncadd.s32 $0xFFFFE000  }
0x1d0: {  	[spmem:s3] =	stream.indirect.scatter.add.f32 [tilespmem:s19], [sflag:$0x7], $0x40, s12, s16, $0xb8;
	[tilespmem:$0x1D8C0] =	vst v63  }
0x1d1: {  	_ =	swait.ge [sflag:s25], $0x2000  }
0x1d2: {  	s0 =	sor.u32 @!p0 $0x80, s0;
	[sflag:s25] =	ssyncset.done $0x0  }
0x1d3: {  	s5 =	simm.s32 @!p0 $0x4000;
	s4 =	simm.s32 @!p0 $0x80;
	[sflag:s25] =	ssyncadd.s32 $0xFFFFE000  }
0x1d4: {  	[tilespmem:s5], [sflag:$0x2] =	stream.indirect.gather @!p0 [spmem:s2], $0x40, s0, s4, $0xb8;
	[tilespmem:$0x1D8C0] =	vst v63  }
0x1d5: {  	_ =	swait.ge [sflag:s26], $0x2000  }
0x1d6: {  	[sflag:s26] =	ssyncset.done $0x0  }
0x1d7: {  	s14 =	sadd.s32 $0x1780, s1;
	[sflag:s26] =	ssyncadd.s32 $0xFFFFE000  }
0x1d8: {  	[spmem:s3] =	stream.indirect.scatter.add.f32 [tilespmem:s21], [sflag:$0x8], $0x40, s14, s16, $0xb8;
	[tilespmem:$0x1D8C0] =	vst v63  }
0x1d9: {  	_ =	swait.ge [sflag:s28], $0x2000  }
0x1da: {  	[sflag:s28] =	ssyncset.done $0x0  }
0x1db: {  	[sflag:s28] =	ssyncadd.s32 $0xFFFFE000  }
0x1dc: {  	_ =	swait.ge [sflag:s29], $0x2000  }
0x1dd: {  	[sflag:s29] =	ssyncset.done $0x0  }
0x1de: {  	[sflag:s29] =	ssyncadd.s32 $0xFFFFE000  }
0x1df: {  	[bflag:$0x0] =	sbarrier.arrive $0xFFFF  }
0x1e0: {  	s15 =	rddreg [dreg:$0xb]  }
0x1e1: {  	s4 =	rddreg [dreg:$0xe]  }
0x1e2: {  	[hbm:s15], [sflag:s7] =	dma.local [spmem:s4], $0x1390  }
0x1e3: {  	_ =	swait.ge [sflag:s13], $0x1390  }
0x1e4: {  	s30 =	sadd.s32 $0x1, s30;
	s31 =	rddreg [dreg:$0xc]  }
0x1e5: {  	p0 =	sne.s32 s30, s31  }
.Ltmp1:
0x1e6: {  	_ = 	snop;
	(pc) =	sbr.rel @p0 .LBB2_1-.Ltmp1, $3  }
0x1e7: {  	_ =	sdelay $0x1  }
0x1e8: {  	[sflag:s13] =	ssyncset.done $0x0  }
0x1e9: {  	[sflag:s13] =	ssyncadd.s32 $0xFFFFEC70  }
0x1ea: {  	_ =	sfence.sel $0x180000  }
0x1eb: {  	[bflag:$0x0] =	sbarrier.arrive $0xFFFF  }
0x1ec: {  	_ =	strace $0x9000004A  }
0x1ed: {  	s0 =	stileid.u32;
	[bflag:$0x2] =	sbarrier.arrive $0xFFFF  }
0x1ee: {  	p0 =	sne.s32 s0, $0x0;
	s0 =	rddreg [dreg:$0x4]  }
0x1ef: {  	s0 =	sadd.s32 @!p0 $0x100000, s0  }
0x1f0: {  	[sflag:s0] =	ssyncadd.tile.s32 @!p0 $0x1;
	_ =	shalt  }
.Lfunc_end2:
_tile_overlayer_lowered:
.L_overlay_start_2:
0x1f1: {  	(tag) =	ssettag $0x2  }
0x1f2: {  	s0 =	rddreg [dreg:$0x0];
	s2 =	stileid.u32  }
0x1f3: {  	s1 =	rddreg [dreg:$0x1];
	p0 =	sne.s32 s2, $0x0  }
0x1f4: {  	s3 =	rddreg [dreg:$0x2];
	[bflag:$0x3] =	sbarrier.arrive $0xFFFF;
	s2 =	simm.s32 @!p0 $0x1C0A  }
0x1f5: {  	[timem:s3], [sflag:s2] =	dma.local @!p0 [hbm:s0], s1  }
0x1f6: {  	s0 =	simm.s32 @!p0 $0xA  }
0x1f7: {  	_ =	swait.ge @!p0 [sflag:s0], s1  }
0x1f8: {  	s1 =	ssub.s32 @!p0 $0x0, s1;
	[sflag:s0] =	ssyncset.done @!p0 $0x0  }
0x1f9: {  	[sflag:s0] =	ssyncadd.s32 @!p0 s1  }
0x1fa: {  	[bflag:$0x3] =	sbarrier.arrive $0xFFFF  }
0x1fb: {  	_ =	shalt  }

// kernel: kernel.9.cloned.1.call-start
scs
__scs_entry_jumppad:
0x0: {  	(pc) =	sbr.rel $0x88, $3  }
0x1: {  	(tag) =	ssettag $0x0;
	lr =	simm.s32 $0x1  }
0x2: {  	[smem:$0x3F91] =	sst lr;
	_ =	strace $0xD0000000  }
0x3: {  	_ = 	snop  }
0x4: {  	_ = 	snop  }
0x5: {  	_ = 	snop  }
0x6: {  	_ = 	snop  }
0x7: {  	_ = 	snop  }
__scs_overlays_trampoline_lowered:
0x8: {  	[smem:$0x3FA0] =	sst s0  }
0x9: {  	[smem:$0x3FA1] =	sst s1  }
0xa: {  	[smem:$0x3FA2] =	sst s2  }
0xb: {  	[smem:$0x3FA3] =	sst s3  }
0xc: {  	[smem:$0x3FA4] =	sst s4  }
0xd: {  	[smem:$0x3FA5] =	sst s5  }
0xe: {  	[smem:$0x3FA6] =	sst s6  }
0xf: {  	[smem:$0x3FA7] =	sst s7  }
0x10: {  	[smem:$0x3FA8] =	sst s8  }
0x11: {  	[smem:$0x3FA9] =	sst s9;
	s0 =	simm.s32 @!p0 $0x0  }
0x12: {  	s1 =	sld [smem:$0x3F8F];
	s0 =	simm.s32 @p0 $0x1  }
0x13: {  	[smem:$0x3FAA] =	sst s0;
	s0 =	simm.s32 @!p1 $0x0  }
0x14: {  	s2 =	sld [smem:$0x3F8E];
	s0 =	simm.s32 @p1 $0x1  }
0x15: {  	[smem:$0x3FAB] =	sst s0;
	s0 =	simm.s32 @!p2 $0x0  }
0x16: {  	s3 =	sld [smem:$0x3FDB];
	s0 =	simm.s32 @p2 $0x1  }
0x17: {  	s4 =	simm.s32 $0x1BF5;
	[smem:$0x3FAD] =	sst s0  }
0x18: {  	s0 =	sld [smem:$0x3F90];
	_ =	swait.ge [sflag:s4], $0x0  }
0x19: {  	s7 =	sld [smem:$0x3F91]  }
0x1a: {  	s8 =	sadd.s32 $0xFFFFE003, lr  }
0x1b: {  	s9 =	sadd.s32 $0xFFFFFEF7, lr;
	s5 =	simm.s32 $0xFFFFFFFF;
	p2 =	slt.u32 s8, $0xFFFFF086  }
0x1c: {  	p1 =	slt.u32 s9, $0xF7A;
	s5 =	simm.s32 @!p2 $0x0  }
0x1d: {  	s5 =	simm.s32 @p1 $0x1;
	p0 =	seq.s32 s7, s2  }
0x1e: {  	s7 =	smul.u32 @!p0 $0xF7A, s2;
	p2 =	seq.s32 @!p0 s5, $0x0  }
0x1f: {  	s9 =	smul.u32 $0xF7A, s1;
	s8 =	simm.s32 @!p0 $0x1BF5;
	p2 =	por !p2, p0  }
0x20: {  	[sflag:s8] =	ssyncset.s32 @!p0 $0xFFFFF086;
	s6 =	sadd.s32 @!p0 s3, s7;
	s7 =	simm.s32 @!p0 $0x108  }
0x21: {  	s3 =	sadd.s32 s3, s9;
	s6 =	sadd.s32 @!p0 $0x88, s6;
	s7 =	simm.s32 @p2 $0x1082  }
0x22: {  	[simem:s7], [sflag:s8] =	dma.local @!p0 [hbm:s6], $0xF7A  }
0x23: {  	s9 =	sor.u32 $0xD0000000, s2;
	s6 =	simm.s32 $0x108;
	_ =	swait.ge @!p0 [sflag:s8], $0x0  }
0x24: {  	s3 =	sadd.s32 $0x88, s3;
	s6 =	simm.s32 @!p1 $0x1082;
	[sflag:s4] =	ssyncset.s32 $0xFFFFF086  }
0x25: {  	[simem:s6], [sflag:s4] =	dma.local [hbm:s3], $0xF7A  }
0x26: {  	[smem:$0x3F91] =	sst s1;
	(tag) =	ssettag s2;
	_ =	strace s9  }
0x27: {  	s1 =	sld [smem:$0x3FA1]  }
0x28: {  	s2 =	sld [smem:$0x3FA2]  }
0x29: {  	s4 =	sld [smem:$0x3FA4]  }
0x2a: {  	p0 =	seq.s32 s5, $0x0;
	s5 =	sld [smem:$0x3FA5]  }
0x2b: {  	s6 =	sld [smem:$0x3FA6]  }
0x2c: {  	s7 =	sld [smem:$0x3FA7]  }
0x2d: {  	s3 =	simm.s32 $0x108;
	s8 =	sld [smem:$0x3FA8]  }
0x2e: {  	s3 =	simm.s32 @!p0 $0x1082;
	s9 =	sld [smem:$0x3FA9]  }
0x2f: {  	lr =	sadd.s32 s0, s3;
	s0 =	sld [smem:$0x3FA0]  }
0x30: {  	s3 =	sld [smem:$0x3FA3]  }
0x31: {  	[smem:$0x3FAC] =	sst s10  }
0x32: {  	s10 =	sld [smem:$0x3FAA];
	_ =	sdelay $0x3  }
0x33: {  	p0 =	seq.s32 s10, $0x1;
	s10 =	sld [smem:$0x3FAC];
	_ =	sdelay $0x3  }
0x34: {  	[smem:$0x3FAC] =	sst s10  }
0x35: {  	s10 =	sld [smem:$0x3FAB];
	_ =	sdelay $0x3  }
0x36: {  	p1 =	seq.s32 s10, $0x1;
	s10 =	sld [smem:$0x3FAC];
	_ =	sdelay $0x3  }
0x37: {  	[smem:$0x3FAC] =	sst s10  }
0x38: {  	s10 =	sld [smem:$0x3FAD]  }
0x39: {  	_ = 	snop;
	(pc) =	sbr.ind lr, $3  }
0x3a: {  	_ = 	snop  }
0x3b: {  	_ = 	snop  }
0x3c: {  	p2 =	seq.s32 s10, $0x1;
	s10 =	sld [smem:$0x3FAC]  }
0x3d: {  	_ =	shalt  }
0x3e: {  	_ =	shalt  }
0x3f: {  	_ =	shalt  }
0x40: {  	_ =	shalt  }
0x41: {  	_ =	shalt  }
0x42: {  	_ =	shalt  }
0x43: {  	_ =	shalt  }
0x44: {  	_ =	shalt  }
0x45: {  	_ =	shalt  }
0x46: {  	_ =	shalt  }
0x47: {  	_ =	shalt  }
0x48: {  	_ =	shalt  }
0x49: {  	_ =	shalt  }
0x4a: {  	_ =	shalt  }
0x4b: {  	_ =	shalt  }
0x4c: {  	_ =	shalt  }
0x4d: {  	_ =	shalt  }
0x4e: {  	_ =	shalt  }
0x4f: {  	_ =	shalt  }
0x50: {  	_ =	shalt  }
0x51: {  	_ =	shalt  }
0x52: {  	_ =	shalt  }
0x53: {  	_ =	shalt  }
0x54: {  	_ =	shalt  }
0x55: {  	_ =	shalt  }
0x56: {  	_ =	shalt  }
0x57: {  	_ =	shalt  }
0x58: {  	_ =	shalt  }
0x59: {  	_ =	shalt  }
0x5a: {  	_ =	shalt  }
0x5b: {  	_ =	shalt  }
0x5c: {  	_ =	shalt  }
0x5d: {  	_ =	shalt  }
0x5e: {  	_ =	shalt  }
0x5f: {  	_ =	shalt  }
0x60: {  	_ =	shalt  }
0x61: {  	_ =	shalt  }
0x62: {  	_ =	shalt  }
0x63: {  	_ =	shalt  }
0x64: {  	_ =	shalt  }
0x65: {  	_ =	shalt  }
0x66: {  	_ =	shalt  }
0x67: {  	_ =	shalt  }
0x68: {  	_ =	shalt  }
0x69: {  	_ =	shalt  }
0x6a: {  	_ =	shalt  }
0x6b: {  	_ =	shalt  }
0x6c: {  	_ =	shalt  }
0x6d: {  	_ =	shalt  }
0x6e: {  	_ =	shalt  }
0x6f: {  	_ =	shalt  }
0x70: {  	_ =	shalt  }
0x71: {  	_ =	shalt  }
0x72: {  	_ =	shalt  }
0x73: {  	_ =	shalt  }
0x74: {  	_ =	shalt  }
0x75: {  	_ =	shalt  }
0x76: {  	_ =	shalt  }
0x77: {  	_ =	shalt  }
0x78: {  	_ =	shalt  }
0x79: {  	_ =	shalt  }
0x7a: {  	_ =	shalt  }
0x7b: {  	_ =	shalt  }
0x7c: {  	_ =	shalt  }
0x7d: {  	_ =	shalt  }
0x7e: {  	_ =	shalt  }
0x7f: {  	_ =	shalt  }
0x80: {  	_ =	shalt  }
0x81: {  	_ =	shalt  }
0x82: {  	_ =	shalt  }
0x83: {  	_ =	shalt  }
0x84: {  	_ =	shalt  }
0x85: {  	_ =	shalt  }
0x86: {  	_ =	shalt  }
0x87: {  	_ =	shalt  }
.Lfunc_end0:
.L_simem_size_0:
called_computation_lowered:
.L_overlay_start_0:
0x88: {  	s2 =	sld [smem:$0x3FD9]  }
0x89: {  	s3 =	sld [smem:$0x3FFE];
	_ =	sdelay $0x1  }
0x8a: {  	s1 =	srdreg.scid  }
0x8b: {  	s0 =	sand.u32 $0x1, s1  }
0x8c: {  	s17 =	sshll.u32 s0, $0xA;
	s2 =	sadd.s32 s3, s2  }
0x8d: {  	s2 =	sadd.s32 s2, s17  }
0x8e: {  	[smem:$0x3FB8] =	sst s2  }
0x8f: {  	_ = 	snop  }
0x90: {  	s2 =	sld [smem:$0x3FD0];
	(tm) =	ssettm $0x1  }
0x91: {  	s18 =	sld [smem:$0x3FFB];
	_ =	sdelay $0x3  }
0x92: {  	_ =	strace s18  }
0x93: {  	s3 =	sld [smem:$0x3FFC];
	_ =	sdelay $0x3  }
0x94: {  	_ =	strace s3  }
0x95: {  	s3 =	sld [smem:$0x3FFD];
	_ =	sdelay $0x3  }
0x96: {  	_ =	strace s3  }
0x97: {  	_ =	strace $0x8FFFFFFF  }
0x98: {  	s19 =	sld [smem:$0x3FDB];
	_ =	sdelay $0x1  }
0x99: {  	s4 =	simm.s32 $_scs_section_size  }
0x9a: {  	s5 =	simm.s32 $_size__tile_overlayer_lowered;
	s6 =	simm.s32 $_tile_overlayer_lowered  }
0x9b: {  	s22 =	simm.s32 $0x1BFF;
	s21 =	sshll.u32 s6, $0x1;
	s3 =	sadd.s32 s4, s19  }
0x9c: {  	s7 =	simm.s32 $0x0;
	s20 =	sshll.u32 s5, $0x1;
	s5 =	sadd.s32 s21, s3  }
0x9d: {  	[timem:s7], [sflag:s22] =	dma.local [hbm:s5], s20  }
0x9e: {  	_ =	swait.ge [sflag:s22], s20  }
0x9f: {  	s4 =	ssub.s32 $0x0, s20;
	[sflag:s22] =	ssyncset.done $0x0  }
0xa0: {  	[sflag:s22] =	ssyncadd.s32 s4;
	_ =	sdelay $0x1  }
0xa1: {  	s23 =	simm.s32 $0x1B8B  }
0xa2: {  	_ =	swait.ge [sflag:s23], $0x1  }
0xa3: {  	[sflag:s23] =	ssyncset.done $0x0  }
0xa4: {  	s25 =	simm.s32 $0x1B8E;
	s24 =	sld [smem:$0x3FFE];
	[sflag:s23] =	ssyncadd.s32 $0xFFFFFFFF  }
0xa5: {  	s26 =	simm.s32 $execute0_lowered;
	[smem:$0x3FD2] =	sst s25  }
0xa6: {  	s5 =	sshll.u32 s26, $0x1;
	_ =	strace $0x80000046;
	[dreg:$0x1] =	wrdreg $0xFFFFFFFF  }
0xa7: {  	s28 =	simm.s32 $_size_execute0_lowered;
	s3 =	sadd.s32 s3, s5;
	[dreg:$0x0] =	wrdreg $0x0  }
0xa8: {  	s5 =	sshll.u32 s28, $0x1;
	[dreg:$0x2] =	wrdreg s3  }
0xa9: {  	[dreg:$0x3] =	wrdreg s5  }
0xaa: {  	[dreg:$0x4] =	wrdreg $0xC0  }
0xab: {  	_ =	task [dreg:s7], $0x5FFFF  }
0xac: {  	[dreg:$0x1] =	wrdreg $0xFFFFFFFF  }
0xad: {  	[dreg:$0x0] =	wrdreg $0x60  }
0xae: {  	[dreg:$0x2] =	wrdreg s2  }
0xaf: {  	[dreg:$0x3] =	wrdreg s24  }
0xb0: {  	[dreg:$0x4] =	wrdreg $0xA0000  }
0xb1: {  	[dreg:$0x5] =	wrdreg $0x13C400  }
0xb2: {  	[dreg:$0x6] =	wrdreg $0x9  }
0xb3: {  	_ =	task.clear_ibuf [dreg:s7], $0x7FFFF;
	_ =	strace $0x90000046  }
0xb4: {  	s29 =	simm.s32 $0x9;
	_ =	strace $0x80000048  }
0xb5: {  	_ =	swait.ge [sflag:s29], $0x1  }
0xb6: {  	[sflag:s29] =	ssyncadd.s32 $0xFFFFFFFF  }
0xb7: {  	_ =	strace $0x90000048  }
0xb8: {  	_ =	sfence  }
0xb9: {  	s30 =	sld [smem:$0x0];
	_ =	sdelay $0x2  }
0xba: {  	s31 =	sshll.u32 s1, $0xD;
	s1 =	sshrl.u32 s1, $0x2  }
0xbb: {  	s3 =	sand.u32 $0x4000, s31;
	s1 =	sadd.s32 s1, s30  }
0xbc: {  	s0 =	sor.u32 s3, s0;
	s1 =	sshll.u32 s1, $0x11  }
0xbd: {  	s0 =	sor.u32 s1, s0  }
0xbe: {  	s0 =	sadd.s32 $0x8F2B, s0  }
0xbf: {  	[sflag:s0] =	ssyncadd.remote.s32 $0x1  }
0xc0: {  	_ =	sfence.sel $0xFFFF  }
0xc1: {  	[dreg:$0x0] =	wrdreg $0xFFFFFFFF;
	(pc) =	sbr.abs _section_cstart, $3  }
0xc2: {  	[dreg:$0x1] =	wrdreg $0xFFFFFFFF  }
0xc3: {  	_ =	task.clear_ibuf [dreg:s7], $0x2FFFF;
	_ =	strace $0x9FFFFFFF  }
0xc4: {  	(tm) =	ssettm $0x7FFFFFFF  }
0xc5: {  	_ =	shalt  }
tec
execute0_lowered:
.L_overlay_start_1:
0x0: {  	(tag) =	ssettag $0x1  }
0x1: {  	s0 =	rddreg [dreg:$0x0]  }
0x2: {  	s1 =	rddreg [dreg:$0x1]  }
0x3: {  	s2 =	rddreg [dreg:$0x2]  }
0x4: {  	s3 =	rddreg [dreg:$0x3];
	s5 =	srdreg.scid  }
0x5: {  	s4 =	stileid.u32;
	s7 =	simm.s32 $0x0;
	s28 =	simm.s32 $0x7  }
0x6: {  	s29 =	simm.s32 $0x8;
	s30 =	simm.s32 $0x0;
	s6 =	smul.u32 $0x9C80, s4  }
0x7: {  	s5 =	sand.u32 $0x1, s5;
	[smem:$0x7FF] =	sst s7;
	s11 =	smul.u32 $0x9C40, s4  }
0x8: {  	s8 =	sadd.s32 $0xCA00, s1;
	s9 =	sadd.s32 $0x2A00, s1;
	s18 =	smul.u32 $0x5000, s4  }
0x9: {  	s10 =	sadd.s32 $0x16A00, s1;
	s20 =	sshll.u32 s4, $0x6;
	s13 =	smul.u32 $0xA00, s4  }
0xa: {  	s15 =	smul.u32 $0x9C800, s5;
	_ =	strace $0x80000047;
	s16 =	ssub.s32 $0x2, s5  }
0xb: {  	[dreg:$0x7] =	wrdreg s10;
	s5 =	smul.u32 $0x13880, s5;
	s17 =	sshrl.u32 s16, $0x1  }
0xc: {  	s19 =	sshrl.u32 s11, $0x3;
	s14 =	sadd.s32 s11, s2;
	s21 =	sadd.s32 s6, s3  }
0xd: {  	s22 =	sadd.s32 s13, s9;
	s7 =	sadd.s32 s6, s15;
	s12 =	ssub.s32 s16, s17  }
0xe: {  	s0 =	sadd.s32 s0, s5;
	s5 =	sshrl.u32 s18, $0x3;
	s6 =	sadd.s32 $0x100, s22  }
0xf: {  	s31 =	sshrl.u32 s14, $0x3;
	s4 =	sshrl.u32 s21, $0x3;
	s16 =	simm.s32 $0x80  }
0x10: {  	s17 =	simm.s32 $0x2000;
	s18 =	simm.s32 $0x4000;
	s21 =	simm.s32 $0x8000  }
0x11: {  	s22 =	simm.s32 $0x2;
	s7 =	sshrl.u32 s7, $0x3;
	[dreg:$0x5] =	wrdreg s6  }
0x12: {  	s0 =	sadd.s32 s19, s0;
	s23 =	sadd.s32 s8, s5;
	[dreg:$0xd] =	wrdreg s31  }
0x13: {  	s8 =	sadd.s32 s13, s8;
	s24 =	sadd.s32 s9, s5;
	[dreg:$0xe] =	wrdreg s4  }
0x14: {  	s26 =	smax.u32 s12, $0x1;
	s13 =	simm.s32 $0xA;
	[dreg:$0x8] =	wrdreg s0  }
0x15: {  	s19 =	simm.s32 $0x6000;
	s1 =	sadd.s32 s7, s1;
	[dreg:$0x9] =	wrdreg s23  }
0x16: {  	s7 =	sor.u32 $0x1C0A, s20;
	[dreg:$0xa] =	wrdreg s24;
	s25 =	sadd.s32 $0x100, s8  }
0x17: {  	[dreg:$0xc] =	wrdreg s26;
	s20 =	simm.s32 $0x1;
	s23 =	simm.s32 $0x5  }
0x18: {  	s24 =	simm.s32 $0x3;
	s1 =	sadd.s32 $0x17E00, s1;
	[dreg:$0x6] =	wrdreg s25  }
0x19: {  	s26 =	simm.s32 $0x4;
	s25 =	simm.s32 $0x6;
	[dreg:$0xb] =	wrdreg s1  }
.LBB2_1:
0x1a: {  	s0 =	rddreg [dreg:$0x8]  }
0x1b: {  	s1 =	rddreg [dreg:$0xd]  }
0x1c: {  	[spmem:s1], [sflag:s7] =	dma.local [hbm:s0], $0x1388  }
0x1d: {  	_ =	swait.ge [sflag:s13], $0x1388  }
0x1e: {  	[sflag:s13] =	ssyncset.done $0x0  }
0x1f: {  	s6 =	rddreg [dreg:$0x7];
	[sflag:s13] =	ssyncadd.s32 $0xFFFFEC78  }
0x20: {  	[spmem:s4], [sflag:s7] =	dma.local [hbm:s6], $0x1390  }
0x21: {  	_ =	swait.ge [sflag:s13], $0x1390  }
0x22: {  	[sflag:s13] =	ssyncset.done $0x0  }
0x23: {  	s8 =	simm.s32 $0x0;
	s9 =	rddreg [dreg:$0x9];
	[sflag:s13] =	ssyncadd.s32 $0xFFFFEC70  }
0x24: {  	[tilespmem:s8], [sflag:$0xA] =	stream.linear.gather [hbm4b:s9+s8], $0x800, $0x38;
	[tilespmem:$0x1D8C0] =	vst v63  }
0x25: {  	_ =	swait.ge [sflag:s13], $0x800  }
0x26: {  	[sflag:s13] =	ssyncset.done $0x0  }
0x27: {  	s11 =	simm.s32 $0x1000;
	s10 =	rddreg [dreg:$0xa];
	[sflag:s13] =	ssyncadd.s32 $0xFFFFF800  }
0x28: {  	[tilespmem:s11], [sflag:$0xA] =	stream.linear.gather [hbm4b:s10+s8], $0x800, $0x38;
	[tilespmem:$0x1D8C0] =	vst v63  }
0x29: {  	_ =	swait.ge [sflag:s13], $0x800  }
0x2a: {  	[sflag:s13] =	ssyncset.done $0x0  }
0x2b: {  	[sflag:s13] =	ssyncadd.s32 $0xFFFFF800  }
0x2c: {  	p0 =	por $0x1, $0x1;
	[bflag:$0x0] =	sbarrier.arrive $0xFFFF  }
0x2d: {  	[tilespmem:s17], [sflag:$0x1] =	stream.indirect.gather [spmem:s2], $0x40, s8, s16, $0xb8;
	[tilespmem:$0x1D8C0] =	vst v63  }
0x2e: {  	s0 =	simm.s32 @!p0 $0x7  }
0x2f: {  	[tilespmem:s18], [sflag:$0x2] =	stream.indirect.gather [spmem:s2], $0x40, s16, s16, $0xb8;
	[tilespmem:$0x1D8C0] =	vst v63  }
0x30: {  	_ =	swait.ge @!p0 [sflag:s0], $0x2000  }
0x31: {  	s5 =	sand.u32 $0x800, s8;
	[sflag:s0] =	ssyncset.done @!p0 $0x0  }
0x32: {  	s6 =	sor.u32 $0x100, s5;
	[sflag:s0] =	ssyncadd.s32 @!p0 $0xFFFFE000  }
0x33: {  	[tilespmem:s19], [sflag:$0x3] =	stream.indirect.gather [spmem:s2], $0x40, s6, s16, $0xb8;
	[tilespmem:$0x1D8C0] =	vst v63  }
0x34: {  	_ =	swait.ge [sflag:s20], $0x2000  }
0x35: {  	[sflag:s20] =	ssyncset.done $0x0  }
0x36: {  	s1 =	simm.s32 @!p0 $0x8;
	s12 =	sor.u32 $0x1000, s5;
	[sflag:s20] =	ssyncadd.s32 $0xFFFFE000  }
0x37: {  	[spmem:s3] =	stream.indirect.scatter.add.f32 [tilespmem:s17], [sflag:$0x5], $0x40, s12, s16, $0xb8;
	[tilespmem:$0x1D8C0] =	vst v63  }
0x38: {  	_ =	swait.ge @!p0 [sflag:s1], $0x2000  }
0x39: {  	[sflag:s1] =	ssyncset.done @!p0 $0x0  }
0x3a: {  	s8 =	sor.u32 $0x180, s5;
	[sflag:s1] =	ssyncadd.s32 @!p0 $0xFFFFE000  }
0x3b: {  	[tilespmem:s21], [sflag:$0x4] =	stream.indirect.gather [spmem:s2], $0x40, s8, s16, $0xb8;
	[tilespmem:$0x1D8C0] =	vst v63  }
0x3c: {  	s14 =	sadd.s32 $0x1080, s5;
	_ =	swait.ge [sflag:s22], $0x2000  }
0x3d: {  	p0 =	por $0x0, $0x0;
	s1 =	sand.u32 $0x1, s20;
	[sflag:s22] =	ssyncset.done $0x0  }
0x3e: {  	s0 =	sshll.u32 @!p0 s1, $0xB;
	s9 =	rddreg [dreg:$0x6];
	[sflag:s22] =	ssyncadd.s32 $0xFFFFE000  }
0x3f: {  	[spmem:s3] =	stream.indirect.scatter.add.f32 [tilespmem:s18], [sflag:$0x6], $0x40, s14, s16, $0xb8;
	[tilespmem:$0x1D8C0] =	vst v63  }
0x40: {  	s31 =	simm.s32 @!p0 $0x0;
	s15 =	rddreg [dreg:$0x5];
	s9 =	sadd.s32 @!p0 $0x0, s9  }
0x41: {  	[tilespmem:s0], [sflag:$0x9] =	stream.linear.gather @!p0 [hbm4b:s9+s31], $0x800, $0x38;
	[tilespmem:$0x1D8C0] =	vst v63  }
0x42: {  	s15 =	sadd.s32 @!p0 $0x0, s15;
	s9 =	sor.u32 @!p0 $0x1000, s0  }
0x43: {  	[tilespmem:s9], [sflag:$0x9] =	stream.linear.gather @!p0 [hbm4b:s15+s31], $0x800, $0x38;
	[tilespmem:$0x1D8C0] =	vst v63  }
0x44: {  	_ =	swait.ge [sflag:s23], $0x2000  }
0x45: {  	[sflag:s23] =	ssyncset.done $0x0  }
0x46: {  	s15 =	sadd.s32 $0x200, s5;
	[sflag:s23] =	ssyncadd.s32 $0xFFFFE000  }
0x47: {  	[tilespmem:s17], [sflag:$0x1] =	stream.indirect.gather [spmem:s2], $0x40, s15, s16, $0xb8;
	[tilespmem:$0x1D8C0] =	vst v63  }
0x48: {  	_ =	swait.ge [sflag:s24], $0x2000  }
0x49: {  	[sflag:s24] =	ssyncset.done $0x0  }
0x4a: {  	s6 =	sor.u32 $0x1000, s6;
	[sflag:s24] =	ssyncadd.s32 $0xFFFFE000  }
0x4b: {  	[spmem:s3] =	stream.indirect.scatter.add.f32 [tilespmem:s19], [sflag:$0x7], $0x40, s6, s16, $0xb8;
	[tilespmem:$0x1D8C0] =	vst v63  }
0x4c: {  	_ =	swait.ge [sflag:s25], $0x2000  }
0x4d: {  	[sflag:s25] =	ssyncset.done $0x0  }
0x4e: {  	s4 =	sadd.s32 $0x280, s5;
	[sflag:s25] =	ssyncadd.s32 $0xFFFFE000  }
0x4f: {  	[tilespmem:s18], [sflag:$0x2] =	stream.indirect.gather [spmem:s2], $0x40, s4, s16, $0xb8;
	[tilespmem:$0x1D8C0] =	vst v63  }
0x50: {  	_ =	swait.ge [sflag:s26], $0x2000  }
0x51: {  	[sflag:s26] =	ssyncset.done $0x0  }
0x52: {  	s9 =	sor.u32 $0x1000, s8;
	[sflag:s26] =	ssyncadd.s32 $0xFFFFE000  }
0x53: {  	[spmem:s3] =	stream.indirect.scatter.add.f32 [tilespmem:s21], [sflag:$0x8], $0x40, s9, s16, $0xb8;
	[tilespmem:$0x1D8C0] =	vst v63  }
0x54: {  	_ =	swait.ge [sflag:s28], $0x2000  }
0x55: {  	[sflag:s28] =	ssyncset.done $0x0  }
0x56: {  	s10 =	sadd.s32 $0x300, s5;
	[sflag:s28] =	ssyncadd.s32 $0xFFFFE000  }
0x57: {  	[tilespmem:s19], [sflag:$0x3] =	stream.indirect.gather [spmem:s2], $0x40, s10, s16, $0xb8;
	[tilespmem:$0x1D8C0] =	vst v63  }
0x58: {  	_ =	swait.ge [sflag:s20], $0x2000  }
0x59: {  	[sflag:s20] =	ssyncset.done $0x0  }
0x5a: {  	s11 =	sadd.s32 $0x1200, s5;
	[sflag:s20] =	ssyncadd.s32 $0xFFFFE000  }
0x5b: {  	[spmem:s3] =	stream.indirect.scatter.add.f32 [tilespmem:s17], [sflag:$0x5], $0x40, s11, s16, $0xb8;
	[tilespmem:$0x1D8C0] =	vst v63  }
0x5c: {  	_ =	swait.ge [sflag:s29], $0x2000  }
0x5d: {  	[sflag:s29] =	ssyncset.done $0x0  }
0x5e: {  	s12 =	sadd.s32 $0x380, s5;
	[sflag:s29] =	ssyncadd.s32 $0xFFFFE000  }
0x5f: {  	[tilespmem:s21], [sflag:$0x4] =	stream.indirect.gather [spmem:s2], $0x40, s12, s16, $0xb8;
	[tilespmem:$0x1D8C0] =	vst v63  }
0x60: {  	_ =	swait.ge [sflag:s22], $0x2000  }
0x61: {  	[sflag:s22] =	ssyncset.done $0x0  }
0x62: {  	s14 =	sadd.s32 $0x1280, s5;
	[sflag:s22] =	ssyncadd.s32 $0xFFFFE000  }
0x63: {  	[spmem:s3] =	stream.indirect.scatter.add.f32 [tilespmem:s18], [sflag:$0x6], $0x40, s14, s16, $0xb8;
	[tilespmem:$0x1D8C0] =	vst v63  }
0x64: {  	_ =	swait.ge [sflag:s23], $0x2000  }
0x65: {  	[sflag:s23] =	ssyncset.done $0x0  }
0x66: {  	s15 =	sadd.s32 $0x400, s5;
	[sflag:s23] =	ssyncadd.s32 $0xFFFFE000  }
0x67: {  	[tilespmem:s17], [sflag:$0x1] =	stream.indirect.gather [spmem:s2], $0x40, s15, s16, $0xb8;
	[tilespmem:$0x1D8C0] =	vst v63  }
0x68: {  	_ =	swait.ge [sflag:s24], $0x2000  }
0x69: {  	[sflag:s24] =	ssyncset.done $0x0  }
0x6a: {  	s4 =	sadd.s32 $0x1300, s5;
	[sflag:s24] =	ssyncadd.s32 $0xFFFFE000  }
0x6b: {  	[spmem:s3] =	stream.indirect.scatter.add.f32 [tilespmem:s19], [sflag:$0x7], $0x40, s4, s16, $0xb8;
	[tilespmem:$0x1D8C0] =	vst v63  }
0x6c: {  	_ =	swait.ge [sflag:s25], $0x2000  }
0x6d: {  	[sflag:s25] =	ssyncset.done $0x0  }
0x6e: {  	s8 =	sadd.s32 $0x480, s5;
	[sflag:s25] =	ssyncadd.s32 $0xFFFFE000  }
0x6f: {  	[tilespmem:s18], [sflag:$0x2] =	stream.indirect.gather [spmem:s2], $0x40, s8, s16, $0xb8;
	[tilespmem:$0x1D8C0] =	vst v63  }
0x70: {  	_ =	swait.ge [sflag:s26], $0x2000  }
0x71: {  	[sflag:s26] =	ssyncset.done $0x0  }
0x72: {  	s9 =	sadd.s32 $0x1380, s5;
	[sflag:s26] =	ssyncadd.s32 $0xFFFFE000  }
0x73: {  	[spmem:s3] =	stream.indirect.scatter.add.f32 [tilespmem:s21], [sflag:$0x8], $0x40, s9, s16, $0xb8;
	[tilespmem:$0x1D8C0] =	vst v63  }
0x74: {  	_ =	swait.ge [sflag:s28], $0x2000  }
0x75: {  	[sflag:s28] =	ssyncset.done $0x0  }
0x76: {  	s10 =	sadd.s32 $0x500, s5;
	[sflag:s28] =	ssyncadd.s32 $0xFFFFE000  }
0x77: {  	[tilespmem:s19], [sflag:$0x3] =	stream.indirect.gather [spmem:s2], $0x40, s10, s16, $0xb8;
	[tilespmem:$0x1D8C0] =	vst v63  }
0x78: {  	_ =	swait.ge [sflag:s20], $0x2000  }
0x79: {  	[sflag:s20] =	ssyncset.done $0x0  }
0x7a: {  	s11 =	sadd.s32 $0x1400, s5;
	[sflag:s20] =	ssyncadd.s32 $0xFFFFE000  }
0x7b: {  	[spmem:s3] =	stream.indirect.scatter.add.f32 [tilespmem:s17], [sflag:$0x5], $0x40, s11, s16, $0xb8;
	[tilespmem:$0x1D8C0] =	vst v63  }
0x7c: {  	_ =	swait.ge [sflag:s29], $0x2000  }
0x7d: {  	[sflag:s29] =	ssyncset.done $0x0  }
0x7e: {  	s12 =	sadd.s32 $0x580, s5;
	[sflag:s29] =	ssyncadd.s32 $0xFFFFE000  }
0x7f: {  	[tilespmem:s21], [sflag:$0x4] =	stream.indirect.gather [spmem:s2], $0x40, s12, s16, $0xb8;
	[tilespmem:$0x1D8C0] =	vst v63  }
0x80: {  	_ =	swait.ge [sflag:s22], $0x2000  }
0x81: {  	[sflag:s22] =	ssyncset.done $0x0  }
0x82: {  	s14 =	sadd.s32 $0x1480, s5;
	[sflag:s22] =	ssyncadd.s32 $0xFFFFE000  }
0x83: {  	[spmem:s3] =	stream.indirect.scatter.add.f32 [tilespmem:s18], [sflag:$0x6], $0x40, s14, s16, $0xb8;
	[tilespmem:$0x1D8C0] =	vst v63  }
0x84: {  	_ =	swait.ge [sflag:s23], $0x2000  }
0x85: {  	[sflag:s23] =	ssyncset.done $0x0  }
0x86: {  	s15 =	sadd.s32 $0x600, s5;
	[sflag:s23] =	ssyncadd.s32 $0xFFFFE000  }
0x87: {  	[tilespmem:s17], [sflag:$0x1] =	stream.indirect.gather [spmem:s2], $0x40, s15, s16, $0xb8;
	[tilespmem:$0x1D8C0] =	vst v63  }
0x88: {  	_ =	swait.ge [sflag:s24], $0x2000  }
0x89: {  	[sflag:s24] =	ssyncset.done $0x0  }
0x8a: {  	s4 =	sadd.s32 $0x1500, s5;
	[sflag:s24] =	ssyncadd.s32 $0xFFFFE000  }
0x8b: {  	[spmem:s3] =	stream.indirect.scatter.add.f32 [tilespmem:s19], [sflag:$0x7], $0x40, s4, s16, $0xb8;
	[tilespmem:$0x1D8C0] =	vst v63  }
0x8c: {  	_ =	swait.ge [sflag:s25], $0x2000  }
0x8d: {  	[sflag:s25] =	ssyncset.done $0x0  }
0x8e: {  	s8 =	sadd.s32 $0x680, s5;
	[sflag:s25] =	ssyncadd.s32 $0xFFFFE000  }
0x8f: {  	[tilespmem:s18], [sflag:$0x2] =	stream.indirect.gather [spmem:s2], $0x40, s8, s16, $0xb8;
	[tilespmem:$0x1D8C0] =	vst v63  }
0x90: {  	_ =	swait.ge [sflag:s26], $0x2000  }
0x91: {  	[sflag:s26] =	ssyncset.done $0x0  }
0x92: {  	s9 =	sadd.s32 $0x1580, s5;
	[sflag:s26] =	ssyncadd.s32 $0xFFFFE000  }
0x93: {  	[spmem:s3] =	stream.indirect.scatter.add.f32 [tilespmem:s21], [sflag:$0x8], $0x40, s9, s16, $0xb8;
	[tilespmem:$0x1D8C0] =	vst v63  }
0x94: {  	_ =	swait.ge [sflag:s28], $0x2000  }
0x95: {  	[sflag:s28] =	ssyncset.done $0x0  }
0x96: {  	s10 =	sadd.s32 $0x700, s5;
	[sflag:s28] =	ssyncadd.s32 $0xFFFFE000  }
0x97: {  	[tilespmem:s19], [sflag:$0x3] =	stream.indirect.gather [spmem:s2], $0x40, s10, s16, $0xb8;
	[tilespmem:$0x1D8C0] =	vst v63  }
0x98: {  	_ =	swait.ge [sflag:s20], $0x2000  }
0x99: {  	[sflag:s20] =	ssyncset.done $0x0  }
0x9a: {  	s11 =	sadd.s32 $0x1600, s5;
	[sflag:s20] =	ssyncadd.s32 $0xFFFFE000  }
0x9b: {  	[spmem:s3] =	stream.indirect.scatter.add.f32 [tilespmem:s17], [sflag:$0x5], $0x40, s11, s16, $0xb8;
	[tilespmem:$0x1D8C0] =	vst v63  }
0x9c: {  	_ =	swait.ge [sflag:s29], $0x2000  }
0x9d: {  	[sflag:s29] =	ssyncset.done $0x0  }
0x9e: {  	s12 =	sadd.s32 $0x780, s5;
	[sflag:s29] =	ssyncadd.s32 $0xFFFFE000  }
0x9f: {  	[tilespmem:s21], [sflag:$0x4] =	stream.indirect.gather [spmem:s2], $0x40, s12, s16, $0xb8;
	[tilespmem:$0x1D8C0] =	vst v63  }
0xa0: {  	_ =	swait.ge [sflag:s22], $0x2000  }
0xa1: {  	p1 =	por $0x1, $0x1;
	[sflag:s22] =	ssyncset.done $0x0  }
0xa2: {  	s14 =	sadd.s32 $0x1680, s5;
	s8 =	simm.s32 @p1 $0x9;
	[sflag:s22] =	ssyncadd.s32 $0xFFFFE000  }
0xa3: {  	[spmem:s3] =	stream.indirect.scatter.add.f32 [tilespmem:s18], [sflag:$0x6], $0x40, s14, s16, $0xb8;
	[tilespmem:$0x1D8C0] =	vst v63  }
0xa4: {  	_ =	swait.ge @p1 [sflag:s8], $0x800  }
0xa5: {  	[sflag:s8] =	ssyncset.done @p1 $0x0  }
0xa6: {  	[sflag:s8] =	ssyncadd.s32 @p1 $0xFFFFF800  }
0xa7: {  	_ =	swait.ge @p1 [sflag:s8], $0x800  }
0xa8: {  	[sflag:s8] =	ssyncset.done @p1 $0x0  }
0xa9: {  	s6 =	simm.s32 @p1 $0x5;
	[sflag:s8] =	ssyncadd.s32 @p1 $0xFFFFF800  }
0xaa: {  	_ =	swait.ge @p1 [sflag:s6], $0x2000  }
0xab: {  	s1 =	sshll.u32 @p1 s1, $0xB;
	[sflag:s6] =	ssyncset.done @p1 $0x0  }
0xac: {  	s8 =	simm.s32 @p1 $0x2000;
	[sflag:s6] =	ssyncadd.s32 @p1 $0xFFFFE000;
	s6 =	simm.s32 @p1 $0x80  }
0xad: {  	[tilespmem:s8], [sflag:$0x1] =	stream.indirect.gather @p1 [spmem:s2], $0x40, s1, s6, $0xb8;
	[tilespmem:$0x1D8C0] =	vst v63  }
0xae: {  	s1 =	simm.s32 @!p1 $0x5  }
0xaf: {  	_ =	swait.ge @!p1 [sflag:s1], $0x2000  }
0xb0: {  	[sflag:s1] =	ssyncset.done @!p1 $0x0  }
0xb1: {  	[sflag:s1] =	ssyncadd.s32 @!p1 $0xFFFFE000  }
0xb2: {  	_ =	swait.ge [sflag:s24], $0x2000  }
0xb3: {  	[sflag:s24] =	ssyncset.done $0x0  }
0xb4: {  	s0 =	sor.u32 @!p0 $0x80, s0;
	s15 =	sadd.s32 $0x1700, s5;
	[sflag:s24] =	ssyncadd.s32 $0xFFFFE000  }
0xb5: {  	[spmem:s3] =	stream.indirect.scatter.add.f32 [tilespmem:s19], [sflag:$0x7], $0x40, s15, s16, $0xb8;
	[tilespmem:$0x1D8C0] =	vst v63  }
0xb6: {  	s31 =	simm.s32 $0x100;
	s5 =	sadd.s32 $0x1780, s5;
	_ =	swait.ge [sflag:s25], $0x2000  }
0xb7: {  	s6 =	simm.s32 @!p0 $0x4000;
	s1 =	simm.s32 @!p0 $0x80;
	[sflag:s25] =	ssyncset.done $0x0  }
0xb8: {  	p1 =	por $0x0, $0x0;
	s15 =	simm.s32 $0x200;
	[sflag:s25] =	ssyncadd.s32 $0xFFFFE000  }
0xb9: {  	[tilespmem:s6], [sflag:$0x2] =	stream.indirect.gather @!p0 [spmem:s2], $0x40, s0, s1, $0xb8;
	[tilespmem:$0x1D8C0] =	vst v63  }
0xba: {  	s1 =	simm.s32 $0x800;
	s0 =	simm.s32 $0x2;
	_ =	swait.ge [sflag:s26], $0x2000  }
.LBB2_2:
0xbb: {  	[sflag:s26] =	ssyncset.done $0x0  }
0xbc: {  	s8 =	simm.s32 @!p1 $0x7;
	[sflag:s26] =	ssyncadd.s32 $0xFFFFE000  }
0xbd: {  	[spmem:s3] =	stream.indirect.scatter.add.f32 [tilespmem:s21], [sflag:$0x8], $0x40, s5, s16, $0xb8;
	[tilespmem:$0x1D8C0] =	vst v63  }
0xbe: {  	_ =	swait.ge @!p1 [sflag:s8], $0x2000  }
0xbf: {  	s5 =	sand.u32 $0x800, s1;
	[sflag:s8] =	ssyncset.done @!p1 $0x0  }
0xc0: {  	s10 =	sor.u32 $0x100, s5;
	[sflag:s8] =	ssyncadd.s32 @!p1 $0xFFFFE000  }
0xc1: {  	[tilespmem:s19], [sflag:$0x3] =	stream.indirect.gather [spmem:s2], $0x40, s10, s16, $0xb8;
	[tilespmem:$0x1D8C0] =	vst v63  }
0xc2: {  	_ =	swait.ge [sflag:s20], $0x2000  }
0xc3: {  	[sflag:s20] =	ssyncset.done $0x0  }
0xc4: {  	s9 =	simm.s32 @!p1 $0x8;
	s12 =	sor.u32 $0x1000, s5;
	[sflag:s20] =	ssyncadd.s32 $0xFFFFE000  }
0xc5: {  	[spmem:s3] =	stream.indirect.scatter.add.f32 [tilespmem:s17], [sflag:$0x5], $0x40, s12, s16, $0xb8;
	[tilespmem:$0x1D8C0] =	vst v63  }
0xc6: {  	_ =	swait.ge @!p1 [sflag:s9], $0x2000  }
0xc7: {  	[sflag:s9] =	ssyncset.done @!p1 $0x0  }
0xc8: {  	s11 =	sor.u32 $0x180, s5;
	[sflag:s9] =	ssyncadd.s32 @!p1 $0xFFFFE000  }
0xc9: {  	[tilespmem:s21], [sflag:$0x4] =	stream.indirect.gather [spmem:s2], $0x40, s11, s16, $0xb8;
	[tilespmem:$0x1D8C0] =	vst v63  }
0xca: {  	s14 =	sadd.s32 $0x1080, s5;
	_ =	swait.ge [sflag:s22], $0x2000  }
0xcb: {  	p1 =	seq.s32 s31, $0x900;
	s9 =	sand.u32 $0x1, s0;
	[sflag:s22] =	ssyncset.done $0x0  }
0xcc: {  	s8 =	sshll.u32 @!p1 s9, $0xB;
	s12 =	rddreg [dreg:$0x6];
	[sflag:s22] =	ssyncadd.s32 $0xFFFFE000  }
0xcd: {  	[spmem:s3] =	stream.indirect.scatter.add.f32 [tilespmem:s18], [sflag:$0x6], $0x40, s14, s16, $0xb8;
	[tilespmem:$0x1D8C0] =	vst v63  }
0xce: {  	s4 =	rddreg [dreg:$0x5];
	s12 =	sadd.s32 @!p1 s31, s12;
	s14 =	simm.s32 @!p1 $0x0  }
0xcf: {  	[tilespmem:s8], [sflag:$0x9] =	stream.linear.gather @!p1 [hbm4b:s12+s14], $0x800, $0x38;
	[tilespmem:$0x1D8C0] =	vst v63  }
0xd0: {  	s4 =	sadd.s32 @!p1 s31, s4;
	s12 =	sor.u32 @!p1 $0x1000, s8  }
0xd1: {  	[tilespmem:s12], [sflag:$0x9] =	stream.linear.gather @!p1 [hbm4b:s4+s14], $0x800, $0x38;
	[tilespmem:$0x1D8C0] =	vst v63  }
0xd2: {  	_ =	swait.ge [sflag:s23], $0x2000  }
0xd3: {  	[sflag:s23] =	ssyncset.done $0x0  }
0xd4: {  	s12 =	sadd.s32 $0x200, s5;
	[sflag:s23] =	ssyncadd.s32 $0xFFFFE000  }
0xd5: {  	[tilespmem:s17], [sflag:$0x1] =	stream.indirect.gather [spmem:s2], $0x40, s12, s16, $0xb8;
	[tilespmem:$0x1D8C0] =	vst v63  }
0xd6: {  	_ =	swait.ge [sflag:s24], $0x2000  }
0xd7: {  	[sflag:s24] =	ssyncset.done $0x0  }
0xd8: {  	s14 =	sor.u32 $0x1000, s10;
	[sflag:s24] =	ssyncadd.s32 $0xFFFFE000  }
0xd9: {  	[spmem:s3] =	stream.indirect.scatter.add.f32 [tilespmem:s19], [sflag:$0x7], $0x40, s14, s16, $0xb8;
	[tilespmem:$0x1D8C0] =	vst v63  }
0xda: {  	_ =	swait.ge [sflag:s25], $0x2000  }
0xdb: {  	[sflag:s25] =	ssyncset.done $0x0  }
0xdc: {  	s10 =	sadd.s32 $0x280, s5;
	[sflag:s25] =	ssyncadd.s32 $0xFFFFE000  }
0xdd: {  	[tilespmem:s18], [sflag:$0x2] =	stream.indirect.gather [spmem:s2], $0x40, s10, s16, $0xb8;
	[tilespmem:$0x1D8C0] =	vst v63  }
0xde: {  	_ =	swait.ge [sflag:s26], $0x2000  }
0xdf: {  	[sflag:s26] =	ssyncset.done $0x0  }
0xe0: {  	s12 =	sor.u32 $0x1000, s11;
	[sflag:s26] =	ssyncadd.s32 $0xFFFFE000  }
0xe1: {  	[spmem:s3] =	stream.indirect.scatter.add.f32 [tilespmem:s21], [sflag:$0x8], $0x40, s12, s16, $0xb8;
	[tilespmem:$0x1D8C0] =	vst v63  }
0xe2: {  	_ =	swait.ge [sflag:s28], $0x2000  }
0xe3: {  	[sflag:s28] =	ssyncset.done $0x0  }
0xe4: {  	s14 =	sadd.s32 $0x300, s5;
	[sflag:s28] =	ssyncadd.s32 $0xFFFFE000  }
0xe5: {  	[tilespmem:s19], [sflag:$0x3] =	stream.indirect.gather [spmem:s2], $0x40, s14, s16, $0xb8;
	[tilespmem:$0x1D8C0] =	vst v63  }
0xe6: {  	_ =	swait.ge [sflag:s20], $0x2000  }
0xe7: {  	[sflag:s20] =	ssyncset.done $0x0  }
0xe8: {  	s10 =	sadd.s32 $0x1200, s5;
	[sflag:s20] =	ssyncadd.s32 $0xFFFFE000  }
0xe9: {  	[spmem:s3] =	stream.indirect.scatter.add.f32 [tilespmem:s17], [sflag:$0x5], $0x40, s10, s16, $0xb8;
	[tilespmem:$0x1D8C0] =	vst v63  }
0xea: {  	_ =	swait.ge [sflag:s29], $0x2000  }
0xeb: {  	[sflag:s29] =	ssyncset.done $0x0  }
0xec: {  	s11 =	sadd.s32 $0x380, s5;
	[sflag:s29] =	ssyncadd.s32 $0xFFFFE000  }
0xed: {  	[tilespmem:s21], [sflag:$0x4] =	stream.indirect.gather [spmem:s2], $0x40, s11, s16, $0xb8;
	[tilespmem:$0x1D8C0] =	vst v63  }
0xee: {  	_ =	swait.ge [sflag:s22], $0x2000  }
0xef: {  	[sflag:s22] =	ssyncset.done $0x0  }
0xf0: {  	s12 =	sadd.s32 $0x1280, s5;
	[sflag:s22] =	ssyncadd.s32 $0xFFFFE000  }
0xf1: {  	[spmem:s3] =	stream.indirect.scatter.add.f32 [tilespmem:s18], [sflag:$0x6], $0x40, s12, s16, $0xb8;
	[tilespmem:$0x1D8C0] =	vst v63  }
0xf2: {  	_ =	swait.ge [sflag:s23], $0x2000  }
0xf3: {  	[sflag:s23] =	ssyncset.done $0x0  }
0xf4: {  	s14 =	sadd.s32 $0x400, s5;
	[sflag:s23] =	ssyncadd.s32 $0xFFFFE000  }
0xf5: {  	[tilespmem:s17], [sflag:$0x1] =	stream.indirect.gather [spmem:s2], $0x40, s14, s16, $0xb8;
	[tilespmem:$0x1D8C0] =	vst v63  }
0xf6: {  	_ =	swait.ge [sflag:s24], $0x2000  }
0xf7: {  	[sflag:s24] =	ssyncset.done $0x0  }
0xf8: {  	s10 =	sadd.s32 $0x1300, s5;
	[sflag:s24] =	ssyncadd.s32 $0xFFFFE000  }
0xf9: {  	[spmem:s3] =	stream.indirect.scatter.add.f32 [tilespmem:s19], [sflag:$0x7], $0x40, s10, s16, $0xb8;
	[tilespmem:$0x1D8C0] =	vst v63  }
0xfa: {  	_ =	swait.ge [sflag:s25], $0x2000  }
0xfb: {  	[sflag:s25] =	ssyncset.done $0x0  }
0xfc: {  	s11 =	sadd.s32 $0x480, s5;
	[sflag:s25] =	ssyncadd.s32 $0xFFFFE000  }
0xfd: {  	[tilespmem:s18], [sflag:$0x2] =	stream.indirect.gather [spmem:s2], $0x40, s11, s16, $0xb8;
	[tilespmem:$0x1D8C0] =	vst v63  }
0xfe: {  	_ =	swait.ge [sflag:s26], $0x2000  }
0xff: {  	[sflag:s26] =	ssyncset.done $0x0  }
0x100: {  	s12 =	sadd.s32 $0x1380, s5;
	[sflag:s26] =	ssyncadd.s32 $0xFFFFE000  }
0x101: {  	[spmem:s3] =	stream.indirect.scatter.add.f32 [tilespmem:s21], [sflag:$0x8], $0x40, s12, s16, $0xb8;
	[tilespmem:$0x1D8C0] =	vst v63  }
0x102: {  	_ =	swait.ge [sflag:s28], $0x2000  }
0x103: {  	[sflag:s28] =	ssyncset.done $0x0  }
0x104: {  	s14 =	sadd.s32 $0x500, s5;
	[sflag:s28] =	ssyncadd.s32 $0xFFFFE000  }
0x105: {  	[tilespmem:s19], [sflag:$0x3] =	stream.indirect.gather [spmem:s2], $0x40, s14, s16, $0xb8;
	[tilespmem:$0x1D8C0] =	vst v63  }
0x106: {  	_ =	swait.ge [sflag:s20], $0x2000  }
0x107: {  	[sflag:s20] =	ssyncset.done $0x0  }
0x108: {  	s10 =	sadd.s32 $0x1400, s5;
	[sflag:s20] =	ssyncadd.s32 $0xFFFFE000  }
0x109: {  	[spmem:s3] =	stream.indirect.scatter.add.f32 [tilespmem:s17], [sflag:$0x5], $0x40, s10, s16, $0xb8;
	[tilespmem:$0x1D8C0] =	vst v63  }
0x10a: {  	_ =	swait.ge [sflag:s29], $0x2000  }
0x10b: {  	[sflag:s29] =	ssyncset.done $0x0  }
0x10c: {  	s11 =	sadd.s32 $0x580, s5;
	[sflag:s29] =	ssyncadd.s32 $0xFFFFE000  }
0x10d: {  	[tilespmem:s21], [sflag:$0x4] =	stream.indirect.gather [spmem:s2], $0x40, s11, s16, $0xb8;
	[tilespmem:$0x1D8C0] =	vst v63  }
0x10e: {  	_ =	swait.ge [sflag:s22], $0x2000  }
0x10f: {  	[sflag:s22] =	ssyncset.done $0x0  }
0x110: {  	s12 =	sadd.s32 $0x1480, s5;
	[sflag:s22] =	ssyncadd.s32 $0xFFFFE000  }
0x111: {  	[spmem:s3] =	stream.indirect.scatter.add.f32 [tilespmem:s18], [sflag:$0x6], $0x40, s12, s16, $0xb8;
	[tilespmem:$0x1D8C0] =	vst v63  }
0x112: {  	_ =	swait.ge [sflag:s23], $0x2000  }
0x113: {  	[sflag:s23] =	ssyncset.done $0x0  }
0x114: {  	s14 =	sadd.s32 $0x600, s5;
	[sflag:s23] =	ssyncadd.s32 $0xFFFFE000  }
0x115: {  	[tilespmem:s17], [sflag:$0x1] =	stream.indirect.gather [spmem:s2], $0x40, s14, s16, $0xb8;
	[tilespmem:$0x1D8C0] =	vst v63  }
0x116: {  	_ =	swait.ge [sflag:s24], $0x2000  }
0x117: {  	[sflag:s24] =	ssyncset.done $0x0  }
0x118: {  	s10 =	sadd.s32 $0x1500, s5;
	[sflag:s24] =	ssyncadd.s32 $0xFFFFE000  }
0x119: {  	[spmem:s3] =	stream.indirect.scatter.add.f32 [tilespmem:s19], [sflag:$0x7], $0x40, s10, s16, $0xb8;
	[tilespmem:$0x1D8C0] =	vst v63  }
0x11a: {  	_ =	swait.ge [sflag:s25], $0x2000  }
0x11b: {  	[sflag:s25] =	ssyncset.done $0x0  }
0x11c: {  	s11 =	sadd.s32 $0x680, s5;
	[sflag:s25] =	ssyncadd.s32 $0xFFFFE000  }
0x11d: {  	[tilespmem:s18], [sflag:$0x2] =	stream.indirect.gather [spmem:s2], $0x40, s11, s16, $0xb8;
	[tilespmem:$0x1D8C0] =	vst v63  }
0x11e: {  	_ =	swait.ge [sflag:s26], $0x2000  }
0x11f: {  	[sflag:s26] =	ssyncset.done $0x0  }
0x120: {  	s12 =	sadd.s32 $0x1580, s5;
	[sflag:s26] =	ssyncadd.s32 $0xFFFFE000  }
0x121: {  	[spmem:s3] =	stream.indirect.scatter.add.f32 [tilespmem:s21], [sflag:$0x8], $0x40, s12, s16, $0xb8;
	[tilespmem:$0x1D8C0] =	vst v63  }
0x122: {  	_ =	swait.ge [sflag:s28], $0x2000  }
0x123: {  	[sflag:s28] =	ssyncset.done $0x0  }
0x124: {  	s14 =	sadd.s32 $0x700, s5;
	[sflag:s28] =	ssyncadd.s32 $0xFFFFE000  }
0x125: {  	[tilespmem:s19], [sflag:$0x3] =	stream.indirect.gather [spmem:s2], $0x40, s14, s16, $0xb8;
	[tilespmem:$0x1D8C0] =	vst v63  }
0x126: {  	_ =	swait.ge [sflag:s20], $0x2000  }
0x127: {  	[sflag:s20] =	ssyncset.done $0x0  }
0x128: {  	s10 =	sadd.s32 $0x1600, s5;
	[sflag:s20] =	ssyncadd.s32 $0xFFFFE000  }
0x129: {  	[spmem:s3] =	stream.indirect.scatter.add.f32 [tilespmem:s17], [sflag:$0x5], $0x40, s10, s16, $0xb8;
	[tilespmem:$0x1D8C0] =	vst v63  }
0x12a: {  	_ =	swait.ge [sflag:s29], $0x2000  }
0x12b: {  	[sflag:s29] =	ssyncset.done $0x0  }
0x12c: {  	s11 =	sadd.s32 $0x780, s5;
	[sflag:s29] =	ssyncadd.s32 $0xFFFFE000  }
0x12d: {  	[tilespmem:s21], [sflag:$0x4] =	stream.indirect.gather [spmem:s2], $0x40, s11, s16, $0xb8;
	[tilespmem:$0x1D8C0] =	vst v63  }
0x12e: {  	_ =	swait.ge [sflag:s22], $0x2000  }
0x12f: {  	p2 =	sne.s32 s31, $0x900;
	[sflag:s22] =	ssyncset.done $0x0  }
0x130: {  	s12 =	sadd.s32 $0x1680, s5;
	s10 =	simm.s32 @p2 $0x9;
	[sflag:s22] =	ssyncadd.s32 $0xFFFFE000  }
0x131: {  	[spmem:s3] =	stream.indirect.scatter.add.f32 [tilespmem:s18], [sflag:$0x6], $0x40, s12, s16, $0xb8;
	[tilespmem:$0x1D8C0] =	vst v63  }
0x132: {  	_ =	swait.ge @p2 [sflag:s10], $0x800  }
0x133: {  	[sflag:s10] =	ssyncset.done @p2 $0x0  }
0x134: {  	[sflag:s10] =	ssyncadd.s32 @p2 $0xFFFFF800  }
0x135: {  	_ =	swait.ge @p2 [sflag:s10], $0x800  }
0x136: {  	[sflag:s10] =	ssyncset.done @p2 $0x0  }
0x137: {  	s4 =	simm.s32 @p2 $0x5;
	[sflag:s10] =	ssyncadd.s32 @p2 $0xFFFFF800  }
0x138: {  	s6 =	smov.u32 s15;
	s9 =	sshll.u32 @p2 s9, $0xB;
	_ =	swait.ge @p2 [sflag:s4], $0x2000  }
0x139: {  	s31 =	smov.u32 s6;
	s6 =	simm.s32 @p2 $0x2000;
	[sflag:s4] =	ssyncset.done @p2 $0x0  }
0x13a: {  	s10 =	simm.s32 @p2 $0x80;
	[sflag:s4] =	ssyncadd.s32 @p2 $0xFFFFE000;
	s4 =	simm.s32 @!p2 $0x5  }
0x13b: {  	[tilespmem:s6], [sflag:$0x1] =	stream.indirect.gather @p2 [spmem:s2], $0x40, s9, s10, $0xb8;
	[tilespmem:$0x1D8C0] =	vst v63  }
0x13c: {  	_ =	swait.ge @!p2 [sflag:s4], $0x2000  }
0x13d: {  	[sflag:s4] =	ssyncset.done @!p2 $0x0  }
0x13e: {  	[sflag:s4] =	ssyncadd.s32 @!p2 $0xFFFFE000  }
0x13f: {  	_ =	swait.ge [sflag:s24], $0x2000  }
0x140: {  	s15 =	sadd.s32 $0x100, s15;
	[sflag:s24] =	ssyncset.done $0x0  }
0x141: {  	p0 =	sne.s32 s15, $0xA00;
	s14 =	sadd.s32 $0x1700, s5;
	[sflag:s24] =	ssyncadd.s32 $0xFFFFE000  }
0x142: {  	[spmem:s3] =	stream.indirect.scatter.add.f32 [tilespmem:s19], [sflag:$0x7], $0x40, s14, s16, $0xb8;
	[tilespmem:$0x1D8C0] =	vst v63  }
.Ltmp0:
0x143: {  	s1 =	sadd.s32 $0x800, s1;
	_ =	swait.ge [sflag:s25], $0x2000;
	(pc) =	sbr.rel @p0 .LBB2_2-.Ltmp0, $4  }
0x144: {  	s0 =	sadd.s32 $0x1, s0;
	s8 =	sor.u32 @!p1 $0x80, s8;
	[sflag:s25] =	ssyncset.done $0x0  }
0x145: {  	s6 =	simm.s32 @!p1 $0x4000;
	s4 =	simm.s32 @!p1 $0x80;
	[sflag:s25] =	ssyncadd.s32 $0xFFFFE000  }
0x146: {  	[tilespmem:s6], [sflag:$0x2] =	stream.indirect.gather @!p1 [spmem:s2], $0x40, s8, s4, $0xb8;
	[tilespmem:$0x1D8C0] =	vst v63  }
0x147: {  	s5 =	sadd.s32 $0x1780, s5;
	p1 =	seq.s32 s31, $0x0;
	_ =	swait.ge [sflag:s26], $0x2000  }
0x148: {  	[sflag:s26] =	ssyncset.done $0x0  }
0x149: {  	s4 =	simm.s32 @!p1 $0x7;
	[sflag:s26] =	ssyncadd.s32 $0xFFFFE000  }
0x14a: {  	[spmem:s3] =	stream.indirect.scatter.add.f32 [tilespmem:s21], [sflag:$0x8], $0x40, s5, s16, $0xb8;
	[tilespmem:$0x1D8C0] =	vst v63  }
0x14b: {  	_ =	swait.ge @!p1 [sflag:s4], $0x2000  }
0x14c: {  	s1 =	sand.u32 $0x800, s1;
	[sflag:s4] =	ssyncset.done @!p1 $0x0  }
0x14d: {  	s6 =	sor.u32 $0x100, s1;
	[sflag:s4] =	ssyncadd.s32 @!p1 $0xFFFFE000  }
0x14e: {  	[tilespmem:s19], [sflag:$0x3] =	stream.indirect.gather [spmem:s2], $0x40, s6, s16, $0xb8;
	[tilespmem:$0x1D8C0] =	vst v63  }
0x14f: {  	_ =	swait.ge [sflag:s20], $0x2000  }
0x150: {  	[sflag:s20] =	ssyncset.done $0x0  }
0x151: {  	s11 =	sor.u32 $0x1000, s1;
	s5 =	simm.s32 @!p1 $0x8;
	[sflag:s20] =	ssyncadd.s32 $0xFFFFE000  }
0x152: {  	[spmem:s3] =	stream.indirect.scatter.add.f32 [tilespmem:s17], [sflag:$0x5], $0x40, s11, s16, $0xb8;
	[tilespmem:$0x1D8C0] =	vst v63  }
0x153: {  	_ =	swait.ge @!p1 [sflag:s5], $0x2000  }
0x154: {  	[sflag:s5] =	ssyncset.done @!p1 $0x0  }
0x155: {  	s12 =	sor.u32 $0x180, s1;
	[sflag:s5] =	ssyncadd.s32 @!p1 $0xFFFFE000  }
0x156: {  	[tilespmem:s21], [sflag:$0x4] =	stream.indirect.gather [spmem:s2], $0x40, s12, s16, $0xb8;
	[tilespmem:$0x1D8C0] =	vst v63  }
0x157: {  	p0 =	seq.s32 s31, $0x900;
	_ =	swait.ge [sflag:s22], $0x2000  }
0x158: {  	s8 =	sadd.s32 $0x1080, s1;
	s5 =	sand.u32 $0x1, s0;
	[sflag:s22] =	ssyncset.done $0x0  }
0x159: {  	s0 =	sshll.u32 @!p0 s5, $0xB;
	s9 =	rddreg [dreg:$0x6];
	[sflag:s22] =	ssyncadd.s32 $0xFFFFE000  }
0x15a: {  	[spmem:s3] =	stream.indirect.scatter.add.f32 [tilespmem:s18], [sflag:$0x6], $0x40, s8, s16, $0xb8;
	[tilespmem:$0x1D8C0] =	vst v63  }
0x15b: {  	s10 =	rddreg [dreg:$0x5];
	s8 =	sadd.s32 @!p0 s31, s9;
	s9 =	simm.s32 @!p0 $0x0  }
0x15c: {  	[tilespmem:s0], [sflag:$0x9] =	stream.linear.gather @!p0 [hbm4b:s8+s9], $0x800, $0x38;
	[tilespmem:$0x1D8C0] =	vst v63  }
0x15d: {  	s10 =	sadd.s32 @!p0 s31, s10;
	s8 =	sor.u32 @!p0 $0x1000, s0  }
0x15e: {  	[tilespmem:s8], [sflag:$0x9] =	stream.linear.gather @!p0 [hbm4b:s10+s9], $0x800, $0x38;
	[tilespmem:$0x1D8C0] =	vst v63  }
0x15f: {  	_ =	swait.ge [sflag:s23], $0x2000  }
0x160: {  	[sflag:s23] =	ssyncset.done $0x0  }
0x161: {  	s14 =	sadd.s32 $0x200, s1;
	[sflag:s23] =	ssyncadd.s32 $0xFFFFE000  }
0x162: {  	[tilespmem:s17], [sflag:$0x1] =	stream.indirect.gather [spmem:s2], $0x40, s14, s16, $0xb8;
	[tilespmem:$0x1D8C0] =	vst v63  }
0x163: {  	_ =	swait.ge [sflag:s24], $0x2000  }
0x164: {  	[sflag:s24] =	ssyncset.done $0x0  }
0x165: {  	s6 =	sor.u32 $0x1000, s6;
	[sflag:s24] =	ssyncadd.s32 $0xFFFFE000  }
0x166: {  	[spmem:s3] =	stream.indirect.scatter.add.f32 [tilespmem:s19], [sflag:$0x7], $0x40, s6, s16, $0xb8;
	[tilespmem:$0x1D8C0] =	vst v63  }
0x167: {  	_ =	swait.ge [sflag:s25], $0x2000  }
0x168: {  	[sflag:s25] =	ssyncset.done $0x0  }
0x169: {  	s15 =	sadd.s32 $0x280, s1;
	[sflag:s25] =	ssyncadd.s32 $0xFFFFE000  }
0x16a: {  	[tilespmem:s18], [sflag:$0x2] =	stream.indirect.gather [spmem:s2], $0x40, s15, s16, $0xb8;
	[tilespmem:$0x1D8C0] =	vst v63  }
0x16b: {  	_ =	swait.ge [sflag:s26], $0x2000  }
0x16c: {  	[sflag:s26] =	ssyncset.done $0x0  }
0x16d: {  	s4 =	sor.u32 $0x1000, s12;
	[sflag:s26] =	ssyncadd.s32 $0xFFFFE000  }
0x16e: {  	[spmem:s3] =	stream.indirect.scatter.add.f32 [tilespmem:s21], [sflag:$0x8], $0x40, s4, s16, $0xb8;
	[tilespmem:$0x1D8C0] =	vst v63  }
0x16f: {  	_ =	swait.ge [sflag:s28], $0x2000  }
0x170: {  	[sflag:s28] =	ssyncset.done $0x0  }
0x171: {  	s8 =	sadd.s32 $0x300, s1;
	[sflag:s28] =	ssyncadd.s32 $0xFFFFE000  }
0x172: {  	[tilespmem:s19], [sflag:$0x3] =	stream.indirect.gather [spmem:s2], $0x40, s8, s16, $0xb8;
	[tilespmem:$0x1D8C0] =	vst v63  }
0x173: {  	_ =	swait.ge [sflag:s20], $0x2000  }
0x174: {  	[sflag:s20] =	ssyncset.done $0x0  }
0x175: {  	s9 =	sadd.s32 $0x1200, s1;
	[sflag:s20] =	ssyncadd.s32 $0xFFFFE000  }
0x176: {  	[spmem:s3] =	stream.indirect.scatter.add.f32 [tilespmem:s17], [sflag:$0x5], $0x40, s9, s16, $0xb8;
	[tilespmem:$0x1D8C0] =	vst v63  }
0x177: {  	_ =	swait.ge [sflag:s29], $0x2000  }
0x178: {  	[sflag:s29] =	ssyncset.done $0x0  }
0x179: {  	s10 =	sadd.s32 $0x380, s1;
	[sflag:s29] =	ssyncadd.s32 $0xFFFFE000  }
0x17a: {  	[tilespmem:s21], [sflag:$0x4] =	stream.indirect.gather [spmem:s2], $0x40, s10, s16, $0xb8;
	[tilespmem:$0x1D8C0] =	vst v63  }
0x17b: {  	_ =	swait.ge [sflag:s22], $0x2000  }
0x17c: {  	[sflag:s22] =	ssyncset.done $0x0  }
0x17d: {  	s11 =	sadd.s32 $0x1280, s1;
	[sflag:s22] =	ssyncadd.s32 $0xFFFFE000  }
0x17e: {  	[spmem:s3] =	stream.indirect.scatter.add.f32 [tilespmem:s18], [sflag:$0x6], $0x40, s11, s16, $0xb8;
	[tilespmem:$0x1D8C0] =	vst v63  }
0x17f: {  	_ =	swait.ge [sflag:s23], $0x2000  }
0x180: {  	[sflag:s23] =	ssyncset.done $0x0  }
0x181: {  	s12 =	sadd.s32 $0x400, s1;
	[sflag:s23] =	ssyncadd.s32 $0xFFFFE000  }
0x182: {  	[tilespmem:s17], [sflag:$0x1] =	stream.indirect.gather [spmem:s2], $0x40, s12, s16, $0xb8;
	[tilespmem:$0x1D8C0] =	vst v63  }
0x183: {  	_ =	swait.ge [sflag:s24], $0x2000  }
0x184: {  	[sflag:s24] =	ssyncset.done $0x0  }
0x185: {  	s14 =	sadd.s32 $0x1300, s1;
	[sflag:s24] =	ssyncadd.s32 $0xFFFFE000  }
0x186: {  	[spmem:s3] =	stream.indirect.scatter.add.f32 [tilespmem:s19], [sflag:$0x7], $0x40, s14, s16, $0xb8;
	[tilespmem:$0x1D8C0] =	vst v63  }
0x187: {  	_ =	swait.ge [sflag:s25], $0x2000  }
0x188: {  	[sflag:s25] =	ssyncset.done $0x0  }
0x189: {  	s15 =	sadd.s32 $0x480, s1;
	[sflag:s25] =	ssyncadd.s32 $0xFFFFE000  }
0x18a: {  	[tilespmem:s18], [sflag:$0x2] =	stream.indirect.gather [spmem:s2], $0x40, s15, s16, $0xb8;
	[tilespmem:$0x1D8C0] =	vst v63  }
0x18b: {  	_ =	swait.ge [sflag:s26], $0x2000  }
0x18c: {  	[sflag:s26] =	ssyncset.done $0x0  }
0x18d: {  	s6 =	sadd.s32 $0x1380, s1;
	[sflag:s26] =	ssyncadd.s32 $0xFFFFE000  }
0x18e: {  	[spmem:s3] =	stream.indirect.scatter.add.f32 [tilespmem:s21], [sflag:$0x8], $0x40, s6, s16, $0xb8;
	[tilespmem:$0x1D8C0] =	vst v63  }
0x18f: {  	_ =	swait.ge [sflag:s28], $0x2000  }
0x190: {  	[sflag:s28] =	ssyncset.done $0x0  }
0x191: {  	s8 =	sadd.s32 $0x500, s1;
	[sflag:s28] =	ssyncadd.s32 $0xFFFFE000  }
0x192: {  	[tilespmem:s19], [sflag:$0x3] =	stream.indirect.gather [spmem:s2], $0x40, s8, s16, $0xb8;
	[tilespmem:$0x1D8C0] =	vst v63  }
0x193: {  	_ =	swait.ge [sflag:s20], $0x2000  }
0x194: {  	[sflag:s20] =	ssyncset.done $0x0  }
0x195: {  	s9 =	sadd.s32 $0x1400, s1;
	[sflag:s20] =	ssyncadd.s32 $0xFFFFE000  }
0x196: {  	[spmem:s3] =	stream.indirect.scatter.add.f32 [tilespmem:s17], [sflag:$0x5], $0x40, s9, s16, $0xb8;
	[tilespmem:$0x1D8C0] =	vst v63  }
0x197: {  	_ =	swait.ge [sflag:s29], $0x2000  }
0x198: {  	[sflag:s29] =	ssyncset.done $0x0  }
0x199: {  	s10 =	sadd.s32 $0x580, s1;
	[sflag:s29] =	ssyncadd.s32 $0xFFFFE000  }
0x19a: {  	[tilespmem:s21], [sflag:$0x4] =	stream.indirect.gather [spmem:s2], $0x40, s10, s16, $0xb8;
	[tilespmem:$0x1D8C0] =	vst v63  }
0x19b: {  	_ =	swait.ge [sflag:s22], $0x2000  }
0x19c: {  	[sflag:s22] =	ssyncset.done $0x0  }
0x19d: {  	s11 =	sadd.s32 $0x1480, s1;
	[sflag:s22] =	ssyncadd.s32 $0xFFFFE000  }
0x19e: {  	[spmem:s3] =	stream.indirect.scatter.add.f32 [tilespmem:s18], [sflag:$0x6], $0x40, s11, s16, $0xb8;
	[tilespmem:$0x1D8C0] =	vst v63  }
0x19f: {  	_ =	swait.ge [sflag:s23], $0x2000  }
0x1a0: {  	[sflag:s23] =	ssyncset.done $0x0  }
0x1a1: {  	s12 =	sadd.s32 $0x600, s1;
	[sflag:s23] =	ssyncadd.s32 $0xFFFFE000  }
0x1a2: {  	[tilespmem:s17], [sflag:$0x1] =	stream.indirect.gather [spmem:s2], $0x40, s12, s16, $0xb8;
	[tilespmem:$0x1D8C0] =	vst v63  }
0x1a3: {  	_ =	swait.ge [sflag:s24], $0x2000  }
0x1a4: {  	[sflag:s24] =	ssyncset.done $0x0  }
0x1a5: {  	s14 =	sadd.s32 $0x1500, s1;
	[sflag:s24] =	ssyncadd.s32 $0xFFFFE000  }
0x1a6: {  	[spmem:s3] =	stream.indirect.scatter.add.f32 [tilespmem:s19], [sflag:$0x7], $0x40, s14, s16, $0xb8;
	[tilespmem:$0x1D8C0] =	vst v63  }
0x1a7: {  	_ =	swait.ge [sflag:s25], $0x2000  }
0x1a8: {  	[sflag:s25] =	ssyncset.done $0x0  }
0x1a9: {  	s15 =	sadd.s32 $0x680, s1;
	[sflag:s25] =	ssyncadd.s32 $0xFFFFE000  }
0x1aa: {  	[tilespmem:s18], [sflag:$0x2] =	stream.indirect.gather [spmem:s2], $0x40, s15, s16, $0xb8;
	[tilespmem:$0x1D8C0] =	vst v63  }
0x1ab: {  	_ =	swait.ge [sflag:s26], $0x2000  }
0x1ac: {  	[sflag:s26] =	ssyncset.done $0x0  }
0x1ad: {  	s6 =	sadd.s32 $0x1580, s1;
	[sflag:s26] =	ssyncadd.s32 $0xFFFFE000  }
0x1ae: {  	[spmem:s3] =	stream.indirect.scatter.add.f32 [tilespmem:s21], [sflag:$0x8], $0x40, s6, s16, $0xb8;
	[tilespmem:$0x1D8C0] =	vst v63  }
0x1af: {  	_ =	swait.ge [sflag:s28], $0x2000  }
0x1b0: {  	[sflag:s28] =	ssyncset.done $0x0  }
0x1b1: {  	s8 =	sadd.s32 $0x700, s1;
	[sflag:s28] =	ssyncadd.s32 $0xFFFFE000  }
0x1b2: {  	[tilespmem:s19], [sflag:$0x3] =	stream.indirect.gather [spmem:s2], $0x40, s8, s16, $0xb8;
	[tilespmem:$0x1D8C0] =	vst v63  }
0x1b3: {  	_ =	swait.ge [sflag:s20], $0x2000  }
0x1b4: {  	[sflag:s20] =	ssyncset.done $0x0  }
0x1b5: {  	s9 =	sadd.s32 $0x1600, s1;
	[sflag:s20] =	ssyncadd.s32 $0xFFFFE000  }
0x1b6: {  	[spmem:s3] =	stream.indirect.scatter.add.f32 [tilespmem:s17], [sflag:$0x5], $0x40, s9, s16, $0xb8;
	[tilespmem:$0x1D8C0] =	vst v63  }
0x1b7: {  	_ =	swait.ge [sflag:s29], $0x2000  }
0x1b8: {  	[sflag:s29] =	ssyncset.done $0x0  }
0x1b9: {  	s10 =	sadd.s32 $0x780, s1;
	[sflag:s29] =	ssyncadd.s32 $0xFFFFE000  }
0x1ba: {  	[tilespmem:s21], [sflag:$0x4] =	stream.indirect.gather [spmem:s2], $0x40, s10, s16, $0xb8;
	[tilespmem:$0x1D8C0] =	vst v63  }
0x1bb: {  	_ =	swait.ge [sflag:s22], $0x2000  }
0x1bc: {  	p1 =	sne.s32 s31, $0x900;
	[sflag:s22] =	ssyncset.done $0x0  }
0x1bd: {  	s11 =	sadd.s32 $0x1680, s1;
	s6 =	simm.s32 @p1 $0x9;
	[sflag:s22] =	ssyncadd.s32 $0xFFFFE000  }
0x1be: {  	[spmem:s3] =	stream.indirect.scatter.add.f32 [tilespmem:s18], [sflag:$0x6], $0x40, s11, s16, $0xb8;
	[tilespmem:$0x1D8C0] =	vst v63  }
0x1bf: {  	_ =	swait.ge @p1 [sflag:s6], $0x800  }
0x1c0: {  	[sflag:s6] =	ssyncset.done @p1 $0x0  }
0x1c1: {  	[sflag:s6] =	ssyncadd.s32 @p1 $0xFFFFF800  }
0x1c2: {  	_ =	swait.ge @p1 [sflag:s6], $0x800  }
0x1c3: {  	[sflag:s6] =	ssyncset.done @p1 $0x0  }
0x1c4: {  	s4 =	simm.s32 @p1 $0x5;
	[sflag:s6] =	ssyncadd.s32 @p1 $0xFFFFF800  }
0x1c5: {  	_ =	swait.ge @p1 [sflag:s4], $0x2000  }
0x1c6: {  	s5 =	sshll.u32 @p1 s5, $0xB;
	[sflag:s4] =	ssyncset.done @p1 $0x0  }
0x1c7: {  	s6 =	simm.s32 @p1 $0x2000;
	[sflag:s4] =	ssyncadd.s32 @p1 $0xFFFFE000;
	s4 =	simm.s32 @p1 $0x80  }
0x1c8: {  	[tilespmem:s6], [sflag:$0x1] =	stream.indirect.gather @p1 [spmem:s2], $0x40, s5, s4, $0xb8;
	[tilespmem:$0x1D8C0] =	vst v63  }
0x1c9: {  	s4 =	simm.s32 @!p1 $0x5  }
0x1ca: {  	_ =	swait.ge @!p1 [sflag:s4], $0x2000  }
0x1cb: {  	[sflag:s4] =	ssyncset.done @!p1 $0x0  }
0x1cc: {  	[sflag:s4] =	ssyncadd.s32 @!p1 $0xFFFFE000  }
0x1cd: {  	_ =	swait.ge [sflag:s24], $0x2000  }
0x1ce: {  	[sflag:s24] =	ssyncset.done $0x0  }
0x1cf: {  	s12 =	sadd.s32 $0x1700, s1;
	[sflag:s24] =	ssyncadd.s32 $0xFFFFE000  }
0x1d0: {  	[spmem:s3] =	stream.indirect.scatter.add.f32 [tilespmem:s19], [sflag:$0x7], $0x40, s12, s16, $0xb8;
	[tilespmem:$0x1D8C0] =	vst v63  }
0x1d1: {  	_ =	swait.ge [sflag:s25], $0x2000  }
0x1d2: {  	s0 =	sor.u32 @!p0 $0x80, s0;
	[sflag:s25] =	ssyncset.done $0x0  }
0x1d3: {  	s5 =	simm.s32 @!p0 $0x4000;
	s4 =	simm.s32 @!p0 $0x80;
	[sflag:s25] =	ssyncadd.s32 $0xFFFFE000  }
0x1d4: {  	[tilespmem:s5], [sflag:$0x2] =	stream.indirect.gather @!p0 [spmem:s2], $0x40, s0, s4, $0xb8;
	[tilespmem:$0x1D8C0] =	vst v63  }
0x1d5: {  	_ =	swait.ge [sflag:s26], $0x2000  }
0x1d6: {  	[sflag:s26] =	ssyncset.done $0x0  }
0x1d7: {  	s14 =	sadd.s32 $0x1780, s1;
	[sflag:s26] =	ssyncadd.s32 $0xFFFFE000  }
0x1d8: {  	[spmem:s3] =	stream.indirect.scatter.add.f32 [tilespmem:s21], [sflag:$0x8], $0x40, s14, s16, $0xb8;
	[tilespmem:$0x1D8C0] =	vst v63  }
0x1d9: {  	_ =	swait.ge [sflag:s28], $0x2000  }
0x1da: {  	[sflag:s28] =	ssyncset.done $0x0  }
0x1db: {  	[sflag:s28] =	ssyncadd.s32 $0xFFFFE000  }
0x1dc: {  	_ =	swait.ge [sflag:s29], $0x2000  }
0x1dd: {  	[sflag:s29] =	ssyncset.done $0x0  }
0x1de: {  	[sflag:s29] =	ssyncadd.s32 $0xFFFFE000  }
0x1df: {  	[bflag:$0x0] =	sbarrier.arrive $0xFFFF  }
0x1e0: {  	s15 =	rddreg [dreg:$0xb]  }
0x1e1: {  	s4 =	rddreg [dreg:$0xe]  }
0x1e2: {  	[hbm:s15], [sflag:s7] =	dma.local [spmem:s4], $0x1390  }
0x1e3: {  	_ =	swait.ge [sflag:s13], $0x1390  }
0x1e4: {  	s30 =	sadd.s32 $0x1, s30;
	s31 =	rddreg [dreg:$0xc]  }
0x1e5: {  	p0 =	sne.s32 s30, s31  }
.Ltmp1:
0x1e6: {  	_ = 	snop;
	(pc) =	sbr.rel @p0 .LBB2_1-.Ltmp1, $3  }
0x1e7: {  	_ =	sdelay $0x1  }
0x1e8: {  	[sflag:s13] =	ssyncset.done $0x0  }
0x1e9: {  	[sflag:s13] =	ssyncadd.s32 $0xFFFFEC70  }
0x1ea: {  	_ =	sfence.sel $0x180000  }
0x1eb: {  	[bflag:$0x0] =	sbarrier.arrive $0xFFFF  }
0x1ec: {  	_ =	strace $0x90000047  }
0x1ed: {  	s0 =	stileid.u32;
	[bflag:$0x2] =	sbarrier.arrive $0xFFFF  }
0x1ee: {  	p0 =	sne.s32 s0, $0x0;
	s0 =	rddreg [dreg:$0x4]  }
0x1ef: {  	s0 =	sadd.s32 @!p0 $0x100000, s0  }
0x1f0: {  	[sflag:s0] =	ssyncadd.tile.s32 @!p0 $0x1;
	_ =	shalt  }
.Lfunc_end2:
_tile_overlayer_lowered:
.L_overlay_start_2:
0x1f1: {  	(tag) =	ssettag $0x2  }
0x1f2: {  	s0 =	rddreg [dreg:$0x0];
	s2 =	stileid.u32  }
0x1f3: {  	s1 =	rddreg [dreg:$0x1];
	p0 =	sne.s32 s2, $0x0  }
0x1f4: {  	s3 =	rddreg [dreg:$0x2];
	[bflag:$0x3] =	sbarrier.arrive $0xFFFF;
	s2 =	simm.s32 @!p0 $0x1C0A  }
0x1f5: {  	[timem:s3], [sflag:s2] =	dma.local @!p0 [hbm:s0], s1  }
0x1f6: {  	s0 =	simm.s32 @!p0 $0xA  }
0x1f7: {  	_ =	swait.ge @!p0 [sflag:s0], s1  }
0x1f8: {  	s1 =	ssub.s32 @!p0 $0x0, s1;
	[sflag:s0] =	ssyncset.done @!p0 $0x0  }
0x1f9: {  	[sflag:s0] =	ssyncadd.s32 @!p0 s1  }
0x1fa: {  	[bflag:$0x3] =	sbarrier.arrive $0xFFFF  }
0x1fb: {  	_ =	shalt  }

</sc_bundles>
